<compile_context>
chip_gen: v7x
topology: tpu7x:2x2x1
jax: 0.10.2.dev20260603
libtpu: 0.0.44.dev20260713+nightly
codegen_flags: <defaults>
</compile_context>

<pallas_src>
import jax
import jax.numpy as jnp
from jax import lax
from jax.experimental import pallas as pl
from jax.experimental.pallas import tpu as pltpu
from jax.experimental.pallas import tpu_sc as plsc

_LANES = 16
_CHUNK = 128
_N_TILES = 32



def _norm_body(x_ref, xn_ref, nrm_ref):
    x = x_ref[...]
    nrm = jnp.sqrt(jnp.sum(x * x, axis=1, keepdims=True))
    xn_ref[...] = x / (nrm + 1e-12)
    nrm_ref[...] = nrm


def _normalize(x, block_rows):
    n, f = x.shape
    return pl.pallas_call(
        _norm_body,
        grid=(n // block_rows,),
        in_specs=[pl.BlockSpec((block_rows, f), lambda i: (i, 0))],
        out_specs=[
            pl.BlockSpec((block_rows, f), lambda i: (i, 0)),
            pl.BlockSpec((block_rows, 1), lambda i: (i, 0)),
        ],
        out_shape=[
            jax.ShapeDtypeStruct((n, f), jnp.float32),
            jax.ShapeDtypeStruct((n, 1), jnp.float32),
        ],
    )(x)


def _mid_body(out0_ref, s_ref, w_ref, xn1_ref, nrm1_ref):
    s = jnp.sum(s_ref[...], axis=1, keepdims=True) + 1e-12
    h = jnp.tanh(out0_ref[...] / s)
    y = jnp.dot(h, w_ref[...], preferred_element_type=jnp.float32)
    n1 = jnp.sqrt(jnp.sum(y * y, axis=1, keepdims=True))
    xn1_ref[...] = y / (n1 + 1e-12)
    nrm1_ref[...] = n1


def _mid(out0, s_t, w1, block_rows):
    n, f = out0.shape
    t = s_t.shape[1]
    c = w1.shape[1]
    return pl.pallas_call(
        _mid_body,
        grid=(n // block_rows,),
        in_specs=[
            pl.BlockSpec((block_rows, f), lambda i: (i, 0)),
            pl.BlockSpec((block_rows, t), lambda i: (i, 0)),
            pl.BlockSpec((f, c), lambda i: (0, 0)),
        ],
        out_specs=[
            pl.BlockSpec((block_rows, c), lambda i: (i, 0)),
            pl.BlockSpec((block_rows, 1), lambda i: (i, 0)),
        ],
        out_shape=[
            jax.ShapeDtypeStruct((n, c), jnp.float32),
            jax.ShapeDtypeStruct((n, 1), jnp.float32),
        ],
    )(out0, s_t, w1)



def _edge_weights(f_dim, e_pad, sp, packed, dot_w=None):
    ck = 128 if (f_dim // 2 if packed else f_dim) <= 128 else 64
    n_chunks = e_pad // ck
    chunks_per_tile = n_chunks // _N_TILES
    assert chunks_per_tile % 2 == 0
    tile_edges = chunks_per_tile * ck
    kf = (dot_w or f_dim) // _LANES
    row_w = f_dim // 2 if packed else f_dim
    row_t = jnp.int32 if packed else jnp.float32
    mesh = plsc.VectorSubcoreMesh(core_axis_name="c", subcore_axis_name="s")

    def body(xn_ref, scale_ref, src_ref, dst_ref, beta_ref, m_ref, spart_ref,
             src_all, dst_all, rs_a, rs_b, rd_a, rd_b,
             cosb, m_all, s_loc, scale_v, beta_v, sem_a, sem_b):
        rsb = (rs_a, rs_b)
        rdb = (rd_a, rd_b)
        semb = (sem_a, sem_b)
        wid = lax.axis_index("s") * 2 + lax.axis_index("c")
        base = wid * chunks_per_tile
        pltpu.sync_copy(beta_ref, beta_v)
        pltpu.sync_copy(scale_ref, scale_v)
        pltpu.sync_copy(src_ref.at[pl.ds(base * ck, tile_edges)], src_all)
        pltpu.sync_copy(dst_ref.at[pl.ds(base * ck, tile_edges)], dst_all)
        beta_vec = beta_v[...]
        zeros16 = jnp.zeros((_LANES,), jnp.float32)
        lane0 = lax.iota(jnp.int32, _LANES) == 0

        def zero_step(i, carry):
            s_loc[pl.ds(i * _LANES, _LANES)] = zeros16
            return carry

        lax.fori_loop(0, sp // _LANES, zero_step, 0)

        def stage_a(j, b):
            pltpu.async_copy(xn_ref.at[src_all.at[pl.ds(j * ck, ck)]],
                             rsb[b], semb[b])
            pltpu.async_copy(xn_ref.at[dst_all.at[pl.ds(j * ck, ck)]],
                             rdb[b], semb[b])

        stage_a(0, 0)

        def pair_step(jj, carry):
            for b in range(2):
                j = jj * 2 + b
                nb = 1 - b

                @pl.when(j + 1 < chunks_per_tile)
                def _():
                    stage_a(j + 1, nb)

                pltpu.make_async_copy(xn_ref.at[src_all.at[pl.ds(j * ck, ck)]],
                                      rsb[b], semb[b]).wait()
                pltpu.make_async_copy(xn_ref.at[dst_all.at[pl.ds(j * ck, ck)]],
                                      rdb[b], semb[b]).wait()
                rows_s = rsb[b]
                rows_d = rdb[b]

                def edge_step(e, ecarry):
                    acc = None
                    if packed:
                        for k in range(kf // 2):
                            sl = pl.ds(k * _LANES, _LANES)
                            a = plsc.bitcast(rows_s[e, sl], jnp.bfloat16)
                            d = plsc.bitcast(rows_d[e, sl], jnp.bfloat16)
                            p0, p1 = plsc.unpack(
                                a * d, format=plsc.PackFormat.INTERLEAVED)
                            q = p0 + p1
                            acc = q if acc is None else acc + q
                    else:
                        for k in range(kf):
                            sl = pl.ds(k * _LANES, _LANES)
                            q = rows_s[e, sl] * rows_d[e, sl]
                            acc = q if acc is None else acc + q
                    cval = jnp.broadcast_to(jnp.sum(acc), (_LANES,))
                    eidx = jnp.broadcast_to(e, (_LANES,)).astype(jnp.int32)
                    plsc.store_scatter(cosb, [eidx], cval, mask=lane0)
                    return ecarry

                lax.fori_loop(0, ck, edge_step, 0)

                for g in range(ck // _LANES):
                    sl = pl.ds(g * _LANES, _LANES)
                    esl = pl.ds(j * ck + g * _LANES, _LANES)
                    w_v = jnp.exp(beta_vec * cosb[sl])
                    sc = plsc.load_gather(scale_v, [src_all[esl]])
                    m_all[esl] = w_v * sc
                    plsc.addupdate_scatter(s_loc, [dst_all[esl]], w_v)
            return carry

        lax.fori_loop(0, chunks_per_tile // 2, pair_step, 0)
        pltpu.sync_copy(m_all, m_ref.at[pl.ds(base * ck, tile_edges)])
        pltpu.sync_copy(s_loc, spart_ref.at[wid])

    return pl.kernel(
        body,
        out_type=(
            jax.ShapeDtypeStruct((e_pad,), jnp.float32),
            jax.ShapeDtypeStruct((_N_TILES, sp), jnp.float32),
        ),
        mesh=mesh,
        compiler_params=pltpu.CompilerParams(needs_layout_passes=False),
        scratch_types=(
            pltpu.VMEM((tile_edges,), jnp.int32),
            pltpu.VMEM((tile_edges,), jnp.int32),
            pltpu.VMEM((ck, row_w), row_t),
            pltpu.VMEM((ck, row_w), row_t),
            pltpu.VMEM((ck, row_w), row_t),
            pltpu.VMEM((ck, row_w), row_t),
            pltpu.VMEM((ck,), jnp.float32),
            pltpu.VMEM((tile_edges,), jnp.float32),
            pltpu.VMEM((sp,), jnp.float32),
            pltpu.VMEM((sp,), jnp.float32),
            pltpu.VMEM((_LANES,), jnp.float32),
            pltpu.SemaphoreType.DMA,
            pltpu.SemaphoreType.DMA,
        ),
    )


def _message_scatter(fh, e_pad, np_acc, n_nodes, split):
    n_rows = e_pad // _CHUNK
    cpt = n_rows // (16 if split == "feat" else _N_TILES)
    assert cpt % 2 == 0
    jf = fh // _LANES
    mesh = plsc.VectorSubcoreMesh(core_axis_name="c", subcore_axis_name="s")

    def body(xcat_ref, src_ref, dst2_ref, m_ref, out_ref,
             src_a, src_b, di_a, di_b, m_a, m_b, rows_a, rows_b, zer, acc,
             gsem_a, gsem_b, ssem_a, ssem_b):
        srcb = (src_a, src_b)
        dib = (di_a, di_b)
        mb = (m_a, m_b)
        rowsb = (rows_a, rows_b)
        gsemb = (gsem_a, gsem_b)
        ssemb = (ssem_a, ssem_b)
        c = lax.axis_index("c")
        s_id = lax.axis_index("s")
        zeros16 = jnp.zeros((_LANES,), jnp.float32)
        if split == "feat":
            rbase = s_id * cpt
        else:
            rbase = (s_id * 2 + c) * cpt

        def zrow(e, carry):
            for j in range(jf):
                zer[e, pl.ds(j * _LANES, _LANES)] = zeros16
            return carry

        lax.fori_loop(0, _CHUNK, zrow, 0)

        rows_zero_per_tile = np_acc // 16
        nz = rows_zero_per_tile // _CHUNK
        zrem = rows_zero_per_tile % _CHUNK
        zbase = s_id * rows_zero_per_tile

        def zcopy(i, carry):
            pltpu.sync_copy(zer, acc.at[pl.ds(zbase + i * _CHUNK, _CHUNK)])
            return carry

        lax.fori_loop(0, nz, zcopy, 0)
        if zrem:
            pltpu.sync_copy(zer.at[pl.ds(0, zrem)],
                            acc.at[pl.ds(zbase + nz * _CHUNK, zrem)])
        plsc.subcore_barrier()

        def stage_a(j, b):
            r = rbase + j
            pltpu.sync_copy(src_ref.at[pl.ds(r * _CHUNK, _CHUNK)], srcb[b])
            pltpu.sync_copy(dst2_ref.at[pl.ds(r, 1)], dib[b])
            pltpu.sync_copy(m_ref.at[pl.ds(r * _CHUNK, _CHUNK)], mb[b])
            if split == "feat":
                coff = c * n_nodes
                for g in range(_CHUNK // _LANES):
                    sl = pl.ds(g * _LANES, _LANES)
                    srcb[b][sl] = srcb[b][sl] + coff
            pltpu.async_copy(xcat_ref.at[srcb[b]], rowsb[b], gsemb[b])

        stage_a(0, 0)

        def pair_step(jj, carry):
            for b in range(2):
                j = jj * 2 + b
                nb = 1 - b

                @pl.when((j + 1 < cpt) & (j >= 1))
                def _():
                    pltpu.make_async_copy(rowsb[nb], acc.at[dib[nb].at[0]],
                                          ssemb[nb]).wait()

                @pl.when(j + 1 < cpt)
                def _():
                    stage_a(j + 1, nb)

                pltpu.make_async_copy(xcat_ref.at[srcb[b]], rowsb[b],
                                      gsemb[b]).wait()
                rows = rowsb[b]
                m_v = mb[b]

                def scale_e(e, ecarry):
                    eidx = jnp.broadcast_to(e, (_LANES,)).astype(jnp.int32)
                    mv = plsc.load_gather(m_v, [eidx])
                    for j2 in range(jf):
                        sl = pl.ds(j2 * _LANES, _LANES)
                        rows[e, sl] = rows[e, sl] * mv
                    return ecarry

                lax.fori_loop(0, _CHUNK, scale_e, 0)
                pltpu.async_copy(rowsb[b], acc.at[dib[b].at[0]], ssemb[b],
                                 add=True)
            return carry

        lax.fori_loop(0, cpt // 2, pair_step, 0)
        pltpu.make_async_copy(rowsb[0], acc.at[dib[0].at[0]], ssemb[0]).wait()
        pltpu.make_async_copy(rowsb[1], acc.at[dib[1].at[0]], ssemb[1]).wait()
        plsc.subcore_barrier()

        obase = c * np_acc + zbase

        def ocopy(i, carry):
            pltpu.sync_copy(acc.at[pl.ds(zbase + i * _CHUNK, _CHUNK)],
                            out_ref.at[pl.ds(obase + i * _CHUNK, _CHUNK)])
            return carry

        lax.fori_loop(0, nz, ocopy, 0)
        if zrem:
            pltpu.sync_copy(acc.at[pl.ds(zbase + nz * _CHUNK, zrem)],
                            out_ref.at[pl.ds(obase + nz * _CHUNK, zrem)])

    return pl.kernel(
        body,
        out_type=jax.ShapeDtypeStruct((2 * np_acc, fh), jnp.float32),
        mesh=mesh,
        compiler_params=pltpu.CompilerParams(needs_layout_passes=False),
        scratch_types=(
            pltpu.VMEM((_CHUNK,), jnp.int32),
            pltpu.VMEM((_CHUNK,), jnp.int32),
            pltpu.VMEM((1, _CHUNK), jnp.int32),
            pltpu.VMEM((1, _CHUNK), jnp.int32),
            pltpu.VMEM((_CHUNK,), jnp.float32),
            pltpu.VMEM((_CHUNK,), jnp.float32),
            pltpu.VMEM((_CHUNK, fh), jnp.float32),
            pltpu.VMEM((_CHUNK, fh), jnp.float32),
            pltpu.VMEM((_CHUNK, fh), jnp.float32),
            pltpu.VMEM_SHARED((np_acc, fh), jnp.float32),
            pltpu.SemaphoreType.DMA,
            pltpu.SemaphoreType.DMA,
            pltpu.SemaphoreType.DMA,
            pltpu.SemaphoreType.DMA,
        ),
    )


def _fin2_body(outa_ref, outb_ref, s_ref, o_ref):
    s = jnp.sum(s_ref[...], axis=1, keepdims=True) + 1e-12
    o_ref[...] = (outa_ref[...] + outb_ref[...]) / s


def _final2(outa, outb, s_t, block_rows):
    n, c = outa.shape
    t = s_t.shape[1]
    return pl.pallas_call(
        _fin2_body,
        grid=(n // block_rows,),
        in_specs=[
            pl.BlockSpec((block_rows, c), lambda i: (i, 0)),
            pl.BlockSpec((block_rows, c), lambda i: (i, 0)),
            pl.BlockSpec((block_rows, t), lambda i: (i, 0)),
        ],
        out_specs=pl.BlockSpec((block_rows, c), lambda i: (i, 0)),
        out_shape=jax.ShapeDtypeStruct((n, c), jnp.float32),
    )(outa, outb, s_t)



def _agnn_layer(xn, nrm, src_p, dst_p, dst2, beta, n, e_pad, sp, np_acc,
                split, dot_w=None):
    f = xn.shape[1]
    packed = (f % 256 == 0)
    xn_pad = jnp.concatenate([xn, jnp.zeros((1, f), jnp.float32)])
    if packed:
        xn_pad = lax.bitcast_convert_type(
            xn_pad.astype(jnp.bfloat16).reshape(n + 1, f // 2, 2), jnp.int32)
    scale_pad = jnp.concatenate(
        [nrm[:, 0], jnp.zeros((sp - n,), jnp.float32)])
    beta_arr = jnp.zeros((_LANES,), jnp.float32) + beta.astype(jnp.float32)
    m_e, s_part = _edge_weights(f, e_pad, sp, packed, dot_w)(
        xn_pad, scale_pad, src_p, dst_p, beta_arr)
    s_t = s_part[:, :n].T
    if split == "feat":
        xcat = jnp.concatenate([xn[:, : f // 2], xn[:, f // 2:]], axis=0)
        out_cat = _message_scatter(f // 2, e_pad, np_acc, n, split)(
            xcat, src_p, dst2, m_e)
        out = jnp.concatenate(
            [out_cat[:n], out_cat[np_acc:np_acc + n]], axis=1)
        return (out,), s_t
    out_cat = _message_scatter(f, e_pad, np_acc, n, split)(
        xn, src_p, dst2, m_e)
    return (out_cat[:n], out_cat[np_acc:np_acc + n]), s_t


@jax.jit
def kernel(x, edge_index, W1, beta0, beta1):
    n, f = x.shape
    c_dim = W1.shape[1]
    e = edge_index.shape[1]
    e_pad = -(-e // (_N_TILES * _CHUNK)) * (_N_TILES * _CHUNK)
    sp = -(-(n + 1) // _LANES) * _LANES
    np_acc = -(-(n + 1) // (16 * 8)) * (16 * 8)
    block = 1000 if n % 1000 == 0 else 8

    src = edge_index[0].astype(jnp.int32)
    dst = edge_index[1].astype(jnp.int32)
    src_p = jnp.concatenate([src, jnp.zeros((e_pad - e,), jnp.int32)])
    dst_p = jnp.concatenate([dst, jnp.full((e_pad - e,), n, jnp.int32)])
    dst2 = dst_p.reshape(e_pad // _CHUNK, _CHUNK)

    xn, nrm = _normalize(x, block)
    (out0,), s_t0 = _agnn_layer(
        xn, nrm, src_p, dst_p, dst2, beta0, n, e_pad, sp, np_acc, "feat")

    xn1, nrm1 = _mid(out0, s_t0, W1, block)
    xn1p = jnp.concatenate(
        [xn1, jnp.zeros((n, _CHUNK - c_dim), jnp.float32)], axis=1)
    (out1a, out1b), s_t1 = _agnn_layer(
        xn1p, nrm1, src_p, dst_p, dst2, beta1, n, e_pad, sp, np_acc, "edge",
        dot_w=c_dim)
    return _final2(out1a[:, :c_dim], out1b[:, :c_dim], s_t1, block)

# --- scband reference (transcript-rebuilt; emitter-appended) ---
"""Pipeline reference for scband-res-agnnnet-4904852652443 (READ-ONLY COPY).

The authoritative reference and input builder live on the scoring server;
editing this copy changes nothing except your own understanding.
"""

import jax, jax.numpy as jnp
import numpy as np

N = 10000
E = 160000
F = 256
C = 64


def agnn_propagate(x, src, dst, beta, n):
    # AGNN attention: alpha_ij = softmax_j(beta * cos(x_i, x_j)) over incoming edges of node i (dst)
    xn = x / (jnp.linalg.norm(x, axis=1, keepdims=True) + 1e-12)
    cos = jnp.sum(xn[src] * xn[dst], axis=1)
    logits = beta * cos
    m = jax.ops.segment_max(logits, dst, num_segments=n)
    m = jnp.where(jnp.isfinite(m), m, 0.0)
    e = jnp.exp(logits - m[dst])
    s = jax.ops.segment_sum(e, dst, num_segments=n)
    alpha = e / (s[dst] + 1e-12)
    out = jax.ops.segment_sum(alpha[:, None] * x[src], dst, num_segments=n)
    return out


def setup_inputs(seed: int = 0) -> dict:
    key = jax.random.key(seed)
    k1, k2, k3 = jax.random.split(key, 3)
    x = jax.random.normal(k1, (N, F), dtype=jnp.float32)
    edge_index = jax.random.randint(k2, (2, E), 0, N, dtype=jnp.int32)
    # Last layer projects num_hidden(=num_feats since project=False) -> num_classes
    W1 = jax.random.normal(k3, (F, C), dtype=jnp.float32) * (1.0 / np.sqrt(F))
    beta0 = jnp.array(1.0, dtype=jnp.float32)
    beta1 = jnp.array(1.0, dtype=jnp.float32)
    return {"x": x, "edge_index": edge_index, "W1": W1, "beta0": beta0, "beta1": beta1}


def reference(x, edge_index, W1, beta0, beta1):
    src = edge_index[0]
    dst = edge_index[1]
    n = x.shape[0]
    # Layer 0: project=False -> pure AGNN propagation, activation=tanh
    h = agnn_propagate(x, src, dst, beta0, n)
    h = jnp.tanh(h)
    # Layer 1 (last): project=True (no bias), activation=None
    h = h @ W1
    h = agnn_propagate(h, src, dst, beta1, n)
    return h

if __name__ == "__main__":
    import jax
    _d = setup_inputs()
    print(jax.jit(kernel)(*tuple(_d.values())))

</pallas_src>

<mosaic_0001>
#map = affine_map<(d0, d1) -> (0, 0)>
#map1 = affine_map<(d0, d1) -> (0)>
module attributes {stable_mosaic.version = 14 : i64} {
  func.func @body(%arg0: i32, %arg1: i32, %arg2: memref<10001x128xf32, #tpu.memory_space<hbm>>, %arg3: memref<10016xf32, #tpu.memory_space<hbm>>, %arg4: memref<163840xi32, #tpu.memory_space<hbm>>, %arg5: memref<163840xi32, #tpu.memory_space<hbm>>, %arg6: memref<16xf32, #tpu.memory_space<hbm>>, %arg7: memref<163840xf32, #tpu.memory_space<hbm>>, %arg8: memref<32x10016xf32, #tpu.memory_space<hbm>>, %arg9: memref<5120xi32, #tpu.memory_space<vmem>>, %arg10: memref<5120xi32, #tpu.memory_space<vmem>>, %arg11: memref<128x128xf32, #tpu.memory_space<vmem>>, %arg12: memref<128x128xf32, #tpu.memory_space<vmem>>, %arg13: memref<128x128xf32, #tpu.memory_space<vmem>>, %arg14: memref<128x128xf32, #tpu.memory_space<vmem>>, %arg15: memref<128xf32, #tpu.memory_space<vmem>>, %arg16: memref<5120xf32, #tpu.memory_space<vmem>>, %arg17: memref<10016xf32, #tpu.memory_space<vmem>>, %arg18: memref<10016xf32, #tpu.memory_space<vmem>>, %arg19: memref<16xf32, #tpu.memory_space<vmem>>, %arg20: memref<!tpu.dma_semaphore, #tpu.memory_space<semaphore_mem>>, %arg21: memref<!tpu.dma_semaphore, #tpu.memory_space<semaphore_mem>>) attributes {dimension_semantics = [#tpu.dimension_semantics<core_parallel>, #tpu.dimension_semantics<subcore_parallel>], iteration_bounds = array<i64: 2, 16>, scalar_prefetch = 0 : i64, scratch_operands = 13 : i64, tpu.core_type = #tpu.core_type<sc_vector_subcore>, window_params = [{transform_indices = #map}, {transform_indices = #map1}, {transform_indices = #map1}, {transform_indices = #map1}, {transform_indices = #map1}, {transform_indices = #map1}, {transform_indices = #map}]} {
    %mul3A = arith.constant 2 : i32
    %mul3A_0 = arith.muli %arg1, %mul3A : i32
    %add3A = arith.addi %mul3A_0, %arg0 : i32
    %mul3A_1 = arith.constant 40 : i32
    %mul3A_2 = arith.muli %add3A, %mul3A_1 : i32
    "tpu.region"() ({
      %run_scoped3A = tpu.sem_alloc : memref<!tpu.dma_semaphore, #tpu.memory_space<semaphore_mem>>
      tpu.enqueue_dma source(%arg6 : memref<16xf32, #tpu.memory_space<hbm>>) target(%arg19 : memref<16xf32, #tpu.memory_space<vmem>>) target_semaphore(%run_scoped3A : memref<!tpu.dma_semaphore, #tpu.memory_space<semaphore_mem>>)
      tpu.wait_dma2 semaphore(%run_scoped3A : memref<!tpu.dma_semaphore, #tpu.memory_space<semaphore_mem>>) src(%arg6 : memref<16xf32, #tpu.memory_space<hbm>>) dst(%arg19 : memref<16xf32, #tpu.memory_space<vmem>>)
      tpu.yield
    }) : () -> ()
    "tpu.region"() ({
      %run_scoped3A = tpu.sem_alloc : memref<!tpu.dma_semaphore, #tpu.memory_space<semaphore_mem>>
      tpu.enqueue_dma source(%arg3 : memref<10016xf32, #tpu.memory_space<hbm>>) target(%arg18 : memref<10016xf32, #tpu.memory_space<vmem>>) target_semaphore(%run_scoped3A : memref<!tpu.dma_semaphore, #tpu.memory_space<semaphore_mem>>)
      tpu.wait_dma2 semaphore(%run_scoped3A : memref<!tpu.dma_semaphore, #tpu.memory_space<semaphore_mem>>) src(%arg3 : memref<10016xf32, #tpu.memory_space<hbm>>) dst(%arg18 : memref<10016xf32, #tpu.memory_space<vmem>>)
      tpu.yield
    }) : () -> ()
    %mul3A_3 = arith.constant 128 : i32
    %mul3A_4 = arith.muli %mul3A_2, %mul3A_3 : i32
    "tpu.region"() ({
      %run_scoped3A = tpu.sem_alloc : memref<!tpu.dma_semaphore, #tpu.memory_space<semaphore_mem>>
      %dma_start3A_33 = tpu.memref_slice %arg4[%mul3A_4] : memref<163840xi32, #tpu.memory_space<hbm>> -> memref<5120xi32, #tpu.memory_space<hbm>>
      %dma_start3A_34 = tpu.memref_slice %arg4[%mul3A_4] : memref<163840xi32, #tpu.memory_space<hbm>> -> memref<5120xi32, #tpu.memory_space<hbm>>
      tpu.enqueue_dma source(%dma_start3A_34 : memref<5120xi32, #tpu.memory_space<hbm>>) target(%arg9 : memref<5120xi32, #tpu.memory_space<vmem>>) target_semaphore(%run_scoped3A : memref<!tpu.dma_semaphore, #tpu.memory_space<semaphore_mem>>)
      %dma_wait3A = tpu.memref_slice %arg4[%mul3A_4] : memref<163840xi32, #tpu.memory_space<hbm>> -> memref<5120xi32, #tpu.memory_space<hbm>>
      %dma_wait3A_35 = tpu.memref_slice %arg4[%mul3A_4] : memref<163840xi32, #tpu.memory_space<hbm>> -> memref<5120xi32, #tpu.memory_space<hbm>>
      tpu.wait_dma2 semaphore(%run_scoped3A : memref<!tpu.dma_semaphore, #tpu.memory_space<semaphore_mem>>) src(%dma_wait3A_35 : memref<5120xi32, #tpu.memory_space<hbm>>) dst(%arg9 : memref<5120xi32, #tpu.memory_space<vmem>>)
      tpu.yield
    }) : () -> ()
    %mul3A_5 = arith.constant 128 : i32
    %mul3A_6 = arith.muli %mul3A_2, %mul3A_5 : i32
    "tpu.region"() ({
      %run_scoped3A = tpu.sem_alloc : memref<!tpu.dma_semaphore, #tpu.memory_space<semaphore_mem>>
      %dma_start3A_33 = tpu.memref_slice %arg5[%mul3A_6] : memref<163840xi32, #tpu.memory_space<hbm>> -> memref<5120xi32, #tpu.memory_space<hbm>>
      %dma_start3A_34 = tpu.memref_slice %arg5[%mul3A_6] : memref<163840xi32, #tpu.memory_space<hbm>> -> memref<5120xi32, #tpu.memory_space<hbm>>
      tpu.enqueue_dma source(%dma_start3A_34 : memref<5120xi32, #tpu.memory_space<hbm>>) target(%arg10 : memref<5120xi32, #tpu.memory_space<vmem>>) target_semaphore(%run_scoped3A : memref<!tpu.dma_semaphore, #tpu.memory_space<semaphore_mem>>)
      %dma_wait3A = tpu.memref_slice %arg5[%mul3A_6] : memref<163840xi32, #tpu.memory_space<hbm>> -> memref<5120xi32, #tpu.memory_space<hbm>>
      %dma_wait3A_35 = tpu.memref_slice %arg5[%mul3A_6] : memref<163840xi32, #tpu.memory_space<hbm>> -> memref<5120xi32, #tpu.memory_space<hbm>>
      tpu.wait_dma2 semaphore(%run_scoped3A : memref<!tpu.dma_semaphore, #tpu.memory_space<semaphore_mem>>) src(%dma_wait3A_35 : memref<5120xi32, #tpu.memory_space<hbm>>) dst(%arg10 : memref<5120xi32, #tpu.memory_space<vmem>>)
      tpu.yield
    }) : () -> ()
    %get3A = arith.constant 0 : index
    %get3A_7 = tpu.vector_load %arg19[%get3A] {strides = array<i32>} : memref<16xf32, #tpu.memory_space<vmem>>, vector<16xf32>,
    %broadcast_in_dim3A = arith.constant 0.000000e+00 : f32
    %broadcast_in_dim3A_8 = vector.broadcast %broadcast_in_dim3A : f32 to vector<16xf32>
    %iota3A = tpu.iota {dimensions = array<i32: 0>} : vector<16xi32>
    %eq3A = arith.constant 0 : i32
    %eq3A_9 = vector.broadcast %eq3A : i32 to vector<16xi32>
    %eq3A_10 = arith.cmpi eq, %iota3A, %eq3A_9 : vector<16xi32>
    %scan3A = arith.constant 0 : i32
    %scan3A_11 = arith.constant 0 : i32
    %scan3A_12 = arith.constant 626 : i32
    %scan3A_13 = arith.addi %scan3A_11, %scan3A_12 : i32
    %scan3A_14 = arith.constant 1 : i32
    scf.for %scan3A_33 = %scan3A_11 to %scan3A_13 step %scan3A_14  : i32 {
      %mul3A_34 = arith.constant 16 : i32
      %mul3A_35 = arith.muli %scan3A_33, %mul3A_34 : i32
      %swap3A = arith.index_cast %mul3A_35 : i32 to index
      %swap3A_36 = tpu.vector_load %arg17[%swap3A] {strides = array<i32>} : memref<10016xf32, #tpu.memory_space<vmem>>, vector<16xf32>,
      tpu.vector_store %arg17[%swap3A], %broadcast_in_dim3A_8 {strides = array<i32>} : memref<10016xf32, #tpu.memory_space<vmem>>, vector<16xf32>,
    }
    %scan3A_15 = arith.constant 626 : i32
    %dma_start3A = arith.constant 0 : i32
    %dma_start3A_16 = tpu.memref_slice %arg9[%dma_start3A] : memref<5120xi32, #tpu.memory_space<vmem>> -> memref<128xi32, #tpu.memory_space<vmem>>
    %dma_start3A_17 = arith.constant 0 : i32
    %dma_start3A_18 = arith.constant 0 : i32
    %dma_start3A_19 = tpu.memref_slice %arg2[%dma_start3A_17, %dma_start3A_18] : memref<10001x128xf32, #tpu.memory_space<hbm>> -> memref<10001x128xf32, #tpu.memory_space<hbm>>
    tpu.enqueue_indirect_dma source(%dma_start3A_19 : memref<10001x128xf32, #tpu.memory_space<hbm>>) target(%arg11 : memref<128x128xf32, #tpu.memory_space<vmem>>) offsets(%dma_start3A_16 : memref<128xi32, #tpu.memory_space<vmem>>) semaphore(%arg20 : memref<!tpu.dma_semaphore, #tpu.memory_space<semaphore_mem>>)
    %dma_start3A_20 = arith.constant 0 : i32
    %dma_start3A_21 = tpu.memref_slice %arg10[%dma_start3A_20] : memref<5120xi32, #tpu.memory_space<vmem>> -> memref<128xi32, #tpu.memory_space<vmem>>
    %dma_start3A_22 = arith.constant 0 : i32
    %dma_start3A_23 = arith.constant 0 : i32
    %dma_start3A_24 = tpu.memref_slice %arg2[%dma_start3A_22, %dma_start3A_23] : memref<10001x128xf32, #tpu.memory_space<hbm>> -> memref<10001x128xf32, #tpu.memory_space<hbm>>
    tpu.enqueue_indirect_dma source(%dma_start3A_24 : memref<10001x128xf32, #tpu.memory_space<hbm>>) target(%arg13 : memref<128x128xf32, #tpu.memory_space<vmem>>) offsets(%dma_start3A_21 : memref<128xi32, #tpu.memory_space<vmem>>) semaphore(%arg20 : memref<!tpu.dma_semaphore, #tpu.memory_space<semaphore_mem>>)
    %scan3A_25 = arith.constant 0 : i32
    %scan3A_26 = arith.constant 0 : i32
    %scan3A_27 = arith.constant 20 : i32
    %scan3A_28 = arith.addi %scan3A_26, %scan3A_27 : i32
    %scan3A_29 = arith.constant 1 : i32
    scf.for %scan3A_33 = %scan3A_26 to %scan3A_28 step %scan3A_29  : i32 {
      %mul3A_34 = arith.constant 2 : i32
      %mul3A_35 = arith.muli %scan3A_33, %mul3A_34 : i32
      %add3A_36 = arith.constant 0 : i32
      %add3A_37 = arith.addi %mul3A_35, %add3A_36 : i32
      %add3A_38 = arith.constant 1 : i32
      %add3A_39 = arith.addi %add3A_37, %add3A_38 : i32
      %lt3A = arith.constant 40 : i32
      %lt3A_40 = arith.cmpi slt, %add3A_39, %lt3A : i32
      %convert_element_type3A = arith.extui %lt3A_40 : i1 to i32
      %cond3A = arith.constant 0 : i32
      %cond3A_41 = arith.cmpi ne, %convert_element_type3A, %cond3A : i32
      scf.if %cond3A_41 {
        %add3A_341 = arith.constant 1 : i32
        %add3A_342 = arith.addi %add3A_37, %add3A_341 : i32
        %mul3A_343 = arith.constant 128 : i32
        %mul3A_344 = arith.muli %add3A_342, %mul3A_343 : i32
        %dma_start3A_345 = tpu.memref_slice %arg9[%mul3A_344] : memref<5120xi32, #tpu.memory_space<vmem>> -> memref<128xi32, #tpu.memory_space<vmem>>
        %dma_start3A_346 = arith.constant 0 : i32
        %dma_start3A_347 = arith.constant 0 : i32
        %dma_start3A_348 = tpu.memref_slice %arg2[%dma_start3A_346, %dma_start3A_347] : memref<10001x128xf32, #tpu.memory_space<hbm>> -> memref<10001x128xf32, #tpu.memory_space<hbm>>
        tpu.enqueue_indirect_dma source(%dma_start3A_348 : memref<10001x128xf32, #tpu.memory_space<hbm>>) target(%arg12 : memref<128x128xf32, #tpu.memory_space<vmem>>) offsets(%dma_start3A_345 : memref<128xi32, #tpu.memory_space<vmem>>) semaphore(%arg21 : memref<!tpu.dma_semaphore, #tpu.memory_space<semaphore_mem>>)
        %mul3A_349 = arith.constant 128 : i32
        %mul3A_350 = arith.muli %add3A_342, %mul3A_349 : i32
        %dma_start3A_351 = tpu.memref_slice %arg10[%mul3A_350] : memref<5120xi32, #tpu.memory_space<vmem>> -> memref<128xi32, #tpu.memory_space<vmem>>
        %dma_start3A_352 = arith.constant 0 : i32
        %dma_start3A_353 = arith.constant 0 : i32
        %dma_start3A_354 = tpu.memref_slice %arg2[%dma_start3A_352, %dma_start3A_353] : memref<10001x128xf32, #tpu.memory_space<hbm>> -> memref<10001x128xf32, #tpu.memory_space<hbm>>
        tpu.enqueue_indirect_dma source(%dma_start3A_354 : memref<10001x128xf32, #tpu.memory_space<hbm>>) target(%arg14 : memref<128x128xf32, #tpu.memory_space<vmem>>) offsets(%dma_start3A_351 : memref<128xi32, #tpu.memory_space<vmem>>) semaphore(%arg21 : memref<!tpu.dma_semaphore, #tpu.memory_space<semaphore_mem>>)
      } else {
      }
      %mul3A_42 = arith.constant 128 : i32
      %mul3A_43 = arith.muli %add3A_37, %mul3A_42 : i32
      %dma_wait3A = tpu.memref_slice %arg9[%mul3A_43] : memref<5120xi32, #tpu.memory_space<vmem>> -> memref<128xi32, #tpu.memory_space<vmem>>
      %dma_wait3A_44 = arith.constant 0 : i32
      %dma_wait3A_45 = arith.constant 0 : i32
      %dma_wait3A_46 = tpu.memref_slice %arg2[%dma_wait3A_44, %dma_wait3A_45] : memref<10001x128xf32, #tpu.memory_space<hbm>> -> memref<10001x128xf32, #tpu.memory_space<hbm>>
      tpu.wait_indirect_dma semaphore(%arg20 : memref<!tpu.dma_semaphore, #tpu.memory_space<semaphore_mem>>) src(%dma_wait3A_46 : memref<10001x128xf32, #tpu.memory_space<hbm>>) dst(%arg11 : memref<128x128xf32, #tpu.memory_space<vmem>>)
      %mul3A_47 = arith.constant 128 : i32
      %mul3A_48 = arith.muli %add3A_37, %mul3A_47 : i32
      %dma_wait3A_49 = tpu.memref_slice %arg10[%mul3A_48] : memref<5120xi32, #tpu.memory_space<vmem>> -> memref<128xi32, #tpu.memory_space<vmem>>
      %dma_wait3A_50 = arith.constant 0 : i32
      %dma_wait3A_51 = arith.constant 0 : i32
      %dma_wait3A_52 = tpu.memref_slice %arg2[%dma_wait3A_50, %dma_wait3A_51] : memref<10001x128xf32, #tpu.memory_space<hbm>> -> memref<10001x128xf32, #tpu.memory_space<hbm>>
      tpu.wait_indirect_dma semaphore(%arg20 : memref<!tpu.dma_semaphore, #tpu.memory_space<semaphore_mem>>) src(%dma_wait3A_52 : memref<10001x128xf32, #tpu.memory_space<hbm>>) dst(%arg13 : memref<128x128xf32, #tpu.memory_space<vmem>>)
      %scan3A_53 = arith.constant 0 : i32
      %scan3A_54 = arith.constant 0 : i32
      %scan3A_55 = arith.constant 128 : i32
      %scan3A_56 = arith.addi %scan3A_54, %scan3A_55 : i32
      %scan3A_57 = arith.constant 1 : i32
      scf.for %scan3A_341 = %scan3A_54 to %scan3A_56 step %scan3A_57  : i32 {
        %get3A_342 = arith.index_cast %scan3A_341 : i32 to index
        %get3A_343 = arith.constant 0 : index
        %get3A_344 = tpu.vector_load %arg11[%get3A_342, %get3A_343] {strides = array<i32>} : memref<128x128xf32, #tpu.memory_space<vmem>>, vector<16xf32>,
        %get3A_345 = arith.index_cast %scan3A_341 : i32 to index
        %get3A_346 = arith.constant 0 : index
        %get3A_347 = tpu.vector_load %arg13[%get3A_345, %get3A_346] {strides = array<i32>} : memref<128x128xf32, #tpu.memory_space<vmem>>, vector<16xf32>,
        %mul3A_348 = arith.mulf %get3A_344, %get3A_347 : vector<16xf32>
        %get3A_349 = arith.index_cast %scan3A_341 : i32 to index
        %get3A_350 = arith.constant 16 : index
        %get3A_351 = tpu.vector_load %arg11[%get3A_349, %get3A_350] {strides = array<i32>} : memref<128x128xf32, #tpu.memory_space<vmem>>, vector<16xf32>,
        %get3A_352 = arith.index_cast %scan3A_341 : i32 to index
        %get3A_353 = arith.constant 16 : index
        %get3A_354 = tpu.vector_load %arg13[%get3A_352, %get3A_353] {strides = array<i32>} : memref<128x128xf32, #tpu.memory_space<vmem>>, vector<16xf32>,
        %mul3A_355 = arith.mulf %get3A_351, %get3A_354 : vector<16xf32>
        %add3A_356 = arith.addf %mul3A_348, %mul3A_355 : vector<16xf32>
        %get3A_357 = arith.index_cast %scan3A_341 : i32 to index
        %get3A_358 = arith.constant 32 : index
        %get3A_359 = tpu.vector_load %arg11[%get3A_357, %get3A_358] {strides = array<i32>} : memref<128x128xf32, #tpu.memory_space<vmem>>, vector<16xf32>,
        %get3A_360 = arith.index_cast %scan3A_341 : i32 to index
        %get3A_361 = arith.constant 32 : index
        %get3A_362 = tpu.vector_load %arg13[%get3A_360, %get3A_361] {strides = array<i32>} : memref<128x128xf32, #tpu.memory_space<vmem>>, vector<16xf32>,
        %mul3A_363 = arith.mulf %get3A_359, %get3A_362 : vector<16xf32>
        %add3A_364 = arith.addf %add3A_356, %mul3A_363 : vector<16xf32>
        %get3A_365 = arith.index_cast %scan3A_341 : i32 to index
        %get3A_366 = arith.constant 48 : index
        %get3A_367 = tpu.vector_load %arg11[%get3A_365, %get3A_366] {strides = array<i32>} : memref<128x128xf32, #tpu.memory_space<vmem>>, vector<16xf32>,
        %get3A_368 = arith.index_cast %scan3A_341 : i32 to index
        %get3A_369 = arith.constant 48 : index
        %get3A_370 = tpu.vector_load %arg13[%get3A_368, %get3A_369] {strides = array<i32>} : memref<128x128xf32, #tpu.memory_space<vmem>>, vector<16xf32>,
        %mul3A_371 = arith.mulf %get3A_367, %get3A_370 : vector<16xf32>
        %add3A_372 = arith.addf %add3A_364, %mul3A_371 : vector<16xf32>
        %reduce_sum3A = arith.constant true
        %reduce_sum3A_373 = vector.broadcast %reduce_sum3A : i1 to vector<16xi1>
        %reduce_sum3A_374 = tpu.scan <sum>, %add3A_372 masked %reduce_sum3A_373 : vector<16xf32>, vector<16xi1> -> vector<16xf32>
        %reduce_sum3A_375 = vector.extract %reduce_sum3A_374[15] : f32 from vector<16xf32>
        %broadcast_in_dim3A_376 = vector.broadcast %reduce_sum3A_375 : f32 to vector<16xf32>
        %broadcast_in_dim3A_377 = vector.broadcast %scan3A_341 : i32 to vector<16xi32>
        tpu.vector_store_idx %arg15[%broadcast_in_dim3A_377], %broadcast_in_dim3A_376 masked %eq3A_10 : memref<128xf32, #tpu.memory_space<vmem>>[vector<16xi32>], vector<16xf32>, vector<16xi1>
      }
      %scan3A_58 = arith.constant 128 : i32
      %mul3A_59 = arith.constant 128 : i32
      %mul3A_60 = arith.muli %add3A_37, %mul3A_59 : i32
      %add3A_61 = arith.constant 0 : i32
      %add3A_62 = arith.addi %mul3A_60, %add3A_61 : i32
      %get3A_63 = arith.constant 0 : index
      %get3A_64 = tpu.vector_load %arg15[%get3A_63] {strides = array<i32>} : memref<128xf32, #tpu.memory_space<vmem>>, vector<16xf32>,
      %mul3A_65 = arith.mulf %get3A_7, %get3A_64 : vector<16xf32>
      %exp3A = math.exp %mul3A_65 : vector<16xf32>
      %get3A_66 = arith.index_cast %add3A_62 : i32 to index
      %get3A_67 = tpu.vector_load %arg9[%get3A_66] {strides = array<i32>} : memref<5120xi32, #tpu.memory_space<vmem>>, vector<16xi32>,
      %gather3A = tpu.vector_load_idx %arg18[%get3A_67] : memref<10016xf32, #tpu.memory_space<vmem>>[vector<16xi32>], vector<16xf32>,
      %mul3A_68 = arith.mulf %exp3A, %gather3A : vector<16xf32>
      %swap3A = arith.index_cast %add3A_62 : i32 to index
      %swap3A_69 = tpu.vector_load %arg16[%swap3A] {strides = array<i32>} : memref<5120xf32, #tpu.memory_space<vmem>>, vector<16xf32>,
      tpu.vector_store %arg16[%swap3A], %mul3A_68 {strides = array<i32>} : memref<5120xf32, #tpu.memory_space<vmem>>, vector<16xf32>,
      %get3A_70 = arith.index_cast %add3A_62 : i32 to index
      %get3A_71 = tpu.vector_load %arg10[%get3A_70] {strides = array<i32>} : memref<5120xi32, #tpu.memory_space<vmem>>, vector<16xi32>,
      tpu.vector_store_idx %arg17[%get3A_71], %exp3A {add = true} : memref<10016xf32, #tpu.memory_space<vmem>>[vector<16xi32>], vector<16xf32>,
      %mul3A_72 = arith.constant 128 : i32
      %mul3A_73 = arith.muli %add3A_37, %mul3A_72 : i32
      %add3A_74 = arith.constant 16 : i32
      %add3A_75 = arith.addi %mul3A_73, %add3A_74 : i32
      %get3A_76 = arith.constant 16 : index
      %get3A_77 = tpu.vector_load %arg15[%get3A_76] {strides = array<i32>} : memref<128xf32, #tpu.memory_space<vmem>>, vector<16xf32>,
      %mul3A_78 = arith.mulf %get3A_7, %get3A_77 : vector<16xf32>
      %exp3A_79 = math.exp %mul3A_78 : vector<16xf32>
      %get3A_80 = arith.index_cast %add3A_75 : i32 to index
      %get3A_81 = tpu.vector_load %arg9[%get3A_80] {strides = array<i32>} : memref<5120xi32, #tpu.memory_space<vmem>>, vector<16xi32>,
      %gather3A_82 = tpu.vector_load_idx %arg18[%get3A_81] : memref<10016xf32, #tpu.memory_space<vmem>>[vector<16xi32>], vector<16xf32>,
      %mul3A_83 = arith.mulf %exp3A_79, %gather3A_82 : vector<16xf32>
      %swap3A_84 = arith.index_cast %add3A_75 : i32 to index
      %swap3A_85 = tpu.vector_load %arg16[%swap3A_84] {strides = array<i32>} : memref<5120xf32, #tpu.memory_space<vmem>>, vector<16xf32>,
      tpu.vector_store %arg16[%swap3A_84], %mul3A_83 {strides = array<i32>} : memref<5120xf32, #tpu.memory_space<vmem>>, vector<16xf32>,
      %get3A_86 = arith.index_cast %add3A_75 : i32 to index
      %get3A_87 = tpu.vector_load %arg10[%get3A_86] {strides = array<i32>} : memref<5120xi32, #tpu.memory_space<vmem>>, vector<16xi32>,
      tpu.vector_store_idx %arg17[%get3A_87], %exp3A_79 {add = true} : memref<10016xf32, #tpu.memory_space<vmem>>[vector<16xi32>], vector<16xf32>,
      %mul3A_88 = arith.constant 128 : i32
      %mul3A_89 = arith.muli %add3A_37, %mul3A_88 : i32
      %add3A_90 = arith.constant 32 : i32
      %add3A_91 = arith.addi %mul3A_89, %add3A_90 : i32
      %get3A_92 = arith.constant 32 : index
      %get3A_93 = tpu.vector_load %arg15[%get3A_92] {strides = array<i32>} : memref<128xf32, #tpu.memory_space<vmem>>, vector<16xf32>,
      %mul3A_94 = arith.mulf %get3A_7, %get3A_93 : vector<16xf32>
      %exp3A_95 = math.exp %mul3A_94 : vector<16xf32>
      %get3A_96 = arith.index_cast %add3A_91 : i32 to index
      %get3A_97 = tpu.vector_load %arg9[%get3A_96] {strides = array<i32>} : memref<5120xi32, #tpu.memory_space<vmem>>, vector<16xi32>,
      %gather3A_98 = tpu.vector_load_idx %arg18[%get3A_97] : memref<10016xf32, #tpu.memory_space<vmem>>[vector<16xi32>], vector<16xf32>,
      %mul3A_99 = arith.mulf %exp3A_95, %gather3A_98 : vector<16xf32>
      %swap3A_100 = arith.index_cast %add3A_91 : i32 to index
      %swap3A_101 = tpu.vector_load %arg16[%swap3A_100] {strides = array<i32>} : memref<5120xf32, #tpu.memory_space<vmem>>, vector<16xf32>,
      tpu.vector_store %arg16[%swap3A_100], %mul3A_99 {strides = array<i32>} : memref<5120xf32, #tpu.memory_space<vmem>>, vector<16xf32>,
      %get3A_102 = arith.index_cast %add3A_91 : i32 to index
      %get3A_103 = tpu.vector_load %arg10[%get3A_102] {strides = array<i32>} : memref<5120xi32, #tpu.memory_space<vmem>>, vector<16xi32>,
      tpu.vector_store_idx %arg17[%get3A_103], %exp3A_95 {add = true} : memref<10016xf32, #tpu.memory_space<vmem>>[vector<16xi32>], vector<16xf32>,
      %mul3A_104 = arith.constant 128 : i32
      %mul3A_105 = arith.muli %add3A_37, %mul3A_104 : i32
      %add3A_106 = arith.constant 48 : i32
      %add3A_107 = arith.addi %mul3A_105, %add3A_106 : i32
      %get3A_108 = arith.constant 48 : index
      %get3A_109 = tpu.vector_load %arg15[%get3A_108] {strides = array<i32>} : memref<128xf32, #tpu.memory_space<vmem>>, vector<16xf32>,
      %mul3A_110 = arith.mulf %get3A_7, %get3A_109 : vector<16xf32>
      %exp3A_111 = math.exp %mul3A_110 : vector<16xf32>
      %get3A_112 = arith.index_cast %add3A_107 : i32 to index
      %get3A_113 = tpu.vector_load %arg9[%get3A_112] {strides = array<i32>} : memref<5120xi32, #tpu.memory_space<vmem>>, vector<16xi32>,
      %gather3A_114 = tpu.vector_load_idx %arg18[%get3A_113] : memref<10016xf32, #tpu.memory_space<vmem>>[vector<16xi32>], vector<16xf32>,
      %mul3A_115 = arith.mulf %exp3A_111, %gather3A_114 : vector<16xf32>
      %swap3A_116 = arith.index_cast %add3A_107 : i32 to index
      %swap3A_117 = tpu.vector_load %arg16[%swap3A_116] {strides = array<i32>} : memref<5120xf32, #tpu.memory_space<vmem>>, vector<16xf32>,
      tpu.vector_store %arg16[%swap3A_116], %mul3A_115 {strides = array<i32>} : memref<5120xf32, #tpu.memory_space<vmem>>, vector<16xf32>,
      %get3A_118 = arith.index_cast %add3A_107 : i32 to index
      %get3A_119 = tpu.vector_load %arg10[%get3A_118] {strides = array<i32>} : memref<5120xi32, #tpu.memory_space<vmem>>, vector<16xi32>,
      tpu.vector_store_idx %arg17[%get3A_119], %exp3A_111 {add = true} : memref<10016xf32, #tpu.memory_space<vmem>>[vector<16xi32>], vector<16xf32>,
      %mul3A_120 = arith.constant 128 : i32
      %mul3A_121 = arith.muli %add3A_37, %mul3A_120 : i32
      %add3A_122 = arith.constant 64 : i32
      %add3A_123 = arith.addi %mul3A_121, %add3A_122 : i32
      %get3A_124 = arith.constant 64 : index
      %get3A_125 = tpu.vector_load %arg15[%get3A_124] {strides = array<i32>} : memref<128xf32, #tpu.memory_space<vmem>>, vector<16xf32>,
      %mul3A_126 = arith.mulf %get3A_7, %get3A_125 : vector<16xf32>
      %exp3A_127 = math.exp %mul3A_126 : vector<16xf32>
      %get3A_128 = arith.index_cast %add3A_123 : i32 to index
      %get3A_129 = tpu.vector_load %arg9[%get3A_128] {strides = array<i32>} : memref<5120xi32, #tpu.memory_space<vmem>>, vector<16xi32>,
      %gather3A_130 = tpu.vector_load_idx %arg18[%get3A_129] : memref<10016xf32, #tpu.memory_space<vmem>>[vector<16xi32>], vector<16xf32>,
      %mul3A_131 = arith.mulf %exp3A_127, %gather3A_130 : vector<16xf32>
      %swap3A_132 = arith.index_cast %add3A_123 : i32 to index
      %swap3A_133 = tpu.vector_load %arg16[%swap3A_132] {strides = array<i32>} : memref<5120xf32, #tpu.memory_space<vmem>>, vector<16xf32>,
      tpu.vector_store %arg16[%swap3A_132], %mul3A_131 {strides = array<i32>} : memref<5120xf32, #tpu.memory_space<vmem>>, vector<16xf32>,
      %get3A_134 = arith.index_cast %add3A_123 : i32 to index
      %get3A_135 = tpu.vector_load %arg10[%get3A_134] {strides = array<i32>} : memref<5120xi32, #tpu.memory_space<vmem>>, vector<16xi32>,
      tpu.vector_store_idx %arg17[%get3A_135], %exp3A_127 {add = true} : memref<10016xf32, #tpu.memory_space<vmem>>[vector<16xi32>], vector<16xf32>,
      %mul3A_136 = arith.constant 128 : i32
      %mul3A_137 = arith.muli %add3A_37, %mul3A_136 : i32
      %add3A_138 = arith.constant 80 : i32
      %add3A_139 = arith.addi %mul3A_137, %add3A_138 : i32
      %get3A_140 = arith.constant 80 : index
      %get3A_141 = tpu.vector_load %arg15[%get3A_140] {strides = array<i32>} : memref<128xf32, #tpu.memory_space<vmem>>, vector<16xf32>,
      %mul3A_142 = arith.mulf %get3A_7, %get3A_141 : vector<16xf32>
      %exp3A_143 = math.exp %mul3A_142 : vector<16xf32>
      %get3A_144 = arith.index_cast %add3A_139 : i32 to index
      %get3A_145 = tpu.vector_load %arg9[%get3A_144] {strides = array<i32>} : memref<5120xi32, #tpu.memory_space<vmem>>, vector<16xi32>,
      %gather3A_146 = tpu.vector_load_idx %arg18[%get3A_145] : memref<10016xf32, #tpu.memory_space<vmem>>[vector<16xi32>], vector<16xf32>,
      %mul3A_147 = arith.mulf %exp3A_143, %gather3A_146 : vector<16xf32>
      %swap3A_148 = arith.index_cast %add3A_139 : i32 to index
      %swap3A_149 = tpu.vector_load %arg16[%swap3A_148] {strides = array<i32>} : memref<5120xf32, #tpu.memory_space<vmem>>, vector<16xf32>,
      tpu.vector_store %arg16[%swap3A_148], %mul3A_147 {strides = array<i32>} : memref<5120xf32, #tpu.memory_space<vmem>>, vector<16xf32>,
      %get3A_150 = arith.index_cast %add3A_139 : i32 to index
      %get3A_151 = tpu.vector_load %arg10[%get3A_150] {strides = array<i32>} : memref<5120xi32, #tpu.memory_space<vmem>>, vector<16xi32>,
      tpu.vector_store_idx %arg17[%get3A_151], %exp3A_143 {add = true} : memref<10016xf32, #tpu.memory_space<vmem>>[vector<16xi32>], vector<16xf32>,
      %mul3A_152 = arith.constant 128 : i32
      %mul3A_153 = arith.muli %add3A_37, %mul3A_152 : i32
      %add3A_154 = arith.constant 96 : i32
      %add3A_155 = arith.addi %mul3A_153, %add3A_154 : i32
      %get3A_156 = arith.constant 96 : index
      %get3A_157 = tpu.vector_load %arg15[%get3A_156] {strides = array<i32>} : memref<128xf32, #tpu.memory_space<vmem>>, vector<16xf32>,
      %mul3A_158 = arith.mulf %get3A_7, %get3A_157 : vector<16xf32>
      %exp3A_159 = math.exp %mul3A_158 : vector<16xf32>
      %get3A_160 = arith.index_cast %add3A_155 : i32 to index
      %get3A_161 = tpu.vector_load %arg9[%get3A_160] {strides = array<i32>} : memref<5120xi32, #tpu.memory_space<vmem>>, vector<16xi32>,
      %gather3A_162 = tpu.vector_load_idx %arg18[%get3A_161] : memref<10016xf32, #tpu.memory_space<vmem>>[vector<16xi32>], vector<16xf32>,
      %mul3A_163 = arith.mulf %exp3A_159, %gather3A_162 : vector<16xf32>
      %swap3A_164 = arith.index_cast %add3A_155 : i32 to index
      %swap3A_165 = tpu.vector_load %arg16[%swap3A_164] {strides = array<i32>} : memref<5120xf32, #tpu.memory_space<vmem>>, vector<16xf32>,
      tpu.vector_store %arg16[%swap3A_164], %mul3A_163 {strides = array<i32>} : memref<5120xf32, #tpu.memory_space<vmem>>, vector<16xf32>,
      %get3A_166 = arith.index_cast %add3A_155 : i32 to index
      %get3A_167 = tpu.vector_load %arg10[%get3A_166] {strides = array<i32>} : memref<5120xi32, #tpu.memory_space<vmem>>, vector<16xi32>,
      tpu.vector_store_idx %arg17[%get3A_167], %exp3A_159 {add = true} : memref<10016xf32, #tpu.memory_space<vmem>>[vector<16xi32>], vector<16xf32>,
      %mul3A_168 = arith.constant 128 : i32
      %mul3A_169 = arith.muli %add3A_37, %mul3A_168 : i32
      %add3A_170 = arith.constant 112 : i32
      %add3A_171 = arith.addi %mul3A_169, %add3A_170 : i32
      %get3A_172 = arith.constant 112 : index
      %get3A_173 = tpu.vector_load %arg15[%get3A_172] {strides = array<i32>} : memref<128xf32, #tpu.memory_space<vmem>>, vector<16xf32>,
      %mul3A_174 = arith.mulf %get3A_7, %get3A_173 : vector<16xf32>
      %exp3A_175 = math.exp %mul3A_174 : vector<16xf32>
      %get3A_176 = arith.index_cast %add3A_171 : i32 to index
      %get3A_177 = tpu.vector_load %arg9[%get3A_176] {strides = array<i32>} : memref<5120xi32, #tpu.memory_space<vmem>>, vector<16xi32>,
      %gather3A_178 = tpu.vector_load_idx %arg18[%get3A_177] : memref<10016xf32, #tpu.memory_space<vmem>>[vector<16xi32>], vector<16xf32>,
      %mul3A_179 = arith.mulf %exp3A_175, %gather3A_178 : vector<16xf32>
      %swap3A_180 = arith.index_cast %add3A_171 : i32 to index
      %swap3A_181 = tpu.vector_load %arg16[%swap3A_180] {strides = array<i32>} : memref<5120xf32, #tpu.memory_space<vmem>>, vector<16xf32>,
      tpu.vector_store %arg16[%swap3A_180], %mul3A_179 {strides = array<i32>} : memref<5120xf32, #tpu.memory_space<vmem>>, vector<16xf32>,
      %get3A_182 = arith.index_cast %add3A_171 : i32 to index
      %get3A_183 = tpu.vector_load %arg10[%get3A_182] {strides = array<i32>} : memref<5120xi32, #tpu.memory_space<vmem>>, vector<16xi32>,
      tpu.vector_store_idx %arg17[%get3A_183], %exp3A_175 {add = true} : memref<10016xf32, #tpu.memory_space<vmem>>[vector<16xi32>], vector<16xf32>,
      %mul3A_184 = arith.constant 2 : i32
      %mul3A_185 = arith.muli %scan3A_33, %mul3A_184 : i32
      %add3A_186 = arith.constant 1 : i32
      %add3A_187 = arith.addi %mul3A_185, %add3A_186 : i32
      %add3A_188 = arith.constant 1 : i32
      %add3A_189 = arith.addi %add3A_187, %add3A_188 : i32
      %lt3A_190 = arith.constant 40 : i32
      %lt3A_191 = arith.cmpi slt, %add3A_189, %lt3A_190 : i32
      %convert_element_type3A_192 = arith.extui %lt3A_191 : i1 to i32
      %cond3A_193 = arith.constant 0 : i32
      %cond3A_194 = arith.cmpi ne, %convert_element_type3A_192, %cond3A_193 : i32
      scf.if %cond3A_194 {
        %add3A_341 = arith.constant 1 : i32
        %add3A_342 = arith.addi %add3A_187, %add3A_341 : i32
        %mul3A_343 = arith.constant 128 : i32
        %mul3A_344 = arith.muli %add3A_342, %mul3A_343 : i32
        %dma_start3A_345 = tpu.memref_slice %arg9[%mul3A_344] : memref<5120xi32, #tpu.memory_space<vmem>> -> memref<128xi32, #tpu.memory_space<vmem>>
        %dma_start3A_346 = arith.constant 0 : i32
        %dma_start3A_347 = arith.constant 0 : i32
        %dma_start3A_348 = tpu.memref_slice %arg2[%dma_start3A_346, %dma_start3A_347] : memref<10001x128xf32, #tpu.memory_space<hbm>> -> memref<10001x128xf32, #tpu.memory_space<hbm>>
        tpu.enqueue_indirect_dma source(%dma_start3A_348 : memref<10001x128xf32, #tpu.memory_space<hbm>>) target(%arg11 : memref<128x128xf32, #tpu.memory_space<vmem>>) offsets(%dma_start3A_345 : memref<128xi32, #tpu.memory_space<vmem>>) semaphore(%arg20 : memref<!tpu.dma_semaphore, #tpu.memory_space<semaphore_mem>>)
        %mul3A_349 = arith.constant 128 : i32
        %mul3A_350 = arith.muli %add3A_342, %mul3A_349 : i32
        %dma_start3A_351 = tpu.memref_slice %arg10[%mul3A_350] : memref<5120xi32, #tpu.memory_space<vmem>> -> memref<128xi32, #tpu.memory_space<vmem>>
        %dma_start3A_352 = arith.constant 0 : i32
        %dma_start3A_353 = arith.constant 0 : i32
        %dma_start3A_354 = tpu.memref_slice %arg2[%dma_start3A_352, %dma_start3A_353] : memref<10001x128xf32, #tpu.memory_space<hbm>> -> memref<10001x128xf32, #tpu.memory_space<hbm>>
        tpu.enqueue_indirect_dma source(%dma_start3A_354 : memref<10001x128xf32, #tpu.memory_space<hbm>>) target(%arg13 : memref<128x128xf32, #tpu.memory_space<vmem>>) offsets(%dma_start3A_351 : memref<128xi32, #tpu.memory_space<vmem>>) semaphore(%arg20 : memref<!tpu.dma_semaphore, #tpu.memory_space<semaphore_mem>>)
      } else {
      }
      %mul3A_195 = arith.constant 128 : i32
      %mul3A_196 = arith.muli %add3A_187, %mul3A_195 : i32
      %dma_wait3A_197 = tpu.memref_slice %arg9[%mul3A_196] : memref<5120xi32, #tpu.memory_space<vmem>> -> memref<128xi32, #tpu.memory_space<vmem>>
      %dma_wait3A_198 = arith.constant 0 : i32
      %dma_wait3A_199 = arith.constant 0 : i32
      %dma_wait3A_200 = tpu.memref_slice %arg2[%dma_wait3A_198, %dma_wait3A_199] : memref<10001x128xf32, #tpu.memory_space<hbm>> -> memref<10001x128xf32, #tpu.memory_space<hbm>>
      tpu.wait_indirect_dma semaphore(%arg21 : memref<!tpu.dma_semaphore, #tpu.memory_space<semaphore_mem>>) src(%dma_wait3A_200 : memref<10001x128xf32, #tpu.memory_space<hbm>>) dst(%arg12 : memref<128x128xf32, #tpu.memory_space<vmem>>)
      %mul3A_201 = arith.constant 128 : i32
      %mul3A_202 = arith.muli %add3A_187, %mul3A_201 : i32
      %dma_wait3A_203 = tpu.memref_slice %arg10[%mul3A_202] : memref<5120xi32, #tpu.memory_space<vmem>> -> memref<128xi32, #tpu.memory_space<vmem>>
      %dma_wait3A_204 = arith.constant 0 : i32
      %dma_wait3A_205 = arith.constant 0 : i32
      %dma_wait3A_206 = tpu.memref_slice %arg2[%dma_wait3A_204, %dma_wait3A_205] : memref<10001x128xf32, #tpu.memory_space<hbm>> -> memref<10001x128xf32, #tpu.memory_space<hbm>>
      tpu.wait_indirect_dma semaphore(%arg21 : memref<!tpu.dma_semaphore, #tpu.memory_space<semaphore_mem>>) src(%dma_wait3A_206 : memref<10001x128xf32, #tpu.memory_space<hbm>>) dst(%arg14 : memref<128x128xf32, #tpu.memory_space<vmem>>)
      %scan3A_207 = arith.constant 0 : i32
      %scan3A_208 = arith.constant 0 : i32
      %scan3A_209 = arith.constant 128 : i32
      %scan3A_210 = arith.addi %scan3A_208, %scan3A_209 : i32
      %scan3A_211 = arith.constant 1 : i32
      scf.for %scan3A_341 = %scan3A_208 to %scan3A_210 step %scan3A_211  : i32 {
        %get3A_342 = arith.index_cast %scan3A_341 : i32 to index
        %get3A_343 = arith.constant 0 : index
        %get3A_344 = tpu.vector_load %arg12[%get3A_342, %get3A_343] {strides = array<i32>} : memref<128x128xf32, #tpu.memory_space<vmem>>, vector<16xf32>,
        %get3A_345 = arith.index_cast %scan3A_341 : i32 to index
        %get3A_346 = arith.constant 0 : index
        %get3A_347 = tpu.vector_load %arg14[%get3A_345, %get3A_346] {strides = array<i32>} : memref<128x128xf32, #tpu.memory_space<vmem>>, vector<16xf32>,
        %mul3A_348 = arith.mulf %get3A_344, %get3A_347 : vector<16xf32>
        %get3A_349 = arith.index_cast %scan3A_341 : i32 to index
        %get3A_350 = arith.constant 16 : index
        %get3A_351 = tpu.vector_load %arg12[%get3A_349, %get3A_350] {strides = array<i32>} : memref<128x128xf32, #tpu.memory_space<vmem>>, vector<16xf32>,
        %get3A_352 = arith.index_cast %scan3A_341 : i32 to index
        %get3A_353 = arith.constant 16 : index
        %get3A_354 = tpu.vector_load %arg14[%get3A_352, %get3A_353] {strides = array<i32>} : memref<128x128xf32, #tpu.memory_space<vmem>>, vector<16xf32>,
        %mul3A_355 = arith.mulf %get3A_351, %get3A_354 : vector<16xf32>
        %add3A_356 = arith.addf %mul3A_348, %mul3A_355 : vector<16xf32>
        %get3A_357 = arith.index_cast %scan3A_341 : i32 to index
        %get3A_358 = arith.constant 32 : index
        %get3A_359 = tpu.vector_load %arg12[%get3A_357, %get3A_358] {strides = array<i32>} : memref<128x128xf32, #tpu.memory_space<vmem>>, vector<16xf32>,
        %get3A_360 = arith.index_cast %scan3A_341 : i32 to index
        %get3A_361 = arith.constant 32 : index
        %get3A_362 = tpu.vector_load %arg14[%get3A_360, %get3A_361] {strides = array<i32>} : memref<128x128xf32, #tpu.memory_space<vmem>>, vector<16xf32>,
        %mul3A_363 = arith.mulf %get3A_359, %get3A_362 : vector<16xf32>
        %add3A_364 = arith.addf %add3A_356, %mul3A_363 : vector<16xf32>
        %get3A_365 = arith.index_cast %scan3A_341 : i32 to index
        %get3A_366 = arith.constant 48 : index
        %get3A_367 = tpu.vector_load %arg12[%get3A_365, %get3A_366] {strides = array<i32>} : memref<128x128xf32, #tpu.memory_space<vmem>>, vector<16xf32>,
        %get3A_368 = arith.index_cast %scan3A_341 : i32 to index
        %get3A_369 = arith.constant 48 : index
        %get3A_370 = tpu.vector_load %arg14[%get3A_368, %get3A_369] {strides = array<i32>} : memref<128x128xf32, #tpu.memory_space<vmem>>, vector<16xf32>,
        %mul3A_371 = arith.mulf %get3A_367, %get3A_370 : vector<16xf32>
        %add3A_372 = arith.addf %add3A_364, %mul3A_371 : vector<16xf32>
        %reduce_sum3A = arith.constant true
        %reduce_sum3A_373 = vector.broadcast %reduce_sum3A : i1 to vector<16xi1>
        %reduce_sum3A_374 = tpu.scan <sum>, %add3A_372 masked %reduce_sum3A_373 : vector<16xf32>, vector<16xi1> -> vector<16xf32>
        %reduce_sum3A_375 = vector.extract %reduce_sum3A_374[15] : f32 from vector<16xf32>
        %broadcast_in_dim3A_376 = vector.broadcast %reduce_sum3A_375 : f32 to vector<16xf32>
        %broadcast_in_dim3A_377 = vector.broadcast %scan3A_341 : i32 to vector<16xi32>
        tpu.vector_store_idx %arg15[%broadcast_in_dim3A_377], %broadcast_in_dim3A_376 masked %eq3A_10 : memref<128xf32, #tpu.memory_space<vmem>>[vector<16xi32>], vector<16xf32>, vector<16xi1>
      }
      %scan3A_212 = arith.constant 128 : i32
      %mul3A_213 = arith.constant 128 : i32
      %mul3A_214 = arith.muli %add3A_187, %mul3A_213 : i32
      %add3A_215 = arith.constant 0 : i32
      %add3A_216 = arith.addi %mul3A_214, %add3A_215 : i32
      %get3A_217 = arith.constant 0 : index
      %get3A_218 = tpu.vector_load %arg15[%get3A_217] {strides = array<i32>} : memref<128xf32, #tpu.memory_space<vmem>>, vector<16xf32>,
      %mul3A_219 = arith.mulf %get3A_7, %get3A_218 : vector<16xf32>
      %exp3A_220 = math.exp %mul3A_219 : vector<16xf32>
      %get3A_221 = arith.index_cast %add3A_216 : i32 to index
      %get3A_222 = tpu.vector_load %arg9[%get3A_221] {strides = array<i32>} : memref<5120xi32, #tpu.memory_space<vmem>>, vector<16xi32>,
      %gather3A_223 = tpu.vector_load_idx %arg18[%get3A_222] : memref<10016xf32, #tpu.memory_space<vmem>>[vector<16xi32>], vector<16xf32>,
      %mul3A_224 = arith.mulf %exp3A_220, %gather3A_223 : vector<16xf32>
      %swap3A_225 = arith.index_cast %add3A_216 : i32 to index
      %swap3A_226 = tpu.vector_load %arg16[%swap3A_225] {strides = array<i32>} : memref<5120xf32, #tpu.memory_space<vmem>>, vector<16xf32>,
      tpu.vector_store %arg16[%swap3A_225], %mul3A_224 {strides = array<i32>} : memref<5120xf32, #tpu.memory_space<vmem>>, vector<16xf32>,
      %get3A_227 = arith.index_cast %add3A_216 : i32 to index
      %get3A_228 = tpu.vector_load %arg10[%get3A_227] {strides = array<i32>} : memref<5120xi32, #tpu.memory_space<vmem>>, vector<16xi32>,
      tpu.vector_store_idx %arg17[%get3A_228], %exp3A_220 {add = true} : memref<10016xf32, #tpu.memory_space<vmem>>[vector<16xi32>], vector<16xf32>,
      %mul3A_229 = arith.constant 128 : i32
      %mul3A_230 = arith.muli %add3A_187, %mul3A_229 : i32
      %add3A_231 = arith.constant 16 : i32
      %add3A_232 = arith.addi %mul3A_230, %add3A_231 : i32
      %get3A_233 = arith.constant 16 : index
      %get3A_234 = tpu.vector_load %arg15[%get3A_233] {strides = array<i32>} : memref<128xf32, #tpu.memory_space<vmem>>, vector<16xf32>,
      %mul3A_235 = arith.mulf %get3A_7, %get3A_234 : vector<16xf32>
      %exp3A_236 = math.exp %mul3A_235 : vector<16xf32>
      %get3A_237 = arith.index_cast %add3A_232 : i32 to index
      %get3A_238 = tpu.vector_load %arg9[%get3A_237] {strides = array<i32>} : memref<5120xi32, #tpu.memory_space<vmem>>, vector<16xi32>,
      %gather3A_239 = tpu.vector_load_idx %arg18[%get3A_238] : memref<10016xf32, #tpu.memory_space<vmem>>[vector<16xi32>], vector<16xf32>,
      %mul3A_240 = arith.mulf %exp3A_236, %gather3A_239 : vector<16xf32>
      %swap3A_241 = arith.index_cast %add3A_232 : i32 to index
      %swap3A_242 = tpu.vector_load %arg16[%swap3A_241] {strides = array<i32>} : memref<5120xf32, #tpu.memory_space<vmem>>, vector<16xf32>,
      tpu.vector_store %arg16[%swap3A_241], %mul3A_240 {strides = array<i32>} : memref<5120xf32, #tpu.memory_space<vmem>>, vector<16xf32>,
      %get3A_243 = arith.index_cast %add3A_232 : i32 to index
      %get3A_244 = tpu.vector_load %arg10[%get3A_243] {strides = array<i32>} : memref<5120xi32, #tpu.memory_space<vmem>>, vector<16xi32>,
      tpu.vector_store_idx %arg17[%get3A_244], %exp3A_236 {add = true} : memref<10016xf32, #tpu.memory_space<vmem>>[vector<16xi32>], vector<16xf32>,
      %mul3A_245 = arith.constant 128 : i32
      %mul3A_246 = arith.muli %add3A_187, %mul3A_245 : i32
      %add3A_247 = arith.constant 32 : i32
      %add3A_248 = arith.addi %mul3A_246, %add3A_247 : i32
      %get3A_249 = arith.constant 32 : index
      %get3A_250 = tpu.vector_load %arg15[%get3A_249] {strides = array<i32>} : memref<128xf32, #tpu.memory_space<vmem>>, vector<16xf32>,
      %mul3A_251 = arith.mulf %get3A_7, %get3A_250 : vector<16xf32>
      %exp3A_252 = math.exp %mul3A_251 : vector<16xf32>
      %get3A_253 = arith.index_cast %add3A_248 : i32 to index
      %get3A_254 = tpu.vector_load %arg9[%get3A_253] {strides = array<i32>} : memref<5120xi32, #tpu.memory_space<vmem>>, vector<16xi32>,
      %gather3A_255 = tpu.vector_load_idx %arg18[%get3A_254] : memref<10016xf32, #tpu.memory_space<vmem>>[vector<16xi32>], vector<16xf32>,
      %mul3A_256 = arith.mulf %exp3A_252, %gather3A_255 : vector<16xf32>
      %swap3A_257 = arith.index_cast %add3A_248 : i32 to index
      %swap3A_258 = tpu.vector_load %arg16[%swap3A_257] {strides = array<i32>} : memref<5120xf32, #tpu.memory_space<vmem>>, vector<16xf32>,
      tpu.vector_store %arg16[%swap3A_257], %mul3A_256 {strides = array<i32>} : memref<5120xf32, #tpu.memory_space<vmem>>, vector<16xf32>,
      %get3A_259 = arith.index_cast %add3A_248 : i32 to index
      %get3A_260 = tpu.vector_load %arg10[%get3A_259] {strides = array<i32>} : memref<5120xi32, #tpu.memory_space<vmem>>, vector<16xi32>,
      tpu.vector_store_idx %arg17[%get3A_260], %exp3A_252 {add = true} : memref<10016xf32, #tpu.memory_space<vmem>>[vector<16xi32>], vector<16xf32>,
      %mul3A_261 = arith.constant 128 : i32
      %mul3A_262 = arith.muli %add3A_187, %mul3A_261 : i32
      %add3A_263 = arith.constant 48 : i32
      %add3A_264 = arith.addi %mul3A_262, %add3A_263 : i32
      %get3A_265 = arith.constant 48 : index
      %get3A_266 = tpu.vector_load %arg15[%get3A_265] {strides = array<i32>} : memref<128xf32, #tpu.memory_space<vmem>>, vector<16xf32>,
      %mul3A_267 = arith.mulf %get3A_7, %get3A_266 : vector<16xf32>
      %exp3A_268 = math.exp %mul3A_267 : vector<16xf32>
      %get3A_269 = arith.index_cast %add3A_264 : i32 to index
      %get3A_270 = tpu.vector_load %arg9[%get3A_269] {strides = array<i32>} : memref<5120xi32, #tpu.memory_space<vmem>>, vector<16xi32>,
      %gather3A_271 = tpu.vector_load_idx %arg18[%get3A_270] : memref<10016xf32, #tpu.memory_space<vmem>>[vector<16xi32>], vector<16xf32>,
      %mul3A_272 = arith.mulf %exp3A_268, %gather3A_271 : vector<16xf32>
      %swap3A_273 = arith.index_cast %add3A_264 : i32 to index
      %swap3A_274 = tpu.vector_load %arg16[%swap3A_273] {strides = array<i32>} : memref<5120xf32, #tpu.memory_space<vmem>>, vector<16xf32>,
      tpu.vector_store %arg16[%swap3A_273], %mul3A_272 {strides = array<i32>} : memref<5120xf32, #tpu.memory_space<vmem>>, vector<16xf32>,
      %get3A_275 = arith.index_cast %add3A_264 : i32 to index
      %get3A_276 = tpu.vector_load %arg10[%get3A_275] {strides = array<i32>} : memref<5120xi32, #tpu.memory_space<vmem>>, vector<16xi32>,
      tpu.vector_store_idx %arg17[%get3A_276], %exp3A_268 {add = true} : memref<10016xf32, #tpu.memory_space<vmem>>[vector<16xi32>], vector<16xf32>,
      %mul3A_277 = arith.constant 128 : i32
      %mul3A_278 = arith.muli %add3A_187, %mul3A_277 : i32
      %add3A_279 = arith.constant 64 : i32
      %add3A_280 = arith.addi %mul3A_278, %add3A_279 : i32
      %get3A_281 = arith.constant 64 : index
      %get3A_282 = tpu.vector_load %arg15[%get3A_281] {strides = array<i32>} : memref<128xf32, #tpu.memory_space<vmem>>, vector<16xf32>,
      %mul3A_283 = arith.mulf %get3A_7, %get3A_282 : vector<16xf32>
      %exp3A_284 = math.exp %mul3A_283 : vector<16xf32>
      %get3A_285 = arith.index_cast %add3A_280 : i32 to index
      %get3A_286 = tpu.vector_load %arg9[%get3A_285] {strides = array<i32>} : memref<5120xi32, #tpu.memory_space<vmem>>, vector<16xi32>,
      %gather3A_287 = tpu.vector_load_idx %arg18[%get3A_286] : memref<10016xf32, #tpu.memory_space<vmem>>[vector<16xi32>], vector<16xf32>,
      %mul3A_288 = arith.mulf %exp3A_284, %gather3A_287 : vector<16xf32>
      %swap3A_289 = arith.index_cast %add3A_280 : i32 to index
      %swap3A_290 = tpu.vector_load %arg16[%swap3A_289] {strides = array<i32>} : memref<5120xf32, #tpu.memory_space<vmem>>, vector<16xf32>,
      tpu.vector_store %arg16[%swap3A_289], %mul3A_288 {strides = array<i32>} : memref<5120xf32, #tpu.memory_space<vmem>>, vector<16xf32>,
      %get3A_291 = arith.index_cast %add3A_280 : i32 to index
      %get3A_292 = tpu.vector_load %arg10[%get3A_291] {strides = array<i32>} : memref<5120xi32, #tpu.memory_space<vmem>>, vector<16xi32>,
      tpu.vector_store_idx %arg17[%get3A_292], %exp3A_284 {add = true} : memref<10016xf32, #tpu.memory_space<vmem>>[vector<16xi32>], vector<16xf32>,
      %mul3A_293 = arith.constant 128 : i32
      %mul3A_294 = arith.muli %add3A_187, %mul3A_293 : i32
      %add3A_295 = arith.constant 80 : i32
      %add3A_296 = arith.addi %mul3A_294, %add3A_295 : i32
      %get3A_297 = arith.constant 80 : index
      %get3A_298 = tpu.vector_load %arg15[%get3A_297] {strides = array<i32>} : memref<128xf32, #tpu.memory_space<vmem>>, vector<16xf32>,
      %mul3A_299 = arith.mulf %get3A_7, %get3A_298 : vector<16xf32>
      %exp3A_300 = math.exp %mul3A_299 : vector<16xf32>
      %get3A_301 = arith.index_cast %add3A_296 : i32 to index
      %get3A_302 = tpu.vector_load %arg9[%get3A_301] {strides = array<i32>} : memref<5120xi32, #tpu.memory_space<vmem>>, vector<16xi32>,
      %gather3A_303 = tpu.vector_load_idx %arg18[%get3A_302] : memref<10016xf32, #tpu.memory_space<vmem>>[vector<16xi32>], vector<16xf32>,
      %mul3A_304 = arith.mulf %exp3A_300, %gather3A_303 : vector<16xf32>
      %swap3A_305 = arith.index_cast %add3A_296 : i32 to index
      %swap3A_306 = tpu.vector_load %arg16[%swap3A_305] {strides = array<i32>} : memref<5120xf32, #tpu.memory_space<vmem>>, vector<16xf32>,
      tpu.vector_store %arg16[%swap3A_305], %mul3A_304 {strides = array<i32>} : memref<5120xf32, #tpu.memory_space<vmem>>, vector<16xf32>,
      %get3A_307 = arith.index_cast %add3A_296 : i32 to index
      %get3A_308 = tpu.vector_load %arg10[%get3A_307] {strides = array<i32>} : memref<5120xi32, #tpu.memory_space<vmem>>, vector<16xi32>,
      tpu.vector_store_idx %arg17[%get3A_308], %exp3A_300 {add = true} : memref<10016xf32, #tpu.memory_space<vmem>>[vector<16xi32>], vector<16xf32>,
      %mul3A_309 = arith.constant 128 : i32
      %mul3A_310 = arith.muli %add3A_187, %mul3A_309 : i32
      %add3A_311 = arith.constant 96 : i32
      %add3A_312 = arith.addi %mul3A_310, %add3A_311 : i32
      %get3A_313 = arith.constant 96 : index
      %get3A_314 = tpu.vector_load %arg15[%get3A_313] {strides = array<i32>} : memref<128xf32, #tpu.memory_space<vmem>>, vector<16xf32>,
      %mul3A_315 = arith.mulf %get3A_7, %get3A_314 : vector<16xf32>
      %exp3A_316 = math.exp %mul3A_315 : vector<16xf32>
      %get3A_317 = arith.index_cast %add3A_312 : i32 to index
      %get3A_318 = tpu.vector_load %arg9[%get3A_317] {strides = array<i32>} : memref<5120xi32, #tpu.memory_space<vmem>>, vector<16xi32>,
      %gather3A_319 = tpu.vector_load_idx %arg18[%get3A_318] : memref<10016xf32, #tpu.memory_space<vmem>>[vector<16xi32>], vector<16xf32>,
      %mul3A_320 = arith.mulf %exp3A_316, %gather3A_319 : vector<16xf32>
      %swap3A_321 = arith.index_cast %add3A_312 : i32 to index
      %swap3A_322 = tpu.vector_load %arg16[%swap3A_321] {strides = array<i32>} : memref<5120xf32, #tpu.memory_space<vmem>>, vector<16xf32>,
      tpu.vector_store %arg16[%swap3A_321], %mul3A_320 {strides = array<i32>} : memref<5120xf32, #tpu.memory_space<vmem>>, vector<16xf32>,
      %get3A_323 = arith.index_cast %add3A_312 : i32 to index
      %get3A_324 = tpu.vector_load %arg10[%get3A_323] {strides = array<i32>} : memref<5120xi32, #tpu.memory_space<vmem>>, vector<16xi32>,
      tpu.vector_store_idx %arg17[%get3A_324], %exp3A_316 {add = true} : memref<10016xf32, #tpu.memory_space<vmem>>[vector<16xi32>], vector<16xf32>,
      %mul3A_325 = arith.constant 128 : i32
      %mul3A_326 = arith.muli %add3A_187, %mul3A_325 : i32
      %add3A_327 = arith.constant 112 : i32
      %add3A_328 = arith.addi %mul3A_326, %add3A_327 : i32
      %get3A_329 = arith.constant 112 : index
      %get3A_330 = tpu.vector_load %arg15[%get3A_329] {strides = array<i32>} : memref<128xf32, #tpu.memory_space<vmem>>, vector<16xf32>,
      %mul3A_331 = arith.mulf %get3A_7, %get3A_330 : vector<16xf32>
      %exp3A_332 = math.exp %mul3A_331 : vector<16xf32>
      %get3A_333 = arith.index_cast %add3A_328 : i32 to index
      %get3A_334 = tpu.vector_load %arg9[%get3A_333] {strides = array<i32>} : memref<5120xi32, #tpu.memory_space<vmem>>, vector<16xi32>,
      %gather3A_335 = tpu.vector_load_idx %arg18[%get3A_334] : memref<10016xf32, #tpu.memory_space<vmem>>[vector<16xi32>], vector<16xf32>,
      %mul3A_336 = arith.mulf %exp3A_332, %gather3A_335 : vector<16xf32>
      %swap3A_337 = arith.index_cast %add3A_328 : i32 to index
      %swap3A_338 = tpu.vector_load %arg16[%swap3A_337] {strides = array<i32>} : memref<5120xf32, #tpu.memory_space<vmem>>, vector<16xf32>,
      tpu.vector_store %arg16[%swap3A_337], %mul3A_336 {strides = array<i32>} : memref<5120xf32, #tpu.memory_space<vmem>>, vector<16xf32>,
      %get3A_339 = arith.index_cast %add3A_328 : i32 to index
      %get3A_340 = tpu.vector_load %arg10[%get3A_339] {strides = array<i32>} : memref<5120xi32, #tpu.memory_space<vmem>>, vector<16xi32>,
      tpu.vector_store_idx %arg17[%get3A_340], %exp3A_332 {add = true} : memref<10016xf32, #tpu.memory_space<vmem>>[vector<16xi32>], vector<16xf32>,
    }
    %scan3A_30 = arith.constant 20 : i32
    %mul3A_31 = arith.constant 128 : i32
    %mul3A_32 = arith.muli %mul3A_2, %mul3A_31 : i32
    "tpu.region"() ({
      %run_scoped3A = tpu.sem_alloc : memref<!tpu.dma_semaphore, #tpu.memory_space<semaphore_mem>>
      %dma_start3A_33 = tpu.memref_slice %arg7[%mul3A_32] : memref<163840xf32, #tpu.memory_space<hbm>> -> memref<5120xf32, #tpu.memory_space<hbm>>
      %dma_start3A_34 = tpu.memref_slice %arg7[%mul3A_32] : memref<163840xf32, #tpu.memory_space<hbm>> -> memref<5120xf32, #tpu.memory_space<hbm>>
      tpu.enqueue_dma source(%arg16 : memref<5120xf32, #tpu.memory_space<vmem>>) target(%dma_start3A_34 : memref<5120xf32, #tpu.memory_space<hbm>>) target_semaphore(%run_scoped3A : memref<!tpu.dma_semaphore, #tpu.memory_space<semaphore_mem>>)
      %dma_wait3A = tpu.memref_slice %arg7[%mul3A_32] : memref<163840xf32, #tpu.memory_space<hbm>> -> memref<5120xf32, #tpu.memory_space<hbm>>
      %dma_wait3A_35 = tpu.memref_slice %arg7[%mul3A_32] : memref<163840xf32, #tpu.memory_space<hbm>> -> memref<5120xf32, #tpu.memory_space<hbm>>
      tpu.wait_dma2 semaphore(%run_scoped3A : memref<!tpu.dma_semaphore, #tpu.memory_space<semaphore_mem>>) src(%arg16 : memref<5120xf32, #tpu.memory_space<vmem>>) dst(%dma_wait3A_35 : memref<5120xf32, #tpu.memory_space<hbm>>)
      tpu.yield
    }) : () -> ()
    "tpu.region"() ({
      %run_scoped3A = tpu.sem_alloc : memref<!tpu.dma_semaphore, #tpu.memory_space<semaphore_mem>>
      %dma_start3A_33 = arith.constant 0 : i32
      %dma_start3A_34 = tpu.memref_slice %arg8[%add3A, %dma_start3A_33] : memref<32x10016xf32, #tpu.memory_space<hbm>> -> memref<1x10016xf32, #tpu.memory_space<hbm>>
      %dma_start3A_35 = tpu.memref_squeeze %dma_start3A_34 : memref<1x10016xf32, #tpu.memory_space<hbm>> -> memref<10016xf32, #tpu.memory_space<hbm>>
      %dma_start3A_36 = arith.constant 0 : i32
      %dma_start3A_37 = tpu.memref_slice %arg8[%add3A, %dma_start3A_36] : memref<32x10016xf32, #tpu.memory_space<hbm>> -> memref<1x10016xf32, #tpu.memory_space<hbm>>
      %dma_start3A_38 = tpu.memref_squeeze %dma_start3A_37 : memref<1x10016xf32, #tpu.memory_space<hbm>> -> memref<10016xf32, #tpu.memory_space<hbm>>
      tpu.enqueue_dma source(%arg17 : memref<10016xf32, #tpu.memory_space<vmem>>) target(%dma_start3A_38 : memref<10016xf32, #tpu.memory_space<hbm>>) target_semaphore(%run_scoped3A : memref<!tpu.dma_semaphore, #tpu.memory_space<semaphore_mem>>)
      %dma_wait3A = arith.constant 0 : i32
      %dma_wait3A_39 = tpu.memref_slice %arg8[%add3A, %dma_wait3A] : memref<32x10016xf32, #tpu.memory_space<hbm>> -> memref<1x10016xf32, #tpu.memory_space<hbm>>
      %dma_wait3A_40 = tpu.memref_squeeze %dma_wait3A_39 : memref<1x10016xf32, #tpu.memory_space<hbm>> -> memref<10016xf32, #tpu.memory_space<hbm>>
      %dma_wait3A_41 = arith.constant 0 : i32
      %dma_wait3A_42 = tpu.memref_slice %arg8[%add3A, %dma_wait3A_41] : memref<32x10016xf32, #tpu.memory_space<hbm>> -> memref<1x10016xf32, #tpu.memory_space<hbm>>
      %dma_wait3A_43 = tpu.memref_squeeze %dma_wait3A_42 : memref<1x10016xf32, #tpu.memory_space<hbm>> -> memref<10016xf32, #tpu.memory_space<hbm>>
      tpu.wait_dma2 semaphore(%run_scoped3A : memref<!tpu.dma_semaphore, #tpu.memory_space<semaphore_mem>>) src(%arg17 : memref<10016xf32, #tpu.memory_space<vmem>>) dst(%dma_wait3A_43 : memref<10016xf32, #tpu.memory_space<hbm>>)
      tpu.yield
    }) : () -> ()
    return
  }
}

#map = affine_map<(d0, d1) -> (0, 0)>
#map1 = affine_map<(d0, d1) -> (0)>
module attributes {stable_mosaic.version = 14 : i64} {
  func.func @body(%arg0: i32, %arg1: i32, %arg2: memref<10001x128xi32, #tpu.memory_space<hbm>>, %arg3: memref<10016xf32, #tpu.memory_space<hbm>>, %arg4: memref<163840xi32, #tpu.memory_space<hbm>>, %arg5: memref<163840xi32, #tpu.memory_space<hbm>>, %arg6: memref<16xf32, #tpu.memory_space<hbm>>, %arg7: memref<163840xf32, #tpu.memory_space<hbm>>, %arg8: memref<32x10016xf32, #tpu.memory_space<hbm>>, %arg9: memref<5120xi32, #tpu.memory_space<vmem>>, %arg10: memref<5120xi32, #tpu.memory_space<vmem>>, %arg11: memref<128x128xi32, #tpu.memory_space<vmem>>, %arg12: memref<128x128xi32, #tpu.memory_space<vmem>>, %arg13: memref<128x128xi32, #tpu.memory_space<vmem>>, %arg14: memref<128x128xi32, #tpu.memory_space<vmem>>, %arg15: memref<128xf32, #tpu.memory_space<vmem>>, %arg16: memref<5120xf32, #tpu.memory_space<vmem>>, %arg17: memref<10016xf32, #tpu.memory_space<vmem>>, %arg18: memref<10016xf32, #tpu.memory_space<vmem>>, %arg19: memref<16xf32, #tpu.memory_space<vmem>>, %arg20: memref<!tpu.dma_semaphore, #tpu.memory_space<semaphore_mem>>, %arg21: memref<!tpu.dma_semaphore, #tpu.memory_space<semaphore_mem>>) attributes {dimension_semantics = [#tpu.dimension_semantics<core_parallel>, #tpu.dimension_semantics<subcore_parallel>], iteration_bounds = array<i64: 2, 16>, scalar_prefetch = 0 : i64, scratch_operands = 13 : i64, tpu.core_type = #tpu.core_type<sc_vector_subcore>, window_params = [{transform_indices = #map}, {transform_indices = #map1}, {transform_indices = #map1}, {transform_indices = #map1}, {transform_indices = #map1}, {transform_indices = #map1}, {transform_indices = #map}]} {
    %mul3A = arith.constant 2 : i32
    %mul3A_0 = arith.muli %arg1, %mul3A : i32
    %add3A = arith.addi %mul3A_0, %arg0 : i32
    %mul3A_1 = arith.constant 40 : i32
    %mul3A_2 = arith.muli %add3A, %mul3A_1 : i32
    "tpu.region"() ({
      %run_scoped3A = tpu.sem_alloc : memref<!tpu.dma_semaphore, #tpu.memory_space<semaphore_mem>>
      tpu.enqueue_dma source(%arg6 : memref<16xf32, #tpu.memory_space<hbm>>) target(%arg19 : memref<16xf32, #tpu.memory_space<vmem>>) target_semaphore(%run_scoped3A : memref<!tpu.dma_semaphore, #tpu.memory_space<semaphore_mem>>)
      tpu.wait_dma2 semaphore(%run_scoped3A : memref<!tpu.dma_semaphore, #tpu.memory_space<semaphore_mem>>) src(%arg6 : memref<16xf32, #tpu.memory_space<hbm>>) dst(%arg19 : memref<16xf32, #tpu.memory_space<vmem>>)
      tpu.yield
    }) : () -> ()
    "tpu.region"() ({
      %run_scoped3A = tpu.sem_alloc : memref<!tpu.dma_semaphore, #tpu.memory_space<semaphore_mem>>
      tpu.enqueue_dma source(%arg3 : memref<10016xf32, #tpu.memory_space<hbm>>) target(%arg18 : memref<10016xf32, #tpu.memory_space<vmem>>) target_semaphore(%run_scoped3A : memref<!tpu.dma_semaphore, #tpu.memory_space<semaphore_mem>>)
      tpu.wait_dma2 semaphore(%run_scoped3A : memref<!tpu.dma_semaphore, #tpu.memory_space<semaphore_mem>>) src(%arg3 : memref<10016xf32, #tpu.memory_space<hbm>>) dst(%arg18 : memref<10016xf32, #tpu.memory_space<vmem>>)
      tpu.yield
    }) : () -> ()
    %mul3A_3 = arith.constant 128 : i32
    %mul3A_4 = arith.muli %mul3A_2, %mul3A_3 : i32
    "tpu.region"() ({
      %run_scoped3A = tpu.sem_alloc : memref<!tpu.dma_semaphore, #tpu.memory_space<semaphore_mem>>
      %dma_start3A_33 = tpu.memref_slice %arg4[%mul3A_4] : memref<163840xi32, #tpu.memory_space<hbm>> -> memref<5120xi32, #tpu.memory_space<hbm>>
      %dma_start3A_34 = tpu.memref_slice %arg4[%mul3A_4] : memref<163840xi32, #tpu.memory_space<hbm>> -> memref<5120xi32, #tpu.memory_space<hbm>>
      tpu.enqueue_dma source(%dma_start3A_34 : memref<5120xi32, #tpu.memory_space<hbm>>) target(%arg9 : memref<5120xi32, #tpu.memory_space<vmem>>) target_semaphore(%run_scoped3A : memref<!tpu.dma_semaphore, #tpu.memory_space<semaphore_mem>>)
      %dma_wait3A = tpu.memref_slice %arg4[%mul3A_4] : memref<163840xi32, #tpu.memory_space<hbm>> -> memref<5120xi32, #tpu.memory_space<hbm>>
      %dma_wait3A_35 = tpu.memref_slice %arg4[%mul3A_4] : memref<163840xi32, #tpu.memory_space<hbm>> -> memref<5120xi32, #tpu.memory_space<hbm>>
      tpu.wait_dma2 semaphore(%run_scoped3A : memref<!tpu.dma_semaphore, #tpu.memory_space<semaphore_mem>>) src(%dma_wait3A_35 : memref<5120xi32, #tpu.memory_space<hbm>>) dst(%arg9 : memref<5120xi32, #tpu.memory_space<vmem>>)
      tpu.yield
    }) : () -> ()
    %mul3A_5 = arith.constant 128 : i32
    %mul3A_6 = arith.muli %mul3A_2, %mul3A_5 : i32
    "tpu.region"() ({
      %run_scoped3A = tpu.sem_alloc : memref<!tpu.dma_semaphore, #tpu.memory_space<semaphore_mem>>
      %dma_start3A_33 = tpu.memref_slice %arg5[%mul3A_6] : memref<163840xi32, #tpu.memory_space<hbm>> -> memref<5120xi32, #tpu.memory_space<hbm>>
      %dma_start3A_34 = tpu.memref_slice %arg5[%mul3A_6] : memref<163840xi32, #tpu.memory_space<hbm>> -> memref<5120xi32, #tpu.memory_space<hbm>>
      tpu.enqueue_dma source(%dma_start3A_34 : memref<5120xi32, #tpu.memory_space<hbm>>) target(%arg10 : memref<5120xi32, #tpu.memory_space<vmem>>) target_semaphore(%run_scoped3A : memref<!tpu.dma_semaphore, #tpu.memory_space<semaphore_mem>>)
      %dma_wait3A = tpu.memref_slice %arg5[%mul3A_6] : memref<163840xi32, #tpu.memory_space<hbm>> -> memref<5120xi32, #tpu.memory_space<hbm>>
      %dma_wait3A_35 = tpu.memref_slice %arg5[%mul3A_6] : memref<163840xi32, #tpu.memory_space<hbm>> -> memref<5120xi32, #tpu.memory_space<hbm>>
      tpu.wait_dma2 semaphore(%run_scoped3A : memref<!tpu.dma_semaphore, #tpu.memory_space<semaphore_mem>>) src(%dma_wait3A_35 : memref<5120xi32, #tpu.memory_space<hbm>>) dst(%arg10 : memref<5120xi32, #tpu.memory_space<vmem>>)
      tpu.yield
    }) : () -> ()
    %get3A = arith.constant 0 : index
    %get3A_7 = tpu.vector_load %arg19[%get3A] {strides = array<i32>} : memref<16xf32, #tpu.memory_space<vmem>>, vector<16xf32>,
    %broadcast_in_dim3A = arith.constant 0.000000e+00 : f32
    %broadcast_in_dim3A_8 = vector.broadcast %broadcast_in_dim3A : f32 to vector<16xf32>
    %iota3A = tpu.iota {dimensions = array<i32: 0>} : vector<16xi32>
    %eq3A = arith.constant 0 : i32
    %eq3A_9 = vector.broadcast %eq3A : i32 to vector<16xi32>
    %eq3A_10 = arith.cmpi eq, %iota3A, %eq3A_9 : vector<16xi32>
    %scan3A = arith.constant 0 : i32
    %scan3A_11 = arith.constant 0 : i32
    %scan3A_12 = arith.constant 626 : i32
    %scan3A_13 = arith.addi %scan3A_11, %scan3A_12 : i32
    %scan3A_14 = arith.constant 1 : i32
    scf.for %scan3A_33 = %scan3A_11 to %scan3A_13 step %scan3A_14  : i32 {
      %mul3A_34 = arith.constant 16 : i32
      %mul3A_35 = arith.muli %scan3A_33, %mul3A_34 : i32
      %swap3A = arith.index_cast %mul3A_35 : i32 to index
      %swap3A_36 = tpu.vector_load %arg17[%swap3A] {strides = array<i32>} : memref<10016xf32, #tpu.memory_space<vmem>>, vector<16xf32>,
      tpu.vector_store %arg17[%swap3A], %broadcast_in_dim3A_8 {strides = array<i32>} : memref<10016xf32, #tpu.memory_space<vmem>>, vector<16xf32>,
    }
    %scan3A_15 = arith.constant 626 : i32
    %dma_start3A = arith.constant 0 : i32
    %dma_start3A_16 = tpu.memref_slice %arg9[%dma_start3A] : memref<5120xi32, #tpu.memory_space<vmem>> -> memref<128xi32, #tpu.memory_space<vmem>>
    %dma_start3A_17 = arith.constant 0 : i32
    %dma_start3A_18 = arith.constant 0 : i32
    %dma_start3A_19 = tpu.memref_slice %arg2[%dma_start3A_17, %dma_start3A_18] : memref<10001x128xi32, #tpu.memory_space<hbm>> -> memref<10001x128xi32, #tpu.memory_space<hbm>>
    tpu.enqueue_indirect_dma source(%dma_start3A_19 : memref<10001x128xi32, #tpu.memory_space<hbm>>) target(%arg11 : memref<128x128xi32, #tpu.memory_space<vmem>>) offsets(%dma_start3A_16 : memref<128xi32, #tpu.memory_space<vmem>>) semaphore(%arg20 : memref<!tpu.dma_semaphore, #tpu.memory_space<semaphore_mem>>)
    %dma_start3A_20 = arith.constant 0 : i32
    %dma_start3A_21 = tpu.memref_slice %arg10[%dma_start3A_20] : memref<5120xi32, #tpu.memory_space<vmem>> -> memref<128xi32, #tpu.memory_space<vmem>>
    %dma_start3A_22 = arith.constant 0 : i32
    %dma_start3A_23 = arith.constant 0 : i32
    %dma_start3A_24 = tpu.memref_slice %arg2[%dma_start3A_22, %dma_start3A_23] : memref<10001x128xi32, #tpu.memory_space<hbm>> -> memref<10001x128xi32, #tpu.memory_space<hbm>>
    tpu.enqueue_indirect_dma source(%dma_start3A_24 : memref<10001x128xi32, #tpu.memory_space<hbm>>) target(%arg13 : memref<128x128xi32, #tpu.memory_space<vmem>>) offsets(%dma_start3A_21 : memref<128xi32, #tpu.memory_space<vmem>>) semaphore(%arg20 : memref<!tpu.dma_semaphore, #tpu.memory_space<semaphore_mem>>)
    %scan3A_25 = arith.constant 0 : i32
    %scan3A_26 = arith.constant 0 : i32
    %scan3A_27 = arith.constant 20 : i32
    %scan3A_28 = arith.addi %scan3A_26, %scan3A_27 : i32
    %scan3A_29 = arith.constant 1 : i32
    scf.for %scan3A_33 = %scan3A_26 to %scan3A_28 step %scan3A_29  : i32 {
      %mul3A_34 = arith.constant 2 : i32
      %mul3A_35 = arith.muli %scan3A_33, %mul3A_34 : i32
      %add3A_36 = arith.constant 0 : i32
      %add3A_37 = arith.addi %mul3A_35, %add3A_36 : i32
      %add3A_38 = arith.constant 1 : i32
      %add3A_39 = arith.addi %add3A_37, %add3A_38 : i32
      %lt3A = arith.constant 40 : i32
      %lt3A_40 = arith.cmpi slt, %add3A_39, %lt3A : i32
      %convert_element_type3A = arith.extui %lt3A_40 : i1 to i32
      %cond3A = arith.constant 0 : i32
      %cond3A_41 = arith.cmpi ne, %convert_element_type3A, %cond3A : i32
      scf.if %cond3A_41 {
        %add3A_341 = arith.constant 1 : i32
        %add3A_342 = arith.addi %add3A_37, %add3A_341 : i32
        %mul3A_343 = arith.constant 128 : i32
        %mul3A_344 = arith.muli %add3A_342, %mul3A_343 : i32
        %dma_start3A_345 = tpu.memref_slice %arg9[%mul3A_344] : memref<5120xi32, #tpu.memory_space<vmem>> -> memref<128xi32, #tpu.memory_space<vmem>>
        %dma_start3A_346 = arith.constant 0 : i32
        %dma_start3A_347 = arith.constant 0 : i32
        %dma_start3A_348 = tpu.memref_slice %arg2[%dma_start3A_346, %dma_start3A_347] : memref<10001x128xi32, #tpu.memory_space<hbm>> -> memref<10001x128xi32, #tpu.memory_space<hbm>>
        tpu.enqueue_indirect_dma source(%dma_start3A_348 : memref<10001x128xi32, #tpu.memory_space<hbm>>) target(%arg12 : memref<128x128xi32, #tpu.memory_space<vmem>>) offsets(%dma_start3A_345 : memref<128xi32, #tpu.memory_space<vmem>>) semaphore(%arg21 : memref<!tpu.dma_semaphore, #tpu.memory_space<semaphore_mem>>)
        %mul3A_349 = arith.constant 128 : i32
        %mul3A_350 = arith.muli %add3A_342, %mul3A_349 : i32
        %dma_start3A_351 = tpu.memref_slice %arg10[%mul3A_350] : memref<5120xi32, #tpu.memory_space<vmem>> -> memref<128xi32, #tpu.memory_space<vmem>>
        %dma_start3A_352 = arith.constant 0 : i32
        %dma_start3A_353 = arith.constant 0 : i32
        %dma_start3A_354 = tpu.memref_slice %arg2[%dma_start3A_352, %dma_start3A_353] : memref<10001x128xi32, #tpu.memory_space<hbm>> -> memref<10001x128xi32, #tpu.memory_space<hbm>>
        tpu.enqueue_indirect_dma source(%dma_start3A_354 : memref<10001x128xi32, #tpu.memory_space<hbm>>) target(%arg14 : memref<128x128xi32, #tpu.memory_space<vmem>>) offsets(%dma_start3A_351 : memref<128xi32, #tpu.memory_space<vmem>>) semaphore(%arg21 : memref<!tpu.dma_semaphore, #tpu.memory_space<semaphore_mem>>)
      } else {
      }
      %mul3A_42 = arith.constant 128 : i32
      %mul3A_43 = arith.muli %add3A_37, %mul3A_42 : i32
      %dma_wait3A = tpu.memref_slice %arg9[%mul3A_43] : memref<5120xi32, #tpu.memory_space<vmem>> -> memref<128xi32, #tpu.memory_space<vmem>>
      %dma_wait3A_44 = arith.constant 0 : i32
      %dma_wait3A_45 = arith.constant 0 : i32
      %dma_wait3A_46 = tpu.memref_slice %arg2[%dma_wait3A_44, %dma_wait3A_45] : memref<10001x128xi32, #tpu.memory_space<hbm>> -> memref<10001x128xi32, #tpu.memory_space<hbm>>
      tpu.wait_indirect_dma semaphore(%arg20 : memref<!tpu.dma_semaphore, #tpu.memory_space<semaphore_mem>>) src(%dma_wait3A_46 : memref<10001x128xi32, #tpu.memory_space<hbm>>) dst(%arg11 : memref<128x128xi32, #tpu.memory_space<vmem>>)
      %mul3A_47 = arith.constant 128 : i32
      %mul3A_48 = arith.muli %add3A_37, %mul3A_47 : i32
      %dma_wait3A_49 = tpu.memref_slice %arg10[%mul3A_48] : memref<5120xi32, #tpu.memory_space<vmem>> -> memref<128xi32, #tpu.memory_space<vmem>>
      %dma_wait3A_50 = arith.constant 0 : i32
      %dma_wait3A_51 = arith.constant 0 : i32
      %dma_wait3A_52 = tpu.memref_slice %arg2[%dma_wait3A_50, %dma_wait3A_51] : memref<10001x128xi32, #tpu.memory_space<hbm>> -> memref<10001x128xi32, #tpu.memory_space<hbm>>
      tpu.wait_indirect_dma semaphore(%arg20 : memref<!tpu.dma_semaphore, #tpu.memory_space<semaphore_mem>>) src(%dma_wait3A_52 : memref<10001x128xi32, #tpu.memory_space<hbm>>) dst(%arg13 : memref<128x128xi32, #tpu.memory_space<vmem>>)
      %scan3A_53 = arith.constant 0 : i32
      %scan3A_54 = arith.constant 0 : i32
      %scan3A_55 = arith.constant 128 : i32
      %scan3A_56 = arith.addi %scan3A_54, %scan3A_55 : i32
      %scan3A_57 = arith.constant 1 : i32
      scf.for %scan3A_341 = %scan3A_54 to %scan3A_56 step %scan3A_57  : i32 {
        %get3A_342 = arith.index_cast %scan3A_341 : i32 to index
        %get3A_343 = arith.constant 0 : index
        %get3A_344 = tpu.vector_load %arg11[%get3A_342, %get3A_343] {strides = array<i32>} : memref<128x128xi32, #tpu.memory_space<vmem>>, vector<16xi32>,
        %bitcast3A = vector.bitcast %get3A_344 : vector<16xi32> to vector<32xbf16>
        %get3A_345 = arith.index_cast %scan3A_341 : i32 to index
        %get3A_346 = arith.constant 0 : index
        %get3A_347 = tpu.vector_load %arg13[%get3A_345, %get3A_346] {strides = array<i32>} : memref<128x128xi32, #tpu.memory_space<vmem>>, vector<16xi32>,
        %bitcast3A_348 = vector.bitcast %get3A_347 : vector<16xi32> to vector<32xbf16>
        %mul3A_349 = arith.mulf %bitcast3A, %bitcast3A_348 : vector<32xbf16>
        %unpack3A = tpu.unpack_subelements %mul3A_349, 0 {pack_format = #tpu.pack_format<interleaved>} : vector<32xbf16> -> vector<16xf32>
        %unpack3A_350 = tpu.unpack_subelements %mul3A_349, 1 {pack_format = #tpu.pack_format<interleaved>} : vector<32xbf16> -> vector<16xf32>
        %add3A_351 = arith.addf %unpack3A, %unpack3A_350 : vector<16xf32>
        %get3A_352 = arith.index_cast %scan3A_341 : i32 to index
        %get3A_353 = arith.constant 16 : index
        %get3A_354 = tpu.vector_load %arg11[%get3A_352, %get3A_353] {strides = array<i32>} : memref<128x128xi32, #tpu.memory_space<vmem>>, vector<16xi32>,
        %bitcast3A_355 = vector.bitcast %get3A_354 : vector<16xi32> to vector<32xbf16>
        %get3A_356 = arith.index_cast %scan3A_341 : i32 to index
        %get3A_357 = arith.constant 16 : index
        %get3A_358 = tpu.vector_load %arg13[%get3A_356, %get3A_357] {strides = array<i32>} : memref<128x128xi32, #tpu.memory_space<vmem>>, vector<16xi32>,
        %bitcast3A_359 = vector.bitcast %get3A_358 : vector<16xi32> to vector<32xbf16>
        %mul3A_360 = arith.mulf %bitcast3A_355, %bitcast3A_359 : vector<32xbf16>
        %unpack3A_361 = tpu.unpack_subelements %mul3A_360, 0 {pack_format = #tpu.pack_format<interleaved>} : vector<32xbf16> -> vector<16xf32>
        %unpack3A_362 = tpu.unpack_subelements %mul3A_360, 1 {pack_format = #tpu.pack_format<interleaved>} : vector<32xbf16> -> vector<16xf32>
        %add3A_363 = arith.addf %unpack3A_361, %unpack3A_362 : vector<16xf32>
        %add3A_364 = arith.addf %add3A_351, %add3A_363 : vector<16xf32>
        %get3A_365 = arith.index_cast %scan3A_341 : i32 to index
        %get3A_366 = arith.constant 32 : index
        %get3A_367 = tpu.vector_load %arg11[%get3A_365, %get3A_366] {strides = array<i32>} : memref<128x128xi32, #tpu.memory_space<vmem>>, vector<16xi32>,
        %bitcast3A_368 = vector.bitcast %get3A_367 : vector<16xi32> to vector<32xbf16>
        %get3A_369 = arith.index_cast %scan3A_341 : i32 to index
        %get3A_370 = arith.constant 32 : index
        %get3A_371 = tpu.vector_load %arg13[%get3A_369, %get3A_370] {strides = array<i32>} : memref<128x128xi32, #tpu.memory_space<vmem>>, vector<16xi32>,
        %bitcast3A_372 = vector.bitcast %get3A_371 : vector<16xi32> to vector<32xbf16>
        %mul3A_373 = arith.mulf %bitcast3A_368, %bitcast3A_372 : vector<32xbf16>
        %unpack3A_374 = tpu.unpack_subelements %mul3A_373, 0 {pack_format = #tpu.pack_format<interleaved>} : vector<32xbf16> -> vector<16xf32>
        %unpack3A_375 = tpu.unpack_subelements %mul3A_373, 1 {pack_format = #tpu.pack_format<interleaved>} : vector<32xbf16> -> vector<16xf32>
        %add3A_376 = arith.addf %unpack3A_374, %unpack3A_375 : vector<16xf32>
        %add3A_377 = arith.addf %add3A_364, %add3A_376 : vector<16xf32>
        %get3A_378 = arith.index_cast %scan3A_341 : i32 to index
        %get3A_379 = arith.constant 48 : index
        %get3A_380 = tpu.vector_load %arg11[%get3A_378, %get3A_379] {strides = array<i32>} : memref<128x128xi32, #tpu.memory_space<vmem>>, vector<16xi32>,
        %bitcast3A_381 = vector.bitcast %get3A_380 : vector<16xi32> to vector<32xbf16>
        %get3A_382 = arith.index_cast %scan3A_341 : i32 to index
        %get3A_383 = arith.constant 48 : index
        %get3A_384 = tpu.vector_load %arg13[%get3A_382, %get3A_383] {strides = array<i32>} : memref<128x128xi32, #tpu.memory_space<vmem>>, vector<16xi32>,
        %bitcast3A_385 = vector.bitcast %get3A_384 : vector<16xi32> to vector<32xbf16>
        %mul3A_386 = arith.mulf %bitcast3A_381, %bitcast3A_385 : vector<32xbf16>
        %unpack3A_387 = tpu.unpack_subelements %mul3A_386, 0 {pack_format = #tpu.pack_format<interleaved>} : vector<32xbf16> -> vector<16xf32>
        %unpack3A_388 = tpu.unpack_subelements %mul3A_386, 1 {pack_format = #tpu.pack_format<interleaved>} : vector<32xbf16> -> vector<16xf32>
        %add3A_389 = arith.addf %unpack3A_387, %unpack3A_388 : vector<16xf32>
        %add3A_390 = arith.addf %add3A_377, %add3A_389 : vector<16xf32>
        %get3A_391 = arith.index_cast %scan3A_341 : i32 to index
        %get3A_392 = arith.constant 64 : index
        %get3A_393 = tpu.vector_load %arg11[%get3A_391, %get3A_392] {strides = array<i32>} : memref<128x128xi32, #tpu.memory_space<vmem>>, vector<16xi32>,
        %bitcast3A_394 = vector.bitcast %get3A_393 : vector<16xi32> to vector<32xbf16>
        %get3A_395 = arith.index_cast %scan3A_341 : i32 to index
        %get3A_396 = arith.constant 64 : index
        %get3A_397 = tpu.vector_load %arg13[%get3A_395, %get3A_396] {strides = array<i32>} : memref<128x128xi32, #tpu.memory_space<vmem>>, vector<16xi32>,
        %bitcast3A_398 = vector.bitcast %get3A_397 : vector<16xi32> to vector<32xbf16>
        %mul3A_399 = arith.mulf %bitcast3A_394, %bitcast3A_398 : vector<32xbf16>
        %unpack3A_400 = tpu.unpack_subelements %mul3A_399, 0 {pack_format = #tpu.pack_format<interleaved>} : vector<32xbf16> -> vector<16xf32>
        %unpack3A_401 = tpu.unpack_subelements %mul3A_399, 1 {pack_format = #tpu.pack_format<interleaved>} : vector<32xbf16> -> vector<16xf32>
        %add3A_402 = arith.addf %unpack3A_400, %unpack3A_401 : vector<16xf32>
        %add3A_403 = arith.addf %add3A_390, %add3A_402 : vector<16xf32>
        %get3A_404 = arith.index_cast %scan3A_341 : i32 to index
        %get3A_405 = arith.constant 80 : index
        %get3A_406 = tpu.vector_load %arg11[%get3A_404, %get3A_405] {strides = array<i32>} : memref<128x128xi32, #tpu.memory_space<vmem>>, vector<16xi32>,
        %bitcast3A_407 = vector.bitcast %get3A_406 : vector<16xi32> to vector<32xbf16>
        %get3A_408 = arith.index_cast %scan3A_341 : i32 to index
        %get3A_409 = arith.constant 80 : index
        %get3A_410 = tpu.vector_load %arg13[%get3A_408, %get3A_409] {strides = array<i32>} : memref<128x128xi32, #tpu.memory_space<vmem>>, vector<16xi32>,
        %bitcast3A_411 = vector.bitcast %get3A_410 : vector<16xi32> to vector<32xbf16>
        %mul3A_412 = arith.mulf %bitcast3A_407, %bitcast3A_411 : vector<32xbf16>
        %unpack3A_413 = tpu.unpack_subelements %mul3A_412, 0 {pack_format = #tpu.pack_format<interleaved>} : vector<32xbf16> -> vector<16xf32>
        %unpack3A_414 = tpu.unpack_subelements %mul3A_412, 1 {pack_format = #tpu.pack_format<interleaved>} : vector<32xbf16> -> vector<16xf32>
        %add3A_415 = arith.addf %unpack3A_413, %unpack3A_414 : vector<16xf32>
        %add3A_416 = arith.addf %add3A_403, %add3A_415 : vector<16xf32>
        %get3A_417 = arith.index_cast %scan3A_341 : i32 to index
        %get3A_418 = arith.constant 96 : index
        %get3A_419 = tpu.vector_load %arg11[%get3A_417, %get3A_418] {strides = array<i32>} : memref<128x128xi32, #tpu.memory_space<vmem>>, vector<16xi32>,
        %bitcast3A_420 = vector.bitcast %get3A_419 : vector<16xi32> to vector<32xbf16>
        %get3A_421 = arith.index_cast %scan3A_341 : i32 to index
        %get3A_422 = arith.constant 96 : index
        %get3A_423 = tpu.vector_load %arg13[%get3A_421, %get3A_422] {strides = array<i32>} : memref<128x128xi32, #tpu.memory_space<vmem>>, vector<16xi32>,
        %bitcast3A_424 = vector.bitcast %get3A_423 : vector<16xi32> to vector<32xbf16>
        %mul3A_425 = arith.mulf %bitcast3A_420, %bitcast3A_424 : vector<32xbf16>
        %unpack3A_426 = tpu.unpack_subelements %mul3A_425, 0 {pack_format = #tpu.pack_format<interleaved>} : vector<32xbf16> -> vector<16xf32>
        %unpack3A_427 = tpu.unpack_subelements %mul3A_425, 1 {pack_format = #tpu.pack_format<interleaved>} : vector<32xbf16> -> vector<16xf32>
        %add3A_428 = arith.addf %unpack3A_426, %unpack3A_427 : vector<16xf32>
        %add3A_429 = arith.addf %add3A_416, %add3A_428 : vector<16xf32>
        %get3A_430 = arith.index_cast %scan3A_341 : i32 to index
        %get3A_431 = arith.constant 112 : index
        %get3A_432 = tpu.vector_load %arg11[%get3A_430, %get3A_431] {strides = array<i32>} : memref<128x128xi32, #tpu.memory_space<vmem>>, vector<16xi32>,
        %bitcast3A_433 = vector.bitcast %get3A_432 : vector<16xi32> to vector<32xbf16>
        %get3A_434 = arith.index_cast %scan3A_341 : i32 to index
        %get3A_435 = arith.constant 112 : index
        %get3A_436 = tpu.vector_load %arg13[%get3A_434, %get3A_435] {strides = array<i32>} : memref<128x128xi32, #tpu.memory_space<vmem>>, vector<16xi32>,
        %bitcast3A_437 = vector.bitcast %get3A_436 : vector<16xi32> to vector<32xbf16>
        %mul3A_438 = arith.mulf %bitcast3A_433, %bitcast3A_437 : vector<32xbf16>
        %unpack3A_439 = tpu.unpack_subelements %mul3A_438, 0 {pack_format = #tpu.pack_format<interleaved>} : vector<32xbf16> -> vector<16xf32>
        %unpack3A_440 = tpu.unpack_subelements %mul3A_438, 1 {pack_format = #tpu.pack_format<interleaved>} : vector<32xbf16> -> vector<16xf32>
        %add3A_441 = arith.addf %unpack3A_439, %unpack3A_440 : vector<16xf32>
        %add3A_442 = arith.addf %add3A_429, %add3A_441 : vector<16xf32>
        %reduce_sum3A = arith.constant true
        %reduce_sum3A_443 = vector.broadcast %reduce_sum3A : i1 to vector<16xi1>
        %reduce_sum3A_444 = tpu.scan <sum>, %add3A_442 masked %reduce_sum3A_443 : vector<16xf32>, vector<16xi1> -> vector<16xf32>
        %reduce_sum3A_445 = vector.extract %reduce_sum3A_444[15] : f32 from vector<16xf32>
        %broadcast_in_dim3A_446 = vector.broadcast %reduce_sum3A_445 : f32 to vector<16xf32>
        %broadcast_in_dim3A_447 = vector.broadcast %scan3A_341 : i32 to vector<16xi32>
        tpu.vector_store_idx %arg15[%broadcast_in_dim3A_447], %broadcast_in_dim3A_446 masked %eq3A_10 : memref<128xf32, #tpu.memory_space<vmem>>[vector<16xi32>], vector<16xf32>, vector<16xi1>
      }
      %scan3A_58 = arith.constant 128 : i32
      %mul3A_59 = arith.constant 128 : i32
      %mul3A_60 = arith.muli %add3A_37, %mul3A_59 : i32
      %add3A_61 = arith.constant 0 : i32
      %add3A_62 = arith.addi %mul3A_60, %add3A_61 : i32
      %get3A_63 = arith.constant 0 : index
      %get3A_64 = tpu.vector_load %arg15[%get3A_63] {strides = array<i32>} : memref<128xf32, #tpu.memory_space<vmem>>, vector<16xf32>,
      %mul3A_65 = arith.mulf %get3A_7, %get3A_64 : vector<16xf32>
      %exp3A = math.exp %mul3A_65 : vector<16xf32>
      %get3A_66 = arith.index_cast %add3A_62 : i32 to index
      %get3A_67 = tpu.vector_load %arg9[%get3A_66] {strides = array<i32>} : memref<5120xi32, #tpu.memory_space<vmem>>, vector<16xi32>,
      %gather3A = tpu.vector_load_idx %arg18[%get3A_67] : memref<10016xf32, #tpu.memory_space<vmem>>[vector<16xi32>], vector<16xf32>,
      %mul3A_68 = arith.mulf %exp3A, %gather3A : vector<16xf32>
      %swap3A = arith.index_cast %add3A_62 : i32 to index
      %swap3A_69 = tpu.vector_load %arg16[%swap3A] {strides = array<i32>} : memref<5120xf32, #tpu.memory_space<vmem>>, vector<16xf32>,
      tpu.vector_store %arg16[%swap3A], %mul3A_68 {strides = array<i32>} : memref<5120xf32, #tpu.memory_space<vmem>>, vector<16xf32>,
      %get3A_70 = arith.index_cast %add3A_62 : i32 to index
      %get3A_71 = tpu.vector_load %arg10[%get3A_70] {strides = array<i32>} : memref<5120xi32, #tpu.memory_space<vmem>>, vector<16xi32>,
      tpu.vector_store_idx %arg17[%get3A_71], %exp3A {add = true} : memref<10016xf32, #tpu.memory_space<vmem>>[vector<16xi32>], vector<16xf32>,
      %mul3A_72 = arith.constant 128 : i32
      %mul3A_73 = arith.muli %add3A_37, %mul3A_72 : i32
      %add3A_74 = arith.constant 16 : i32
      %add3A_75 = arith.addi %mul3A_73, %add3A_74 : i32
      %get3A_76 = arith.constant 16 : index
      %get3A_77 = tpu.vector_load %arg15[%get3A_76] {strides = array<i32>} : memref<128xf32, #tpu.memory_space<vmem>>, vector<16xf32>,
      %mul3A_78 = arith.mulf %get3A_7, %get3A_77 : vector<16xf32>
      %exp3A_79 = math.exp %mul3A_78 : vector<16xf32>
      %get3A_80 = arith.index_cast %add3A_75 : i32 to index
      %get3A_81 = tpu.vector_load %arg9[%get3A_80] {strides = array<i32>} : memref<5120xi32, #tpu.memory_space<vmem>>, vector<16xi32>,
      %gather3A_82 = tpu.vector_load_idx %arg18[%get3A_81] : memref<10016xf32, #tpu.memory_space<vmem>>[vector<16xi32>], vector<16xf32>,
      %mul3A_83 = arith.mulf %exp3A_79, %gather3A_82 : vector<16xf32>
      %swap3A_84 = arith.index_cast %add3A_75 : i32 to index
      %swap3A_85 = tpu.vector_load %arg16[%swap3A_84] {strides = array<i32>} : memref<5120xf32, #tpu.memory_space<vmem>>, vector<16xf32>,
      tpu.vector_store %arg16[%swap3A_84], %mul3A_83 {strides = array<i32>} : memref<5120xf32, #tpu.memory_space<vmem>>, vector<16xf32>,
      %get3A_86 = arith.index_cast %add3A_75 : i32 to index
      %get3A_87 = tpu.vector_load %arg10[%get3A_86] {strides = array<i32>} : memref<5120xi32, #tpu.memory_space<vmem>>, vector<16xi32>,
      tpu.vector_store_idx %arg17[%get3A_87], %exp3A_79 {add = true} : memref<10016xf32, #tpu.memory_space<vmem>>[vector<16xi32>], vector<16xf32>,
      %mul3A_88 = arith.constant 128 : i32
      %mul3A_89 = arith.muli %add3A_37, %mul3A_88 : i32
      %add3A_90 = arith.constant 32 : i32
      %add3A_91 = arith.addi %mul3A_89, %add3A_90 : i32
      %get3A_92 = arith.constant 32 : index
      %get3A_93 = tpu.vector_load %arg15[%get3A_92] {strides = array<i32>} : memref<128xf32, #tpu.memory_space<vmem>>, vector<16xf32>,
      %mul3A_94 = arith.mulf %get3A_7, %get3A_93 : vector<16xf32>
      %exp3A_95 = math.exp %mul3A_94 : vector<16xf32>
      %get3A_96 = arith.index_cast %add3A_91 : i32 to index
      %get3A_97 = tpu.vector_load %arg9[%get3A_96] {strides = array<i32>} : memref<5120xi32, #tpu.memory_space<vmem>>, vector<16xi32>,
      %gather3A_98 = tpu.vector_load_idx %arg18[%get3A_97] : memref<10016xf32, #tpu.memory_space<vmem>>[vector<16xi32>], vector<16xf32>,
      %mul3A_99 = arith.mulf %exp3A_95, %gather3A_98 : vector<16xf32>
      %swap3A_100 = arith.index_cast %add3A_91 : i32 to index
      %swap3A_101 = tpu.vector_load %arg16[%swap3A_100] {strides = array<i32>} : memref<5120xf32, #tpu.memory_space<vmem>>, vector<16xf32>,
      tpu.vector_store %arg16[%swap3A_100], %mul3A_99 {strides = array<i32>} : memref<5120xf32, #tpu.memory_space<vmem>>, vector<16xf32>,
      %get3A_102 = arith.index_cast %add3A_91 : i32 to index
      %get3A_103 = tpu.vector_load %arg10[%get3A_102] {strides = array<i32>} : memref<5120xi32, #tpu.memory_space<vmem>>, vector<16xi32>,
      tpu.vector_store_idx %arg17[%get3A_103], %exp3A_95 {add = true} : memref<10016xf32, #tpu.memory_space<vmem>>[vector<16xi32>], vector<16xf32>,
      %mul3A_104 = arith.constant 128 : i32
      %mul3A_105 = arith.muli %add3A_37, %mul3A_104 : i32
      %add3A_106 = arith.constant 48 : i32
      %add3A_107 = arith.addi %mul3A_105, %add3A_106 : i32
      %get3A_108 = arith.constant 48 : index
      %get3A_109 = tpu.vector_load %arg15[%get3A_108] {strides = array<i32>} : memref<128xf32, #tpu.memory_space<vmem>>, vector<16xf32>,
      %mul3A_110 = arith.mulf %get3A_7, %get3A_109 : vector<16xf32>
      %exp3A_111 = math.exp %mul3A_110 : vector<16xf32>
      %get3A_112 = arith.index_cast %add3A_107 : i32 to index
      %get3A_113 = tpu.vector_load %arg9[%get3A_112] {strides = array<i32>} : memref<5120xi32, #tpu.memory_space<vmem>>, vector<16xi32>,
      %gather3A_114 = tpu.vector_load_idx %arg18[%get3A_113] : memref<10016xf32, #tpu.memory_space<vmem>>[vector<16xi32>], vector<16xf32>,
      %mul3A_115 = arith.mulf %exp3A_111, %gather3A_114 : vector<16xf32>
      %swap3A_116 = arith.index_cast %add3A_107 : i32 to index
      %swap3A_117 = tpu.vector_load %arg16[%swap3A_116] {strides = array<i32>} : memref<5120xf32, #tpu.memory_space<vmem>>, vector<16xf32>,
      tpu.vector_store %arg16[%swap3A_116], %mul3A_115 {strides = array<i32>} : memref<5120xf32, #tpu.memory_space<vmem>>, vector<16xf32>,
      %get3A_118 = arith.index_cast %add3A_107 : i32 to index
      %get3A_119 = tpu.vector_load %arg10[%get3A_118] {strides = array<i32>} : memref<5120xi32, #tpu.memory_space<vmem>>, vector<16xi32>,
      tpu.vector_store_idx %arg17[%get3A_119], %exp3A_111 {add = true} : memref<10016xf32, #tpu.memory_space<vmem>>[vector<16xi32>], vector<16xf32>,
      %mul3A_120 = arith.constant 128 : i32
      %mul3A_121 = arith.muli %add3A_37, %mul3A_120 : i32
      %add3A_122 = arith.constant 64 : i32
      %add3A_123 = arith.addi %mul3A_121, %add3A_122 : i32
      %get3A_124 = arith.constant 64 : index
      %get3A_125 = tpu.vector_load %arg15[%get3A_124] {strides = array<i32>} : memref<128xf32, #tpu.memory_space<vmem>>, vector<16xf32>,
      %mul3A_126 = arith.mulf %get3A_7, %get3A_125 : vector<16xf32>
      %exp3A_127 = math.exp %mul3A_126 : vector<16xf32>
      %get3A_128 = arith.index_cast %add3A_123 : i32 to index
      %get3A_129 = tpu.vector_load %arg9[%get3A_128] {strides = array<i32>} : memref<5120xi32, #tpu.memory_space<vmem>>, vector<16xi32>,
      %gather3A_130 = tpu.vector_load_idx %arg18[%get3A_129] : memref<10016xf32, #tpu.memory_space<vmem>>[vector<16xi32>], vector<16xf32>,
      %mul3A_131 = arith.mulf %exp3A_127, %gather3A_130 : vector<16xf32>
      %swap3A_132 = arith.index_cast %add3A_123 : i32 to index
      %swap3A_133 = tpu.vector_load %arg16[%swap3A_132] {strides = array<i32>} : memref<5120xf32, #tpu.memory_space<vmem>>, vector<16xf32>,
      tpu.vector_store %arg16[%swap3A_132], %mul3A_131 {strides = array<i32>} : memref<5120xf32, #tpu.memory_space<vmem>>, vector<16xf32>,
      %get3A_134 = arith.index_cast %add3A_123 : i32 to index
      %get3A_135 = tpu.vector_load %arg10[%get3A_134] {strides = array<i32>} : memref<5120xi32, #tpu.memory_space<vmem>>, vector<16xi32>,
      tpu.vector_store_idx %arg17[%get3A_135], %exp3A_127 {add = true} : memref<10016xf32, #tpu.memory_space<vmem>>[vector<16xi32>], vector<16xf32>,
      %mul3A_136 = arith.constant 128 : i32
      %mul3A_137 = arith.muli %add3A_37, %mul3A_136 : i32
      %add3A_138 = arith.constant 80 : i32
      %add3A_139 = arith.addi %mul3A_137, %add3A_138 : i32
      %get3A_140 = arith.constant 80 : index
      %get3A_141 = tpu.vector_load %arg15[%get3A_140] {strides = array<i32>} : memref<128xf32, #tpu.memory_space<vmem>>, vector<16xf32>,
      %mul3A_142 = arith.mulf %get3A_7, %get3A_141 : vector<16xf32>
      %exp3A_143 = math.exp %mul3A_142 : vector<16xf32>
      %get3A_144 = arith.index_cast %add3A_139 : i32 to index
      %get3A_145 = tpu.vector_load %arg9[%get3A_144] {strides = array<i32>} : memref<5120xi32, #tpu.memory_space<vmem>>, vector<16xi32>,
      %gather3A_146 = tpu.vector_load_idx %arg18[%get3A_145] : memref<10016xf32, #tpu.memory_space<vmem>>[vector<16xi32>], vector<16xf32>,
      %mul3A_147 = arith.mulf %exp3A_143, %gather3A_146 : vector<16xf32>
      %swap3A_148 = arith.index_cast %add3A_139 : i32 to index
      %swap3A_149 = tpu.vector_load %arg16[%swap3A_148] {strides = array<i32>} : memref<5120xf32, #tpu.memory_space<vmem>>, vector<16xf32>,
      tpu.vector_store %arg16[%swap3A_148], %mul3A_147 {strides = array<i32>} : memref<5120xf32, #tpu.memory_space<vmem>>, vector<16xf32>,
      %get3A_150 = arith.index_cast %add3A_139 : i32 to index
      %get3A_151 = tpu.vector_load %arg10[%get3A_150] {strides = array<i32>} : memref<5120xi32, #tpu.memory_space<vmem>>, vector<16xi32>,
      tpu.vector_store_idx %arg17[%get3A_151], %exp3A_143 {add = true} : memref<10016xf32, #tpu.memory_space<vmem>>[vector<16xi32>], vector<16xf32>,
      %mul3A_152 = arith.constant 128 : i32
      %mul3A_153 = arith.muli %add3A_37, %mul3A_152 : i32
      %add3A_154 = arith.constant 96 : i32
      %add3A_155 = arith.addi %mul3A_153, %add3A_154 : i32
      %get3A_156 = arith.constant 96 : index
      %get3A_157 = tpu.vector_load %arg15[%get3A_156] {strides = array<i32>} : memref<128xf32, #tpu.memory_space<vmem>>, vector<16xf32>,
      %mul3A_158 = arith.mulf %get3A_7, %get3A_157 : vector<16xf32>
      %exp3A_159 = math.exp %mul3A_158 : vector<16xf32>
      %get3A_160 = arith.index_cast %add3A_155 : i32 to index
      %get3A_161 = tpu.vector_load %arg9[%get3A_160] {strides = array<i32>} : memref<5120xi32, #tpu.memory_space<vmem>>, vector<16xi32>,
      %gather3A_162 = tpu.vector_load_idx %arg18[%get3A_161] : memref<10016xf32, #tpu.memory_space<vmem>>[vector<16xi32>], vector<16xf32>,
      %mul3A_163 = arith.mulf %exp3A_159, %gather3A_162 : vector<16xf32>
      %swap3A_164 = arith.index_cast %add3A_155 : i32 to index
      %swap3A_165 = tpu.vector_load %arg16[%swap3A_164] {strides = array<i32>} : memref<5120xf32, #tpu.memory_space<vmem>>, vector<16xf32>,
      tpu.vector_store %arg16[%swap3A_164], %mul3A_163 {strides = array<i32>} : memref<5120xf32, #tpu.memory_space<vmem>>, vector<16xf32>,
      %get3A_166 = arith.index_cast %add3A_155 : i32 to index
      %get3A_167 = tpu.vector_load %arg10[%get3A_166] {strides = array<i32>} : memref<5120xi32, #tpu.memory_space<vmem>>, vector<16xi32>,
      tpu.vector_store_idx %arg17[%get3A_167], %exp3A_159 {add = true} : memref<10016xf32, #tpu.memory_space<vmem>>[vector<16xi32>], vector<16xf32>,
      %mul3A_168 = arith.constant 128 : i32
      %mul3A_169 = arith.muli %add3A_37, %mul3A_168 : i32
      %add3A_170 = arith.constant 112 : i32
      %add3A_171 = arith.addi %mul3A_169, %add3A_170 : i32
      %get3A_172 = arith.constant 112 : index
      %get3A_173 = tpu.vector_load %arg15[%get3A_172] {strides = array<i32>} : memref<128xf32, #tpu.memory_space<vmem>>, vector<16xf32>,
      %mul3A_174 = arith.mulf %get3A_7, %get3A_173 : vector<16xf32>
      %exp3A_175 = math.exp %mul3A_174 : vector<16xf32>
      %get3A_176 = arith.index_cast %add3A_171 : i32 to index
      %get3A_177 = tpu.vector_load %arg9[%get3A_176] {strides = array<i32>} : memref<5120xi32, #tpu.memory_space<vmem>>, vector<16xi32>,
      %gather3A_178 = tpu.vector_load_idx %arg18[%get3A_177] : memref<10016xf32, #tpu.memory_space<vmem>>[vector<16xi32>], vector<16xf32>,
      %mul3A_179 = arith.mulf %exp3A_175, %gather3A_178 : vector<16xf32>
      %swap3A_180 = arith.index_cast %add3A_171 : i32 to index
      %swap3A_181 = tpu.vector_load %arg16[%swap3A_180] {strides = array<i32>} : memref<5120xf32, #tpu.memory_space<vmem>>, vector<16xf32>,
      tpu.vector_store %arg16[%swap3A_180], %mul3A_179 {strides = array<i32>} : memref<5120xf32, #tpu.memory_space<vmem>>, vector<16xf32>,
      %get3A_182 = arith.index_cast %add3A_171 : i32 to index
      %get3A_183 = tpu.vector_load %arg10[%get3A_182] {strides = array<i32>} : memref<5120xi32, #tpu.memory_space<vmem>>, vector<16xi32>,
      tpu.vector_store_idx %arg17[%get3A_183], %exp3A_175 {add = true} : memref<10016xf32, #tpu.memory_space<vmem>>[vector<16xi32>], vector<16xf32>,
      %mul3A_184 = arith.constant 2 : i32
      %mul3A_185 = arith.muli %scan3A_33, %mul3A_184 : i32
      %add3A_186 = arith.constant 1 : i32
      %add3A_187 = arith.addi %mul3A_185, %add3A_186 : i32
      %add3A_188 = arith.constant 1 : i32
      %add3A_189 = arith.addi %add3A_187, %add3A_188 : i32
      %lt3A_190 = arith.constant 40 : i32
      %lt3A_191 = arith.cmpi slt, %add3A_189, %lt3A_190 : i32
      %convert_element_type3A_192 = arith.extui %lt3A_191 : i1 to i32
      %cond3A_193 = arith.constant 0 : i32
      %cond3A_194 = arith.cmpi ne, %convert_element_type3A_192, %cond3A_193 : i32
      scf.if %cond3A_194 {
        %add3A_341 = arith.constant 1 : i32
        %add3A_342 = arith.addi %add3A_187, %add3A_341 : i32
        %mul3A_343 = arith.constant 128 : i32
        %mul3A_344 = arith.muli %add3A_342, %mul3A_343 : i32
        %dma_start3A_345 = tpu.memref_slice %arg9[%mul3A_344] : memref<5120xi32, #tpu.memory_space<vmem>> -> memref<128xi32, #tpu.memory_space<vmem>>
        %dma_start3A_346 = arith.constant 0 : i32
        %dma_start3A_347 = arith.constant 0 : i32
        %dma_start3A_348 = tpu.memref_slice %arg2[%dma_start3A_346, %dma_start3A_347] : memref<10001x128xi32, #tpu.memory_space<hbm>> -> memref<10001x128xi32, #tpu.memory_space<hbm>>
        tpu.enqueue_indirect_dma source(%dma_start3A_348 : memref<10001x128xi32, #tpu.memory_space<hbm>>) target(%arg11 : memref<128x128xi32, #tpu.memory_space<vmem>>) offsets(%dma_start3A_345 : memref<128xi32, #tpu.memory_space<vmem>>) semaphore(%arg20 : memref<!tpu.dma_semaphore, #tpu.memory_space<semaphore_mem>>)
        %mul3A_349 = arith.constant 128 : i32
        %mul3A_350 = arith.muli %add3A_342, %mul3A_349 : i32
        %dma_start3A_351 = tpu.memref_slice %arg10[%mul3A_350] : memref<5120xi32, #tpu.memory_space<vmem>> -> memref<128xi32, #tpu.memory_space<vmem>>
        %dma_start3A_352 = arith.constant 0 : i32
        %dma_start3A_353 = arith.constant 0 : i32
        %dma_start3A_354 = tpu.memref_slice %arg2[%dma_start3A_352, %dma_start3A_353] : memref<10001x128xi32, #tpu.memory_space<hbm>> -> memref<10001x128xi32, #tpu.memory_space<hbm>>
        tpu.enqueue_indirect_dma source(%dma_start3A_354 : memref<10001x128xi32, #tpu.memory_space<hbm>>) target(%arg13 : memref<128x128xi32, #tpu.memory_space<vmem>>) offsets(%dma_start3A_351 : memref<128xi32, #tpu.memory_space<vmem>>) semaphore(%arg20 : memref<!tpu.dma_semaphore, #tpu.memory_space<semaphore_mem>>)
      } else {
      }
      %mul3A_195 = arith.constant 128 : i32
      %mul3A_196 = arith.muli %add3A_187, %mul3A_195 : i32
      %dma_wait3A_197 = tpu.memref_slice %arg9[%mul3A_196] : memref<5120xi32, #tpu.memory_space<vmem>> -> memref<128xi32, #tpu.memory_space<vmem>>
      %dma_wait3A_198 = arith.constant 0 : i32
      %dma_wait3A_199 = arith.constant 0 : i32
      %dma_wait3A_200 = tpu.memref_slice %arg2[%dma_wait3A_198, %dma_wait3A_199] : memref<10001x128xi32, #tpu.memory_space<hbm>> -> memref<10001x128xi32, #tpu.memory_space<hbm>>
      tpu.wait_indirect_dma semaphore(%arg21 : memref<!tpu.dma_semaphore, #tpu.memory_space<semaphore_mem>>) src(%dma_wait3A_200 : memref<10001x128xi32, #tpu.memory_space<hbm>>) dst(%arg12 : memref<128x128xi32, #tpu.memory_space<vmem>>)
      %mul3A_201 = arith.constant 128 : i32
      %mul3A_202 = arith.muli %add3A_187, %mul3A_201 : i32
      %dma_wait3A_203 = tpu.memref_slice %arg10[%mul3A_202] : memref<5120xi32, #tpu.memory_space<vmem>> -> memref<128xi32, #tpu.memory_space<vmem>>
      %dma_wait3A_204 = arith.constant 0 : i32
      %dma_wait3A_205 = arith.constant 0 : i32
      %dma_wait3A_206 = tpu.memref_slice %arg2[%dma_wait3A_204, %dma_wait3A_205] : memref<10001x128xi32, #tpu.memory_space<hbm>> -> memref<10001x128xi32, #tpu.memory_space<hbm>>
      tpu.wait_indirect_dma semaphore(%arg21 : memref<!tpu.dma_semaphore, #tpu.memory_space<semaphore_mem>>) src(%dma_wait3A_206 : memref<10001x128xi32, #tpu.memory_space<hbm>>) dst(%arg14 : memref<128x128xi32, #tpu.memory_space<vmem>>)
      %scan3A_207 = arith.constant 0 : i32
      %scan3A_208 = arith.constant 0 : i32
      %scan3A_209 = arith.constant 128 : i32
      %scan3A_210 = arith.addi %scan3A_208, %scan3A_209 : i32
      %scan3A_211 = arith.constant 1 : i32
      scf.for %scan3A_341 = %scan3A_208 to %scan3A_210 step %scan3A_211  : i32 {
        %get3A_342 = arith.index_cast %scan3A_341 : i32 to index
        %get3A_343 = arith.constant 0 : index
        %get3A_344 = tpu.vector_load %arg12[%get3A_342, %get3A_343] {strides = array<i32>} : memref<128x128xi32, #tpu.memory_space<vmem>>, vector<16xi32>,
        %bitcast3A = vector.bitcast %get3A_344 : vector<16xi32> to vector<32xbf16>
        %get3A_345 = arith.index_cast %scan3A_341 : i32 to index
        %get3A_346 = arith.constant 0 : index
        %get3A_347 = tpu.vector_load %arg14[%get3A_345, %get3A_346] {strides = array<i32>} : memref<128x128xi32, #tpu.memory_space<vmem>>, vector<16xi32>,
        %bitcast3A_348 = vector.bitcast %get3A_347 : vector<16xi32> to vector<32xbf16>
        %mul3A_349 = arith.mulf %bitcast3A, %bitcast3A_348 : vector<32xbf16>
        %unpack3A = tpu.unpack_subelements %mul3A_349, 0 {pack_format = #tpu.pack_format<interleaved>} : vector<32xbf16> -> vector<16xf32>
        %unpack3A_350 = tpu.unpack_subelements %mul3A_349, 1 {pack_format = #tpu.pack_format<interleaved>} : vector<32xbf16> -> vector<16xf32>
        %add3A_351 = arith.addf %unpack3A, %unpack3A_350 : vector<16xf32>
        %get3A_352 = arith.index_cast %scan3A_341 : i32 to index
        %get3A_353 = arith.constant 16 : index
        %get3A_354 = tpu.vector_load %arg12[%get3A_352, %get3A_353] {strides = array<i32>} : memref<128x128xi32, #tpu.memory_space<vmem>>, vector<16xi32>,
        %bitcast3A_355 = vector.bitcast %get3A_354 : vector<16xi32> to vector<32xbf16>
        %get3A_356 = arith.index_cast %scan3A_341 : i32 to index
        %get3A_357 = arith.constant 16 : index
        %get3A_358 = tpu.vector_load %arg14[%get3A_356, %get3A_357] {strides = array<i32>} : memref<128x128xi32, #tpu.memory_space<vmem>>, vector<16xi32>,
        %bitcast3A_359 = vector.bitcast %get3A_358 : vector<16xi32> to vector<32xbf16>
        %mul3A_360 = arith.mulf %bitcast3A_355, %bitcast3A_359 : vector<32xbf16>
        %unpack3A_361 = tpu.unpack_subelements %mul3A_360, 0 {pack_format = #tpu.pack_format<interleaved>} : vector<32xbf16> -> vector<16xf32>
        %unpack3A_362 = tpu.unpack_subelements %mul3A_360, 1 {pack_format = #tpu.pack_format<interleaved>} : vector<32xbf16> -> vector<16xf32>
        %add3A_363 = arith.addf %unpack3A_361, %unpack3A_362 : vector<16xf32>
        %add3A_364 = arith.addf %add3A_351, %add3A_363 : vector<16xf32>
        %get3A_365 = arith.index_cast %scan3A_341 : i32 to index
        %get3A_366 = arith.constant 32 : index
        %get3A_367 = tpu.vector_load %arg12[%get3A_365, %get3A_366] {strides = array<i32>} : memref<128x128xi32, #tpu.memory_space<vmem>>, vector<16xi32>,
        %bitcast3A_368 = vector.bitcast %get3A_367 : vector<16xi32> to vector<32xbf16>
        %get3A_369 = arith.index_cast %scan3A_341 : i32 to index
        %get3A_370 = arith.constant 32 : index
        %get3A_371 = tpu.vector_load %arg14[%get3A_369, %get3A_370] {strides = array<i32>} : memref<128x128xi32, #tpu.memory_space<vmem>>, vector<16xi32>,
        %bitcast3A_372 = vector.bitcast %get3A_371 : vector<16xi32> to vector<32xbf16>
        %mul3A_373 = arith.mulf %bitcast3A_368, %bitcast3A_372 : vector<32xbf16>
        %unpack3A_374 = tpu.unpack_subelements %mul3A_373, 0 {pack_format = #tpu.pack_format<interleaved>} : vector<32xbf16> -> vector<16xf32>
        %unpack3A_375 = tpu.unpack_subelements %mul3A_373, 1 {pack_format = #tpu.pack_format<interleaved>} : vector<32xbf16> -> vector<16xf32>
        %add3A_376 = arith.addf %unpack3A_374, %unpack3A_375 : vector<16xf32>
        %add3A_377 = arith.addf %add3A_364, %add3A_376 : vector<16xf32>
        %get3A_378 = arith.index_cast %scan3A_341 : i32 to index
        %get3A_379 = arith.constant 48 : index
        %get3A_380 = tpu.vector_load %arg12[%get3A_378, %get3A_379] {strides = array<i32>} : memref<128x128xi32, #tpu.memory_space<vmem>>, vector<16xi32>,
        %bitcast3A_381 = vector.bitcast %get3A_380 : vector<16xi32> to vector<32xbf16>
        %get3A_382 = arith.index_cast %scan3A_341 : i32 to index
        %get3A_383 = arith.constant 48 : index
        %get3A_384 = tpu.vector_load %arg14[%get3A_382, %get3A_383] {strides = array<i32>} : memref<128x128xi32, #tpu.memory_space<vmem>>, vector<16xi32>,
        %bitcast3A_385 = vector.bitcast %get3A_384 : vector<16xi32> to vector<32xbf16>
        %mul3A_386 = arith.mulf %bitcast3A_381, %bitcast3A_385 : vector<32xbf16>
        %unpack3A_387 = tpu.unpack_subelements %mul3A_386, 0 {pack_format = #tpu.pack_format<interleaved>} : vector<32xbf16> -> vector<16xf32>
        %unpack3A_388 = tpu.unpack_subelements %mul3A_386, 1 {pack_format = #tpu.pack_format<interleaved>} : vector<32xbf16> -> vector<16xf32>
        %add3A_389 = arith.addf %unpack3A_387, %unpack3A_388 : vector<16xf32>
        %add3A_390 = arith.addf %add3A_377, %add3A_389 : vector<16xf32>
        %get3A_391 = arith.index_cast %scan3A_341 : i32 to index
        %get3A_392 = arith.constant 64 : index
        %get3A_393 = tpu.vector_load %arg12[%get3A_391, %get3A_392] {strides = array<i32>} : memref<128x128xi32, #tpu.memory_space<vmem>>, vector<16xi32>,
        %bitcast3A_394 = vector.bitcast %get3A_393 : vector<16xi32> to vector<32xbf16>
        %get3A_395 = arith.index_cast %scan3A_341 : i32 to index
        %get3A_396 = arith.constant 64 : index
        %get3A_397 = tpu.vector_load %arg14[%get3A_395, %get3A_396] {strides = array<i32>} : memref<128x128xi32, #tpu.memory_space<vmem>>, vector<16xi32>,
        %bitcast3A_398 = vector.bitcast %get3A_397 : vector<16xi32> to vector<32xbf16>
        %mul3A_399 = arith.mulf %bitcast3A_394, %bitcast3A_398 : vector<32xbf16>
        %unpack3A_400 = tpu.unpack_subelements %mul3A_399, 0 {pack_format = #tpu.pack_format<interleaved>} : vector<32xbf16> -> vector<16xf32>
        %unpack3A_401 = tpu.unpack_subelements %mul3A_399, 1 {pack_format = #tpu.pack_format<interleaved>} : vector<32xbf16> -> vector<16xf32>
        %add3A_402 = arith.addf %unpack3A_400, %unpack3A_401 : vector<16xf32>
        %add3A_403 = arith.addf %add3A_390, %add3A_402 : vector<16xf32>
        %get3A_404 = arith.index_cast %scan3A_341 : i32 to index
        %get3A_405 = arith.constant 80 : index
        %get3A_406 = tpu.vector_load %arg12[%get3A_404, %get3A_405] {strides = array<i32>} : memref<128x128xi32, #tpu.memory_space<vmem>>, vector<16xi32>,
        %bitcast3A_407 = vector.bitcast %get3A_406 : vector<16xi32> to vector<32xbf16>
        %get3A_408 = arith.index_cast %scan3A_341 : i32 to index
        %get3A_409 = arith.constant 80 : index
        %get3A_410 = tpu.vector_load %arg14[%get3A_408, %get3A_409] {strides = array<i32>} : memref<128x128xi32, #tpu.memory_space<vmem>>, vector<16xi32>,
        %bitcast3A_411 = vector.bitcast %get3A_410 : vector<16xi32> to vector<32xbf16>
        %mul3A_412 = arith.mulf %bitcast3A_407, %bitcast3A_411 : vector<32xbf16>
        %unpack3A_413 = tpu.unpack_subelements %mul3A_412, 0 {pack_format = #tpu.pack_format<interleaved>} : vector<32xbf16> -> vector<16xf32>
        %unpack3A_414 = tpu.unpack_subelements %mul3A_412, 1 {pack_format = #tpu.pack_format<interleaved>} : vector<32xbf16> -> vector<16xf32>
        %add3A_415 = arith.addf %unpack3A_413, %unpack3A_414 : vector<16xf32>
        %add3A_416 = arith.addf %add3A_403, %add3A_415 : vector<16xf32>
        %get3A_417 = arith.index_cast %scan3A_341 : i32 to index
        %get3A_418 = arith.constant 96 : index
        %get3A_419 = tpu.vector_load %arg12[%get3A_417, %get3A_418] {strides = array<i32>} : memref<128x128xi32, #tpu.memory_space<vmem>>, vector<16xi32>,
        %bitcast3A_420 = vector.bitcast %get3A_419 : vector<16xi32> to vector<32xbf16>
        %get3A_421 = arith.index_cast %scan3A_341 : i32 to index
        %get3A_422 = arith.constant 96 : index
        %get3A_423 = tpu.vector_load %arg14[%get3A_421, %get3A_422] {strides = array<i32>} : memref<128x128xi32, #tpu.memory_space<vmem>>, vector<16xi32>,
        %bitcast3A_424 = vector.bitcast %get3A_423 : vector<16xi32> to vector<32xbf16>
        %mul3A_425 = arith.mulf %bitcast3A_420, %bitcast3A_424 : vector<32xbf16>
        %unpack3A_426 = tpu.unpack_subelements %mul3A_425, 0 {pack_format = #tpu.pack_format<interleaved>} : vector<32xbf16> -> vector<16xf32>
        %unpack3A_427 = tpu.unpack_subelements %mul3A_425, 1 {pack_format = #tpu.pack_format<interleaved>} : vector<32xbf16> -> vector<16xf32>
        %add3A_428 = arith.addf %unpack3A_426, %unpack3A_427 : vector<16xf32>
        %add3A_429 = arith.addf %add3A_416, %add3A_428 : vector<16xf32>
        %get3A_430 = arith.index_cast %scan3A_341 : i32 to index
        %get3A_431 = arith.constant 112 : index
        %get3A_432 = tpu.vector_load %arg12[%get3A_430, %get3A_431] {strides = array<i32>} : memref<128x128xi32, #tpu.memory_space<vmem>>, vector<16xi32>,
        %bitcast3A_433 = vector.bitcast %get3A_432 : vector<16xi32> to vector<32xbf16>
        %get3A_434 = arith.index_cast %scan3A_341 : i32 to index
        %get3A_435 = arith.constant 112 : index
        %get3A_436 = tpu.vector_load %arg14[%get3A_434, %get3A_435] {strides = array<i32>} : memref<128x128xi32, #tpu.memory_space<vmem>>, vector<16xi32>,
        %bitcast3A_437 = vector.bitcast %get3A_436 : vector<16xi32> to vector<32xbf16>
        %mul3A_438 = arith.mulf %bitcast3A_433, %bitcast3A_437 : vector<32xbf16>
        %unpack3A_439 = tpu.unpack_subelements %mul3A_438, 0 {pack_format = #tpu.pack_format<interleaved>} : vector<32xbf16> -> vector<16xf32>
        %unpack3A_440 = tpu.unpack_subelements %mul3A_438, 1 {pack_format = #tpu.pack_format<interleaved>} : vector<32xbf16> -> vector<16xf32>
        %add3A_441 = arith.addf %unpack3A_439, %unpack3A_440 : vector<16xf32>
        %add3A_442 = arith.addf %add3A_429, %add3A_441 : vector<16xf32>
        %reduce_sum3A = arith.constant true
        %reduce_sum3A_443 = vector.broadcast %reduce_sum3A : i1 to vector<16xi1>
        %reduce_sum3A_444 = tpu.scan <sum>, %add3A_442 masked %reduce_sum3A_443 : vector<16xf32>, vector<16xi1> -> vector<16xf32>
        %reduce_sum3A_445 = vector.extract %reduce_sum3A_444[15] : f32 from vector<16xf32>
        %broadcast_in_dim3A_446 = vector.broadcast %reduce_sum3A_445 : f32 to vector<16xf32>
        %broadcast_in_dim3A_447 = vector.broadcast %scan3A_341 : i32 to vector<16xi32>
        tpu.vector_store_idx %arg15[%broadcast_in_dim3A_447], %broadcast_in_dim3A_446 masked %eq3A_10 : memref<128xf32, #tpu.memory_space<vmem>>[vector<16xi32>], vector<16xf32>, vector<16xi1>
      }
      %scan3A_212 = arith.constant 128 : i32
      %mul3A_213 = arith.constant 128 : i32
      %mul3A_214 = arith.muli %add3A_187, %mul3A_213 : i32
      %add3A_215 = arith.constant 0 : i32
      %add3A_216 = arith.addi %mul3A_214, %add3A_215 : i32
      %get3A_217 = arith.constant 0 : index
      %get3A_218 = tpu.vector_load %arg15[%get3A_217] {strides = array<i32>} : memref<128xf32, #tpu.memory_space<vmem>>, vector<16xf32>,
      %mul3A_219 = arith.mulf %get3A_7, %get3A_218 : vector<16xf32>
      %exp3A_220 = math.exp %mul3A_219 : vector<16xf32>
      %get3A_221 = arith.index_cast %add3A_216 : i32 to index
      %get3A_222 = tpu.vector_load %arg9[%get3A_221] {strides = array<i32>} : memref<5120xi32, #tpu.memory_space<vmem>>, vector<16xi32>,
      %gather3A_223 = tpu.vector_load_idx %arg18[%get3A_222] : memref<10016xf32, #tpu.memory_space<vmem>>[vector<16xi32>], vector<16xf32>,
      %mul3A_224 = arith.mulf %exp3A_220, %gather3A_223 : vector<16xf32>
      %swap3A_225 = arith.index_cast %add3A_216 : i32 to index
      %swap3A_226 = tpu.vector_load %arg16[%swap3A_225] {strides = array<i32>} : memref<5120xf32, #tpu.memory_space<vmem>>, vector<16xf32>,
      tpu.vector_store %arg16[%swap3A_225], %mul3A_224 {strides = array<i32>} : memref<5120xf32, #tpu.memory_space<vmem>>, vector<16xf32>,
      %get3A_227 = arith.index_cast %add3A_216 : i32 to index
      %get3A_228 = tpu.vector_load %arg10[%get3A_227] {strides = array<i32>} : memref<5120xi32, #tpu.memory_space<vmem>>, vector<16xi32>,
      tpu.vector_store_idx %arg17[%get3A_228], %exp3A_220 {add = true} : memref<10016xf32, #tpu.memory_space<vmem>>[vector<16xi32>], vector<16xf32>,
      %mul3A_229 = arith.constant 128 : i32
      %mul3A_230 = arith.muli %add3A_187, %mul3A_229 : i32
      %add3A_231 = arith.constant 16 : i32
      %add3A_232 = arith.addi %mul3A_230, %add3A_231 : i32
      %get3A_233 = arith.constant 16 : index
      %get3A_234 = tpu.vector_load %arg15[%get3A_233] {strides = array<i32>} : memref<128xf32, #tpu.memory_space<vmem>>, vector<16xf32>,
      %mul3A_235 = arith.mulf %get3A_7, %get3A_234 : vector<16xf32>
      %exp3A_236 = math.exp %mul3A_235 : vector<16xf32>
      %get3A_237 = arith.index_cast %add3A_232 : i32 to index
      %get3A_238 = tpu.vector_load %arg9[%get3A_237] {strides = array<i32>} : memref<5120xi32, #tpu.memory_space<vmem>>, vector<16xi32>,
      %gather3A_239 = tpu.vector_load_idx %arg18[%get3A_238] : memref<10016xf32, #tpu.memory_space<vmem>>[vector<16xi32>], vector<16xf32>,
      %mul3A_240 = arith.mulf %exp3A_236, %gather3A_239 : vector<16xf32>
      %swap3A_241 = arith.index_cast %add3A_232 : i32 to index
      %swap3A_242 = tpu.vector_load %arg16[%swap3A_241] {strides = array<i32>} : memref<5120xf32, #tpu.memory_space<vmem>>, vector<16xf32>,
      tpu.vector_store %arg16[%swap3A_241], %mul3A_240 {strides = array<i32>} : memref<5120xf32, #tpu.memory_space<vmem>>, vector<16xf32>,
      %get3A_243 = arith.index_cast %add3A_232 : i32 to index
      %get3A_244 = tpu.vector_load %arg10[%get3A_243] {strides = array<i32>} : memref<5120xi32, #tpu.memory_space<vmem>>, vector<16xi32>,
      tpu.vector_store_idx %arg17[%get3A_244], %exp3A_236 {add = true} : memref<10016xf32, #tpu.memory_space<vmem>>[vector<16xi32>], vector<16xf32>,
      %mul3A_245 = arith.constant 128 : i32
      %mul3A_246 = arith.muli %add3A_187, %mul3A_245 : i32
      %add3A_247 = arith.constant 32 : i32
      %add3A_248 = arith.addi %mul3A_246, %add3A_247 : i32
      %get3A_249 = arith.constant 32 : index
      %get3A_250 = tpu.vector_load %arg15[%get3A_249] {strides = array<i32>} : memref<128xf32, #tpu.memory_space<vmem>>, vector<16xf32>,
      %mul3A_251 = arith.mulf %get3A_7, %get3A_250 : vector<16xf32>
      %exp3A_252 = math.exp %mul3A_251 : vector<16xf32>
      %get3A_253 = arith.index_cast %add3A_248 : i32 to index
      %get3A_254 = tpu.vector_load %arg9[%get3A_253] {strides = array<i32>} : memref<5120xi32, #tpu.memory_space<vmem>>, vector<16xi32>,
      %gather3A_255 = tpu.vector_load_idx %arg18[%get3A_254] : memref<10016xf32, #tpu.memory_space<vmem>>[vector<16xi32>], vector<16xf32>,
      %mul3A_256 = arith.mulf %exp3A_252, %gather3A_255 : vector<16xf32>
      %swap3A_257 = arith.index_cast %add3A_248 : i32 to index
      %swap3A_258 = tpu.vector_load %arg16[%swap3A_257] {strides = array<i32>} : memref<5120xf32, #tpu.memory_space<vmem>>, vector<16xf32>,
      tpu.vector_store %arg16[%swap3A_257], %mul3A_256 {strides = array<i32>} : memref<5120xf32, #tpu.memory_space<vmem>>, vector<16xf32>,
      %get3A_259 = arith.index_cast %add3A_248 : i32 to index
      %get3A_260 = tpu.vector_load %arg10[%get3A_259] {strides = array<i32>} : memref<5120xi32, #tpu.memory_space<vmem>>, vector<16xi32>,
      tpu.vector_store_idx %arg17[%get3A_260], %exp3A_252 {add = true} : memref<10016xf32, #tpu.memory_space<vmem>>[vector<16xi32>], vector<16xf32>,
      %mul3A_261 = arith.constant 128 : i32
      %mul3A_262 = arith.muli %add3A_187, %mul3A_261 : i32
      %add3A_263 = arith.constant 48 : i32
      %add3A_264 = arith.addi %mul3A_262, %add3A_263 : i32
      %get3A_265 = arith.constant 48 : index
      %get3A_266 = tpu.vector_load %arg15[%get3A_265] {strides = array<i32>} : memref<128xf32, #tpu.memory_space<vmem>>, vector<16xf32>,
      %mul3A_267 = arith.mulf %get3A_7, %get3A_266 : vector<16xf32>
      %exp3A_268 = math.exp %mul3A_267 : vector<16xf32>
      %get3A_269 = arith.index_cast %add3A_264 : i32 to index
      %get3A_270 = tpu.vector_load %arg9[%get3A_269] {strides = array<i32>} : memref<5120xi32, #tpu.memory_space<vmem>>, vector<16xi32>,
      %gather3A_271 = tpu.vector_load_idx %arg18[%get3A_270] : memref<10016xf32, #tpu.memory_space<vmem>>[vector<16xi32>], vector<16xf32>,
      %mul3A_272 = arith.mulf %exp3A_268, %gather3A_271 : vector<16xf32>
      %swap3A_273 = arith.index_cast %add3A_264 : i32 to index
      %swap3A_274 = tpu.vector_load %arg16[%swap3A_273] {strides = array<i32>} : memref<5120xf32, #tpu.memory_space<vmem>>, vector<16xf32>,
      tpu.vector_store %arg16[%swap3A_273], %mul3A_272 {strides = array<i32>} : memref<5120xf32, #tpu.memory_space<vmem>>, vector<16xf32>,
      %get3A_275 = arith.index_cast %add3A_264 : i32 to index
      %get3A_276 = tpu.vector_load %arg10[%get3A_275] {strides = array<i32>} : memref<5120xi32, #tpu.memory_space<vmem>>, vector<16xi32>,
      tpu.vector_store_idx %arg17[%get3A_276], %exp3A_268 {add = true} : memref<10016xf32, #tpu.memory_space<vmem>>[vector<16xi32>], vector<16xf32>,
      %mul3A_277 = arith.constant 128 : i32
      %mul3A_278 = arith.muli %add3A_187, %mul3A_277 : i32
      %add3A_279 = arith.constant 64 : i32
      %add3A_280 = arith.addi %mul3A_278, %add3A_279 : i32
      %get3A_281 = arith.constant 64 : index
      %get3A_282 = tpu.vector_load %arg15[%get3A_281] {strides = array<i32>} : memref<128xf32, #tpu.memory_space<vmem>>, vector<16xf32>,
      %mul3A_283 = arith.mulf %get3A_7, %get3A_282 : vector<16xf32>
      %exp3A_284 = math.exp %mul3A_283 : vector<16xf32>
      %get3A_285 = arith.index_cast %add3A_280 : i32 to index
      %get3A_286 = tpu.vector_load %arg9[%get3A_285] {strides = array<i32>} : memref<5120xi32, #tpu.memory_space<vmem>>, vector<16xi32>,
      %gather3A_287 = tpu.vector_load_idx %arg18[%get3A_286] : memref<10016xf32, #tpu.memory_space<vmem>>[vector<16xi32>], vector<16xf32>,
      %mul3A_288 = arith.mulf %exp3A_284, %gather3A_287 : vector<16xf32>
      %swap3A_289 = arith.index_cast %add3A_280 : i32 to index
      %swap3A_290 = tpu.vector_load %arg16[%swap3A_289] {strides = array<i32>} : memref<5120xf32, #tpu.memory_space<vmem>>, vector<16xf32>,
      tpu.vector_store %arg16[%swap3A_289], %mul3A_288 {strides = array<i32>} : memref<5120xf32, #tpu.memory_space<vmem>>, vector<16xf32>,
      %get3A_291 = arith.index_cast %add3A_280 : i32 to index
      %get3A_292 = tpu.vector_load %arg10[%get3A_291] {strides = array<i32>} : memref<5120xi32, #tpu.memory_space<vmem>>, vector<16xi32>,
      tpu.vector_store_idx %arg17[%get3A_292], %exp3A_284 {add = true} : memref<10016xf32, #tpu.memory_space<vmem>>[vector<16xi32>], vector<16xf32>,
      %mul3A_293 = arith.constant 128 : i32
      %mul3A_294 = arith.muli %add3A_187, %mul3A_293 : i32
      %add3A_295 = arith.constant 80 : i32
      %add3A_296 = arith.addi %mul3A_294, %add3A_295 : i32
      %get3A_297 = arith.constant 80 : index
      %get3A_298 = tpu.vector_load %arg15[%get3A_297] {strides = array<i32>} : memref<128xf32, #tpu.memory_space<vmem>>, vector<16xf32>,
      %mul3A_299 = arith.mulf %get3A_7, %get3A_298 : vector<16xf32>
      %exp3A_300 = math.exp %mul3A_299 : vector<16xf32>
      %get3A_301 = arith.index_cast %add3A_296 : i32 to index
      %get3A_302 = tpu.vector_load %arg9[%get3A_301] {strides = array<i32>} : memref<5120xi32, #tpu.memory_space<vmem>>, vector<16xi32>,
      %gather3A_303 = tpu.vector_load_idx %arg18[%get3A_302] : memref<10016xf32, #tpu.memory_space<vmem>>[vector<16xi32>], vector<16xf32>,
      %mul3A_304 = arith.mulf %exp3A_300, %gather3A_303 : vector<16xf32>
      %swap3A_305 = arith.index_cast %add3A_296 : i32 to index
      %swap3A_306 = tpu.vector_load %arg16[%swap3A_305] {strides = array<i32>} : memref<5120xf32, #tpu.memory_space<vmem>>, vector<16xf32>,
      tpu.vector_store %arg16[%swap3A_305], %mul3A_304 {strides = array<i32>} : memref<5120xf32, #tpu.memory_space<vmem>>, vector<16xf32>,
      %get3A_307 = arith.index_cast %add3A_296 : i32 to index
      %get3A_308 = tpu.vector_load %arg10[%get3A_307] {strides = array<i32>} : memref<5120xi32, #tpu.memory_space<vmem>>, vector<16xi32>,
      tpu.vector_store_idx %arg17[%get3A_308], %exp3A_300 {add = true} : memref<10016xf32, #tpu.memory_space<vmem>>[vector<16xi32>], vector<16xf32>,
      %mul3A_309 = arith.constant 128 : i32
      %mul3A_310 = arith.muli %add3A_187, %mul3A_309 : i32
      %add3A_311 = arith.constant 96 : i32
      %add3A_312 = arith.addi %mul3A_310, %add3A_311 : i32
      %get3A_313 = arith.constant 96 : index
      %get3A_314 = tpu.vector_load %arg15[%get3A_313] {strides = array<i32>} : memref<128xf32, #tpu.memory_space<vmem>>, vector<16xf32>,
      %mul3A_315 = arith.mulf %get3A_7, %get3A_314 : vector<16xf32>
      %exp3A_316 = math.exp %mul3A_315 : vector<16xf32>
      %get3A_317 = arith.index_cast %add3A_312 : i32 to index
      %get3A_318 = tpu.vector_load %arg9[%get3A_317] {strides = array<i32>} : memref<5120xi32, #tpu.memory_space<vmem>>, vector<16xi32>,
      %gather3A_319 = tpu.vector_load_idx %arg18[%get3A_318] : memref<10016xf32, #tpu.memory_space<vmem>>[vector<16xi32>], vector<16xf32>,
      %mul3A_320 = arith.mulf %exp3A_316, %gather3A_319 : vector<16xf32>
      %swap3A_321 = arith.index_cast %add3A_312 : i32 to index
      %swap3A_322 = tpu.vector_load %arg16[%swap3A_321] {strides = array<i32>} : memref<5120xf32, #tpu.memory_space<vmem>>, vector<16xf32>,
      tpu.vector_store %arg16[%swap3A_321], %mul3A_320 {strides = array<i32>} : memref<5120xf32, #tpu.memory_space<vmem>>, vector<16xf32>,
      %get3A_323 = arith.index_cast %add3A_312 : i32 to index
      %get3A_324 = tpu.vector_load %arg10[%get3A_323] {strides = array<i32>} : memref<5120xi32, #tpu.memory_space<vmem>>, vector<16xi32>,
      tpu.vector_store_idx %arg17[%get3A_324], %exp3A_316 {add = true} : memref<10016xf32, #tpu.memory_space<vmem>>[vector<16xi32>], vector<16xf32>,
      %mul3A_325 = arith.constant 128 : i32
      %mul3A_326 = arith.muli %add3A_187, %mul3A_325 : i32
      %add3A_327 = arith.constant 112 : i32
      %add3A_328 = arith.addi %mul3A_326, %add3A_327 : i32
      %get3A_329 = arith.constant 112 : index
      %get3A_330 = tpu.vector_load %arg15[%get3A_329] {strides = array<i32>} : memref<128xf32, #tpu.memory_space<vmem>>, vector<16xf32>,
      %mul3A_331 = arith.mulf %get3A_7, %get3A_330 : vector<16xf32>
      %exp3A_332 = math.exp %mul3A_331 : vector<16xf32>
      %get3A_333 = arith.index_cast %add3A_328 : i32 to index
      %get3A_334 = tpu.vector_load %arg9[%get3A_333] {strides = array<i32>} : memref<5120xi32, #tpu.memory_space<vmem>>, vector<16xi32>,
      %gather3A_335 = tpu.vector_load_idx %arg18[%get3A_334] : memref<10016xf32, #tpu.memory_space<vmem>>[vector<16xi32>], vector<16xf32>,
      %mul3A_336 = arith.mulf %exp3A_332, %gather3A_335 : vector<16xf32>
      %swap3A_337 = arith.index_cast %add3A_328 : i32 to index
      %swap3A_338 = tpu.vector_load %arg16[%swap3A_337] {strides = array<i32>} : memref<5120xf32, #tpu.memory_space<vmem>>, vector<16xf32>,
      tpu.vector_store %arg16[%swap3A_337], %mul3A_336 {strides = array<i32>} : memref<5120xf32, #tpu.memory_space<vmem>>, vector<16xf32>,
      %get3A_339 = arith.index_cast %add3A_328 : i32 to index
      %get3A_340 = tpu.vector_load %arg10[%get3A_339] {strides = array<i32>} : memref<5120xi32, #tpu.memory_space<vmem>>, vector<16xi32>,
      tpu.vector_store_idx %arg17[%get3A_340], %exp3A_332 {add = true} : memref<10016xf32, #tpu.memory_space<vmem>>[vector<16xi32>], vector<16xf32>,
    }
    %scan3A_30 = arith.constant 20 : i32
    %mul3A_31 = arith.constant 128 : i32
    %mul3A_32 = arith.muli %mul3A_2, %mul3A_31 : i32
    "tpu.region"() ({
      %run_scoped3A = tpu.sem_alloc : memref<!tpu.dma_semaphore, #tpu.memory_space<semaphore_mem>>
      %dma_start3A_33 = tpu.memref_slice %arg7[%mul3A_32] : memref<163840xf32, #tpu.memory_space<hbm>> -> memref<5120xf32, #tpu.memory_space<hbm>>
      %dma_start3A_34 = tpu.memref_slice %arg7[%mul3A_32] : memref<163840xf32, #tpu.memory_space<hbm>> -> memref<5120xf32, #tpu.memory_space<hbm>>
      tpu.enqueue_dma source(%arg16 : memref<5120xf32, #tpu.memory_space<vmem>>) target(%dma_start3A_34 : memref<5120xf32, #tpu.memory_space<hbm>>) target_semaphore(%run_scoped3A : memref<!tpu.dma_semaphore, #tpu.memory_space<semaphore_mem>>)
      %dma_wait3A = tpu.memref_slice %arg7[%mul3A_32] : memref<163840xf32, #tpu.memory_space<hbm>> -> memref<5120xf32, #tpu.memory_space<hbm>>
      %dma_wait3A_35 = tpu.memref_slice %arg7[%mul3A_32] : memref<163840xf32, #tpu.memory_space<hbm>> -> memref<5120xf32, #tpu.memory_space<hbm>>
      tpu.wait_dma2 semaphore(%run_scoped3A : memref<!tpu.dma_semaphore, #tpu.memory_space<semaphore_mem>>) src(%arg16 : memref<5120xf32, #tpu.memory_space<vmem>>) dst(%dma_wait3A_35 : memref<5120xf32, #tpu.memory_space<hbm>>)
      tpu.yield
    }) : () -> ()
    "tpu.region"() ({
      %run_scoped3A = tpu.sem_alloc : memref<!tpu.dma_semaphore, #tpu.memory_space<semaphore_mem>>
      %dma_start3A_33 = arith.constant 0 : i32
      %dma_start3A_34 = tpu.memref_slice %arg8[%add3A, %dma_start3A_33] : memref<32x10016xf32, #tpu.memory_space<hbm>> -> memref<1x10016xf32, #tpu.memory_space<hbm>>
      %dma_start3A_35 = tpu.memref_squeeze %dma_start3A_34 : memref<1x10016xf32, #tpu.memory_space<hbm>> -> memref<10016xf32, #tpu.memory_space<hbm>>
      %dma_start3A_36 = arith.constant 0 : i32
      %dma_start3A_37 = tpu.memref_slice %arg8[%add3A, %dma_start3A_36] : memref<32x10016xf32, #tpu.memory_space<hbm>> -> memref<1x10016xf32, #tpu.memory_space<hbm>>
      %dma_start3A_38 = tpu.memref_squeeze %dma_start3A_37 : memref<1x10016xf32, #tpu.memory_space<hbm>> -> memref<10016xf32, #tpu.memory_space<hbm>>
      tpu.enqueue_dma source(%arg17 : memref<10016xf32, #tpu.memory_space<vmem>>) target(%dma_start3A_38 : memref<10016xf32, #tpu.memory_space<hbm>>) target_semaphore(%run_scoped3A : memref<!tpu.dma_semaphore, #tpu.memory_space<semaphore_mem>>)
      %dma_wait3A = arith.constant 0 : i32
      %dma_wait3A_39 = tpu.memref_slice %arg8[%add3A, %dma_wait3A] : memref<32x10016xf32, #tpu.memory_space<hbm>> -> memref<1x10016xf32, #tpu.memory_space<hbm>>
      %dma_wait3A_40 = tpu.memref_squeeze %dma_wait3A_39 : memref<1x10016xf32, #tpu.memory_space<hbm>> -> memref<10016xf32, #tpu.memory_space<hbm>>
      %dma_wait3A_41 = arith.constant 0 : i32
      %dma_wait3A_42 = tpu.memref_slice %arg8[%add3A, %dma_wait3A_41] : memref<32x10016xf32, #tpu.memory_space<hbm>> -> memref<1x10016xf32, #tpu.memory_space<hbm>>
      %dma_wait3A_43 = tpu.memref_squeeze %dma_wait3A_42 : memref<1x10016xf32, #tpu.memory_space<hbm>> -> memref<10016xf32, #tpu.memory_space<hbm>>
      tpu.wait_dma2 semaphore(%run_scoped3A : memref<!tpu.dma_semaphore, #tpu.memory_space<semaphore_mem>>) src(%arg17 : memref<10016xf32, #tpu.memory_space<vmem>>) dst(%dma_wait3A_43 : memref<10016xf32, #tpu.memory_space<hbm>>)
      tpu.yield
    }) : () -> ()
    return
  }
}

#map = affine_map<(d0, d1) -> (0, 0)>
#map1 = affine_map<(d0, d1) -> (0)>
module attributes {stable_mosaic.version = 14 : i64} {
  func.func @body(%arg0: i32, %arg1: i32, %arg2: memref<10000x128xf32, #tpu.memory_space<hbm>>, %arg3: memref<163840xi32, #tpu.memory_space<hbm>>, %arg4: memref<1280x128xi32, #tpu.memory_space<hbm>>, %arg5: memref<163840xf32, #tpu.memory_space<hbm>>, %arg6: memref<20224x128xf32, #tpu.memory_space<hbm>>, %arg7: memref<128xi32, #tpu.memory_space<vmem>>, %arg8: memref<128xi32, #tpu.memory_space<vmem>>, %arg9: memref<1x128xi32, #tpu.memory_space<vmem>>, %arg10: memref<1x128xi32, #tpu.memory_space<vmem>>, %arg11: memref<128xf32, #tpu.memory_space<vmem>>, %arg12: memref<128xf32, #tpu.memory_space<vmem>>, %arg13: memref<128x128xf32, #tpu.memory_space<vmem>>, %arg14: memref<128x128xf32, #tpu.memory_space<vmem>>, %arg15: memref<128x128xf32, #tpu.memory_space<vmem>>, %arg16: memref<10112x128xf32, #tpu.memory_space<vmem_shared>>, %arg17: memref<!tpu.dma_semaphore, #tpu.memory_space<semaphore_mem>>, %arg18: memref<!tpu.dma_semaphore, #tpu.memory_space<semaphore_mem>>, %arg19: memref<!tpu.dma_semaphore, #tpu.memory_space<semaphore_mem>>, %arg20: memref<!tpu.dma_semaphore, #tpu.memory_space<semaphore_mem>>) attributes {dimension_semantics = [#tpu.dimension_semantics<core_parallel>, #tpu.dimension_semantics<subcore_parallel>], iteration_bounds = array<i64: 2, 16>, scalar_prefetch = 0 : i64, scratch_operands = 14 : i64, tpu.core_type = #tpu.core_type<sc_vector_subcore>, window_params = [{transform_indices = #map}, {transform_indices = #map1}, {transform_indices = #map}, {transform_indices = #map1}, {transform_indices = #map}]} {
    %broadcast_in_dim3A = arith.constant 0.000000e+00 : f32
    %broadcast_in_dim3A_0 = vector.broadcast %broadcast_in_dim3A : f32 to vector<16xf32>
    %mul3A = arith.constant 2 : i32
    %mul3A_1 = arith.muli %arg1, %mul3A : i32
    %add3A = arith.addi %mul3A_1, %arg0 : i32
    %mul3A_2 = arith.constant 40 : i32
    %mul3A_3 = arith.muli %add3A, %mul3A_2 : i32
    %scan3A = arith.constant 0 : i32
    %scan3A_4 = arith.constant 0 : i32
    %scan3A_5 = arith.constant 128 : i32
    %scan3A_6 = arith.addi %scan3A_4, %scan3A_5 : i32
    %scan3A_7 = arith.constant 1 : i32
    scf.for %scan3A_60 = %scan3A_4 to %scan3A_6 step %scan3A_7  : i32 {
      %swap3A = arith.index_cast %scan3A_60 : i32 to index
      %swap3A_61 = arith.constant 0 : index
      %swap3A_62 = tpu.vector_load %arg15[%swap3A, %swap3A_61] {strides = array<i32>} : memref<128x128xf32, #tpu.memory_space<vmem>>, vector<16xf32>,
      tpu.vector_store %arg15[%swap3A, %swap3A_61], %broadcast_in_dim3A_0 {strides = array<i32>} : memref<128x128xf32, #tpu.memory_space<vmem>>, vector<16xf32>,
      %swap3A_63 = arith.index_cast %scan3A_60 : i32 to index
      %swap3A_64 = arith.constant 16 : index
      %swap3A_65 = tpu.vector_load %arg15[%swap3A_63, %swap3A_64] {strides = array<i32>} : memref<128x128xf32, #tpu.memory_space<vmem>>, vector<16xf32>,
      tpu.vector_store %arg15[%swap3A_63, %swap3A_64], %broadcast_in_dim3A_0 {strides = array<i32>} : memref<128x128xf32, #tpu.memory_space<vmem>>, vector<16xf32>,
      %swap3A_66 = arith.index_cast %scan3A_60 : i32 to index
      %swap3A_67 = arith.constant 32 : index
      %swap3A_68 = tpu.vector_load %arg15[%swap3A_66, %swap3A_67] {strides = array<i32>} : memref<128x128xf32, #tpu.memory_space<vmem>>, vector<16xf32>,
      tpu.vector_store %arg15[%swap3A_66, %swap3A_67], %broadcast_in_dim3A_0 {strides = array<i32>} : memref<128x128xf32, #tpu.memory_space<vmem>>, vector<16xf32>,
      %swap3A_69 = arith.index_cast %scan3A_60 : i32 to index
      %swap3A_70 = arith.constant 48 : index
      %swap3A_71 = tpu.vector_load %arg15[%swap3A_69, %swap3A_70] {strides = array<i32>} : memref<128x128xf32, #tpu.memory_space<vmem>>, vector<16xf32>,
      tpu.vector_store %arg15[%swap3A_69, %swap3A_70], %broadcast_in_dim3A_0 {strides = array<i32>} : memref<128x128xf32, #tpu.memory_space<vmem>>, vector<16xf32>,
      %swap3A_72 = arith.index_cast %scan3A_60 : i32 to index
      %swap3A_73 = arith.constant 64 : index
      %swap3A_74 = tpu.vector_load %arg15[%swap3A_72, %swap3A_73] {strides = array<i32>} : memref<128x128xf32, #tpu.memory_space<vmem>>, vector<16xf32>,
      tpu.vector_store %arg15[%swap3A_72, %swap3A_73], %broadcast_in_dim3A_0 {strides = array<i32>} : memref<128x128xf32, #tpu.memory_space<vmem>>, vector<16xf32>,
      %swap3A_75 = arith.index_cast %scan3A_60 : i32 to index
      %swap3A_76 = arith.constant 80 : index
      %swap3A_77 = tpu.vector_load %arg15[%swap3A_75, %swap3A_76] {strides = array<i32>} : memref<128x128xf32, #tpu.memory_space<vmem>>, vector<16xf32>,
      tpu.vector_store %arg15[%swap3A_75, %swap3A_76], %broadcast_in_dim3A_0 {strides = array<i32>} : memref<128x128xf32, #tpu.memory_space<vmem>>, vector<16xf32>,
      %swap3A_78 = arith.index_cast %scan3A_60 : i32 to index
      %swap3A_79 = arith.constant 96 : index
      %swap3A_80 = tpu.vector_load %arg15[%swap3A_78, %swap3A_79] {strides = array<i32>} : memref<128x128xf32, #tpu.memory_space<vmem>>, vector<16xf32>,
      tpu.vector_store %arg15[%swap3A_78, %swap3A_79], %broadcast_in_dim3A_0 {strides = array<i32>} : memref<128x128xf32, #tpu.memory_space<vmem>>, vector<16xf32>,
      %swap3A_81 = arith.index_cast %scan3A_60 : i32 to index
      %swap3A_82 = arith.constant 112 : index
      %swap3A_83 = tpu.vector_load %arg15[%swap3A_81, %swap3A_82] {strides = array<i32>} : memref<128x128xf32, #tpu.memory_space<vmem>>, vector<16xf32>,
      tpu.vector_store %arg15[%swap3A_81, %swap3A_82], %broadcast_in_dim3A_0 {strides = array<i32>} : memref<128x128xf32, #tpu.memory_space<vmem>>, vector<16xf32>,
    }
    %scan3A_8 = arith.constant 128 : i32
    %mul3A_9 = arith.constant 632 : i32
    %mul3A_10 = arith.muli %arg1, %mul3A_9 : i32
    %scan3A_11 = arith.constant 0 : i32
    %scan3A_12 = arith.constant 0 : i32
    %scan3A_13 = arith.constant 4 : i32
    %scan3A_14 = arith.addi %scan3A_12, %scan3A_13 : i32
    %scan3A_15 = arith.constant 1 : i32
    scf.for %scan3A_60 = %scan3A_12 to %scan3A_14 step %scan3A_15  : i32 {
      %mul3A_61 = arith.constant 128 : i32
      %mul3A_62 = arith.muli %scan3A_60, %mul3A_61 : i32
      %add3A_63 = arith.addi %mul3A_10, %mul3A_62 : i32
      "tpu.region"() ({
        %run_scoped3A = tpu.sem_alloc : memref<!tpu.dma_semaphore, #tpu.memory_space<semaphore_mem>>
        %dma_start3A_64 = arith.constant 0 : i32
        %dma_start3A_65 = tpu.memref_slice %arg16[%add3A_63, %dma_start3A_64] : memref<10112x128xf32, #tpu.memory_space<vmem_shared>> -> memref<128x128xf32, #tpu.memory_space<vmem_shared>>
        %dma_start3A_66 = arith.constant 0 : i32
        %dma_start3A_67 = tpu.memref_slice %arg16[%add3A_63, %dma_start3A_66] : memref<10112x128xf32, #tpu.memory_space<vmem_shared>> -> memref<128x128xf32, #tpu.memory_space<vmem_shared>>
        tpu.enqueue_dma source(%arg15 : memref<128x128xf32, #tpu.memory_space<vmem>>) target(%dma_start3A_67 : memref<128x128xf32, #tpu.memory_space<vmem_shared>>) target_semaphore(%run_scoped3A : memref<!tpu.dma_semaphore, #tpu.memory_space<semaphore_mem>>)
        %dma_wait3A_68 = arith.constant 0 : i32
        %dma_wait3A_69 = tpu.memref_slice %arg16[%add3A_63, %dma_wait3A_68] : memref<10112x128xf32, #tpu.memory_space<vmem_shared>> -> memref<128x128xf32, #tpu.memory_space<vmem_shared>>
        %dma_wait3A_70 = arith.constant 0 : i32
        %dma_wait3A_71 = tpu.memref_slice %arg16[%add3A_63, %dma_wait3A_70] : memref<10112x128xf32, #tpu.memory_space<vmem_shared>> -> memref<128x128xf32, #tpu.memory_space<vmem_shared>>
        tpu.wait_dma2 semaphore(%run_scoped3A : memref<!tpu.dma_semaphore, #tpu.memory_space<semaphore_mem>>) src(%arg15 : memref<128x128xf32, #tpu.memory_space<vmem>>) dst(%dma_wait3A_71 : memref<128x128xf32, #tpu.memory_space<vmem_shared>>)
        tpu.yield
      }) : () -> ()
    }
    %scan3A_16 = arith.constant 4 : i32
    %add3A_17 = arith.constant 512 : i32
    %add3A_18 = arith.addi %mul3A_10, %add3A_17 : i32
    "tpu.region"() ({
      %run_scoped3A = tpu.sem_alloc : memref<!tpu.dma_semaphore, #tpu.memory_space<semaphore_mem>>
      %dma_start3A_60 = arith.constant 0 : i32
      %dma_start3A_61 = arith.constant 0 : i32
      %dma_start3A_62 = tpu.memref_slice %arg15[%dma_start3A_60, %dma_start3A_61] : memref<128x128xf32, #tpu.memory_space<vmem>> -> memref<120x128xf32, #tpu.memory_space<vmem>>
      %dma_start3A_63 = arith.constant 0 : i32
      %dma_start3A_64 = tpu.memref_slice %arg16[%add3A_18, %dma_start3A_63] : memref<10112x128xf32, #tpu.memory_space<vmem_shared>> -> memref<120x128xf32, #tpu.memory_space<vmem_shared>>
      %dma_start3A_65 = arith.constant 0 : i32
      %dma_start3A_66 = tpu.memref_slice %arg16[%add3A_18, %dma_start3A_65] : memref<10112x128xf32, #tpu.memory_space<vmem_shared>> -> memref<120x128xf32, #tpu.memory_space<vmem_shared>>
      %dma_start3A_67 = arith.constant 0 : i32
      %dma_start3A_68 = arith.constant 0 : i32
      %dma_start3A_69 = tpu.memref_slice %arg15[%dma_start3A_67, %dma_start3A_68] : memref<128x128xf32, #tpu.memory_space<vmem>> -> memref<120x128xf32, #tpu.memory_space<vmem>>
      tpu.enqueue_dma source(%dma_start3A_69 : memref<120x128xf32, #tpu.memory_space<vmem>>) target(%dma_start3A_66 : memref<120x128xf32, #tpu.memory_space<vmem_shared>>) target_semaphore(%run_scoped3A : memref<!tpu.dma_semaphore, #tpu.memory_space<semaphore_mem>>)
      %dma_wait3A_70 = arith.constant 0 : i32
      %dma_wait3A_71 = arith.constant 0 : i32
      %dma_wait3A_72 = tpu.memref_slice %arg15[%dma_wait3A_70, %dma_wait3A_71] : memref<128x128xf32, #tpu.memory_space<vmem>> -> memref<120x128xf32, #tpu.memory_space<vmem>>
      %dma_wait3A_73 = arith.constant 0 : i32
      %dma_wait3A_74 = tpu.memref_slice %arg16[%add3A_18, %dma_wait3A_73] : memref<10112x128xf32, #tpu.memory_space<vmem_shared>> -> memref<120x128xf32, #tpu.memory_space<vmem_shared>>
      %dma_wait3A_75 = arith.constant 0 : i32
      %dma_wait3A_76 = tpu.memref_slice %arg16[%add3A_18, %dma_wait3A_75] : memref<10112x128xf32, #tpu.memory_space<vmem_shared>> -> memref<120x128xf32, #tpu.memory_space<vmem_shared>>
      %dma_wait3A_77 = arith.constant 0 : i32
      %dma_wait3A_78 = arith.constant 0 : i32
      %dma_wait3A_79 = tpu.memref_slice %arg15[%dma_wait3A_77, %dma_wait3A_78] : memref<128x128xf32, #tpu.memory_space<vmem>> -> memref<120x128xf32, #tpu.memory_space<vmem>>
      tpu.wait_dma2 semaphore(%run_scoped3A : memref<!tpu.dma_semaphore, #tpu.memory_space<semaphore_mem>>) src(%dma_wait3A_79 : memref<120x128xf32, #tpu.memory_space<vmem>>) dst(%dma_wait3A_76 : memref<120x128xf32, #tpu.memory_space<vmem_shared>>)
      tpu.yield
    }) : () -> ()
    %barrier3A = arith.constant 0 : index
    tpu.barrier barrier_id(%barrier3A)
    %add3A_19 = arith.constant 0 : i32
    %add3A_20 = arith.addi %mul3A_3, %add3A_19 : i32
    %mul3A_21 = arith.constant 128 : i32
    %mul3A_22 = arith.muli %add3A_20, %mul3A_21 : i32
    "tpu.region"() ({
      %run_scoped3A = tpu.sem_alloc : memref<!tpu.dma_semaphore, #tpu.memory_space<semaphore_mem>>
      %dma_start3A_60 = tpu.memref_slice %arg3[%mul3A_22] : memref<163840xi32, #tpu.memory_space<hbm>> -> memref<128xi32, #tpu.memory_space<hbm>>
      %dma_start3A_61 = tpu.memref_slice %arg3[%mul3A_22] : memref<163840xi32, #tpu.memory_space<hbm>> -> memref<128xi32, #tpu.memory_space<hbm>>
      tpu.enqueue_dma source(%dma_start3A_61 : memref<128xi32, #tpu.memory_space<hbm>>) target(%arg7 : memref<128xi32, #tpu.memory_space<vmem>>) target_semaphore(%run_scoped3A : memref<!tpu.dma_semaphore, #tpu.memory_space<semaphore_mem>>)
      %dma_wait3A_62 = tpu.memref_slice %arg3[%mul3A_22] : memref<163840xi32, #tpu.memory_space<hbm>> -> memref<128xi32, #tpu.memory_space<hbm>>
      %dma_wait3A_63 = tpu.memref_slice %arg3[%mul3A_22] : memref<163840xi32, #tpu.memory_space<hbm>> -> memref<128xi32, #tpu.memory_space<hbm>>
      tpu.wait_dma2 semaphore(%run_scoped3A : memref<!tpu.dma_semaphore, #tpu.memory_space<semaphore_mem>>) src(%dma_wait3A_63 : memref<128xi32, #tpu.memory_space<hbm>>) dst(%arg7 : memref<128xi32, #tpu.memory_space<vmem>>)
      tpu.yield
    }) : () -> ()
    "tpu.region"() ({
      %run_scoped3A = tpu.sem_alloc : memref<!tpu.dma_semaphore, #tpu.memory_space<semaphore_mem>>
      %dma_start3A_60 = arith.constant 0 : i32
      %dma_start3A_61 = tpu.memref_slice %arg4[%add3A_20, %dma_start3A_60] : memref<1280x128xi32, #tpu.memory_space<hbm>> -> memref<1x128xi32, #tpu.memory_space<hbm>>
      %dma_start3A_62 = arith.constant 0 : i32
      %dma_start3A_63 = tpu.memref_slice %arg4[%add3A_20, %dma_start3A_62] : memref<1280x128xi32, #tpu.memory_space<hbm>> -> memref<1x128xi32, #tpu.memory_space<hbm>>
      tpu.enqueue_dma source(%dma_start3A_63 : memref<1x128xi32, #tpu.memory_space<hbm>>) target(%arg9 : memref<1x128xi32, #tpu.memory_space<vmem>>) target_semaphore(%run_scoped3A : memref<!tpu.dma_semaphore, #tpu.memory_space<semaphore_mem>>)
      %dma_wait3A_64 = arith.constant 0 : i32
      %dma_wait3A_65 = tpu.memref_slice %arg4[%add3A_20, %dma_wait3A_64] : memref<1280x128xi32, #tpu.memory_space<hbm>> -> memref<1x128xi32, #tpu.memory_space<hbm>>
      %dma_wait3A_66 = arith.constant 0 : i32
      %dma_wait3A_67 = tpu.memref_slice %arg4[%add3A_20, %dma_wait3A_66] : memref<1280x128xi32, #tpu.memory_space<hbm>> -> memref<1x128xi32, #tpu.memory_space<hbm>>
      tpu.wait_dma2 semaphore(%run_scoped3A : memref<!tpu.dma_semaphore, #tpu.memory_space<semaphore_mem>>) src(%dma_wait3A_67 : memref<1x128xi32, #tpu.memory_space<hbm>>) dst(%arg9 : memref<1x128xi32, #tpu.memory_space<vmem>>)
      tpu.yield
    }) : () -> ()
    %mul3A_23 = arith.constant 128 : i32
    %mul3A_24 = arith.muli %add3A_20, %mul3A_23 : i32
    "tpu.region"() ({
      %run_scoped3A = tpu.sem_alloc : memref<!tpu.dma_semaphore, #tpu.memory_space<semaphore_mem>>
      %dma_start3A_60 = tpu.memref_slice %arg5[%mul3A_24] : memref<163840xf32, #tpu.memory_space<hbm>> -> memref<128xf32, #tpu.memory_space<hbm>>
      %dma_start3A_61 = tpu.memref_slice %arg5[%mul3A_24] : memref<163840xf32, #tpu.memory_space<hbm>> -> memref<128xf32, #tpu.memory_space<hbm>>
      tpu.enqueue_dma source(%dma_start3A_61 : memref<128xf32, #tpu.memory_space<hbm>>) target(%arg11 : memref<128xf32, #tpu.memory_space<vmem>>) target_semaphore(%run_scoped3A : memref<!tpu.dma_semaphore, #tpu.memory_space<semaphore_mem>>)
      %dma_wait3A_62 = tpu.memref_slice %arg5[%mul3A_24] : memref<163840xf32, #tpu.memory_space<hbm>> -> memref<128xf32, #tpu.memory_space<hbm>>
      %dma_wait3A_63 = tpu.memref_slice %arg5[%mul3A_24] : memref<163840xf32, #tpu.memory_space<hbm>> -> memref<128xf32, #tpu.memory_space<hbm>>
      tpu.wait_dma2 semaphore(%run_scoped3A : memref<!tpu.dma_semaphore, #tpu.memory_space<semaphore_mem>>) src(%dma_wait3A_63 : memref<128xf32, #tpu.memory_space<hbm>>) dst(%arg11 : memref<128xf32, #tpu.memory_space<vmem>>)
      tpu.yield
    }) : () -> ()
    %dma_start3A = arith.constant 0 : i32
    %dma_start3A_25 = arith.constant 0 : i32
    %dma_start3A_26 = tpu.memref_slice %arg2[%dma_start3A, %dma_start3A_25] : memref<10000x128xf32, #tpu.memory_space<hbm>> -> memref<10000x128xf32, #tpu.memory_space<hbm>>
    tpu.enqueue_indirect_dma source(%dma_start3A_26 : memref<10000x128xf32, #tpu.memory_space<hbm>>) target(%arg13 : memref<128x128xf32, #tpu.memory_space<vmem>>) offsets(%arg7 : memref<128xi32, #tpu.memory_space<vmem>>) semaphore(%arg17 : memref<!tpu.dma_semaphore, #tpu.memory_space<semaphore_mem>>)
    %scan3A_27 = arith.constant 0 : i32
    %scan3A_28 = arith.constant 0 : i32
    %scan3A_29 = arith.constant 20 : i32
    %scan3A_30 = arith.addi %scan3A_28, %scan3A_29 : i32
    %scan3A_31 = arith.constant 1 : i32
    scf.for %scan3A_60 = %scan3A_28 to %scan3A_30 step %scan3A_31  : i32 {
      %mul3A_61 = arith.constant 2 : i32
      %mul3A_62 = arith.muli %scan3A_60, %mul3A_61 : i32
      %add3A_63 = arith.constant 0 : i32
      %add3A_64 = arith.addi %mul3A_62, %add3A_63 : i32
      %add3A_65 = arith.constant 1 : i32
      %add3A_66 = arith.addi %add3A_64, %add3A_65 : i32
      %lt3A = arith.constant 40 : i32
      %lt3A_67 = arith.cmpi slt, %add3A_66, %lt3A : i32
      %ge3A = arith.constant 1 : i32
      %ge3A_68 = arith.cmpi sge, %add3A_64, %ge3A : i32
      %and3A = arith.andi %lt3A_67, %ge3A_68 : i1
      %convert_element_type3A = arith.extui %and3A : i1 to i32
      %cond3A = arith.constant 0 : i32
      %cond3A_69 = arith.cmpi ne, %convert_element_type3A, %cond3A : i32
      scf.if %cond3A_69 {
        %dma_wait3A_130 = arith.constant 0 : i32
        %dma_wait3A_131 = arith.constant 0 : i32
        %dma_wait3A_132 = tpu.memref_slice %arg10[%dma_wait3A_130, %dma_wait3A_131] : memref<1x128xi32, #tpu.memory_space<vmem>> -> memref<1x128xi32, #tpu.memory_space<vmem>>
        %dma_wait3A_133 = tpu.memref_squeeze %dma_wait3A_132 : memref<1x128xi32, #tpu.memory_space<vmem>> -> memref<128xi32, #tpu.memory_space<vmem>>
        %dma_wait3A_134 = arith.constant 0 : i32
        %dma_wait3A_135 = arith.constant 0 : i32
        %dma_wait3A_136 = tpu.memref_slice %arg16[%dma_wait3A_134, %dma_wait3A_135] : memref<10112x128xf32, #tpu.memory_space<vmem_shared>> -> memref<10112x128xf32, #tpu.memory_space<vmem_shared>>
        tpu.wait_indirect_dma semaphore(%arg20 : memref<!tpu.dma_semaphore, #tpu.memory_space<semaphore_mem>>) src(%arg14 : memref<128x128xf32, #tpu.memory_space<vmem>>) dst(%dma_wait3A_136 : memref<10112x128xf32, #tpu.memory_space<vmem_shared>>)
      } else {
      }
      %add3A_70 = arith.constant 1 : i32
      %add3A_71 = arith.addi %add3A_64, %add3A_70 : i32
      %lt3A_72 = arith.constant 40 : i32
      %lt3A_73 = arith.cmpi slt, %add3A_71, %lt3A_72 : i32
      %convert_element_type3A_74 = arith.extui %lt3A_73 : i1 to i32
      %cond3A_75 = arith.constant 0 : i32
      %cond3A_76 = arith.cmpi ne, %convert_element_type3A_74, %cond3A_75 : i32
      scf.if %cond3A_76 {
        %add3A_130 = arith.constant 1 : i32
        %add3A_131 = arith.addi %add3A_64, %add3A_130 : i32
        %add3A_132 = arith.addi %mul3A_3, %add3A_131 : i32
        %mul3A_133 = arith.constant 128 : i32
        %mul3A_134 = arith.muli %add3A_132, %mul3A_133 : i32
        "tpu.region"() ({
          %run_scoped3A = tpu.sem_alloc : memref<!tpu.dma_semaphore, #tpu.memory_space<semaphore_mem>>
          %dma_start3A_140 = tpu.memref_slice %arg3[%mul3A_134] : memref<163840xi32, #tpu.memory_space<hbm>> -> memref<128xi32, #tpu.memory_space<hbm>>
          %dma_start3A_141 = tpu.memref_slice %arg3[%mul3A_134] : memref<163840xi32, #tpu.memory_space<hbm>> -> memref<128xi32, #tpu.memory_space<hbm>>
          tpu.enqueue_dma source(%dma_start3A_141 : memref<128xi32, #tpu.memory_space<hbm>>) target(%arg8 : memref<128xi32, #tpu.memory_space<vmem>>) target_semaphore(%run_scoped3A : memref<!tpu.dma_semaphore, #tpu.memory_space<semaphore_mem>>)
          %dma_wait3A_142 = tpu.memref_slice %arg3[%mul3A_134] : memref<163840xi32, #tpu.memory_space<hbm>> -> memref<128xi32, #tpu.memory_space<hbm>>
          %dma_wait3A_143 = tpu.memref_slice %arg3[%mul3A_134] : memref<163840xi32, #tpu.memory_space<hbm>> -> memref<128xi32, #tpu.memory_space<hbm>>
          tpu.wait_dma2 semaphore(%run_scoped3A : memref<!tpu.dma_semaphore, #tpu.memory_space<semaphore_mem>>) src(%dma_wait3A_143 : memref<128xi32, #tpu.memory_space<hbm>>) dst(%arg8 : memref<128xi32, #tpu.memory_space<vmem>>)
          tpu.yield
        }) : () -> ()
        "tpu.region"() ({
          %run_scoped3A = tpu.sem_alloc : memref<!tpu.dma_semaphore, #tpu.memory_space<semaphore_mem>>
          %dma_start3A_140 = arith.constant 0 : i32
          %dma_start3A_141 = tpu.memref_slice %arg4[%add3A_132, %dma_start3A_140] : memref<1280x128xi32, #tpu.memory_space<hbm>> -> memref<1x128xi32, #tpu.memory_space<hbm>>
          %dma_start3A_142 = arith.constant 0 : i32
          %dma_start3A_143 = tpu.memref_slice %arg4[%add3A_132, %dma_start3A_142] : memref<1280x128xi32, #tpu.memory_space<hbm>> -> memref<1x128xi32, #tpu.memory_space<hbm>>
          tpu.enqueue_dma source(%dma_start3A_143 : memref<1x128xi32, #tpu.memory_space<hbm>>) target(%arg10 : memref<1x128xi32, #tpu.memory_space<vmem>>) target_semaphore(%run_scoped3A : memref<!tpu.dma_semaphore, #tpu.memory_space<semaphore_mem>>)
          %dma_wait3A_144 = arith.constant 0 : i32
          %dma_wait3A_145 = tpu.memref_slice %arg4[%add3A_132, %dma_wait3A_144] : memref<1280x128xi32, #tpu.memory_space<hbm>> -> memref<1x128xi32, #tpu.memory_space<hbm>>
          %dma_wait3A_146 = arith.constant 0 : i32
          %dma_wait3A_147 = tpu.memref_slice %arg4[%add3A_132, %dma_wait3A_146] : memref<1280x128xi32, #tpu.memory_space<hbm>> -> memref<1x128xi32, #tpu.memory_space<hbm>>
          tpu.wait_dma2 semaphore(%run_scoped3A : memref<!tpu.dma_semaphore, #tpu.memory_space<semaphore_mem>>) src(%dma_wait3A_147 : memref<1x128xi32, #tpu.memory_space<hbm>>) dst(%arg10 : memref<1x128xi32, #tpu.memory_space<vmem>>)
          tpu.yield
        }) : () -> ()
        %mul3A_135 = arith.constant 128 : i32
        %mul3A_136 = arith.muli %add3A_132, %mul3A_135 : i32
        "tpu.region"() ({
          %run_scoped3A = tpu.sem_alloc : memref<!tpu.dma_semaphore, #tpu.memory_space<semaphore_mem>>
          %dma_start3A_140 = tpu.memref_slice %arg5[%mul3A_136] : memref<163840xf32, #tpu.memory_space<hbm>> -> memref<128xf32, #tpu.memory_space<hbm>>
          %dma_start3A_141 = tpu.memref_slice %arg5[%mul3A_136] : memref<163840xf32, #tpu.memory_space<hbm>> -> memref<128xf32, #tpu.memory_space<hbm>>
          tpu.enqueue_dma source(%dma_start3A_141 : memref<128xf32, #tpu.memory_space<hbm>>) target(%arg12 : memref<128xf32, #tpu.memory_space<vmem>>) target_semaphore(%run_scoped3A : memref<!tpu.dma_semaphore, #tpu.memory_space<semaphore_mem>>)
          %dma_wait3A_142 = tpu.memref_slice %arg5[%mul3A_136] : memref<163840xf32, #tpu.memory_space<hbm>> -> memref<128xf32, #tpu.memory_space<hbm>>
          %dma_wait3A_143 = tpu.memref_slice %arg5[%mul3A_136] : memref<163840xf32, #tpu.memory_space<hbm>> -> memref<128xf32, #tpu.memory_space<hbm>>
          tpu.wait_dma2 semaphore(%run_scoped3A : memref<!tpu.dma_semaphore, #tpu.memory_space<semaphore_mem>>) src(%dma_wait3A_143 : memref<128xf32, #tpu.memory_space<hbm>>) dst(%arg12 : memref<128xf32, #tpu.memory_space<vmem>>)
          tpu.yield
        }) : () -> ()
        %dma_start3A_137 = arith.constant 0 : i32
        %dma_start3A_138 = arith.constant 0 : i32
        %dma_start3A_139 = tpu.memref_slice %arg2[%dma_start3A_137, %dma_start3A_138] : memref<10000x128xf32, #tpu.memory_space<hbm>> -> memref<10000x128xf32, #tpu.memory_space<hbm>>
        tpu.enqueue_indirect_dma source(%dma_start3A_139 : memref<10000x128xf32, #tpu.memory_space<hbm>>) target(%arg14 : memref<128x128xf32, #tpu.memory_space<vmem>>) offsets(%arg8 : memref<128xi32, #tpu.memory_space<vmem>>) semaphore(%arg18 : memref<!tpu.dma_semaphore, #tpu.memory_space<semaphore_mem>>)
      } else {
      }
      %dma_wait3A_77 = arith.constant 0 : i32
      %dma_wait3A_78 = arith.constant 0 : i32
      %dma_wait3A_79 = tpu.memref_slice %arg2[%dma_wait3A_77, %dma_wait3A_78] : memref<10000x128xf32, #tpu.memory_space<hbm>> -> memref<10000x128xf32, #tpu.memory_space<hbm>>
      tpu.wait_indirect_dma semaphore(%arg17 : memref<!tpu.dma_semaphore, #tpu.memory_space<semaphore_mem>>) src(%dma_wait3A_79 : memref<10000x128xf32, #tpu.memory_space<hbm>>) dst(%arg13 : memref<128x128xf32, #tpu.memory_space<vmem>>)
      %scan3A_80 = arith.constant 0 : i32
      %scan3A_81 = arith.constant 0 : i32
      %scan3A_82 = arith.constant 128 : i32
      %scan3A_83 = arith.addi %scan3A_81, %scan3A_82 : i32
      %scan3A_84 = arith.constant 1 : i32
      scf.for %scan3A_130 = %scan3A_81 to %scan3A_83 step %scan3A_84  : i32 {
        %broadcast_in_dim3A_131 = vector.broadcast %scan3A_130 : i32 to vector<16xi32>
        %gather3A = tpu.vector_load_idx %arg11[%broadcast_in_dim3A_131] : memref<128xf32, #tpu.memory_space<vmem>>[vector<16xi32>], vector<16xf32>,
        %get3A = arith.index_cast %scan3A_130 : i32 to index
        %get3A_132 = arith.constant 0 : index
        %get3A_133 = tpu.vector_load %arg13[%get3A, %get3A_132] {strides = array<i32>} : memref<128x128xf32, #tpu.memory_space<vmem>>, vector<16xf32>,
        %mul3A_134 = arith.mulf %get3A_133, %gather3A : vector<16xf32>
        %swap3A = arith.index_cast %scan3A_130 : i32 to index
        %swap3A_135 = arith.constant 0 : index
        %swap3A_136 = tpu.vector_load %arg13[%swap3A, %swap3A_135] {strides = array<i32>} : memref<128x128xf32, #tpu.memory_space<vmem>>, vector<16xf32>,
        tpu.vector_store %arg13[%swap3A, %swap3A_135], %mul3A_134 {strides = array<i32>} : memref<128x128xf32, #tpu.memory_space<vmem>>, vector<16xf32>,
        %get3A_137 = arith.index_cast %scan3A_130 : i32 to index
        %get3A_138 = arith.constant 16 : index
        %get3A_139 = tpu.vector_load %arg13[%get3A_137, %get3A_138] {strides = array<i32>} : memref<128x128xf32, #tpu.memory_space<vmem>>, vector<16xf32>,
        %mul3A_140 = arith.mulf %get3A_139, %gather3A : vector<16xf32>
        %swap3A_141 = arith.index_cast %scan3A_130 : i32 to index
        %swap3A_142 = arith.constant 16 : index
        %swap3A_143 = tpu.vector_load %arg13[%swap3A_141, %swap3A_142] {strides = array<i32>} : memref<128x128xf32, #tpu.memory_space<vmem>>, vector<16xf32>,
        tpu.vector_store %arg13[%swap3A_141, %swap3A_142], %mul3A_140 {strides = array<i32>} : memref<128x128xf32, #tpu.memory_space<vmem>>, vector<16xf32>,
        %get3A_144 = arith.index_cast %scan3A_130 : i32 to index
        %get3A_145 = arith.constant 32 : index
        %get3A_146 = tpu.vector_load %arg13[%get3A_144, %get3A_145] {strides = array<i32>} : memref<128x128xf32, #tpu.memory_space<vmem>>, vector<16xf32>,
        %mul3A_147 = arith.mulf %get3A_146, %gather3A : vector<16xf32>
        %swap3A_148 = arith.index_cast %scan3A_130 : i32 to index
        %swap3A_149 = arith.constant 32 : index
        %swap3A_150 = tpu.vector_load %arg13[%swap3A_148, %swap3A_149] {strides = array<i32>} : memref<128x128xf32, #tpu.memory_space<vmem>>, vector<16xf32>,
        tpu.vector_store %arg13[%swap3A_148, %swap3A_149], %mul3A_147 {strides = array<i32>} : memref<128x128xf32, #tpu.memory_space<vmem>>, vector<16xf32>,
        %get3A_151 = arith.index_cast %scan3A_130 : i32 to index
        %get3A_152 = arith.constant 48 : index
        %get3A_153 = tpu.vector_load %arg13[%get3A_151, %get3A_152] {strides = array<i32>} : memref<128x128xf32, #tpu.memory_space<vmem>>, vector<16xf32>,
        %mul3A_154 = arith.mulf %get3A_153, %gather3A : vector<16xf32>
        %swap3A_155 = arith.index_cast %scan3A_130 : i32 to index
        %swap3A_156 = arith.constant 48 : index
        %swap3A_157 = tpu.vector_load %arg13[%swap3A_155, %swap3A_156] {strides = array<i32>} : memref<128x128xf32, #tpu.memory_space<vmem>>, vector<16xf32>,
        tpu.vector_store %arg13[%swap3A_155, %swap3A_156], %mul3A_154 {strides = array<i32>} : memref<128x128xf32, #tpu.memory_space<vmem>>, vector<16xf32>,
        %get3A_158 = arith.index_cast %scan3A_130 : i32 to index
        %get3A_159 = arith.constant 64 : index
        %get3A_160 = tpu.vector_load %arg13[%get3A_158, %get3A_159] {strides = array<i32>} : memref<128x128xf32, #tpu.memory_space<vmem>>, vector<16xf32>,
        %mul3A_161 = arith.mulf %get3A_160, %gather3A : vector<16xf32>
        %swap3A_162 = arith.index_cast %scan3A_130 : i32 to index
        %swap3A_163 = arith.constant 64 : index
        %swap3A_164 = tpu.vector_load %arg13[%swap3A_162, %swap3A_163] {strides = array<i32>} : memref<128x128xf32, #tpu.memory_space<vmem>>, vector<16xf32>,
        tpu.vector_store %arg13[%swap3A_162, %swap3A_163], %mul3A_161 {strides = array<i32>} : memref<128x128xf32, #tpu.memory_space<vmem>>, vector<16xf32>,
        %get3A_165 = arith.index_cast %scan3A_130 : i32 to index
        %get3A_166 = arith.constant 80 : index
        %get3A_167 = tpu.vector_load %arg13[%get3A_165, %get3A_166] {strides = array<i32>} : memref<128x128xf32, #tpu.memory_space<vmem>>, vector<16xf32>,
        %mul3A_168 = arith.mulf %get3A_167, %gather3A : vector<16xf32>
        %swap3A_169 = arith.index_cast %scan3A_130 : i32 to index
        %swap3A_170 = arith.constant 80 : index
        %swap3A_171 = tpu.vector_load %arg13[%swap3A_169, %swap3A_170] {strides = array<i32>} : memref<128x128xf32, #tpu.memory_space<vmem>>, vector<16xf32>,
        tpu.vector_store %arg13[%swap3A_169, %swap3A_170], %mul3A_168 {strides = array<i32>} : memref<128x128xf32, #tpu.memory_space<vmem>>, vector<16xf32>,
        %get3A_172 = arith.index_cast %scan3A_130 : i32 to index
        %get3A_173 = arith.constant 96 : index
        %get3A_174 = tpu.vector_load %arg13[%get3A_172, %get3A_173] {strides = array<i32>} : memref<128x128xf32, #tpu.memory_space<vmem>>, vector<16xf32>,
        %mul3A_175 = arith.mulf %get3A_174, %gather3A : vector<16xf32>
        %swap3A_176 = arith.index_cast %scan3A_130 : i32 to index
        %swap3A_177 = arith.constant 96 : index
        %swap3A_178 = tpu.vector_load %arg13[%swap3A_176, %swap3A_177] {strides = array<i32>} : memref<128x128xf32, #tpu.memory_space<vmem>>, vector<16xf32>,
        tpu.vector_store %arg13[%swap3A_176, %swap3A_177], %mul3A_175 {strides = array<i32>} : memref<128x128xf32, #tpu.memory_space<vmem>>, vector<16xf32>,
        %get3A_179 = arith.index_cast %scan3A_130 : i32 to index
        %get3A_180 = arith.constant 112 : index
        %get3A_181 = tpu.vector_load %arg13[%get3A_179, %get3A_180] {strides = array<i32>} : memref<128x128xf32, #tpu.memory_space<vmem>>, vector<16xf32>,
        %mul3A_182 = arith.mulf %get3A_181, %gather3A : vector<16xf32>
        %swap3A_183 = arith.index_cast %scan3A_130 : i32 to index
        %swap3A_184 = arith.constant 112 : index
        %swap3A_185 = tpu.vector_load %arg13[%swap3A_183, %swap3A_184] {strides = array<i32>} : memref<128x128xf32, #tpu.memory_space<vmem>>, vector<16xf32>,
        tpu.vector_store %arg13[%swap3A_183, %swap3A_184], %mul3A_182 {strides = array<i32>} : memref<128x128xf32, #tpu.memory_space<vmem>>, vector<16xf32>,
      }
      %scan3A_85 = arith.constant 128 : i32
      %dma_start3A_86 = arith.constant 0 : i32
      %dma_start3A_87 = arith.constant 0 : i32
      %dma_start3A_88 = tpu.memref_slice %arg9[%dma_start3A_86, %dma_start3A_87] : memref<1x128xi32, #tpu.memory_space<vmem>> -> memref<1x128xi32, #tpu.memory_space<vmem>>
      %dma_start3A_89 = tpu.memref_squeeze %dma_start3A_88 : memref<1x128xi32, #tpu.memory_space<vmem>> -> memref<128xi32, #tpu.memory_space<vmem>>
      %dma_start3A_90 = arith.constant 0 : i32
      %dma_start3A_91 = arith.constant 0 : i32
      %dma_start3A_92 = tpu.memref_slice %arg16[%dma_start3A_90, %dma_start3A_91] : memref<10112x128xf32, #tpu.memory_space<vmem_shared>> -> memref<10112x128xf32, #tpu.memory_space<vmem_shared>>
      tpu.enqueue_indirect_dma source(%arg13 : memref<128x128xf32, #tpu.memory_space<vmem>>) target(%dma_start3A_92 : memref<10112x128xf32, #tpu.memory_space<vmem_shared>>) offsets(%dma_start3A_89 : memref<128xi32, #tpu.memory_space<vmem>>) semaphore(%arg19 : memref<!tpu.dma_semaphore, #tpu.memory_space<semaphore_mem>>) {add = true}
      %mul3A_93 = arith.constant 2 : i32
      %mul3A_94 = arith.muli %scan3A_60, %mul3A_93 : i32
      %add3A_95 = arith.constant 1 : i32
      %add3A_96 = arith.addi %mul3A_94, %add3A_95 : i32
      %add3A_97 = arith.constant 1 : i32
      %add3A_98 = arith.addi %add3A_96, %add3A_97 : i32
      %lt3A_99 = arith.constant 40 : i32
      %lt3A_100 = arith.cmpi slt, %add3A_98, %lt3A_99 : i32
      %ge3A_101 = arith.constant 1 : i32
      %ge3A_102 = arith.cmpi sge, %add3A_96, %ge3A_101 : i32
      %and3A_103 = arith.andi %lt3A_100, %ge3A_102 : i1
      %convert_element_type3A_104 = arith.extui %and3A_103 : i1 to i32
      %cond3A_105 = arith.constant 0 : i32
      %cond3A_106 = arith.cmpi ne, %convert_element_type3A_104, %cond3A_105 : i32
      scf.if %cond3A_106 {
        %dma_wait3A_130 = arith.constant 0 : i32
        %dma_wait3A_131 = arith.constant 0 : i32
        %dma_wait3A_132 = tpu.memref_slice %arg9[%dma_wait3A_130, %dma_wait3A_131] : memref<1x128xi32, #tpu.memory_space<vmem>> -> memref<1x128xi32, #tpu.memory_space<vmem>>
        %dma_wait3A_133 = tpu.memref_squeeze %dma_wait3A_132 : memref<1x128xi32, #tpu.memory_space<vmem>> -> memref<128xi32, #tpu.memory_space<vmem>>
        %dma_wait3A_134 = arith.constant 0 : i32
        %dma_wait3A_135 = arith.constant 0 : i32
        %dma_wait3A_136 = tpu.memref_slice %arg16[%dma_wait3A_134, %dma_wait3A_135] : memref<10112x128xf32, #tpu.memory_space<vmem_shared>> -> memref<10112x128xf32, #tpu.memory_space<vmem_shared>>
        tpu.wait_indirect_dma semaphore(%arg19 : memref<!tpu.dma_semaphore, #tpu.memory_space<semaphore_mem>>) src(%arg13 : memref<128x128xf32, #tpu.memory_space<vmem>>) dst(%dma_wait3A_136 : memref<10112x128xf32, #tpu.memory_space<vmem_shared>>)
      } else {
      }
      %add3A_107 = arith.constant 1 : i32
      %add3A_108 = arith.addi %add3A_96, %add3A_107 : i32
      %lt3A_109 = arith.constant 40 : i32
      %lt3A_110 = arith.cmpi slt, %add3A_108, %lt3A_109 : i32
      %convert_element_type3A_111 = arith.extui %lt3A_110 : i1 to i32
      %cond3A_112 = arith.constant 0 : i32
      %cond3A_113 = arith.cmpi ne, %convert_element_type3A_111, %cond3A_112 : i32
      scf.if %cond3A_113 {
        %add3A_130 = arith.constant 1 : i32
        %add3A_131 = arith.addi %add3A_96, %add3A_130 : i32
        %add3A_132 = arith.addi %mul3A_3, %add3A_131 : i32
        %mul3A_133 = arith.constant 128 : i32
        %mul3A_134 = arith.muli %add3A_132, %mul3A_133 : i32
        "tpu.region"() ({
          %run_scoped3A = tpu.sem_alloc : memref<!tpu.dma_semaphore, #tpu.memory_space<semaphore_mem>>
          %dma_start3A_140 = tpu.memref_slice %arg3[%mul3A_134] : memref<163840xi32, #tpu.memory_space<hbm>> -> memref<128xi32, #tpu.memory_space<hbm>>
          %dma_start3A_141 = tpu.memref_slice %arg3[%mul3A_134] : memref<163840xi32, #tpu.memory_space<hbm>> -> memref<128xi32, #tpu.memory_space<hbm>>
          tpu.enqueue_dma source(%dma_start3A_141 : memref<128xi32, #tpu.memory_space<hbm>>) target(%arg7 : memref<128xi32, #tpu.memory_space<vmem>>) target_semaphore(%run_scoped3A : memref<!tpu.dma_semaphore, #tpu.memory_space<semaphore_mem>>)
          %dma_wait3A_142 = tpu.memref_slice %arg3[%mul3A_134] : memref<163840xi32, #tpu.memory_space<hbm>> -> memref<128xi32, #tpu.memory_space<hbm>>
          %dma_wait3A_143 = tpu.memref_slice %arg3[%mul3A_134] : memref<163840xi32, #tpu.memory_space<hbm>> -> memref<128xi32, #tpu.memory_space<hbm>>
          tpu.wait_dma2 semaphore(%run_scoped3A : memref<!tpu.dma_semaphore, #tpu.memory_space<semaphore_mem>>) src(%dma_wait3A_143 : memref<128xi32, #tpu.memory_space<hbm>>) dst(%arg7 : memref<128xi32, #tpu.memory_space<vmem>>)
          tpu.yield
        }) : () -> ()
        "tpu.region"() ({
          %run_scoped3A = tpu.sem_alloc : memref<!tpu.dma_semaphore, #tpu.memory_space<semaphore_mem>>
          %dma_start3A_140 = arith.constant 0 : i32
          %dma_start3A_141 = tpu.memref_slice %arg4[%add3A_132, %dma_start3A_140] : memref<1280x128xi32, #tpu.memory_space<hbm>> -> memref<1x128xi32, #tpu.memory_space<hbm>>
          %dma_start3A_142 = arith.constant 0 : i32
          %dma_start3A_143 = tpu.memref_slice %arg4[%add3A_132, %dma_start3A_142] : memref<1280x128xi32, #tpu.memory_space<hbm>> -> memref<1x128xi32, #tpu.memory_space<hbm>>
          tpu.enqueue_dma source(%dma_start3A_143 : memref<1x128xi32, #tpu.memory_space<hbm>>) target(%arg9 : memref<1x128xi32, #tpu.memory_space<vmem>>) target_semaphore(%run_scoped3A : memref<!tpu.dma_semaphore, #tpu.memory_space<semaphore_mem>>)
          %dma_wait3A_144 = arith.constant 0 : i32
          %dma_wait3A_145 = tpu.memref_slice %arg4[%add3A_132, %dma_wait3A_144] : memref<1280x128xi32, #tpu.memory_space<hbm>> -> memref<1x128xi32, #tpu.memory_space<hbm>>
          %dma_wait3A_146 = arith.constant 0 : i32
          %dma_wait3A_147 = tpu.memref_slice %arg4[%add3A_132, %dma_wait3A_146] : memref<1280x128xi32, #tpu.memory_space<hbm>> -> memref<1x128xi32, #tpu.memory_space<hbm>>
          tpu.wait_dma2 semaphore(%run_scoped3A : memref<!tpu.dma_semaphore, #tpu.memory_space<semaphore_mem>>) src(%dma_wait3A_147 : memref<1x128xi32, #tpu.memory_space<hbm>>) dst(%arg9 : memref<1x128xi32, #tpu.memory_space<vmem>>)
          tpu.yield
        }) : () -> ()
        %mul3A_135 = arith.constant 128 : i32
        %mul3A_136 = arith.muli %add3A_132, %mul3A_135 : i32
        "tpu.region"() ({
          %run_scoped3A = tpu.sem_alloc : memref<!tpu.dma_semaphore, #tpu.memory_space<semaphore_mem>>
          %dma_start3A_140 = tpu.memref_slice %arg5[%mul3A_136] : memref<163840xf32, #tpu.memory_space<hbm>> -> memref<128xf32, #tpu.memory_space<hbm>>
          %dma_start3A_141 = tpu.memref_slice %arg5[%mul3A_136] : memref<163840xf32, #tpu.memory_space<hbm>> -> memref<128xf32, #tpu.memory_space<hbm>>
          tpu.enqueue_dma source(%dma_start3A_141 : memref<128xf32, #tpu.memory_space<hbm>>) target(%arg11 : memref<128xf32, #tpu.memory_space<vmem>>) target_semaphore(%run_scoped3A : memref<!tpu.dma_semaphore, #tpu.memory_space<semaphore_mem>>)
          %dma_wait3A_142 = tpu.memref_slice %arg5[%mul3A_136] : memref<163840xf32, #tpu.memory_space<hbm>> -> memref<128xf32, #tpu.memory_space<hbm>>
          %dma_wait3A_143 = tpu.memref_slice %arg5[%mul3A_136] : memref<163840xf32, #tpu.memory_space<hbm>> -> memref<128xf32, #tpu.memory_space<hbm>>
          tpu.wait_dma2 semaphore(%run_scoped3A : memref<!tpu.dma_semaphore, #tpu.memory_space<semaphore_mem>>) src(%dma_wait3A_143 : memref<128xf32, #tpu.memory_space<hbm>>) dst(%arg11 : memref<128xf32, #tpu.memory_space<vmem>>)
          tpu.yield
        }) : () -> ()
        %dma_start3A_137 = arith.constant 0 : i32
        %dma_start3A_138 = arith.constant 0 : i32
        %dma_start3A_139 = tpu.memref_slice %arg2[%dma_start3A_137, %dma_start3A_138] : memref<10000x128xf32, #tpu.memory_space<hbm>> -> memref<10000x128xf32, #tpu.memory_space<hbm>>
        tpu.enqueue_indirect_dma source(%dma_start3A_139 : memref<10000x128xf32, #tpu.memory_space<hbm>>) target(%arg13 : memref<128x128xf32, #tpu.memory_space<vmem>>) offsets(%arg7 : memref<128xi32, #tpu.memory_space<vmem>>) semaphore(%arg17 : memref<!tpu.dma_semaphore, #tpu.memory_space<semaphore_mem>>)
      } else {
      }
      %dma_wait3A_114 = arith.constant 0 : i32
      %dma_wait3A_115 = arith.constant 0 : i32
      %dma_wait3A_116 = tpu.memref_slice %arg2[%dma_wait3A_114, %dma_wait3A_115] : memref<10000x128xf32, #tpu.memory_space<hbm>> -> memref<10000x128xf32, #tpu.memory_space<hbm>>
      tpu.wait_indirect_dma semaphore(%arg18 : memref<!tpu.dma_semaphore, #tpu.memory_space<semaphore_mem>>) src(%dma_wait3A_116 : memref<10000x128xf32, #tpu.memory_space<hbm>>) dst(%arg14 : memref<128x128xf32, #tpu.memory_space<vmem>>)
      %scan3A_117 = arith.constant 0 : i32
      %scan3A_118 = arith.constant 0 : i32
      %scan3A_119 = arith.constant 128 : i32
      %scan3A_120 = arith.addi %scan3A_118, %scan3A_119 : i32
      %scan3A_121 = arith.constant 1 : i32
      scf.for %scan3A_130 = %scan3A_118 to %scan3A_120 step %scan3A_121  : i32 {
        %broadcast_in_dim3A_131 = vector.broadcast %scan3A_130 : i32 to vector<16xi32>
        %gather3A = tpu.vector_load_idx %arg12[%broadcast_in_dim3A_131] : memref<128xf32, #tpu.memory_space<vmem>>[vector<16xi32>], vector<16xf32>,
        %get3A = arith.index_cast %scan3A_130 : i32 to index
        %get3A_132 = arith.constant 0 : index
        %get3A_133 = tpu.vector_load %arg14[%get3A, %get3A_132] {strides = array<i32>} : memref<128x128xf32, #tpu.memory_space<vmem>>, vector<16xf32>,
        %mul3A_134 = arith.mulf %get3A_133, %gather3A : vector<16xf32>
        %swap3A = arith.index_cast %scan3A_130 : i32 to index
        %swap3A_135 = arith.constant 0 : index
        %swap3A_136 = tpu.vector_load %arg14[%swap3A, %swap3A_135] {strides = array<i32>} : memref<128x128xf32, #tpu.memory_space<vmem>>, vector<16xf32>,
        tpu.vector_store %arg14[%swap3A, %swap3A_135], %mul3A_134 {strides = array<i32>} : memref<128x128xf32, #tpu.memory_space<vmem>>, vector<16xf32>,
        %get3A_137 = arith.index_cast %scan3A_130 : i32 to index
        %get3A_138 = arith.constant 16 : index
        %get3A_139 = tpu.vector_load %arg14[%get3A_137, %get3A_138] {strides = array<i32>} : memref<128x128xf32, #tpu.memory_space<vmem>>, vector<16xf32>,
        %mul3A_140 = arith.mulf %get3A_139, %gather3A : vector<16xf32>
        %swap3A_141 = arith.index_cast %scan3A_130 : i32 to index
        %swap3A_142 = arith.constant 16 : index
        %swap3A_143 = tpu.vector_load %arg14[%swap3A_141, %swap3A_142] {strides = array<i32>} : memref<128x128xf32, #tpu.memory_space<vmem>>, vector<16xf32>,
        tpu.vector_store %arg14[%swap3A_141, %swap3A_142], %mul3A_140 {strides = array<i32>} : memref<128x128xf32, #tpu.memory_space<vmem>>, vector<16xf32>,
        %get3A_144 = arith.index_cast %scan3A_130 : i32 to index
        %get3A_145 = arith.constant 32 : index
        %get3A_146 = tpu.vector_load %arg14[%get3A_144, %get3A_145] {strides = array<i32>} : memref<128x128xf32, #tpu.memory_space<vmem>>, vector<16xf32>,
        %mul3A_147 = arith.mulf %get3A_146, %gather3A : vector<16xf32>
        %swap3A_148 = arith.index_cast %scan3A_130 : i32 to index
        %swap3A_149 = arith.constant 32 : index
        %swap3A_150 = tpu.vector_load %arg14[%swap3A_148, %swap3A_149] {strides = array<i32>} : memref<128x128xf32, #tpu.memory_space<vmem>>, vector<16xf32>,
        tpu.vector_store %arg14[%swap3A_148, %swap3A_149], %mul3A_147 {strides = array<i32>} : memref<128x128xf32, #tpu.memory_space<vmem>>, vector<16xf32>,
        %get3A_151 = arith.index_cast %scan3A_130 : i32 to index
        %get3A_152 = arith.constant 48 : index
        %get3A_153 = tpu.vector_load %arg14[%get3A_151, %get3A_152] {strides = array<i32>} : memref<128x128xf32, #tpu.memory_space<vmem>>, vector<16xf32>,
        %mul3A_154 = arith.mulf %get3A_153, %gather3A : vector<16xf32>
        %swap3A_155 = arith.index_cast %scan3A_130 : i32 to index
        %swap3A_156 = arith.constant 48 : index
        %swap3A_157 = tpu.vector_load %arg14[%swap3A_155, %swap3A_156] {strides = array<i32>} : memref<128x128xf32, #tpu.memory_space<vmem>>, vector<16xf32>,
        tpu.vector_store %arg14[%swap3A_155, %swap3A_156], %mul3A_154 {strides = array<i32>} : memref<128x128xf32, #tpu.memory_space<vmem>>, vector<16xf32>,
        %get3A_158 = arith.index_cast %scan3A_130 : i32 to index
        %get3A_159 = arith.constant 64 : index
        %get3A_160 = tpu.vector_load %arg14[%get3A_158, %get3A_159] {strides = array<i32>} : memref<128x128xf32, #tpu.memory_space<vmem>>, vector<16xf32>,
        %mul3A_161 = arith.mulf %get3A_160, %gather3A : vector<16xf32>
        %swap3A_162 = arith.index_cast %scan3A_130 : i32 to index
        %swap3A_163 = arith.constant 64 : index
        %swap3A_164 = tpu.vector_load %arg14[%swap3A_162, %swap3A_163] {strides = array<i32>} : memref<128x128xf32, #tpu.memory_space<vmem>>, vector<16xf32>,
        tpu.vector_store %arg14[%swap3A_162, %swap3A_163], %mul3A_161 {strides = array<i32>} : memref<128x128xf32, #tpu.memory_space<vmem>>, vector<16xf32>,
        %get3A_165 = arith.index_cast %scan3A_130 : i32 to index
        %get3A_166 = arith.constant 80 : index
        %get3A_167 = tpu.vector_load %arg14[%get3A_165, %get3A_166] {strides = array<i32>} : memref<128x128xf32, #tpu.memory_space<vmem>>, vector<16xf32>,
        %mul3A_168 = arith.mulf %get3A_167, %gather3A : vector<16xf32>
        %swap3A_169 = arith.index_cast %scan3A_130 : i32 to index
        %swap3A_170 = arith.constant 80 : index
        %swap3A_171 = tpu.vector_load %arg14[%swap3A_169, %swap3A_170] {strides = array<i32>} : memref<128x128xf32, #tpu.memory_space<vmem>>, vector<16xf32>,
        tpu.vector_store %arg14[%swap3A_169, %swap3A_170], %mul3A_168 {strides = array<i32>} : memref<128x128xf32, #tpu.memory_space<vmem>>, vector<16xf32>,
        %get3A_172 = arith.index_cast %scan3A_130 : i32 to index
        %get3A_173 = arith.constant 96 : index
        %get3A_174 = tpu.vector_load %arg14[%get3A_172, %get3A_173] {strides = array<i32>} : memref<128x128xf32, #tpu.memory_space<vmem>>, vector<16xf32>,
        %mul3A_175 = arith.mulf %get3A_174, %gather3A : vector<16xf32>
        %swap3A_176 = arith.index_cast %scan3A_130 : i32 to index
        %swap3A_177 = arith.constant 96 : index
        %swap3A_178 = tpu.vector_load %arg14[%swap3A_176, %swap3A_177] {strides = array<i32>} : memref<128x128xf32, #tpu.memory_space<vmem>>, vector<16xf32>,
        tpu.vector_store %arg14[%swap3A_176, %swap3A_177], %mul3A_175 {strides = array<i32>} : memref<128x128xf32, #tpu.memory_space<vmem>>, vector<16xf32>,
        %get3A_179 = arith.index_cast %scan3A_130 : i32 to index
        %get3A_180 = arith.constant 112 : index
        %get3A_181 = tpu.vector_load %arg14[%get3A_179, %get3A_180] {strides = array<i32>} : memref<128x128xf32, #tpu.memory_space<vmem>>, vector<16xf32>,
        %mul3A_182 = arith.mulf %get3A_181, %gather3A : vector<16xf32>
        %swap3A_183 = arith.index_cast %scan3A_130 : i32 to index
        %swap3A_184 = arith.constant 112 : index
        %swap3A_185 = tpu.vector_load %arg14[%swap3A_183, %swap3A_184] {strides = array<i32>} : memref<128x128xf32, #tpu.memory_space<vmem>>, vector<16xf32>,
        tpu.vector_store %arg14[%swap3A_183, %swap3A_184], %mul3A_182 {strides = array<i32>} : memref<128x128xf32, #tpu.memory_space<vmem>>, vector<16xf32>,
      }
      %scan3A_122 = arith.constant 128 : i32
      %dma_start3A_123 = arith.constant 0 : i32
      %dma_start3A_124 = arith.constant 0 : i32
      %dma_start3A_125 = tpu.memref_slice %arg10[%dma_start3A_123, %dma_start3A_124] : memref<1x128xi32, #tpu.memory_space<vmem>> -> memref<1x128xi32, #tpu.memory_space<vmem>>
      %dma_start3A_126 = tpu.memref_squeeze %dma_start3A_125 : memref<1x128xi32, #tpu.memory_space<vmem>> -> memref<128xi32, #tpu.memory_space<vmem>>
      %dma_start3A_127 = arith.constant 0 : i32
      %dma_start3A_128 = arith.constant 0 : i32
      %dma_start3A_129 = tpu.memref_slice %arg16[%dma_start3A_127, %dma_start3A_128] : memref<10112x128xf32, #tpu.memory_space<vmem_shared>> -> memref<10112x128xf32, #tpu.memory_space<vmem_shared>>
      tpu.enqueue_indirect_dma source(%arg14 : memref<128x128xf32, #tpu.memory_space<vmem>>) target(%dma_start3A_129 : memref<10112x128xf32, #tpu.memory_space<vmem_shared>>) offsets(%dma_start3A_126 : memref<128xi32, #tpu.memory_space<vmem>>) semaphore(%arg20 : memref<!tpu.dma_semaphore, #tpu.memory_space<semaphore_mem>>) {add = true}
    }
    %scan3A_32 = arith.constant 20 : i32
    %dma_wait3A = arith.constant 0 : i32
    %dma_wait3A_33 = arith.constant 0 : i32
    %dma_wait3A_34 = tpu.memref_slice %arg9[%dma_wait3A, %dma_wait3A_33] : memref<1x128xi32, #tpu.memory_space<vmem>> -> memref<1x128xi32, #tpu.memory_space<vmem>>
    %dma_wait3A_35 = tpu.memref_squeeze %dma_wait3A_34 : memref<1x128xi32, #tpu.memory_space<vmem>> -> memref<128xi32, #tpu.memory_space<vmem>>
    %dma_wait3A_36 = arith.constant 0 : i32
    %dma_wait3A_37 = arith.constant 0 : i32
    %dma_wait3A_38 = tpu.memref_slice %arg16[%dma_wait3A_36, %dma_wait3A_37] : memref<10112x128xf32, #tpu.memory_space<vmem_shared>> -> memref<10112x128xf32, #tpu.memory_space<vmem_shared>>
    tpu.wait_indirect_dma semaphore(%arg19 : memref<!tpu.dma_semaphore, #tpu.memory_space<semaphore_mem>>) src(%arg13 : memref<128x128xf32, #tpu.memory_space<vmem>>) dst(%dma_wait3A_38 : memref<10112x128xf32, #tpu.memory_space<vmem_shared>>)
    %dma_wait3A_39 = arith.constant 0 : i32
    %dma_wait3A_40 = arith.constant 0 : i32
    %dma_wait3A_41 = tpu.memref_slice %arg10[%dma_wait3A_39, %dma_wait3A_40] : memref<1x128xi32, #tpu.memory_space<vmem>> -> memref<1x128xi32, #tpu.memory_space<vmem>>
    %dma_wait3A_42 = tpu.memref_squeeze %dma_wait3A_41 : memref<1x128xi32, #tpu.memory_space<vmem>> -> memref<128xi32, #tpu.memory_space<vmem>>
    %dma_wait3A_43 = arith.constant 0 : i32
    %dma_wait3A_44 = arith.constant 0 : i32
    %dma_wait3A_45 = tpu.memref_slice %arg16[%dma_wait3A_43, %dma_wait3A_44] : memref<10112x128xf32, #tpu.memory_space<vmem_shared>> -> memref<10112x128xf32, #tpu.memory_space<vmem_shared>>
    tpu.wait_indirect_dma semaphore(%arg20 : memref<!tpu.dma_semaphore, #tpu.memory_space<semaphore_mem>>) src(%arg14 : memref<128x128xf32, #tpu.memory_space<vmem>>) dst(%dma_wait3A_45 : memref<10112x128xf32, #tpu.memory_space<vmem_shared>>)
    %barrier3A_46 = arith.constant 0 : index
    tpu.barrier barrier_id(%barrier3A_46)
    %mul3A_47 = arith.constant 10112 : i32
    %mul3A_48 = arith.muli %arg0, %mul3A_47 : i32
    %add3A_49 = arith.addi %mul3A_48, %mul3A_10 : i32
    %scan3A_50 = arith.constant 0 : i32
    %scan3A_51 = arith.constant 0 : i32
    %scan3A_52 = arith.constant 4 : i32
    %scan3A_53 = arith.addi %scan3A_51, %scan3A_52 : i32
    %scan3A_54 = arith.constant 1 : i32
    scf.for %scan3A_60 = %scan3A_51 to %scan3A_53 step %scan3A_54  : i32 {
      %mul3A_61 = arith.constant 128 : i32
      %mul3A_62 = arith.muli %scan3A_60, %mul3A_61 : i32
      %add3A_63 = arith.addi %mul3A_10, %mul3A_62 : i32
      %mul3A_64 = arith.constant 128 : i32
      %mul3A_65 = arith.muli %scan3A_60, %mul3A_64 : i32
      %add3A_66 = arith.addi %add3A_49, %mul3A_65 : i32
      "tpu.region"() ({
        %run_scoped3A = tpu.sem_alloc : memref<!tpu.dma_semaphore, #tpu.memory_space<semaphore_mem>>
        %dma_start3A_67 = arith.constant 0 : i32
        %dma_start3A_68 = tpu.memref_slice %arg6[%add3A_66, %dma_start3A_67] : memref<20224x128xf32, #tpu.memory_space<hbm>> -> memref<128x128xf32, #tpu.memory_space<hbm>>
        %dma_start3A_69 = arith.constant 0 : i32
        %dma_start3A_70 = tpu.memref_slice %arg16[%add3A_63, %dma_start3A_69] : memref<10112x128xf32, #tpu.memory_space<vmem_shared>> -> memref<128x128xf32, #tpu.memory_space<vmem_shared>>
        tpu.enqueue_dma source(%dma_start3A_70 : memref<128x128xf32, #tpu.memory_space<vmem_shared>>) target(%dma_start3A_68 : memref<128x128xf32, #tpu.memory_space<hbm>>) target_semaphore(%run_scoped3A : memref<!tpu.dma_semaphore, #tpu.memory_space<semaphore_mem>>)
        %dma_wait3A_71 = arith.constant 0 : i32
        %dma_wait3A_72 = tpu.memref_slice %arg6[%add3A_66, %dma_wait3A_71] : memref<20224x128xf32, #tpu.memory_space<hbm>> -> memref<128x128xf32, #tpu.memory_space<hbm>>
        %dma_wait3A_73 = arith.constant 0 : i32
        %dma_wait3A_74 = tpu.memref_slice %arg16[%add3A_63, %dma_wait3A_73] : memref<10112x128xf32, #tpu.memory_space<vmem_shared>> -> memref<128x128xf32, #tpu.memory_space<vmem_shared>>
        tpu.wait_dma2 semaphore(%run_scoped3A : memref<!tpu.dma_semaphore, #tpu.memory_space<semaphore_mem>>) src(%dma_wait3A_74 : memref<128x128xf32, #tpu.memory_space<vmem_shared>>) dst(%dma_wait3A_72 : memref<128x128xf32, #tpu.memory_space<hbm>>)
        tpu.yield
      }) : () -> ()
    }
    %scan3A_55 = arith.constant 4 : i32
    %add3A_56 = arith.constant 512 : i32
    %add3A_57 = arith.addi %mul3A_10, %add3A_56 : i32
    %add3A_58 = arith.constant 512 : i32
    %add3A_59 = arith.addi %add3A_49, %add3A_58 : i32
    "tpu.region"() ({
      %run_scoped3A = tpu.sem_alloc : memref<!tpu.dma_semaphore, #tpu.memory_space<semaphore_mem>>
      %dma_start3A_60 = arith.constant 0 : i32
      %dma_start3A_61 = tpu.memref_slice %arg6[%add3A_59, %dma_start3A_60] : memref<20224x128xf32, #tpu.memory_space<hbm>> -> memref<120x128xf32, #tpu.memory_space<hbm>>
      %dma_start3A_62 = arith.constant 0 : i32
      %dma_start3A_63 = tpu.memref_slice %arg16[%add3A_57, %dma_start3A_62] : memref<10112x128xf32, #tpu.memory_space<vmem_shared>> -> memref<120x128xf32, #tpu.memory_space<vmem_shared>>
      tpu.enqueue_dma source(%dma_start3A_63 : memref<120x128xf32, #tpu.memory_space<vmem_shared>>) target(%dma_start3A_61 : memref<120x128xf32, #tpu.memory_space<hbm>>) target_semaphore(%run_scoped3A : memref<!tpu.dma_semaphore, #tpu.memory_space<semaphore_mem>>)
      %dma_wait3A_64 = arith.constant 0 : i32
      %dma_wait3A_65 = tpu.memref_slice %arg6[%add3A_59, %dma_wait3A_64] : memref<20224x128xf32, #tpu.memory_space<hbm>> -> memref<120x128xf32, #tpu.memory_space<hbm>>
      %dma_wait3A_66 = arith.constant 0 : i32
      %dma_wait3A_67 = tpu.memref_slice %arg16[%add3A_57, %dma_wait3A_66] : memref<10112x128xf32, #tpu.memory_space<vmem_shared>> -> memref<120x128xf32, #tpu.memory_space<vmem_shared>>
      tpu.wait_dma2 semaphore(%run_scoped3A : memref<!tpu.dma_semaphore, #tpu.memory_space<semaphore_mem>>) src(%dma_wait3A_67 : memref<120x128xf32, #tpu.memory_space<vmem_shared>>) dst(%dma_wait3A_65 : memref<120x128xf32, #tpu.memory_space<hbm>>)
      tpu.yield
    }) : () -> ()
    return
  }
}

#map = affine_map<(d0, d1) -> (0, 0)>
#map1 = affine_map<(d0, d1) -> (0)>
module attributes {stable_mosaic.version = 14 : i64} {
  func.func @body(%arg0: i32, %arg1: i32, %arg2: memref<20000x128xf32, #tpu.memory_space<hbm>>, %arg3: memref<163840xi32, #tpu.memory_space<hbm>>, %arg4: memref<1280x128xi32, #tpu.memory_space<hbm>>, %arg5: memref<163840xf32, #tpu.memory_space<hbm>>, %arg6: memref<20224x128xf32, #tpu.memory_space<hbm>>, %arg7: memref<128xi32, #tpu.memory_space<vmem>>, %arg8: memref<128xi32, #tpu.memory_space<vmem>>, %arg9: memref<1x128xi32, #tpu.memory_space<vmem>>, %arg10: memref<1x128xi32, #tpu.memory_space<vmem>>, %arg11: memref<128xf32, #tpu.memory_space<vmem>>, %arg12: memref<128xf32, #tpu.memory_space<vmem>>, %arg13: memref<128x128xf32, #tpu.memory_space<vmem>>, %arg14: memref<128x128xf32, #tpu.memory_space<vmem>>, %arg15: memref<128x128xf32, #tpu.memory_space<vmem>>, %arg16: memref<10112x128xf32, #tpu.memory_space<vmem_shared>>, %arg17: memref<!tpu.dma_semaphore, #tpu.memory_space<semaphore_mem>>, %arg18: memref<!tpu.dma_semaphore, #tpu.memory_space<semaphore_mem>>, %arg19: memref<!tpu.dma_semaphore, #tpu.memory_space<semaphore_mem>>, %arg20: memref<!tpu.dma_semaphore, #tpu.memory_space<semaphore_mem>>) attributes {dimension_semantics = [#tpu.dimension_semantics<core_parallel>, #tpu.dimension_semantics<subcore_parallel>], iteration_bounds = array<i64: 2, 16>, scalar_prefetch = 0 : i64, scratch_operands = 14 : i64, tpu.core_type = #tpu.core_type<sc_vector_subcore>, window_params = [{transform_indices = #map}, {transform_indices = #map1}, {transform_indices = #map}, {transform_indices = #map1}, {transform_indices = #map}]} {
    %broadcast_in_dim3A = arith.constant 0.000000e+00 : f32
    %broadcast_in_dim3A_0 = vector.broadcast %broadcast_in_dim3A : f32 to vector<16xf32>
    %mul3A = arith.constant 80 : i32
    %mul3A_1 = arith.muli %arg1, %mul3A : i32
    %scan3A = arith.constant 0 : i32
    %scan3A_2 = arith.constant 0 : i32
    %scan3A_3 = arith.constant 128 : i32
    %scan3A_4 = arith.addi %scan3A_2, %scan3A_3 : i32
    %scan3A_5 = arith.constant 1 : i32
    scf.for %scan3A_105 = %scan3A_2 to %scan3A_4 step %scan3A_5  : i32 {
      %swap3A_106 = arith.index_cast %scan3A_105 : i32 to index
      %swap3A_107 = arith.constant 0 : index
      %swap3A_108 = tpu.vector_load %arg15[%swap3A_106, %swap3A_107] {strides = array<i32>} : memref<128x128xf32, #tpu.memory_space<vmem>>, vector<16xf32>,
      tpu.vector_store %arg15[%swap3A_106, %swap3A_107], %broadcast_in_dim3A_0 {strides = array<i32>} : memref<128x128xf32, #tpu.memory_space<vmem>>, vector<16xf32>,
      %swap3A_109 = arith.index_cast %scan3A_105 : i32 to index
      %swap3A_110 = arith.constant 16 : index
      %swap3A_111 = tpu.vector_load %arg15[%swap3A_109, %swap3A_110] {strides = array<i32>} : memref<128x128xf32, #tpu.memory_space<vmem>>, vector<16xf32>,
      tpu.vector_store %arg15[%swap3A_109, %swap3A_110], %broadcast_in_dim3A_0 {strides = array<i32>} : memref<128x128xf32, #tpu.memory_space<vmem>>, vector<16xf32>,
      %swap3A_112 = arith.index_cast %scan3A_105 : i32 to index
      %swap3A_113 = arith.constant 32 : index
      %swap3A_114 = tpu.vector_load %arg15[%swap3A_112, %swap3A_113] {strides = array<i32>} : memref<128x128xf32, #tpu.memory_space<vmem>>, vector<16xf32>,
      tpu.vector_store %arg15[%swap3A_112, %swap3A_113], %broadcast_in_dim3A_0 {strides = array<i32>} : memref<128x128xf32, #tpu.memory_space<vmem>>, vector<16xf32>,
      %swap3A_115 = arith.index_cast %scan3A_105 : i32 to index
      %swap3A_116 = arith.constant 48 : index
      %swap3A_117 = tpu.vector_load %arg15[%swap3A_115, %swap3A_116] {strides = array<i32>} : memref<128x128xf32, #tpu.memory_space<vmem>>, vector<16xf32>,
      tpu.vector_store %arg15[%swap3A_115, %swap3A_116], %broadcast_in_dim3A_0 {strides = array<i32>} : memref<128x128xf32, #tpu.memory_space<vmem>>, vector<16xf32>,
      %swap3A_118 = arith.index_cast %scan3A_105 : i32 to index
      %swap3A_119 = arith.constant 64 : index
      %swap3A_120 = tpu.vector_load %arg15[%swap3A_118, %swap3A_119] {strides = array<i32>} : memref<128x128xf32, #tpu.memory_space<vmem>>, vector<16xf32>,
      tpu.vector_store %arg15[%swap3A_118, %swap3A_119], %broadcast_in_dim3A_0 {strides = array<i32>} : memref<128x128xf32, #tpu.memory_space<vmem>>, vector<16xf32>,
      %swap3A_121 = arith.index_cast %scan3A_105 : i32 to index
      %swap3A_122 = arith.constant 80 : index
      %swap3A_123 = tpu.vector_load %arg15[%swap3A_121, %swap3A_122] {strides = array<i32>} : memref<128x128xf32, #tpu.memory_space<vmem>>, vector<16xf32>,
      tpu.vector_store %arg15[%swap3A_121, %swap3A_122], %broadcast_in_dim3A_0 {strides = array<i32>} : memref<128x128xf32, #tpu.memory_space<vmem>>, vector<16xf32>,
      %swap3A_124 = arith.index_cast %scan3A_105 : i32 to index
      %swap3A_125 = arith.constant 96 : index
      %swap3A_126 = tpu.vector_load %arg15[%swap3A_124, %swap3A_125] {strides = array<i32>} : memref<128x128xf32, #tpu.memory_space<vmem>>, vector<16xf32>,
      tpu.vector_store %arg15[%swap3A_124, %swap3A_125], %broadcast_in_dim3A_0 {strides = array<i32>} : memref<128x128xf32, #tpu.memory_space<vmem>>, vector<16xf32>,
      %swap3A_127 = arith.index_cast %scan3A_105 : i32 to index
      %swap3A_128 = arith.constant 112 : index
      %swap3A_129 = tpu.vector_load %arg15[%swap3A_127, %swap3A_128] {strides = array<i32>} : memref<128x128xf32, #tpu.memory_space<vmem>>, vector<16xf32>,
      tpu.vector_store %arg15[%swap3A_127, %swap3A_128], %broadcast_in_dim3A_0 {strides = array<i32>} : memref<128x128xf32, #tpu.memory_space<vmem>>, vector<16xf32>,
    }
    %scan3A_6 = arith.constant 128 : i32
    %mul3A_7 = arith.constant 632 : i32
    %mul3A_8 = arith.muli %arg1, %mul3A_7 : i32
    %scan3A_9 = arith.constant 0 : i32
    %scan3A_10 = arith.constant 0 : i32
    %scan3A_11 = arith.constant 4 : i32
    %scan3A_12 = arith.addi %scan3A_10, %scan3A_11 : i32
    %scan3A_13 = arith.constant 1 : i32
    scf.for %scan3A_105 = %scan3A_10 to %scan3A_12 step %scan3A_13  : i32 {
      %mul3A_106 = arith.constant 128 : i32
      %mul3A_107 = arith.muli %scan3A_105, %mul3A_106 : i32
      %add3A_108 = arith.addi %mul3A_8, %mul3A_107 : i32
      "tpu.region"() ({
        %run_scoped3A = tpu.sem_alloc : memref<!tpu.dma_semaphore, #tpu.memory_space<semaphore_mem>>
        %dma_start3A_109 = arith.constant 0 : i32
        %dma_start3A_110 = tpu.memref_slice %arg16[%add3A_108, %dma_start3A_109] : memref<10112x128xf32, #tpu.memory_space<vmem_shared>> -> memref<128x128xf32, #tpu.memory_space<vmem_shared>>
        %dma_start3A_111 = arith.constant 0 : i32
        %dma_start3A_112 = tpu.memref_slice %arg16[%add3A_108, %dma_start3A_111] : memref<10112x128xf32, #tpu.memory_space<vmem_shared>> -> memref<128x128xf32, #tpu.memory_space<vmem_shared>>
        tpu.enqueue_dma source(%arg15 : memref<128x128xf32, #tpu.memory_space<vmem>>) target(%dma_start3A_112 : memref<128x128xf32, #tpu.memory_space<vmem_shared>>) target_semaphore(%run_scoped3A : memref<!tpu.dma_semaphore, #tpu.memory_space<semaphore_mem>>)
        %dma_wait3A_113 = arith.constant 0 : i32
        %dma_wait3A_114 = tpu.memref_slice %arg16[%add3A_108, %dma_wait3A_113] : memref<10112x128xf32, #tpu.memory_space<vmem_shared>> -> memref<128x128xf32, #tpu.memory_space<vmem_shared>>
        %dma_wait3A_115 = arith.constant 0 : i32
        %dma_wait3A_116 = tpu.memref_slice %arg16[%add3A_108, %dma_wait3A_115] : memref<10112x128xf32, #tpu.memory_space<vmem_shared>> -> memref<128x128xf32, #tpu.memory_space<vmem_shared>>
        tpu.wait_dma2 semaphore(%run_scoped3A : memref<!tpu.dma_semaphore, #tpu.memory_space<semaphore_mem>>) src(%arg15 : memref<128x128xf32, #tpu.memory_space<vmem>>) dst(%dma_wait3A_116 : memref<128x128xf32, #tpu.memory_space<vmem_shared>>)
        tpu.yield
      }) : () -> ()
    }
    %scan3A_14 = arith.constant 4 : i32
    %add3A = arith.constant 512 : i32
    %add3A_15 = arith.addi %mul3A_8, %add3A : i32
    "tpu.region"() ({
      %run_scoped3A = tpu.sem_alloc : memref<!tpu.dma_semaphore, #tpu.memory_space<semaphore_mem>>
      %dma_start3A_105 = arith.constant 0 : i32
      %dma_start3A_106 = arith.constant 0 : i32
      %dma_start3A_107 = tpu.memref_slice %arg15[%dma_start3A_105, %dma_start3A_106] : memref<128x128xf32, #tpu.memory_space<vmem>> -> memref<120x128xf32, #tpu.memory_space<vmem>>
      %dma_start3A_108 = arith.constant 0 : i32
      %dma_start3A_109 = tpu.memref_slice %arg16[%add3A_15, %dma_start3A_108] : memref<10112x128xf32, #tpu.memory_space<vmem_shared>> -> memref<120x128xf32, #tpu.memory_space<vmem_shared>>
      %dma_start3A_110 = arith.constant 0 : i32
      %dma_start3A_111 = tpu.memref_slice %arg16[%add3A_15, %dma_start3A_110] : memref<10112x128xf32, #tpu.memory_space<vmem_shared>> -> memref<120x128xf32, #tpu.memory_space<vmem_shared>>
      %dma_start3A_112 = arith.constant 0 : i32
      %dma_start3A_113 = arith.constant 0 : i32
      %dma_start3A_114 = tpu.memref_slice %arg15[%dma_start3A_112, %dma_start3A_113] : memref<128x128xf32, #tpu.memory_space<vmem>> -> memref<120x128xf32, #tpu.memory_space<vmem>>
      tpu.enqueue_dma source(%dma_start3A_114 : memref<120x128xf32, #tpu.memory_space<vmem>>) target(%dma_start3A_111 : memref<120x128xf32, #tpu.memory_space<vmem_shared>>) target_semaphore(%run_scoped3A : memref<!tpu.dma_semaphore, #tpu.memory_space<semaphore_mem>>)
      %dma_wait3A_115 = arith.constant 0 : i32
      %dma_wait3A_116 = arith.constant 0 : i32
      %dma_wait3A_117 = tpu.memref_slice %arg15[%dma_wait3A_115, %dma_wait3A_116] : memref<128x128xf32, #tpu.memory_space<vmem>> -> memref<120x128xf32, #tpu.memory_space<vmem>>
      %dma_wait3A_118 = arith.constant 0 : i32
      %dma_wait3A_119 = tpu.memref_slice %arg16[%add3A_15, %dma_wait3A_118] : memref<10112x128xf32, #tpu.memory_space<vmem_shared>> -> memref<120x128xf32, #tpu.memory_space<vmem_shared>>
      %dma_wait3A_120 = arith.constant 0 : i32
      %dma_wait3A_121 = tpu.memref_slice %arg16[%add3A_15, %dma_wait3A_120] : memref<10112x128xf32, #tpu.memory_space<vmem_shared>> -> memref<120x128xf32, #tpu.memory_space<vmem_shared>>
      %dma_wait3A_122 = arith.constant 0 : i32
      %dma_wait3A_123 = arith.constant 0 : i32
      %dma_wait3A_124 = tpu.memref_slice %arg15[%dma_wait3A_122, %dma_wait3A_123] : memref<128x128xf32, #tpu.memory_space<vmem>> -> memref<120x128xf32, #tpu.memory_space<vmem>>
      tpu.wait_dma2 semaphore(%run_scoped3A : memref<!tpu.dma_semaphore, #tpu.memory_space<semaphore_mem>>) src(%dma_wait3A_124 : memref<120x128xf32, #tpu.memory_space<vmem>>) dst(%dma_wait3A_121 : memref<120x128xf32, #tpu.memory_space<vmem_shared>>)
      tpu.yield
    }) : () -> ()
    %barrier3A = arith.constant 0 : index
    tpu.barrier barrier_id(%barrier3A)
    %add3A_16 = arith.constant 0 : i32
    %add3A_17 = arith.addi %mul3A_1, %add3A_16 : i32
    %mul3A_18 = arith.constant 128 : i32
    %mul3A_19 = arith.muli %add3A_17, %mul3A_18 : i32
    "tpu.region"() ({
      %run_scoped3A = tpu.sem_alloc : memref<!tpu.dma_semaphore, #tpu.memory_space<semaphore_mem>>
      %dma_start3A_105 = tpu.memref_slice %arg3[%mul3A_19] : memref<163840xi32, #tpu.memory_space<hbm>> -> memref<128xi32, #tpu.memory_space<hbm>>
      %dma_start3A_106 = tpu.memref_slice %arg3[%mul3A_19] : memref<163840xi32, #tpu.memory_space<hbm>> -> memref<128xi32, #tpu.memory_space<hbm>>
      tpu.enqueue_dma source(%dma_start3A_106 : memref<128xi32, #tpu.memory_space<hbm>>) target(%arg7 : memref<128xi32, #tpu.memory_space<vmem>>) target_semaphore(%run_scoped3A : memref<!tpu.dma_semaphore, #tpu.memory_space<semaphore_mem>>)
      %dma_wait3A_107 = tpu.memref_slice %arg3[%mul3A_19] : memref<163840xi32, #tpu.memory_space<hbm>> -> memref<128xi32, #tpu.memory_space<hbm>>
      %dma_wait3A_108 = tpu.memref_slice %arg3[%mul3A_19] : memref<163840xi32, #tpu.memory_space<hbm>> -> memref<128xi32, #tpu.memory_space<hbm>>
      tpu.wait_dma2 semaphore(%run_scoped3A : memref<!tpu.dma_semaphore, #tpu.memory_space<semaphore_mem>>) src(%dma_wait3A_108 : memref<128xi32, #tpu.memory_space<hbm>>) dst(%arg7 : memref<128xi32, #tpu.memory_space<vmem>>)
      tpu.yield
    }) : () -> ()
    "tpu.region"() ({
      %run_scoped3A = tpu.sem_alloc : memref<!tpu.dma_semaphore, #tpu.memory_space<semaphore_mem>>
      %dma_start3A_105 = arith.constant 0 : i32
      %dma_start3A_106 = tpu.memref_slice %arg4[%add3A_17, %dma_start3A_105] : memref<1280x128xi32, #tpu.memory_space<hbm>> -> memref<1x128xi32, #tpu.memory_space<hbm>>
      %dma_start3A_107 = arith.constant 0 : i32
      %dma_start3A_108 = tpu.memref_slice %arg4[%add3A_17, %dma_start3A_107] : memref<1280x128xi32, #tpu.memory_space<hbm>> -> memref<1x128xi32, #tpu.memory_space<hbm>>
      tpu.enqueue_dma source(%dma_start3A_108 : memref<1x128xi32, #tpu.memory_space<hbm>>) target(%arg9 : memref<1x128xi32, #tpu.memory_space<vmem>>) target_semaphore(%run_scoped3A : memref<!tpu.dma_semaphore, #tpu.memory_space<semaphore_mem>>)
      %dma_wait3A_109 = arith.constant 0 : i32
      %dma_wait3A_110 = tpu.memref_slice %arg4[%add3A_17, %dma_wait3A_109] : memref<1280x128xi32, #tpu.memory_space<hbm>> -> memref<1x128xi32, #tpu.memory_space<hbm>>
      %dma_wait3A_111 = arith.constant 0 : i32
      %dma_wait3A_112 = tpu.memref_slice %arg4[%add3A_17, %dma_wait3A_111] : memref<1280x128xi32, #tpu.memory_space<hbm>> -> memref<1x128xi32, #tpu.memory_space<hbm>>
      tpu.wait_dma2 semaphore(%run_scoped3A : memref<!tpu.dma_semaphore, #tpu.memory_space<semaphore_mem>>) src(%dma_wait3A_112 : memref<1x128xi32, #tpu.memory_space<hbm>>) dst(%arg9 : memref<1x128xi32, #tpu.memory_space<vmem>>)
      tpu.yield
    }) : () -> ()
    %mul3A_20 = arith.constant 128 : i32
    %mul3A_21 = arith.muli %add3A_17, %mul3A_20 : i32
    "tpu.region"() ({
      %run_scoped3A = tpu.sem_alloc : memref<!tpu.dma_semaphore, #tpu.memory_space<semaphore_mem>>
      %dma_start3A_105 = tpu.memref_slice %arg5[%mul3A_21] : memref<163840xf32, #tpu.memory_space<hbm>> -> memref<128xf32, #tpu.memory_space<hbm>>
      %dma_start3A_106 = tpu.memref_slice %arg5[%mul3A_21] : memref<163840xf32, #tpu.memory_space<hbm>> -> memref<128xf32, #tpu.memory_space<hbm>>
      tpu.enqueue_dma source(%dma_start3A_106 : memref<128xf32, #tpu.memory_space<hbm>>) target(%arg11 : memref<128xf32, #tpu.memory_space<vmem>>) target_semaphore(%run_scoped3A : memref<!tpu.dma_semaphore, #tpu.memory_space<semaphore_mem>>)
      %dma_wait3A_107 = tpu.memref_slice %arg5[%mul3A_21] : memref<163840xf32, #tpu.memory_space<hbm>> -> memref<128xf32, #tpu.memory_space<hbm>>
      %dma_wait3A_108 = tpu.memref_slice %arg5[%mul3A_21] : memref<163840xf32, #tpu.memory_space<hbm>> -> memref<128xf32, #tpu.memory_space<hbm>>
      tpu.wait_dma2 semaphore(%run_scoped3A : memref<!tpu.dma_semaphore, #tpu.memory_space<semaphore_mem>>) src(%dma_wait3A_108 : memref<128xf32, #tpu.memory_space<hbm>>) dst(%arg11 : memref<128xf32, #tpu.memory_space<vmem>>)
      tpu.yield
    }) : () -> ()
    %mul3A_22 = arith.constant 10000 : i32
    %mul3A_23 = arith.muli %arg0, %mul3A_22 : i32
    %get3A = arith.constant 0 : index
    %get3A_24 = tpu.vector_load %arg7[%get3A] {strides = array<i32>} : memref<128xi32, #tpu.memory_space<vmem>>, vector<16xi32>,
    %add3A_25 = vector.broadcast %mul3A_23 : i32 to vector<16xi32>
    %add3A_26 = arith.addi %get3A_24, %add3A_25 : vector<16xi32>
    %swap3A = arith.constant 0 : index
    %swap3A_27 = tpu.vector_load %arg7[%swap3A] {strides = array<i32>} : memref<128xi32, #tpu.memory_space<vmem>>, vector<16xi32>,
    tpu.vector_store %arg7[%swap3A], %add3A_26 {strides = array<i32>} : memref<128xi32, #tpu.memory_space<vmem>>, vector<16xi32>,
    %get3A_28 = arith.constant 16 : index
    %get3A_29 = tpu.vector_load %arg7[%get3A_28] {strides = array<i32>} : memref<128xi32, #tpu.memory_space<vmem>>, vector<16xi32>,
    %add3A_30 = vector.broadcast %mul3A_23 : i32 to vector<16xi32>
    %add3A_31 = arith.addi %get3A_29, %add3A_30 : vector<16xi32>
    %swap3A_32 = arith.constant 16 : index
    %swap3A_33 = tpu.vector_load %arg7[%swap3A_32] {strides = array<i32>} : memref<128xi32, #tpu.memory_space<vmem>>, vector<16xi32>,
    tpu.vector_store %arg7[%swap3A_32], %add3A_31 {strides = array<i32>} : memref<128xi32, #tpu.memory_space<vmem>>, vector<16xi32>,
    %get3A_34 = arith.constant 32 : index
    %get3A_35 = tpu.vector_load %arg7[%get3A_34] {strides = array<i32>} : memref<128xi32, #tpu.memory_space<vmem>>, vector<16xi32>,
    %add3A_36 = vector.broadcast %mul3A_23 : i32 to vector<16xi32>
    %add3A_37 = arith.addi %get3A_35, %add3A_36 : vector<16xi32>
    %swap3A_38 = arith.constant 32 : index
    %swap3A_39 = tpu.vector_load %arg7[%swap3A_38] {strides = array<i32>} : memref<128xi32, #tpu.memory_space<vmem>>, vector<16xi32>,
    tpu.vector_store %arg7[%swap3A_38], %add3A_37 {strides = array<i32>} : memref<128xi32, #tpu.memory_space<vmem>>, vector<16xi32>,
    %get3A_40 = arith.constant 48 : index
    %get3A_41 = tpu.vector_load %arg7[%get3A_40] {strides = array<i32>} : memref<128xi32, #tpu.memory_space<vmem>>, vector<16xi32>,
    %add3A_42 = vector.broadcast %mul3A_23 : i32 to vector<16xi32>
    %add3A_43 = arith.addi %get3A_41, %add3A_42 : vector<16xi32>
    %swap3A_44 = arith.constant 48 : index
    %swap3A_45 = tpu.vector_load %arg7[%swap3A_44] {strides = array<i32>} : memref<128xi32, #tpu.memory_space<vmem>>, vector<16xi32>,
    tpu.vector_store %arg7[%swap3A_44], %add3A_43 {strides = array<i32>} : memref<128xi32, #tpu.memory_space<vmem>>, vector<16xi32>,
    %get3A_46 = arith.constant 64 : index
    %get3A_47 = tpu.vector_load %arg7[%get3A_46] {strides = array<i32>} : memref<128xi32, #tpu.memory_space<vmem>>, vector<16xi32>,
    %add3A_48 = vector.broadcast %mul3A_23 : i32 to vector<16xi32>
    %add3A_49 = arith.addi %get3A_47, %add3A_48 : vector<16xi32>
    %swap3A_50 = arith.constant 64 : index
    %swap3A_51 = tpu.vector_load %arg7[%swap3A_50] {strides = array<i32>} : memref<128xi32, #tpu.memory_space<vmem>>, vector<16xi32>,
    tpu.vector_store %arg7[%swap3A_50], %add3A_49 {strides = array<i32>} : memref<128xi32, #tpu.memory_space<vmem>>, vector<16xi32>,
    %get3A_52 = arith.constant 80 : index
    %get3A_53 = tpu.vector_load %arg7[%get3A_52] {strides = array<i32>} : memref<128xi32, #tpu.memory_space<vmem>>, vector<16xi32>,
    %add3A_54 = vector.broadcast %mul3A_23 : i32 to vector<16xi32>
    %add3A_55 = arith.addi %get3A_53, %add3A_54 : vector<16xi32>
    %swap3A_56 = arith.constant 80 : index
    %swap3A_57 = tpu.vector_load %arg7[%swap3A_56] {strides = array<i32>} : memref<128xi32, #tpu.memory_space<vmem>>, vector<16xi32>,
    tpu.vector_store %arg7[%swap3A_56], %add3A_55 {strides = array<i32>} : memref<128xi32, #tpu.memory_space<vmem>>, vector<16xi32>,
    %get3A_58 = arith.constant 96 : index
    %get3A_59 = tpu.vector_load %arg7[%get3A_58] {strides = array<i32>} : memref<128xi32, #tpu.memory_space<vmem>>, vector<16xi32>,
    %add3A_60 = vector.broadcast %mul3A_23 : i32 to vector<16xi32>
    %add3A_61 = arith.addi %get3A_59, %add3A_60 : vector<16xi32>
    %swap3A_62 = arith.constant 96 : index
    %swap3A_63 = tpu.vector_load %arg7[%swap3A_62] {strides = array<i32>} : memref<128xi32, #tpu.memory_space<vmem>>, vector<16xi32>,
    tpu.vector_store %arg7[%swap3A_62], %add3A_61 {strides = array<i32>} : memref<128xi32, #tpu.memory_space<vmem>>, vector<16xi32>,
    %get3A_64 = arith.constant 112 : index
    %get3A_65 = tpu.vector_load %arg7[%get3A_64] {strides = array<i32>} : memref<128xi32, #tpu.memory_space<vmem>>, vector<16xi32>,
    %add3A_66 = vector.broadcast %mul3A_23 : i32 to vector<16xi32>
    %add3A_67 = arith.addi %get3A_65, %add3A_66 : vector<16xi32>
    %swap3A_68 = arith.constant 112 : index
    %swap3A_69 = tpu.vector_load %arg7[%swap3A_68] {strides = array<i32>} : memref<128xi32, #tpu.memory_space<vmem>>, vector<16xi32>,
    tpu.vector_store %arg7[%swap3A_68], %add3A_67 {strides = array<i32>} : memref<128xi32, #tpu.memory_space<vmem>>, vector<16xi32>,
    %dma_start3A = arith.constant 0 : i32
    %dma_start3A_70 = arith.constant 0 : i32
    %dma_start3A_71 = tpu.memref_slice %arg2[%dma_start3A, %dma_start3A_70] : memref<20000x128xf32, #tpu.memory_space<hbm>> -> memref<20000x128xf32, #tpu.memory_space<hbm>>
    tpu.enqueue_indirect_dma source(%dma_start3A_71 : memref<20000x128xf32, #tpu.memory_space<hbm>>) target(%arg13 : memref<128x128xf32, #tpu.memory_space<vmem>>) offsets(%arg7 : memref<128xi32, #tpu.memory_space<vmem>>) semaphore(%arg17 : memref<!tpu.dma_semaphore, #tpu.memory_space<semaphore_mem>>)
    %scan3A_72 = arith.constant 0 : i32
    %scan3A_73 = arith.constant 0 : i32
    %scan3A_74 = arith.constant 40 : i32
    %scan3A_75 = arith.addi %scan3A_73, %scan3A_74 : i32
    %scan3A_76 = arith.constant 1 : i32
    scf.for %scan3A_105 = %scan3A_73 to %scan3A_75 step %scan3A_76  : i32 {
      %mul3A_106 = arith.constant 2 : i32
      %mul3A_107 = arith.muli %scan3A_105, %mul3A_106 : i32
      %add3A_108 = arith.constant 0 : i32
      %add3A_109 = arith.addi %mul3A_107, %add3A_108 : i32
      %add3A_110 = arith.constant 1 : i32
      %add3A_111 = arith.addi %add3A_109, %add3A_110 : i32
      %lt3A = arith.constant 80 : i32
      %lt3A_112 = arith.cmpi slt, %add3A_111, %lt3A : i32
      %ge3A = arith.constant 1 : i32
      %ge3A_113 = arith.cmpi sge, %add3A_109, %ge3A : i32
      %and3A = arith.andi %lt3A_112, %ge3A_113 : i1
      %convert_element_type3A = arith.extui %and3A : i1 to i32
      %cond3A = arith.constant 0 : i32
      %cond3A_114 = arith.cmpi ne, %convert_element_type3A, %cond3A : i32
      scf.if %cond3A_114 {
        %dma_wait3A_175 = arith.constant 0 : i32
        %dma_wait3A_176 = arith.constant 0 : i32
        %dma_wait3A_177 = tpu.memref_slice %arg10[%dma_wait3A_175, %dma_wait3A_176] : memref<1x128xi32, #tpu.memory_space<vmem>> -> memref<1x128xi32, #tpu.memory_space<vmem>>
        %dma_wait3A_178 = tpu.memref_squeeze %dma_wait3A_177 : memref<1x128xi32, #tpu.memory_space<vmem>> -> memref<128xi32, #tpu.memory_space<vmem>>
        %dma_wait3A_179 = arith.constant 0 : i32
        %dma_wait3A_180 = arith.constant 0 : i32
        %dma_wait3A_181 = tpu.memref_slice %arg16[%dma_wait3A_179, %dma_wait3A_180] : memref<10112x128xf32, #tpu.memory_space<vmem_shared>> -> memref<10112x128xf32, #tpu.memory_space<vmem_shared>>
        tpu.wait_indirect_dma semaphore(%arg20 : memref<!tpu.dma_semaphore, #tpu.memory_space<semaphore_mem>>) src(%arg14 : memref<128x128xf32, #tpu.memory_space<vmem>>) dst(%dma_wait3A_181 : memref<10112x128xf32, #tpu.memory_space<vmem_shared>>)
      } else {
      }
      %add3A_115 = arith.constant 1 : i32
      %add3A_116 = arith.addi %add3A_109, %add3A_115 : i32
      %lt3A_117 = arith.constant 80 : i32
      %lt3A_118 = arith.cmpi slt, %add3A_116, %lt3A_117 : i32
      %convert_element_type3A_119 = arith.extui %lt3A_118 : i1 to i32
      %cond3A_120 = arith.constant 0 : i32
      %cond3A_121 = arith.cmpi ne, %convert_element_type3A_119, %cond3A_120 : i32
      scf.if %cond3A_121 {
        %add3A_175 = arith.constant 1 : i32
        %add3A_176 = arith.addi %add3A_109, %add3A_175 : i32
        %add3A_177 = arith.addi %mul3A_1, %add3A_176 : i32
        %mul3A_178 = arith.constant 128 : i32
        %mul3A_179 = arith.muli %add3A_177, %mul3A_178 : i32
        "tpu.region"() ({
          %run_scoped3A = tpu.sem_alloc : memref<!tpu.dma_semaphore, #tpu.memory_space<semaphore_mem>>
          %dma_start3A_235 = tpu.memref_slice %arg3[%mul3A_179] : memref<163840xi32, #tpu.memory_space<hbm>> -> memref<128xi32, #tpu.memory_space<hbm>>
          %dma_start3A_236 = tpu.memref_slice %arg3[%mul3A_179] : memref<163840xi32, #tpu.memory_space<hbm>> -> memref<128xi32, #tpu.memory_space<hbm>>
          tpu.enqueue_dma source(%dma_start3A_236 : memref<128xi32, #tpu.memory_space<hbm>>) target(%arg8 : memref<128xi32, #tpu.memory_space<vmem>>) target_semaphore(%run_scoped3A : memref<!tpu.dma_semaphore, #tpu.memory_space<semaphore_mem>>)
          %dma_wait3A_237 = tpu.memref_slice %arg3[%mul3A_179] : memref<163840xi32, #tpu.memory_space<hbm>> -> memref<128xi32, #tpu.memory_space<hbm>>
          %dma_wait3A_238 = tpu.memref_slice %arg3[%mul3A_179] : memref<163840xi32, #tpu.memory_space<hbm>> -> memref<128xi32, #tpu.memory_space<hbm>>
          tpu.wait_dma2 semaphore(%run_scoped3A : memref<!tpu.dma_semaphore, #tpu.memory_space<semaphore_mem>>) src(%dma_wait3A_238 : memref<128xi32, #tpu.memory_space<hbm>>) dst(%arg8 : memref<128xi32, #tpu.memory_space<vmem>>)
          tpu.yield
        }) : () -> ()
        "tpu.region"() ({
          %run_scoped3A = tpu.sem_alloc : memref<!tpu.dma_semaphore, #tpu.memory_space<semaphore_mem>>
          %dma_start3A_235 = arith.constant 0 : i32
          %dma_start3A_236 = tpu.memref_slice %arg4[%add3A_177, %dma_start3A_235] : memref<1280x128xi32, #tpu.memory_space<hbm>> -> memref<1x128xi32, #tpu.memory_space<hbm>>
          %dma_start3A_237 = arith.constant 0 : i32
          %dma_start3A_238 = tpu.memref_slice %arg4[%add3A_177, %dma_start3A_237] : memref<1280x128xi32, #tpu.memory_space<hbm>> -> memref<1x128xi32, #tpu.memory_space<hbm>>
          tpu.enqueue_dma source(%dma_start3A_238 : memref<1x128xi32, #tpu.memory_space<hbm>>) target(%arg10 : memref<1x128xi32, #tpu.memory_space<vmem>>) target_semaphore(%run_scoped3A : memref<!tpu.dma_semaphore, #tpu.memory_space<semaphore_mem>>)
          %dma_wait3A_239 = arith.constant 0 : i32
          %dma_wait3A_240 = tpu.memref_slice %arg4[%add3A_177, %dma_wait3A_239] : memref<1280x128xi32, #tpu.memory_space<hbm>> -> memref<1x128xi32, #tpu.memory_space<hbm>>
          %dma_wait3A_241 = arith.constant 0 : i32
          %dma_wait3A_242 = tpu.memref_slice %arg4[%add3A_177, %dma_wait3A_241] : memref<1280x128xi32, #tpu.memory_space<hbm>> -> memref<1x128xi32, #tpu.memory_space<hbm>>
          tpu.wait_dma2 semaphore(%run_scoped3A : memref<!tpu.dma_semaphore, #tpu.memory_space<semaphore_mem>>) src(%dma_wait3A_242 : memref<1x128xi32, #tpu.memory_space<hbm>>) dst(%arg10 : memref<1x128xi32, #tpu.memory_space<vmem>>)
          tpu.yield
        }) : () -> ()
        %mul3A_180 = arith.constant 128 : i32
        %mul3A_181 = arith.muli %add3A_177, %mul3A_180 : i32
        "tpu.region"() ({
          %run_scoped3A = tpu.sem_alloc : memref<!tpu.dma_semaphore, #tpu.memory_space<semaphore_mem>>
          %dma_start3A_235 = tpu.memref_slice %arg5[%mul3A_181] : memref<163840xf32, #tpu.memory_space<hbm>> -> memref<128xf32, #tpu.memory_space<hbm>>
          %dma_start3A_236 = tpu.memref_slice %arg5[%mul3A_181] : memref<163840xf32, #tpu.memory_space<hbm>> -> memref<128xf32, #tpu.memory_space<hbm>>
          tpu.enqueue_dma source(%dma_start3A_236 : memref<128xf32, #tpu.memory_space<hbm>>) target(%arg12 : memref<128xf32, #tpu.memory_space<vmem>>) target_semaphore(%run_scoped3A : memref<!tpu.dma_semaphore, #tpu.memory_space<semaphore_mem>>)
          %dma_wait3A_237 = tpu.memref_slice %arg5[%mul3A_181] : memref<163840xf32, #tpu.memory_space<hbm>> -> memref<128xf32, #tpu.memory_space<hbm>>
          %dma_wait3A_238 = tpu.memref_slice %arg5[%mul3A_181] : memref<163840xf32, #tpu.memory_space<hbm>> -> memref<128xf32, #tpu.memory_space<hbm>>
          tpu.wait_dma2 semaphore(%run_scoped3A : memref<!tpu.dma_semaphore, #tpu.memory_space<semaphore_mem>>) src(%dma_wait3A_238 : memref<128xf32, #tpu.memory_space<hbm>>) dst(%arg12 : memref<128xf32, #tpu.memory_space<vmem>>)
          tpu.yield
        }) : () -> ()
        %mul3A_182 = arith.constant 10000 : i32
        %mul3A_183 = arith.muli %arg0, %mul3A_182 : i32
        %get3A_184 = arith.constant 0 : index
        %get3A_185 = tpu.vector_load %arg8[%get3A_184] {strides = array<i32>} : memref<128xi32, #tpu.memory_space<vmem>>, vector<16xi32>,
        %add3A_186 = vector.broadcast %mul3A_183 : i32 to vector<16xi32>
        %add3A_187 = arith.addi %get3A_185, %add3A_186 : vector<16xi32>
        %swap3A_188 = arith.constant 0 : index
        %swap3A_189 = tpu.vector_load %arg8[%swap3A_188] {strides = array<i32>} : memref<128xi32, #tpu.memory_space<vmem>>, vector<16xi32>,
        tpu.vector_store %arg8[%swap3A_188], %add3A_187 {strides = array<i32>} : memref<128xi32, #tpu.memory_space<vmem>>, vector<16xi32>,
        %get3A_190 = arith.constant 16 : index
        %get3A_191 = tpu.vector_load %arg8[%get3A_190] {strides = array<i32>} : memref<128xi32, #tpu.memory_space<vmem>>, vector<16xi32>,
        %add3A_192 = vector.broadcast %mul3A_183 : i32 to vector<16xi32>
        %add3A_193 = arith.addi %get3A_191, %add3A_192 : vector<16xi32>
        %swap3A_194 = arith.constant 16 : index
        %swap3A_195 = tpu.vector_load %arg8[%swap3A_194] {strides = array<i32>} : memref<128xi32, #tpu.memory_space<vmem>>, vector<16xi32>,
        tpu.vector_store %arg8[%swap3A_194], %add3A_193 {strides = array<i32>} : memref<128xi32, #tpu.memory_space<vmem>>, vector<16xi32>,
        %get3A_196 = arith.constant 32 : index
        %get3A_197 = tpu.vector_load %arg8[%get3A_196] {strides = array<i32>} : memref<128xi32, #tpu.memory_space<vmem>>, vector<16xi32>,
        %add3A_198 = vector.broadcast %mul3A_183 : i32 to vector<16xi32>
        %add3A_199 = arith.addi %get3A_197, %add3A_198 : vector<16xi32>
        %swap3A_200 = arith.constant 32 : index
        %swap3A_201 = tpu.vector_load %arg8[%swap3A_200] {strides = array<i32>} : memref<128xi32, #tpu.memory_space<vmem>>, vector<16xi32>,
        tpu.vector_store %arg8[%swap3A_200], %add3A_199 {strides = array<i32>} : memref<128xi32, #tpu.memory_space<vmem>>, vector<16xi32>,
        %get3A_202 = arith.constant 48 : index
        %get3A_203 = tpu.vector_load %arg8[%get3A_202] {strides = array<i32>} : memref<128xi32, #tpu.memory_space<vmem>>, vector<16xi32>,
        %add3A_204 = vector.broadcast %mul3A_183 : i32 to vector<16xi32>
        %add3A_205 = arith.addi %get3A_203, %add3A_204 : vector<16xi32>
        %swap3A_206 = arith.constant 48 : index
        %swap3A_207 = tpu.vector_load %arg8[%swap3A_206] {strides = array<i32>} : memref<128xi32, #tpu.memory_space<vmem>>, vector<16xi32>,
        tpu.vector_store %arg8[%swap3A_206], %add3A_205 {strides = array<i32>} : memref<128xi32, #tpu.memory_space<vmem>>, vector<16xi32>,
        %get3A_208 = arith.constant 64 : index
        %get3A_209 = tpu.vector_load %arg8[%get3A_208] {strides = array<i32>} : memref<128xi32, #tpu.memory_space<vmem>>, vector<16xi32>,
        %add3A_210 = vector.broadcast %mul3A_183 : i32 to vector<16xi32>
        %add3A_211 = arith.addi %get3A_209, %add3A_210 : vector<16xi32>
        %swap3A_212 = arith.constant 64 : index
        %swap3A_213 = tpu.vector_load %arg8[%swap3A_212] {strides = array<i32>} : memref<128xi32, #tpu.memory_space<vmem>>, vector<16xi32>,
        tpu.vector_store %arg8[%swap3A_212], %add3A_211 {strides = array<i32>} : memref<128xi32, #tpu.memory_space<vmem>>, vector<16xi32>,
        %get3A_214 = arith.constant 80 : index
        %get3A_215 = tpu.vector_load %arg8[%get3A_214] {strides = array<i32>} : memref<128xi32, #tpu.memory_space<vmem>>, vector<16xi32>,
        %add3A_216 = vector.broadcast %mul3A_183 : i32 to vector<16xi32>
        %add3A_217 = arith.addi %get3A_215, %add3A_216 : vector<16xi32>
        %swap3A_218 = arith.constant 80 : index
        %swap3A_219 = tpu.vector_load %arg8[%swap3A_218] {strides = array<i32>} : memref<128xi32, #tpu.memory_space<vmem>>, vector<16xi32>,
        tpu.vector_store %arg8[%swap3A_218], %add3A_217 {strides = array<i32>} : memref<128xi32, #tpu.memory_space<vmem>>, vector<16xi32>,
        %get3A_220 = arith.constant 96 : index
        %get3A_221 = tpu.vector_load %arg8[%get3A_220] {strides = array<i32>} : memref<128xi32, #tpu.memory_space<vmem>>, vector<16xi32>,
        %add3A_222 = vector.broadcast %mul3A_183 : i32 to vector<16xi32>
        %add3A_223 = arith.addi %get3A_221, %add3A_222 : vector<16xi32>
        %swap3A_224 = arith.constant 96 : index
        %swap3A_225 = tpu.vector_load %arg8[%swap3A_224] {strides = array<i32>} : memref<128xi32, #tpu.memory_space<vmem>>, vector<16xi32>,
        tpu.vector_store %arg8[%swap3A_224], %add3A_223 {strides = array<i32>} : memref<128xi32, #tpu.memory_space<vmem>>, vector<16xi32>,
        %get3A_226 = arith.constant 112 : index
        %get3A_227 = tpu.vector_load %arg8[%get3A_226] {strides = array<i32>} : memref<128xi32, #tpu.memory_space<vmem>>, vector<16xi32>,
        %add3A_228 = vector.broadcast %mul3A_183 : i32 to vector<16xi32>
        %add3A_229 = arith.addi %get3A_227, %add3A_228 : vector<16xi32>
        %swap3A_230 = arith.constant 112 : index
        %swap3A_231 = tpu.vector_load %arg8[%swap3A_230] {strides = array<i32>} : memref<128xi32, #tpu.memory_space<vmem>>, vector<16xi32>,
        tpu.vector_store %arg8[%swap3A_230], %add3A_229 {strides = array<i32>} : memref<128xi32, #tpu.memory_space<vmem>>, vector<16xi32>,
        %dma_start3A_232 = arith.constant 0 : i32
        %dma_start3A_233 = arith.constant 0 : i32
        %dma_start3A_234 = tpu.memref_slice %arg2[%dma_start3A_232, %dma_start3A_233] : memref<20000x128xf32, #tpu.memory_space<hbm>> -> memref<20000x128xf32, #tpu.memory_space<hbm>>
        tpu.enqueue_indirect_dma source(%dma_start3A_234 : memref<20000x128xf32, #tpu.memory_space<hbm>>) target(%arg14 : memref<128x128xf32, #tpu.memory_space<vmem>>) offsets(%arg8 : memref<128xi32, #tpu.memory_space<vmem>>) semaphore(%arg18 : memref<!tpu.dma_semaphore, #tpu.memory_space<semaphore_mem>>)
      } else {
      }
      %dma_wait3A_122 = arith.constant 0 : i32
      %dma_wait3A_123 = arith.constant 0 : i32
      %dma_wait3A_124 = tpu.memref_slice %arg2[%dma_wait3A_122, %dma_wait3A_123] : memref<20000x128xf32, #tpu.memory_space<hbm>> -> memref<20000x128xf32, #tpu.memory_space<hbm>>
      tpu.wait_indirect_dma semaphore(%arg17 : memref<!tpu.dma_semaphore, #tpu.memory_space<semaphore_mem>>) src(%dma_wait3A_124 : memref<20000x128xf32, #tpu.memory_space<hbm>>) dst(%arg13 : memref<128x128xf32, #tpu.memory_space<vmem>>)
      %scan3A_125 = arith.constant 0 : i32
      %scan3A_126 = arith.constant 0 : i32
      %scan3A_127 = arith.constant 128 : i32
      %scan3A_128 = arith.addi %scan3A_126, %scan3A_127 : i32
      %scan3A_129 = arith.constant 1 : i32
      scf.for %scan3A_175 = %scan3A_126 to %scan3A_128 step %scan3A_129  : i32 {
        %broadcast_in_dim3A_176 = vector.broadcast %scan3A_175 : i32 to vector<16xi32>
        %gather3A = tpu.vector_load_idx %arg11[%broadcast_in_dim3A_176] : memref<128xf32, #tpu.memory_space<vmem>>[vector<16xi32>], vector<16xf32>,
        %get3A_177 = arith.index_cast %scan3A_175 : i32 to index
        %get3A_178 = arith.constant 0 : index
        %get3A_179 = tpu.vector_load %arg13[%get3A_177, %get3A_178] {strides = array<i32>} : memref<128x128xf32, #tpu.memory_space<vmem>>, vector<16xf32>,
        %mul3A_180 = arith.mulf %get3A_179, %gather3A : vector<16xf32>
        %swap3A_181 = arith.index_cast %scan3A_175 : i32 to index
        %swap3A_182 = arith.constant 0 : index
        %swap3A_183 = tpu.vector_load %arg13[%swap3A_181, %swap3A_182] {strides = array<i32>} : memref<128x128xf32, #tpu.memory_space<vmem>>, vector<16xf32>,
        tpu.vector_store %arg13[%swap3A_181, %swap3A_182], %mul3A_180 {strides = array<i32>} : memref<128x128xf32, #tpu.memory_space<vmem>>, vector<16xf32>,
        %get3A_184 = arith.index_cast %scan3A_175 : i32 to index
        %get3A_185 = arith.constant 16 : index
        %get3A_186 = tpu.vector_load %arg13[%get3A_184, %get3A_185] {strides = array<i32>} : memref<128x128xf32, #tpu.memory_space<vmem>>, vector<16xf32>,
        %mul3A_187 = arith.mulf %get3A_186, %gather3A : vector<16xf32>
        %swap3A_188 = arith.index_cast %scan3A_175 : i32 to index
        %swap3A_189 = arith.constant 16 : index
        %swap3A_190 = tpu.vector_load %arg13[%swap3A_188, %swap3A_189] {strides = array<i32>} : memref<128x128xf32, #tpu.memory_space<vmem>>, vector<16xf32>,
        tpu.vector_store %arg13[%swap3A_188, %swap3A_189], %mul3A_187 {strides = array<i32>} : memref<128x128xf32, #tpu.memory_space<vmem>>, vector<16xf32>,
        %get3A_191 = arith.index_cast %scan3A_175 : i32 to index
        %get3A_192 = arith.constant 32 : index
        %get3A_193 = tpu.vector_load %arg13[%get3A_191, %get3A_192] {strides = array<i32>} : memref<128x128xf32, #tpu.memory_space<vmem>>, vector<16xf32>,
        %mul3A_194 = arith.mulf %get3A_193, %gather3A : vector<16xf32>
        %swap3A_195 = arith.index_cast %scan3A_175 : i32 to index
        %swap3A_196 = arith.constant 32 : index
        %swap3A_197 = tpu.vector_load %arg13[%swap3A_195, %swap3A_196] {strides = array<i32>} : memref<128x128xf32, #tpu.memory_space<vmem>>, vector<16xf32>,
        tpu.vector_store %arg13[%swap3A_195, %swap3A_196], %mul3A_194 {strides = array<i32>} : memref<128x128xf32, #tpu.memory_space<vmem>>, vector<16xf32>,
        %get3A_198 = arith.index_cast %scan3A_175 : i32 to index
        %get3A_199 = arith.constant 48 : index
        %get3A_200 = tpu.vector_load %arg13[%get3A_198, %get3A_199] {strides = array<i32>} : memref<128x128xf32, #tpu.memory_space<vmem>>, vector<16xf32>,
        %mul3A_201 = arith.mulf %get3A_200, %gather3A : vector<16xf32>
        %swap3A_202 = arith.index_cast %scan3A_175 : i32 to index
        %swap3A_203 = arith.constant 48 : index
        %swap3A_204 = tpu.vector_load %arg13[%swap3A_202, %swap3A_203] {strides = array<i32>} : memref<128x128xf32, #tpu.memory_space<vmem>>, vector<16xf32>,
        tpu.vector_store %arg13[%swap3A_202, %swap3A_203], %mul3A_201 {strides = array<i32>} : memref<128x128xf32, #tpu.memory_space<vmem>>, vector<16xf32>,
        %get3A_205 = arith.index_cast %scan3A_175 : i32 to index
        %get3A_206 = arith.constant 64 : index
        %get3A_207 = tpu.vector_load %arg13[%get3A_205, %get3A_206] {strides = array<i32>} : memref<128x128xf32, #tpu.memory_space<vmem>>, vector<16xf32>,
        %mul3A_208 = arith.mulf %get3A_207, %gather3A : vector<16xf32>
        %swap3A_209 = arith.index_cast %scan3A_175 : i32 to index
        %swap3A_210 = arith.constant 64 : index
        %swap3A_211 = tpu.vector_load %arg13[%swap3A_209, %swap3A_210] {strides = array<i32>} : memref<128x128xf32, #tpu.memory_space<vmem>>, vector<16xf32>,
        tpu.vector_store %arg13[%swap3A_209, %swap3A_210], %mul3A_208 {strides = array<i32>} : memref<128x128xf32, #tpu.memory_space<vmem>>, vector<16xf32>,
        %get3A_212 = arith.index_cast %scan3A_175 : i32 to index
        %get3A_213 = arith.constant 80 : index
        %get3A_214 = tpu.vector_load %arg13[%get3A_212, %get3A_213] {strides = array<i32>} : memref<128x128xf32, #tpu.memory_space<vmem>>, vector<16xf32>,
        %mul3A_215 = arith.mulf %get3A_214, %gather3A : vector<16xf32>
        %swap3A_216 = arith.index_cast %scan3A_175 : i32 to index
        %swap3A_217 = arith.constant 80 : index
        %swap3A_218 = tpu.vector_load %arg13[%swap3A_216, %swap3A_217] {strides = array<i32>} : memref<128x128xf32, #tpu.memory_space<vmem>>, vector<16xf32>,
        tpu.vector_store %arg13[%swap3A_216, %swap3A_217], %mul3A_215 {strides = array<i32>} : memref<128x128xf32, #tpu.memory_space<vmem>>, vector<16xf32>,
        %get3A_219 = arith.index_cast %scan3A_175 : i32 to index
        %get3A_220 = arith.constant 96 : index
        %get3A_221 = tpu.vector_load %arg13[%get3A_219, %get3A_220] {strides = array<i32>} : memref<128x128xf32, #tpu.memory_space<vmem>>, vector<16xf32>,
        %mul3A_222 = arith.mulf %get3A_221, %gather3A : vector<16xf32>
        %swap3A_223 = arith.index_cast %scan3A_175 : i32 to index
        %swap3A_224 = arith.constant 96 : index
        %swap3A_225 = tpu.vector_load %arg13[%swap3A_223, %swap3A_224] {strides = array<i32>} : memref<128x128xf32, #tpu.memory_space<vmem>>, vector<16xf32>,
        tpu.vector_store %arg13[%swap3A_223, %swap3A_224], %mul3A_222 {strides = array<i32>} : memref<128x128xf32, #tpu.memory_space<vmem>>, vector<16xf32>,
        %get3A_226 = arith.index_cast %scan3A_175 : i32 to index
        %get3A_227 = arith.constant 112 : index
        %get3A_228 = tpu.vector_load %arg13[%get3A_226, %get3A_227] {strides = array<i32>} : memref<128x128xf32, #tpu.memory_space<vmem>>, vector<16xf32>,
        %mul3A_229 = arith.mulf %get3A_228, %gather3A : vector<16xf32>
        %swap3A_230 = arith.index_cast %scan3A_175 : i32 to index
        %swap3A_231 = arith.constant 112 : index
        %swap3A_232 = tpu.vector_load %arg13[%swap3A_230, %swap3A_231] {strides = array<i32>} : memref<128x128xf32, #tpu.memory_space<vmem>>, vector<16xf32>,
        tpu.vector_store %arg13[%swap3A_230, %swap3A_231], %mul3A_229 {strides = array<i32>} : memref<128x128xf32, #tpu.memory_space<vmem>>, vector<16xf32>,
      }
      %scan3A_130 = arith.constant 128 : i32
      %dma_start3A_131 = arith.constant 0 : i32
      %dma_start3A_132 = arith.constant 0 : i32
      %dma_start3A_133 = tpu.memref_slice %arg9[%dma_start3A_131, %dma_start3A_132] : memref<1x128xi32, #tpu.memory_space<vmem>> -> memref<1x128xi32, #tpu.memory_space<vmem>>
      %dma_start3A_134 = tpu.memref_squeeze %dma_start3A_133 : memref<1x128xi32, #tpu.memory_space<vmem>> -> memref<128xi32, #tpu.memory_space<vmem>>
      %dma_start3A_135 = arith.constant 0 : i32
      %dma_start3A_136 = arith.constant 0 : i32
      %dma_start3A_137 = tpu.memref_slice %arg16[%dma_start3A_135, %dma_start3A_136] : memref<10112x128xf32, #tpu.memory_space<vmem_shared>> -> memref<10112x128xf32, #tpu.memory_space<vmem_shared>>
      tpu.enqueue_indirect_dma source(%arg13 : memref<128x128xf32, #tpu.memory_space<vmem>>) target(%dma_start3A_137 : memref<10112x128xf32, #tpu.memory_space<vmem_shared>>) offsets(%dma_start3A_134 : memref<128xi32, #tpu.memory_space<vmem>>) semaphore(%arg19 : memref<!tpu.dma_semaphore, #tpu.memory_space<semaphore_mem>>) {add = true}
      %mul3A_138 = arith.constant 2 : i32
      %mul3A_139 = arith.muli %scan3A_105, %mul3A_138 : i32
      %add3A_140 = arith.constant 1 : i32
      %add3A_141 = arith.addi %mul3A_139, %add3A_140 : i32
      %add3A_142 = arith.constant 1 : i32
      %add3A_143 = arith.addi %add3A_141, %add3A_142 : i32
      %lt3A_144 = arith.constant 80 : i32
      %lt3A_145 = arith.cmpi slt, %add3A_143, %lt3A_144 : i32
      %ge3A_146 = arith.constant 1 : i32
      %ge3A_147 = arith.cmpi sge, %add3A_141, %ge3A_146 : i32
      %and3A_148 = arith.andi %lt3A_145, %ge3A_147 : i1
      %convert_element_type3A_149 = arith.extui %and3A_148 : i1 to i32
      %cond3A_150 = arith.constant 0 : i32
      %cond3A_151 = arith.cmpi ne, %convert_element_type3A_149, %cond3A_150 : i32
      scf.if %cond3A_151 {
        %dma_wait3A_175 = arith.constant 0 : i32
        %dma_wait3A_176 = arith.constant 0 : i32
        %dma_wait3A_177 = tpu.memref_slice %arg9[%dma_wait3A_175, %dma_wait3A_176] : memref<1x128xi32, #tpu.memory_space<vmem>> -> memref<1x128xi32, #tpu.memory_space<vmem>>
        %dma_wait3A_178 = tpu.memref_squeeze %dma_wait3A_177 : memref<1x128xi32, #tpu.memory_space<vmem>> -> memref<128xi32, #tpu.memory_space<vmem>>
        %dma_wait3A_179 = arith.constant 0 : i32
        %dma_wait3A_180 = arith.constant 0 : i32
        %dma_wait3A_181 = tpu.memref_slice %arg16[%dma_wait3A_179, %dma_wait3A_180] : memref<10112x128xf32, #tpu.memory_space<vmem_shared>> -> memref<10112x128xf32, #tpu.memory_space<vmem_shared>>
        tpu.wait_indirect_dma semaphore(%arg19 : memref<!tpu.dma_semaphore, #tpu.memory_space<semaphore_mem>>) src(%arg13 : memref<128x128xf32, #tpu.memory_space<vmem>>) dst(%dma_wait3A_181 : memref<10112x128xf32, #tpu.memory_space<vmem_shared>>)
      } else {
      }
      %add3A_152 = arith.constant 1 : i32
      %add3A_153 = arith.addi %add3A_141, %add3A_152 : i32
      %lt3A_154 = arith.constant 80 : i32
      %lt3A_155 = arith.cmpi slt, %add3A_153, %lt3A_154 : i32
      %convert_element_type3A_156 = arith.extui %lt3A_155 : i1 to i32
      %cond3A_157 = arith.constant 0 : i32
      %cond3A_158 = arith.cmpi ne, %convert_element_type3A_156, %cond3A_157 : i32
      scf.if %cond3A_158 {
        %add3A_175 = arith.constant 1 : i32
        %add3A_176 = arith.addi %add3A_141, %add3A_175 : i32
        %add3A_177 = arith.addi %mul3A_1, %add3A_176 : i32
        %mul3A_178 = arith.constant 128 : i32
        %mul3A_179 = arith.muli %add3A_177, %mul3A_178 : i32
        "tpu.region"() ({
          %run_scoped3A = tpu.sem_alloc : memref<!tpu.dma_semaphore, #tpu.memory_space<semaphore_mem>>
          %dma_start3A_235 = tpu.memref_slice %arg3[%mul3A_179] : memref<163840xi32, #tpu.memory_space<hbm>> -> memref<128xi32, #tpu.memory_space<hbm>>
          %dma_start3A_236 = tpu.memref_slice %arg3[%mul3A_179] : memref<163840xi32, #tpu.memory_space<hbm>> -> memref<128xi32, #tpu.memory_space<hbm>>
          tpu.enqueue_dma source(%dma_start3A_236 : memref<128xi32, #tpu.memory_space<hbm>>) target(%arg7 : memref<128xi32, #tpu.memory_space<vmem>>) target_semaphore(%run_scoped3A : memref<!tpu.dma_semaphore, #tpu.memory_space<semaphore_mem>>)
          %dma_wait3A_237 = tpu.memref_slice %arg3[%mul3A_179] : memref<163840xi32, #tpu.memory_space<hbm>> -> memref<128xi32, #tpu.memory_space<hbm>>
          %dma_wait3A_238 = tpu.memref_slice %arg3[%mul3A_179] : memref<163840xi32, #tpu.memory_space<hbm>> -> memref<128xi32, #tpu.memory_space<hbm>>
          tpu.wait_dma2 semaphore(%run_scoped3A : memref<!tpu.dma_semaphore, #tpu.memory_space<semaphore_mem>>) src(%dma_wait3A_238 : memref<128xi32, #tpu.memory_space<hbm>>) dst(%arg7 : memref<128xi32, #tpu.memory_space<vmem>>)
          tpu.yield
        }) : () -> ()
        "tpu.region"() ({
          %run_scoped3A = tpu.sem_alloc : memref<!tpu.dma_semaphore, #tpu.memory_space<semaphore_mem>>
          %dma_start3A_235 = arith.constant 0 : i32
          %dma_start3A_236 = tpu.memref_slice %arg4[%add3A_177, %dma_start3A_235] : memref<1280x128xi32, #tpu.memory_space<hbm>> -> memref<1x128xi32, #tpu.memory_space<hbm>>
          %dma_start3A_237 = arith.constant 0 : i32
          %dma_start3A_238 = tpu.memref_slice %arg4[%add3A_177, %dma_start3A_237] : memref<1280x128xi32, #tpu.memory_space<hbm>> -> memref<1x128xi32, #tpu.memory_space<hbm>>
          tpu.enqueue_dma source(%dma_start3A_238 : memref<1x128xi32, #tpu.memory_space<hbm>>) target(%arg9 : memref<1x128xi32, #tpu.memory_space<vmem>>) target_semaphore(%run_scoped3A : memref<!tpu.dma_semaphore, #tpu.memory_space<semaphore_mem>>)
          %dma_wait3A_239 = arith.constant 0 : i32
          %dma_wait3A_240 = tpu.memref_slice %arg4[%add3A_177, %dma_wait3A_239] : memref<1280x128xi32, #tpu.memory_space<hbm>> -> memref<1x128xi32, #tpu.memory_space<hbm>>
          %dma_wait3A_241 = arith.constant 0 : i32
          %dma_wait3A_242 = tpu.memref_slice %arg4[%add3A_177, %dma_wait3A_241] : memref<1280x128xi32, #tpu.memory_space<hbm>> -> memref<1x128xi32, #tpu.memory_space<hbm>>
          tpu.wait_dma2 semaphore(%run_scoped3A : memref<!tpu.dma_semaphore, #tpu.memory_space<semaphore_mem>>) src(%dma_wait3A_242 : memref<1x128xi32, #tpu.memory_space<hbm>>) dst(%arg9 : memref<1x128xi32, #tpu.memory_space<vmem>>)
          tpu.yield
        }) : () -> ()
        %mul3A_180 = arith.constant 128 : i32
        %mul3A_181 = arith.muli %add3A_177, %mul3A_180 : i32
        "tpu.region"() ({
          %run_scoped3A = tpu.sem_alloc : memref<!tpu.dma_semaphore, #tpu.memory_space<semaphore_mem>>
          %dma_start3A_235 = tpu.memref_slice %arg5[%mul3A_181] : memref<163840xf32, #tpu.memory_space<hbm>> -> memref<128xf32, #tpu.memory_space<hbm>>
          %dma_start3A_236 = tpu.memref_slice %arg5[%mul3A_181] : memref<163840xf32, #tpu.memory_space<hbm>> -> memref<128xf32, #tpu.memory_space<hbm>>
          tpu.enqueue_dma source(%dma_start3A_236 : memref<128xf32, #tpu.memory_space<hbm>>) target(%arg11 : memref<128xf32, #tpu.memory_space<vmem>>) target_semaphore(%run_scoped3A : memref<!tpu.dma_semaphore, #tpu.memory_space<semaphore_mem>>)
          %dma_wait3A_237 = tpu.memref_slice %arg5[%mul3A_181] : memref<163840xf32, #tpu.memory_space<hbm>> -> memref<128xf32, #tpu.memory_space<hbm>>
          %dma_wait3A_238 = tpu.memref_slice %arg5[%mul3A_181] : memref<163840xf32, #tpu.memory_space<hbm>> -> memref<128xf32, #tpu.memory_space<hbm>>
          tpu.wait_dma2 semaphore(%run_scoped3A : memref<!tpu.dma_semaphore, #tpu.memory_space<semaphore_mem>>) src(%dma_wait3A_238 : memref<128xf32, #tpu.memory_space<hbm>>) dst(%arg11 : memref<128xf32, #tpu.memory_space<vmem>>)
          tpu.yield
        }) : () -> ()
        %mul3A_182 = arith.constant 10000 : i32
        %mul3A_183 = arith.muli %arg0, %mul3A_182 : i32
        %get3A_184 = arith.constant 0 : index
        %get3A_185 = tpu.vector_load %arg7[%get3A_184] {strides = array<i32>} : memref<128xi32, #tpu.memory_space<vmem>>, vector<16xi32>,
        %add3A_186 = vector.broadcast %mul3A_183 : i32 to vector<16xi32>
        %add3A_187 = arith.addi %get3A_185, %add3A_186 : vector<16xi32>
        %swap3A_188 = arith.constant 0 : index
        %swap3A_189 = tpu.vector_load %arg7[%swap3A_188] {strides = array<i32>} : memref<128xi32, #tpu.memory_space<vmem>>, vector<16xi32>,
        tpu.vector_store %arg7[%swap3A_188], %add3A_187 {strides = array<i32>} : memref<128xi32, #tpu.memory_space<vmem>>, vector<16xi32>,
        %get3A_190 = arith.constant 16 : index
        %get3A_191 = tpu.vector_load %arg7[%get3A_190] {strides = array<i32>} : memref<128xi32, #tpu.memory_space<vmem>>, vector<16xi32>,
        %add3A_192 = vector.broadcast %mul3A_183 : i32 to vector<16xi32>
        %add3A_193 = arith.addi %get3A_191, %add3A_192 : vector<16xi32>
        %swap3A_194 = arith.constant 16 : index
        %swap3A_195 = tpu.vector_load %arg7[%swap3A_194] {strides = array<i32>} : memref<128xi32, #tpu.memory_space<vmem>>, vector<16xi32>,
        tpu.vector_store %arg7[%swap3A_194], %add3A_193 {strides = array<i32>} : memref<128xi32, #tpu.memory_space<vmem>>, vector<16xi32>,
        %get3A_196 = arith.constant 32 : index
        %get3A_197 = tpu.vector_load %arg7[%get3A_196] {strides = array<i32>} : memref<128xi32, #tpu.memory_space<vmem>>, vector<16xi32>,
        %add3A_198 = vector.broadcast %mul3A_183 : i32 to vector<16xi32>
        %add3A_199 = arith.addi %get3A_197, %add3A_198 : vector<16xi32>
        %swap3A_200 = arith.constant 32 : index
        %swap3A_201 = tpu.vector_load %arg7[%swap3A_200] {strides = array<i32>} : memref<128xi32, #tpu.memory_space<vmem>>, vector<16xi32>,
        tpu.vector_store %arg7[%swap3A_200], %add3A_199 {strides = array<i32>} : memref<128xi32, #tpu.memory_space<vmem>>, vector<16xi32>,
        %get3A_202 = arith.constant 48 : index
        %get3A_203 = tpu.vector_load %arg7[%get3A_202] {strides = array<i32>} : memref<128xi32, #tpu.memory_space<vmem>>, vector<16xi32>,
        %add3A_204 = vector.broadcast %mul3A_183 : i32 to vector<16xi32>
        %add3A_205 = arith.addi %get3A_203, %add3A_204 : vector<16xi32>
        %swap3A_206 = arith.constant 48 : index
        %swap3A_207 = tpu.vector_load %arg7[%swap3A_206] {strides = array<i32>} : memref<128xi32, #tpu.memory_space<vmem>>, vector<16xi32>,
        tpu.vector_store %arg7[%swap3A_206], %add3A_205 {strides = array<i32>} : memref<128xi32, #tpu.memory_space<vmem>>, vector<16xi32>,
        %get3A_208 = arith.constant 64 : index
        %get3A_209 = tpu.vector_load %arg7[%get3A_208] {strides = array<i32>} : memref<128xi32, #tpu.memory_space<vmem>>, vector<16xi32>,
        %add3A_210 = vector.broadcast %mul3A_183 : i32 to vector<16xi32>
        %add3A_211 = arith.addi %get3A_209, %add3A_210 : vector<16xi32>
        %swap3A_212 = arith.constant 64 : index
        %swap3A_213 = tpu.vector_load %arg7[%swap3A_212] {strides = array<i32>} : memref<128xi32, #tpu.memory_space<vmem>>, vector<16xi32>,
        tpu.vector_store %arg7[%swap3A_212], %add3A_211 {strides = array<i32>} : memref<128xi32, #tpu.memory_space<vmem>>, vector<16xi32>,
        %get3A_214 = arith.constant 80 : index
        %get3A_215 = tpu.vector_load %arg7[%get3A_214] {strides = array<i32>} : memref<128xi32, #tpu.memory_space<vmem>>, vector<16xi32>,
        %add3A_216 = vector.broadcast %mul3A_183 : i32 to vector<16xi32>
        %add3A_217 = arith.addi %get3A_215, %add3A_216 : vector<16xi32>
        %swap3A_218 = arith.constant 80 : index
        %swap3A_219 = tpu.vector_load %arg7[%swap3A_218] {strides = array<i32>} : memref<128xi32, #tpu.memory_space<vmem>>, vector<16xi32>,
        tpu.vector_store %arg7[%swap3A_218], %add3A_217 {strides = array<i32>} : memref<128xi32, #tpu.memory_space<vmem>>, vector<16xi32>,
        %get3A_220 = arith.constant 96 : index
        %get3A_221 = tpu.vector_load %arg7[%get3A_220] {strides = array<i32>} : memref<128xi32, #tpu.memory_space<vmem>>, vector<16xi32>,
        %add3A_222 = vector.broadcast %mul3A_183 : i32 to vector<16xi32>
        %add3A_223 = arith.addi %get3A_221, %add3A_222 : vector<16xi32>
        %swap3A_224 = arith.constant 96 : index
        %swap3A_225 = tpu.vector_load %arg7[%swap3A_224] {strides = array<i32>} : memref<128xi32, #tpu.memory_space<vmem>>, vector<16xi32>,
        tpu.vector_store %arg7[%swap3A_224], %add3A_223 {strides = array<i32>} : memref<128xi32, #tpu.memory_space<vmem>>, vector<16xi32>,
        %get3A_226 = arith.constant 112 : index
        %get3A_227 = tpu.vector_load %arg7[%get3A_226] {strides = array<i32>} : memref<128xi32, #tpu.memory_space<vmem>>, vector<16xi32>,
        %add3A_228 = vector.broadcast %mul3A_183 : i32 to vector<16xi32>
        %add3A_229 = arith.addi %get3A_227, %add3A_228 : vector<16xi32>
        %swap3A_230 = arith.constant 112 : index
        %swap3A_231 = tpu.vector_load %arg7[%swap3A_230] {strides = array<i32>} : memref<128xi32, #tpu.memory_space<vmem>>, vector<16xi32>,
        tpu.vector_store %arg7[%swap3A_230], %add3A_229 {strides = array<i32>} : memref<128xi32, #tpu.memory_space<vmem>>, vector<16xi32>,
        %dma_start3A_232 = arith.constant 0 : i32
        %dma_start3A_233 = arith.constant 0 : i32
        %dma_start3A_234 = tpu.memref_slice %arg2[%dma_start3A_232, %dma_start3A_233] : memref<20000x128xf32, #tpu.memory_space<hbm>> -> memref<20000x128xf32, #tpu.memory_space<hbm>>
        tpu.enqueue_indirect_dma source(%dma_start3A_234 : memref<20000x128xf32, #tpu.memory_space<hbm>>) target(%arg13 : memref<128x128xf32, #tpu.memory_space<vmem>>) offsets(%arg7 : memref<128xi32, #tpu.memory_space<vmem>>) semaphore(%arg17 : memref<!tpu.dma_semaphore, #tpu.memory_space<semaphore_mem>>)
      } else {
      }
      %dma_wait3A_159 = arith.constant 0 : i32
      %dma_wait3A_160 = arith.constant 0 : i32
      %dma_wait3A_161 = tpu.memref_slice %arg2[%dma_wait3A_159, %dma_wait3A_160] : memref<20000x128xf32, #tpu.memory_space<hbm>> -> memref<20000x128xf32, #tpu.memory_space<hbm>>
      tpu.wait_indirect_dma semaphore(%arg18 : memref<!tpu.dma_semaphore, #tpu.memory_space<semaphore_mem>>) src(%dma_wait3A_161 : memref<20000x128xf32, #tpu.memory_space<hbm>>) dst(%arg14 : memref<128x128xf32, #tpu.memory_space<vmem>>)
      %scan3A_162 = arith.constant 0 : i32
      %scan3A_163 = arith.constant 0 : i32
      %scan3A_164 = arith.constant 128 : i32
      %scan3A_165 = arith.addi %scan3A_163, %scan3A_164 : i32
      %scan3A_166 = arith.constant 1 : i32
      scf.for %scan3A_175 = %scan3A_163 to %scan3A_165 step %scan3A_166  : i32 {
        %broadcast_in_dim3A_176 = vector.broadcast %scan3A_175 : i32 to vector<16xi32>
        %gather3A = tpu.vector_load_idx %arg12[%broadcast_in_dim3A_176] : memref<128xf32, #tpu.memory_space<vmem>>[vector<16xi32>], vector<16xf32>,
        %get3A_177 = arith.index_cast %scan3A_175 : i32 to index
        %get3A_178 = arith.constant 0 : index
        %get3A_179 = tpu.vector_load %arg14[%get3A_177, %get3A_178] {strides = array<i32>} : memref<128x128xf32, #tpu.memory_space<vmem>>, vector<16xf32>,
        %mul3A_180 = arith.mulf %get3A_179, %gather3A : vector<16xf32>
        %swap3A_181 = arith.index_cast %scan3A_175 : i32 to index
        %swap3A_182 = arith.constant 0 : index
        %swap3A_183 = tpu.vector_load %arg14[%swap3A_181, %swap3A_182] {strides = array<i32>} : memref<128x128xf32, #tpu.memory_space<vmem>>, vector<16xf32>,
        tpu.vector_store %arg14[%swap3A_181, %swap3A_182], %mul3A_180 {strides = array<i32>} : memref<128x128xf32, #tpu.memory_space<vmem>>, vector<16xf32>,
        %get3A_184 = arith.index_cast %scan3A_175 : i32 to index
        %get3A_185 = arith.constant 16 : index
        %get3A_186 = tpu.vector_load %arg14[%get3A_184, %get3A_185] {strides = array<i32>} : memref<128x128xf32, #tpu.memory_space<vmem>>, vector<16xf32>,
        %mul3A_187 = arith.mulf %get3A_186, %gather3A : vector<16xf32>
        %swap3A_188 = arith.index_cast %scan3A_175 : i32 to index
        %swap3A_189 = arith.constant 16 : index
        %swap3A_190 = tpu.vector_load %arg14[%swap3A_188, %swap3A_189] {strides = array<i32>} : memref<128x128xf32, #tpu.memory_space<vmem>>, vector<16xf32>,
        tpu.vector_store %arg14[%swap3A_188, %swap3A_189], %mul3A_187 {strides = array<i32>} : memref<128x128xf32, #tpu.memory_space<vmem>>, vector<16xf32>,
        %get3A_191 = arith.index_cast %scan3A_175 : i32 to index
        %get3A_192 = arith.constant 32 : index
        %get3A_193 = tpu.vector_load %arg14[%get3A_191, %get3A_192] {strides = array<i32>} : memref<128x128xf32, #tpu.memory_space<vmem>>, vector<16xf32>,
        %mul3A_194 = arith.mulf %get3A_193, %gather3A : vector<16xf32>
        %swap3A_195 = arith.index_cast %scan3A_175 : i32 to index
        %swap3A_196 = arith.constant 32 : index
        %swap3A_197 = tpu.vector_load %arg14[%swap3A_195, %swap3A_196] {strides = array<i32>} : memref<128x128xf32, #tpu.memory_space<vmem>>, vector<16xf32>,
        tpu.vector_store %arg14[%swap3A_195, %swap3A_196], %mul3A_194 {strides = array<i32>} : memref<128x128xf32, #tpu.memory_space<vmem>>, vector<16xf32>,
        %get3A_198 = arith.index_cast %scan3A_175 : i32 to index
        %get3A_199 = arith.constant 48 : index
        %get3A_200 = tpu.vector_load %arg14[%get3A_198, %get3A_199] {strides = array<i32>} : memref<128x128xf32, #tpu.memory_space<vmem>>, vector<16xf32>,
        %mul3A_201 = arith.mulf %get3A_200, %gather3A : vector<16xf32>
        %swap3A_202 = arith.index_cast %scan3A_175 : i32 to index
        %swap3A_203 = arith.constant 48 : index
        %swap3A_204 = tpu.vector_load %arg14[%swap3A_202, %swap3A_203] {strides = array<i32>} : memref<128x128xf32, #tpu.memory_space<vmem>>, vector<16xf32>,
        tpu.vector_store %arg14[%swap3A_202, %swap3A_203], %mul3A_201 {strides = array<i32>} : memref<128x128xf32, #tpu.memory_space<vmem>>, vector<16xf32>,
        %get3A_205 = arith.index_cast %scan3A_175 : i32 to index
        %get3A_206 = arith.constant 64 : index
        %get3A_207 = tpu.vector_load %arg14[%get3A_205, %get3A_206] {strides = array<i32>} : memref<128x128xf32, #tpu.memory_space<vmem>>, vector<16xf32>,
        %mul3A_208 = arith.mulf %get3A_207, %gather3A : vector<16xf32>
        %swap3A_209 = arith.index_cast %scan3A_175 : i32 to index
        %swap3A_210 = arith.constant 64 : index
        %swap3A_211 = tpu.vector_load %arg14[%swap3A_209, %swap3A_210] {strides = array<i32>} : memref<128x128xf32, #tpu.memory_space<vmem>>, vector<16xf32>,
        tpu.vector_store %arg14[%swap3A_209, %swap3A_210], %mul3A_208 {strides = array<i32>} : memref<128x128xf32, #tpu.memory_space<vmem>>, vector<16xf32>,
        %get3A_212 = arith.index_cast %scan3A_175 : i32 to index
        %get3A_213 = arith.constant 80 : index
        %get3A_214 = tpu.vector_load %arg14[%get3A_212, %get3A_213] {strides = array<i32>} : memref<128x128xf32, #tpu.memory_space<vmem>>, vector<16xf32>,
        %mul3A_215 = arith.mulf %get3A_214, %gather3A : vector<16xf32>
        %swap3A_216 = arith.index_cast %scan3A_175 : i32 to index
        %swap3A_217 = arith.constant 80 : index
        %swap3A_218 = tpu.vector_load %arg14[%swap3A_216, %swap3A_217] {strides = array<i32>} : memref<128x128xf32, #tpu.memory_space<vmem>>, vector<16xf32>,
        tpu.vector_store %arg14[%swap3A_216, %swap3A_217], %mul3A_215 {strides = array<i32>} : memref<128x128xf32, #tpu.memory_space<vmem>>, vector<16xf32>,
        %get3A_219 = arith.index_cast %scan3A_175 : i32 to index
        %get3A_220 = arith.constant 96 : index
        %get3A_221 = tpu.vector_load %arg14[%get3A_219, %get3A_220] {strides = array<i32>} : memref<128x128xf32, #tpu.memory_space<vmem>>, vector<16xf32>,
        %mul3A_222 = arith.mulf %get3A_221, %gather3A : vector<16xf32>
        %swap3A_223 = arith.index_cast %scan3A_175 : i32 to index
        %swap3A_224 = arith.constant 96 : index
        %swap3A_225 = tpu.vector_load %arg14[%swap3A_223, %swap3A_224] {strides = array<i32>} : memref<128x128xf32, #tpu.memory_space<vmem>>, vector<16xf32>,
        tpu.vector_store %arg14[%swap3A_223, %swap3A_224], %mul3A_222 {strides = array<i32>} : memref<128x128xf32, #tpu.memory_space<vmem>>, vector<16xf32>,
        %get3A_226 = arith.index_cast %scan3A_175 : i32 to index
        %get3A_227 = arith.constant 112 : index
        %get3A_228 = tpu.vector_load %arg14[%get3A_226, %get3A_227] {strides = array<i32>} : memref<128x128xf32, #tpu.memory_space<vmem>>, vector<16xf32>,
        %mul3A_229 = arith.mulf %get3A_228, %gather3A : vector<16xf32>
        %swap3A_230 = arith.index_cast %scan3A_175 : i32 to index
        %swap3A_231 = arith.constant 112 : index
        %swap3A_232 = tpu.vector_load %arg14[%swap3A_230, %swap3A_231] {strides = array<i32>} : memref<128x128xf32, #tpu.memory_space<vmem>>, vector<16xf32>,
        tpu.vector_store %arg14[%swap3A_230, %swap3A_231], %mul3A_229 {strides = array<i32>} : memref<128x128xf32, #tpu.memory_space<vmem>>, vector<16xf32>,
      }
      %scan3A_167 = arith.constant 128 : i32
      %dma_start3A_168 = arith.constant 0 : i32
      %dma_start3A_169 = arith.constant 0 : i32
      %dma_start3A_170 = tpu.memref_slice %arg10[%dma_start3A_168, %dma_start3A_169] : memref<1x128xi32, #tpu.memory_space<vmem>> -> memref<1x128xi32, #tpu.memory_space<vmem>>
      %dma_start3A_171 = tpu.memref_squeeze %dma_start3A_170 : memref<1x128xi32, #tpu.memory_space<vmem>> -> memref<128xi32, #tpu.memory_space<vmem>>
      %dma_start3A_172 = arith.constant 0 : i32
      %dma_start3A_173 = arith.constant 0 : i32
      %dma_start3A_174 = tpu.memref_slice %arg16[%dma_start3A_172, %dma_start3A_173] : memref<10112x128xf32, #tpu.memory_space<vmem_shared>> -> memref<10112x128xf32, #tpu.memory_space<vmem_shared>>
      tpu.enqueue_indirect_dma source(%arg14 : memref<128x128xf32, #tpu.memory_space<vmem>>) target(%dma_start3A_174 : memref<10112x128xf32, #tpu.memory_space<vmem_shared>>) offsets(%dma_start3A_171 : memref<128xi32, #tpu.memory_space<vmem>>) semaphore(%arg20 : memref<!tpu.dma_semaphore, #tpu.memory_space<semaphore_mem>>) {add = true}
    }
    %scan3A_77 = arith.constant 40 : i32
    %dma_wait3A = arith.constant 0 : i32
    %dma_wait3A_78 = arith.constant 0 : i32
    %dma_wait3A_79 = tpu.memref_slice %arg9[%dma_wait3A, %dma_wait3A_78] : memref<1x128xi32, #tpu.memory_space<vmem>> -> memref<1x128xi32, #tpu.memory_space<vmem>>
    %dma_wait3A_80 = tpu.memref_squeeze %dma_wait3A_79 : memref<1x128xi32, #tpu.memory_space<vmem>> -> memref<128xi32, #tpu.memory_space<vmem>>
    %dma_wait3A_81 = arith.constant 0 : i32
    %dma_wait3A_82 = arith.constant 0 : i32
    %dma_wait3A_83 = tpu.memref_slice %arg16[%dma_wait3A_81, %dma_wait3A_82] : memref<10112x128xf32, #tpu.memory_space<vmem_shared>> -> memref<10112x128xf32, #tpu.memory_space<vmem_shared>>
    tpu.wait_indirect_dma semaphore(%arg19 : memref<!tpu.dma_semaphore, #tpu.memory_space<semaphore_mem>>) src(%arg13 : memref<128x128xf32, #tpu.memory_space<vmem>>) dst(%dma_wait3A_83 : memref<10112x128xf32, #tpu.memory_space<vmem_shared>>)
    %dma_wait3A_84 = arith.constant 0 : i32
    %dma_wait3A_85 = arith.constant 0 : i32
    %dma_wait3A_86 = tpu.memref_slice %arg10[%dma_wait3A_84, %dma_wait3A_85] : memref<1x128xi32, #tpu.memory_space<vmem>> -> memref<1x128xi32, #tpu.memory_space<vmem>>
    %dma_wait3A_87 = tpu.memref_squeeze %dma_wait3A_86 : memref<1x128xi32, #tpu.memory_space<vmem>> -> memref<128xi32, #tpu.memory_space<vmem>>
    %dma_wait3A_88 = arith.constant 0 : i32
    %dma_wait3A_89 = arith.constant 0 : i32
    %dma_wait3A_90 = tpu.memref_slice %arg16[%dma_wait3A_88, %dma_wait3A_89] : memref<10112x128xf32, #tpu.memory_space<vmem_shared>> -> memref<10112x128xf32, #tpu.memory_space<vmem_shared>>
    tpu.wait_indirect_dma semaphore(%arg20 : memref<!tpu.dma_semaphore, #tpu.memory_space<semaphore_mem>>) src(%arg14 : memref<128x128xf32, #tpu.memory_space<vmem>>) dst(%dma_wait3A_90 : memref<10112x128xf32, #tpu.memory_space<vmem_shared>>)
    %barrier3A_91 = arith.constant 0 : index
    tpu.barrier barrier_id(%barrier3A_91)
    %mul3A_92 = arith.constant 10112 : i32
    %mul3A_93 = arith.muli %arg0, %mul3A_92 : i32
    %add3A_94 = arith.addi %mul3A_93, %mul3A_8 : i32
    %scan3A_95 = arith.constant 0 : i32
    %scan3A_96 = arith.constant 0 : i32
    %scan3A_97 = arith.constant 4 : i32
    %scan3A_98 = arith.addi %scan3A_96, %scan3A_97 : i32
    %scan3A_99 = arith.constant 1 : i32
    scf.for %scan3A_105 = %scan3A_96 to %scan3A_98 step %scan3A_99  : i32 {
      %mul3A_106 = arith.constant 128 : i32
      %mul3A_107 = arith.muli %scan3A_105, %mul3A_106 : i32
      %add3A_108 = arith.addi %mul3A_8, %mul3A_107 : i32
      %mul3A_109 = arith.constant 128 : i32
      %mul3A_110 = arith.muli %scan3A_105, %mul3A_109 : i32
      %add3A_111 = arith.addi %add3A_94, %mul3A_110 : i32
      "tpu.region"() ({
        %run_scoped3A = tpu.sem_alloc : memref<!tpu.dma_semaphore, #tpu.memory_space<semaphore_mem>>
        %dma_start3A_112 = arith.constant 0 : i32
        %dma_start3A_113 = tpu.memref_slice %arg6[%add3A_111, %dma_start3A_112] : memref<20224x128xf32, #tpu.memory_space<hbm>> -> memref<128x128xf32, #tpu.memory_space<hbm>>
        %dma_start3A_114 = arith.constant 0 : i32
        %dma_start3A_115 = tpu.memref_slice %arg16[%add3A_108, %dma_start3A_114] : memref<10112x128xf32, #tpu.memory_space<vmem_shared>> -> memref<128x128xf32, #tpu.memory_space<vmem_shared>>
        tpu.enqueue_dma source(%dma_start3A_115 : memref<128x128xf32, #tpu.memory_space<vmem_shared>>) target(%dma_start3A_113 : memref<128x128xf32, #tpu.memory_space<hbm>>) target_semaphore(%run_scoped3A : memref<!tpu.dma_semaphore, #tpu.memory_space<semaphore_mem>>)
        %dma_wait3A_116 = arith.constant 0 : i32
        %dma_wait3A_117 = tpu.memref_slice %arg6[%add3A_111, %dma_wait3A_116] : memref<20224x128xf32, #tpu.memory_space<hbm>> -> memref<128x128xf32, #tpu.memory_space<hbm>>
        %dma_wait3A_118 = arith.constant 0 : i32
        %dma_wait3A_119 = tpu.memref_slice %arg16[%add3A_108, %dma_wait3A_118] : memref<10112x128xf32, #tpu.memory_space<vmem_shared>> -> memref<128x128xf32, #tpu.memory_space<vmem_shared>>
        tpu.wait_dma2 semaphore(%run_scoped3A : memref<!tpu.dma_semaphore, #tpu.memory_space<semaphore_mem>>) src(%dma_wait3A_119 : memref<128x128xf32, #tpu.memory_space<vmem_shared>>) dst(%dma_wait3A_117 : memref<128x128xf32, #tpu.memory_space<hbm>>)
        tpu.yield
      }) : () -> ()
    }
    %scan3A_100 = arith.constant 4 : i32
    %add3A_101 = arith.constant 512 : i32
    %add3A_102 = arith.addi %mul3A_8, %add3A_101 : i32
    %add3A_103 = arith.constant 512 : i32
    %add3A_104 = arith.addi %add3A_94, %add3A_103 : i32
    "tpu.region"() ({
      %run_scoped3A = tpu.sem_alloc : memref<!tpu.dma_semaphore, #tpu.memory_space<semaphore_mem>>
      %dma_start3A_105 = arith.constant 0 : i32
      %dma_start3A_106 = tpu.memref_slice %arg6[%add3A_104, %dma_start3A_105] : memref<20224x128xf32, #tpu.memory_space<hbm>> -> memref<120x128xf32, #tpu.memory_space<hbm>>
      %dma_start3A_107 = arith.constant 0 : i32
      %dma_start3A_108 = tpu.memref_slice %arg16[%add3A_102, %dma_start3A_107] : memref<10112x128xf32, #tpu.memory_space<vmem_shared>> -> memref<120x128xf32, #tpu.memory_space<vmem_shared>>
      tpu.enqueue_dma source(%dma_start3A_108 : memref<120x128xf32, #tpu.memory_space<vmem_shared>>) target(%dma_start3A_106 : memref<120x128xf32, #tpu.memory_space<hbm>>) target_semaphore(%run_scoped3A : memref<!tpu.dma_semaphore, #tpu.memory_space<semaphore_mem>>)
      %dma_wait3A_109 = arith.constant 0 : i32
      %dma_wait3A_110 = tpu.memref_slice %arg6[%add3A_104, %dma_wait3A_109] : memref<20224x128xf32, #tpu.memory_space<hbm>> -> memref<120x128xf32, #tpu.memory_space<hbm>>
      %dma_wait3A_111 = arith.constant 0 : i32
      %dma_wait3A_112 = tpu.memref_slice %arg16[%add3A_102, %dma_wait3A_111] : memref<10112x128xf32, #tpu.memory_space<vmem_shared>> -> memref<120x128xf32, #tpu.memory_space<vmem_shared>>
      tpu.wait_dma2 semaphore(%run_scoped3A : memref<!tpu.dma_semaphore, #tpu.memory_space<semaphore_mem>>) src(%dma_wait3A_112 : memref<120x128xf32, #tpu.memory_space<vmem_shared>>) dst(%dma_wait3A_110 : memref<120x128xf32, #tpu.memory_space<hbm>>)
      tpu.yield
    }) : () -> ()
    return
  }
}

module attributes {stable_mosaic.version = 14 : i64} {
  func.func @_norm_body(%arg0: i32, %arg1: memref<1000x256xf32, #tpu.memory_space<vmem>>, %arg2: memref<1000x256xf32, #tpu.memory_space<vmem>>, %arg3: memref<1000x1xf32, #tpu.memory_space<vmem>>) attributes {dimension_semantics = [#tpu.dimension_semantics<arbitrary>], iteration_bounds = array<i64: 10>, scalar_prefetch = 0 : i64, scratch_operands = 0 : i64, tpu.core_type = #tpu.core_type<tc>, window_params = [{transform_indices = @transform_0, window_bounds = array<i64: 1000, 256>}, {transform_indices = @transform_1, window_bounds = array<i64: 1000, 256>}, {transform_indices = @transform_2, window_bounds = array<i64: 1000, 1>}]} {
    %get3A = arith.constant 0 : index
    %get3A_0 = arith.constant 0 : index
    %get3A_1 = vector.load %arg1[%get3A, %get3A_0] : memref<1000x256xf32, #tpu.memory_space<vmem>>, vector<1000x256xf32>
    %mul3A = arith.mulf %get3A_1, %get3A_1 : vector<1000x256xf32>
    %reduce_sum3A = arith.constant dense<0.000000e+00> : vector<1000xf32>
    %reduce_sum3A_2 = vector.multi_reduction <add>, %mul3A, %reduce_sum3A [1] : vector<1000x256xf32> to vector<1000xf32>
    %broadcast_in_dim3A = vector.shape_cast %reduce_sum3A_2 : vector<1000xf32> to vector<1000x1xf32>
    %sqrt3A = math.sqrt %broadcast_in_dim3A : vector<1000x1xf32>
    %add3A = arith.constant 9.99999996E-13 : f32
    %add3A_3 = vector.broadcast %add3A : f32 to vector<1000x1xf32>
    %add3A_4 = arith.addf %sqrt3A, %add3A_3 : vector<1000x1xf32>
    %div3A = vector.broadcast %add3A_4 : vector<1000x1xf32> to vector<1000x256xf32>
    %div3A_5 = arith.divf %get3A_1, %div3A : vector<1000x256xf32>
    %swap3A = arith.constant 0 : index
    %swap3A_6 = arith.constant 0 : index
    %swap3A_7 = vector.load %arg2[%swap3A, %swap3A_6] : memref<1000x256xf32, #tpu.memory_space<vmem>>, vector<1000x256xf32>
    tpu.vector_store %arg2[%swap3A, %swap3A_6], %div3A_5 {strides = array<i32>} : memref<1000x256xf32, #tpu.memory_space<vmem>>, vector<1000x256xf32>,
    %swap3A_8 = arith.constant 0 : index
    %swap3A_9 = arith.constant 0 : index
    %swap3A_10 = vector.load %arg3[%swap3A_8, %swap3A_9] : memref<1000x1xf32, #tpu.memory_space<vmem>>, vector<1000x1xf32>
    tpu.vector_store %arg3[%swap3A_8, %swap3A_9], %sqrt3A {strides = array<i32>} : memref<1000x1xf32, #tpu.memory_space<vmem>>, vector<1000x1xf32>,
    return
  }
  func.func @transform_0(%arg0: i32) -> (i32, i32) {
    %c0_i32 = arith.constant 0 : i32
    %c0_i32_0 = arith.constant 0 : i32
    return %arg0, %c0_i32 : i32, i32
  }
  func.func @transform_1(%arg0: i32) -> (i32, i32) {
    %c0_i32 = arith.constant 0 : i32
    %c0_i32_0 = arith.constant 0 : i32
    return %arg0, %c0_i32 : i32, i32
  }
  func.func @transform_2(%arg0: i32) -> (i32, i32) {
    %c0_i32 = arith.constant 0 : i32
    %c0_i32_0 = arith.constant 0 : i32
    return %arg0, %c0_i32 : i32, i32
  }
}

module attributes {stable_mosaic.version = 14 : i64} {
  func.func @_mid_body(%arg0: i32, %arg1: memref<1000x256xf32, #tpu.memory_space<vmem>>, %arg2: memref<1000x32xf32, #tpu.memory_space<vmem>>, %arg3: memref<256x64xf32, #tpu.memory_space<vmem>>, %arg4: memref<1000x64xf32, #tpu.memory_space<vmem>>, %arg5: memref<1000x1xf32, #tpu.memory_space<vmem>>) attributes {dimension_semantics = [#tpu.dimension_semantics<arbitrary>], iteration_bounds = array<i64: 10>, scalar_prefetch = 0 : i64, scratch_operands = 0 : i64, tpu.core_type = #tpu.core_type<tc>, window_params = [{transform_indices = @transform_0, window_bounds = array<i64: 1000, 256>}, {transform_indices = @transform_1, window_bounds = array<i64: 1000, 32>}, {pipeline_mode = #tpu.pipeline_mode<synchronous>, transform_indices = @transform_2, window_bounds = array<i64: 256, 64>}, {transform_indices = @transform_3, window_bounds = array<i64: 1000, 64>}, {transform_indices = @transform_4, window_bounds = array<i64: 1000, 1>}]} {
    %get3A = arith.constant 0 : index
    %get3A_0 = arith.constant 0 : index
    %get3A_1 = vector.load %arg2[%get3A, %get3A_0] : memref<1000x32xf32, #tpu.memory_space<vmem>>, vector<1000x32xf32>
    %reduce_sum3A = arith.constant dense<0.000000e+00> : vector<1000xf32>
    %reduce_sum3A_2 = vector.multi_reduction <add>, %get3A_1, %reduce_sum3A [1] : vector<1000x32xf32> to vector<1000xf32>
    %broadcast_in_dim3A = vector.shape_cast %reduce_sum3A_2 : vector<1000xf32> to vector<1000x1xf32>
    %add3A = arith.constant 9.99999996E-13 : f32
    %add3A_3 = vector.broadcast %add3A : f32 to vector<1000x1xf32>
    %add3A_4 = arith.addf %broadcast_in_dim3A, %add3A_3 : vector<1000x1xf32>
    %get3A_5 = arith.constant 0 : index
    %get3A_6 = arith.constant 0 : index
    %get3A_7 = vector.load %arg1[%get3A_5, %get3A_6] : memref<1000x256xf32, #tpu.memory_space<vmem>>, vector<1000x256xf32>
    %div3A = vector.broadcast %add3A_4 : vector<1000x1xf32> to vector<1000x256xf32>
    %div3A_8 = arith.divf %get3A_7, %div3A : vector<1000x256xf32>
    %tanh3A = math.tanh %div3A_8 : vector<1000x256xf32>
    %get3A_9 = arith.constant 0 : index
    %get3A_10 = arith.constant 0 : index
    %get3A_11 = vector.load %arg3[%get3A_9, %get3A_10] : memref<256x64xf32, #tpu.memory_space<vmem>>, vector<256x64xf32>
    %dot_general3A = arith.constant dense<0.000000e+00> : vector<1000x64xf32>
    %dot_general3A_12 = tpu.matmul %tanh3A, %get3A_11, %dot_general3A {dimension_numbers = #tpu.dot_dimension_numbers<[1], [0], [0], [1], [0, 0, 1, 1], [], []>, transpose_lhs_hint = false} : vector<1000x256xf32>, vector<256x64xf32>, vector<1000x64xf32> -> vector<1000x64xf32>
    %mul3A = arith.mulf %dot_general3A_12, %dot_general3A_12 : vector<1000x64xf32>
    %reduce_sum3A_13 = arith.constant dense<0.000000e+00> : vector<1000xf32>
    %reduce_sum3A_14 = vector.multi_reduction <add>, %mul3A, %reduce_sum3A_13 [1] : vector<1000x64xf32> to vector<1000xf32>
    %broadcast_in_dim3A_15 = vector.shape_cast %reduce_sum3A_14 : vector<1000xf32> to vector<1000x1xf32>
    %sqrt3A = math.sqrt %broadcast_in_dim3A_15 : vector<1000x1xf32>
    %add3A_16 = arith.constant 9.99999996E-13 : f32
    %add3A_17 = vector.broadcast %add3A_16 : f32 to vector<1000x1xf32>
    %add3A_18 = arith.addf %sqrt3A, %add3A_17 : vector<1000x1xf32>
    %div3A_19 = vector.broadcast %add3A_18 : vector<1000x1xf32> to vector<1000x64xf32>
    %div3A_20 = arith.divf %dot_general3A_12, %div3A_19 : vector<1000x64xf32>
    %swap3A = arith.constant 0 : index
    %swap3A_21 = arith.constant 0 : index
    %swap3A_22 = vector.load %arg4[%swap3A, %swap3A_21] : memref<1000x64xf32, #tpu.memory_space<vmem>>, vector<1000x64xf32>
    tpu.vector_store %arg4[%swap3A, %swap3A_21], %div3A_20 {strides = array<i32>} : memref<1000x64xf32, #tpu.memory_space<vmem>>, vector<1000x64xf32>,
    %swap3A_23 = arith.constant 0 : index
    %swap3A_24 = arith.constant 0 : index
    %swap3A_25 = vector.load %arg5[%swap3A_23, %swap3A_24] : memref<1000x1xf32, #tpu.memory_space<vmem>>, vector<1000x1xf32>
    tpu.vector_store %arg5[%swap3A_23, %swap3A_24], %sqrt3A {strides = array<i32>} : memref<1000x1xf32, #tpu.memory_space<vmem>>, vector<1000x1xf32>,
    return
  }
  func.func @transform_0(%arg0: i32) -> (i32, i32) {
    %c0_i32 = arith.constant 0 : i32
    %c0_i32_0 = arith.constant 0 : i32
    return %arg0, %c0_i32 : i32, i32
  }
  func.func @transform_1(%arg0: i32) -> (i32, i32) {
    %c0_i32 = arith.constant 0 : i32
    %c0_i32_0 = arith.constant 0 : i32
    return %arg0, %c0_i32 : i32, i32
  }
  func.func @transform_2(%arg0: i32) -> (i32, i32) {
    %c0_i32 = arith.constant 0 : i32
    %c0_i32_0 = arith.constant 0 : i32
    %c0_i32_1 = arith.constant 0 : i32
    return %c0_i32, %c0_i32_0 : i32, i32
  }
  func.func @transform_3(%arg0: i32) -> (i32, i32) {
    %c0_i32 = arith.constant 0 : i32
    %c0_i32_0 = arith.constant 0 : i32
    return %arg0, %c0_i32 : i32, i32
  }
  func.func @transform_4(%arg0: i32) -> (i32, i32) {
    %c0_i32 = arith.constant 0 : i32
    %c0_i32_0 = arith.constant 0 : i32
    return %arg0, %c0_i32 : i32, i32
  }
}

module attributes {stable_mosaic.version = 14 : i64} {
  func.func @_fin2_body(%arg0: i32, %arg1: memref<1000x64xf32, #tpu.memory_space<vmem>>, %arg2: memref<1000x64xf32, #tpu.memory_space<vmem>>, %arg3: memref<1000x32xf32, #tpu.memory_space<vmem>>, %arg4: memref<1000x64xf32, #tpu.memory_space<vmem>>) attributes {dimension_semantics = [#tpu.dimension_semantics<arbitrary>], iteration_bounds = array<i64: 10>, scalar_prefetch = 0 : i64, scratch_operands = 0 : i64, tpu.core_type = #tpu.core_type<tc>, window_params = [{transform_indices = @transform_0, window_bounds = array<i64: 1000, 64>}, {transform_indices = @transform_1, window_bounds = array<i64: 1000, 64>}, {transform_indices = @transform_2, window_bounds = array<i64: 1000, 32>}, {transform_indices = @transform_3, window_bounds = array<i64: 1000, 64>}]} {
    %get3A = arith.constant 0 : index
    %get3A_0 = arith.constant 0 : index
    %get3A_1 = vector.load %arg3[%get3A, %get3A_0] : memref<1000x32xf32, #tpu.memory_space<vmem>>, vector<1000x32xf32>
    %reduce_sum3A = arith.constant dense<0.000000e+00> : vector<1000xf32>
    %reduce_sum3A_2 = vector.multi_reduction <add>, %get3A_1, %reduce_sum3A [1] : vector<1000x32xf32> to vector<1000xf32>
    %broadcast_in_dim3A = vector.shape_cast %reduce_sum3A_2 : vector<1000xf32> to vector<1000x1xf32>
    %add3A = arith.constant 9.99999996E-13 : f32
    %add3A_3 = vector.broadcast %add3A : f32 to vector<1000x1xf32>
    %add3A_4 = arith.addf %broadcast_in_dim3A, %add3A_3 : vector<1000x1xf32>
    %get3A_5 = arith.constant 0 : index
    %get3A_6 = arith.constant 0 : index
    %get3A_7 = vector.load %arg1[%get3A_5, %get3A_6] : memref<1000x64xf32, #tpu.memory_space<vmem>>, vector<1000x64xf32>
    %get3A_8 = arith.constant 0 : index
    %get3A_9 = arith.constant 0 : index
    %get3A_10 = vector.load %arg2[%get3A_8, %get3A_9] : memref<1000x64xf32, #tpu.memory_space<vmem>>, vector<1000x64xf32>
    %add3A_11 = arith.addf %get3A_7, %get3A_10 : vector<1000x64xf32>
    %div3A = vector.broadcast %add3A_4 : vector<1000x1xf32> to vector<1000x64xf32>
    %div3A_12 = arith.divf %add3A_11, %div3A : vector<1000x64xf32>
    %swap3A = arith.constant 0 : index
    %swap3A_13 = arith.constant 0 : index
    %swap3A_14 = vector.load %arg4[%swap3A, %swap3A_13] : memref<1000x64xf32, #tpu.memory_space<vmem>>, vector<1000x64xf32>
    tpu.vector_store %arg4[%swap3A, %swap3A_13], %div3A_12 {strides = array<i32>} : memref<1000x64xf32, #tpu.memory_space<vmem>>, vector<1000x64xf32>,
    return
  }
  func.func @transform_0(%arg0: i32) -> (i32, i32) {
    %c0_i32 = arith.constant 0 : i32
    %c0_i32_0 = arith.constant 0 : i32
    return %arg0, %c0_i32 : i32, i32
  }
  func.func @transform_1(%arg0: i32) -> (i32, i32) {
    %c0_i32 = arith.constant 0 : i32
    %c0_i32_0 = arith.constant 0 : i32
    return %arg0, %c0_i32 : i32, i32
  }
  func.func @transform_2(%arg0: i32) -> (i32, i32) {
    %c0_i32 = arith.constant 0 : i32
    %c0_i32_0 = arith.constant 0 : i32
    return %arg0, %c0_i32 : i32, i32
  }
  func.func @transform_3(%arg0: i32) -> (i32, i32) {
    %c0_i32 = arith.constant 0 : i32
    %c0_i32_0 = arith.constant 0 : i32
    return %arg0, %c0_i32 : i32, i32
  }
}

</mosaic_0001>

<sc_bundles>
// kernel: kernel.12.cloned.1.call-start
scs
__scs_entry_jumppad:
0x0: {  	(pc) =	sbr.rel $0x88, $3  }
0x1: {  	(tag) =	ssettag $0x0;
	lr =	simm.s32 $0x1  }
0x2: {  	[smem:$0x3F9C] =	sst lr;
	_ =	strace $0xD0000000  }
0x3: {  	_ = 	snop  }
0x4: {  	_ = 	snop  }
0x5: {  	_ = 	snop  }
0x6: {  	_ = 	snop  }
0x7: {  	_ = 	snop  }
__scs_overlays_trampoline_lowered:
0x8: {  	[smem:$0x3FAB] =	sst s0  }
0x9: {  	[smem:$0x3FAC] =	sst s1  }
0xa: {  	[smem:$0x3FAD] =	sst s2  }
0xb: {  	[smem:$0x3FAE] =	sst s3  }
0xc: {  	[smem:$0x3FAF] =	sst s4  }
0xd: {  	[smem:$0x3FB0] =	sst s5  }
0xe: {  	[smem:$0x3FB1] =	sst s6  }
0xf: {  	[smem:$0x3FB2] =	sst s7  }
0x10: {  	[smem:$0x3FB3] =	sst s8  }
0x11: {  	[smem:$0x3FB4] =	sst s9;
	s0 =	simm.s32 @!p0 $0x0  }
0x12: {  	s1 =	sld [smem:$0x3F9A];
	s0 =	simm.s32 @p0 $0x1  }
0x13: {  	[smem:$0x3FB5] =	sst s0;
	s0 =	simm.s32 @!p1 $0x0  }
0x14: {  	s2 =	sld [smem:$0x3F99];
	s0 =	simm.s32 @p1 $0x1  }
0x15: {  	[smem:$0x3FB6] =	sst s0;
	s0 =	simm.s32 @!p2 $0x0  }
0x16: {  	s3 =	sld [smem:$0x3FDB];
	s0 =	simm.s32 @p2 $0x1  }
0x17: {  	s4 =	simm.s32 $0x1BF5;
	[smem:$0x3FB8] =	sst s0  }
0x18: {  	s0 =	sld [smem:$0x3F9B];
	_ =	swait.ge [sflag:s4], $0x0  }
0x19: {  	s7 =	sld [smem:$0x3F9C]  }
0x1a: {  	s8 =	sadd.s32 $0xFFFFE003, lr  }
0x1b: {  	s9 =	sadd.s32 $0xFFFFFEF7, lr;
	s5 =	simm.s32 $0xFFFFFFFF;
	p2 =	slt.u32 s8, $0xFFFFF086  }
0x1c: {  	p1 =	slt.u32 s9, $0xF7A;
	s5 =	simm.s32 @!p2 $0x0  }
0x1d: {  	s5 =	simm.s32 @p1 $0x1;
	p0 =	seq.s32 s7, s2  }
0x1e: {  	s7 =	smul.u32 @!p0 $0xF7A, s2;
	p2 =	seq.s32 @!p0 s5, $0x0  }
0x1f: {  	s9 =	smul.u32 $0xF7A, s1;
	s8 =	simm.s32 @!p0 $0x1BF5;
	p2 =	por !p2, p0  }
0x20: {  	[sflag:s8] =	ssyncset.s32 @!p0 $0xFFFFF086;
	s6 =	sadd.s32 @!p0 s3, s7;
	s7 =	simm.s32 @!p0 $0x108  }
0x21: {  	s3 =	sadd.s32 s3, s9;
	s6 =	sadd.s32 @!p0 $0x88, s6;
	s7 =	simm.s32 @p2 $0x1082  }
0x22: {  	[simem:s7], [sflag:s8] =	dma.local @!p0 [hbm:s6], $0xF7A  }
0x23: {  	s9 =	sor.u32 $0xD0000000, s2;
	s6 =	simm.s32 $0x108;
	_ =	swait.ge @!p0 [sflag:s8], $0x0  }
0x24: {  	s3 =	sadd.s32 $0x88, s3;
	s6 =	simm.s32 @!p1 $0x1082;
	[sflag:s4] =	ssyncset.s32 $0xFFFFF086  }
0x25: {  	[simem:s6], [sflag:s4] =	dma.local [hbm:s3], $0xF7A  }
0x26: {  	[smem:$0x3F9C] =	sst s1;
	(tag) =	ssettag s2;
	_ =	strace s9  }
0x27: {  	s1 =	sld [smem:$0x3FAC]  }
0x28: {  	s2 =	sld [smem:$0x3FAD]  }
0x29: {  	s4 =	sld [smem:$0x3FAF]  }
0x2a: {  	p0 =	seq.s32 s5, $0x0;
	s5 =	sld [smem:$0x3FB0]  }
0x2b: {  	s6 =	sld [smem:$0x3FB1]  }
0x2c: {  	s7 =	sld [smem:$0x3FB2]  }
0x2d: {  	s3 =	simm.s32 $0x108;
	s8 =	sld [smem:$0x3FB3]  }
0x2e: {  	s3 =	simm.s32 @!p0 $0x1082;
	s9 =	sld [smem:$0x3FB4]  }
0x2f: {  	lr =	sadd.s32 s0, s3;
	s0 =	sld [smem:$0x3FAB]  }
0x30: {  	s3 =	sld [smem:$0x3FAE]  }
0x31: {  	[smem:$0x3FB7] =	sst s10  }
0x32: {  	s10 =	sld [smem:$0x3FB5];
	_ =	sdelay $0x3  }
0x33: {  	p0 =	seq.s32 s10, $0x1;
	s10 =	sld [smem:$0x3FB7];
	_ =	sdelay $0x3  }
0x34: {  	[smem:$0x3FB7] =	sst s10  }
0x35: {  	s10 =	sld [smem:$0x3FB6];
	_ =	sdelay $0x3  }
0x36: {  	p1 =	seq.s32 s10, $0x1;
	s10 =	sld [smem:$0x3FB7];
	_ =	sdelay $0x3  }
0x37: {  	[smem:$0x3FB7] =	sst s10  }
0x38: {  	s10 =	sld [smem:$0x3FB8]  }
0x39: {  	_ = 	snop;
	(pc) =	sbr.ind lr, $3  }
0x3a: {  	_ = 	snop  }
0x3b: {  	_ = 	snop  }
0x3c: {  	p2 =	seq.s32 s10, $0x1;
	s10 =	sld [smem:$0x3FB7]  }
0x3d: {  	_ =	shalt  }
0x3e: {  	_ =	shalt  }
0x3f: {  	_ =	shalt  }
0x40: {  	_ =	shalt  }
0x41: {  	_ =	shalt  }
0x42: {  	_ =	shalt  }
0x43: {  	_ =	shalt  }
0x44: {  	_ =	shalt  }
0x45: {  	_ =	shalt  }
0x46: {  	_ =	shalt  }
0x47: {  	_ =	shalt  }
0x48: {  	_ =	shalt  }
0x49: {  	_ =	shalt  }
0x4a: {  	_ =	shalt  }
0x4b: {  	_ =	shalt  }
0x4c: {  	_ =	shalt  }
0x4d: {  	_ =	shalt  }
0x4e: {  	_ =	shalt  }
0x4f: {  	_ =	shalt  }
0x50: {  	_ =	shalt  }
0x51: {  	_ =	shalt  }
0x52: {  	_ =	shalt  }
0x53: {  	_ =	shalt  }
0x54: {  	_ =	shalt  }
0x55: {  	_ =	shalt  }
0x56: {  	_ =	shalt  }
0x57: {  	_ =	shalt  }
0x58: {  	_ =	shalt  }
0x59: {  	_ =	shalt  }
0x5a: {  	_ =	shalt  }
0x5b: {  	_ =	shalt  }
0x5c: {  	_ =	shalt  }
0x5d: {  	_ =	shalt  }
0x5e: {  	_ =	shalt  }
0x5f: {  	_ =	shalt  }
0x60: {  	_ =	shalt  }
0x61: {  	_ =	shalt  }
0x62: {  	_ =	shalt  }
0x63: {  	_ =	shalt  }
0x64: {  	_ =	shalt  }
0x65: {  	_ =	shalt  }
0x66: {  	_ =	shalt  }
0x67: {  	_ =	shalt  }
0x68: {  	_ =	shalt  }
0x69: {  	_ =	shalt  }
0x6a: {  	_ =	shalt  }
0x6b: {  	_ =	shalt  }
0x6c: {  	_ =	shalt  }
0x6d: {  	_ =	shalt  }
0x6e: {  	_ =	shalt  }
0x6f: {  	_ =	shalt  }
0x70: {  	_ =	shalt  }
0x71: {  	_ =	shalt  }
0x72: {  	_ =	shalt  }
0x73: {  	_ =	shalt  }
0x74: {  	_ =	shalt  }
0x75: {  	_ =	shalt  }
0x76: {  	_ =	shalt  }
0x77: {  	_ =	shalt  }
0x78: {  	_ =	shalt  }
0x79: {  	_ =	shalt  }
0x7a: {  	_ =	shalt  }
0x7b: {  	_ =	shalt  }
0x7c: {  	_ =	shalt  }
0x7d: {  	_ =	shalt  }
0x7e: {  	_ =	shalt  }
0x7f: {  	_ =	shalt  }
0x80: {  	_ =	shalt  }
0x81: {  	_ =	shalt  }
0x82: {  	_ =	shalt  }
0x83: {  	_ =	shalt  }
0x84: {  	_ =	shalt  }
0x85: {  	_ =	shalt  }
0x86: {  	_ =	shalt  }
0x87: {  	_ =	shalt  }
.Lfunc_end0:
.L_simem_size_0:
called_computation.1_lowered:
.L_overlay_start_0:
0x88: {  	s2 =	sld [smem:$0x3FD9]  }
0x89: {  	s3 =	sld [smem:$0x3FFE];
	_ =	sdelay $0x1  }
0x8a: {  	s1 =	srdreg.scid  }
0x8b: {  	s0 =	sand.u32 $0x1, s1  }
0x8c: {  	s16 =	sshll.u32 s0, $0xA;
	s2 =	sadd.s32 s3, s2  }
0x8d: {  	s2 =	sadd.s32 s2, s16  }
0x8e: {  	[smem:$0x3FC3] =	sst s2  }
0x8f: {  	_ = 	snop  }
0x90: {  	(tm) =	ssettm $0x1  }
0x91: {  	s17 =	sld [smem:$0x3FFB];
	_ =	sdelay $0x3  }
0x92: {  	_ =	strace s17  }
0x93: {  	s2 =	sld [smem:$0x3FFC];
	_ =	sdelay $0x3  }
0x94: {  	_ =	strace s2  }
0x95: {  	s2 =	sld [smem:$0x3FFD];
	_ =	sdelay $0x3  }
0x96: {  	_ =	strace s2  }
0x97: {  	_ =	strace $0x8FFFFFFF  }
0x98: {  	s18 =	sld [smem:$0x3FDB];
	_ =	sdelay $0x1  }
0x99: {  	s19 =	simm.s32 $_scs_section_size  }
0x9a: {  	s4 =	simm.s32 $_size__tile_overlayer_lowered;
	s5 =	simm.s32 $_tile_overlayer_lowered  }
0x9b: {  	s22 =	simm.s32 $0x1BFF;
	s21 =	sshll.u32 s5, $0x1;
	s2 =	sadd.s32 s19, s18  }
0x9c: {  	s6 =	simm.s32 $0x0;
	s20 =	sshll.u32 s4, $0x1;
	s4 =	sadd.s32 s21, s2  }
0x9d: {  	[timem:s6], [sflag:s22] =	dma.local [hbm:s4], s20  }
0x9e: {  	_ =	swait.ge [sflag:s22], s20  }
0x9f: {  	s3 =	ssub.s32 $0x0, s20;
	[sflag:s22] =	ssyncset.done $0x0  }
0xa0: {  	[sflag:s22] =	ssyncadd.s32 s3;
	_ =	sdelay $0x1  }
0xa1: {  	s23 =	simm.s32 $0x1B8B  }
0xa2: {  	_ =	swait.ge [sflag:s23], $0x1  }
0xa3: {  	[sflag:s23] =	ssyncset.done $0x0  }
0xa4: {  	s25 =	simm.s32 $0x1B8E;
	s24 =	sld [smem:$0x3FFE];
	[sflag:s23] =	ssyncadd.s32 $0xFFFFFFFF  }
0xa5: {  	s26 =	simm.s32 $execute0_lowered;
	[smem:$0x3FD2] =	sst s25  }
0xa6: {  	s4 =	sshll.u32 s26, $0x1;
	_ =	strace $0x80000049;
	[dreg:$0x1] =	wrdreg $0xFFFFFFFF  }
0xa7: {  	s28 =	simm.s32 $_size_execute0_lowered;
	s2 =	sadd.s32 s2, s4;
	[dreg:$0x0] =	wrdreg $0x0  }
0xa8: {  	s4 =	sshll.u32 s28, $0x1;
	[dreg:$0x2] =	wrdreg s2  }
0xa9: {  	[dreg:$0x3] =	wrdreg s4  }
0xaa: {  	[dreg:$0x4] =	wrdreg $0xC0  }
0xab: {  	_ =	task [dreg:s6], $0x5FFFF  }
0xac: {  	[dreg:$0x1] =	wrdreg $0xFFFFFFFF  }
0xad: {  	[dreg:$0x0] =	wrdreg $0x60  }
0xae: {  	[dreg:$0x2] =	wrdreg s24  }
0xaf: {  	[dreg:$0x3] =	wrdreg $0xC3000  }
0xb0: {  	[dreg:$0x4] =	wrdreg $0x9  }
0xb1: {  	_ =	task.clear_ibuf [dreg:s6], $0x5FFFF;
	_ =	strace $0x90000049  }
0xb2: {  	s29 =	simm.s32 $0x9;
	_ =	strace $0x8000004B  }
0xb3: {  	_ =	swait.ge [sflag:s29], $0x1  }
0xb4: {  	[sflag:s29] =	ssyncadd.s32 $0xFFFFFFFF  }
0xb5: {  	_ =	strace $0x9000004B  }
0xb6: {  	_ =	sfence  }
0xb7: {  	s30 =	sld [smem:$0x0];
	_ =	sdelay $0x2  }
0xb8: {  	s31 =	sshll.u32 s1, $0xD;
	s1 =	sshrl.u32 s1, $0x2  }
0xb9: {  	s3 =	sand.u32 $0x4000, s31;
	s1 =	sadd.s32 s1, s30  }
0xba: {  	s0 =	sor.u32 s3, s0;
	s1 =	sshll.u32 s1, $0x11  }
0xbb: {  	s0 =	sor.u32 s1, s0  }
0xbc: {  	s0 =	sadd.s32 $0x8F2B, s0  }
0xbd: {  	[sflag:s0] =	ssyncadd.remote.s32 $0x1  }
0xbe: {  	_ =	sfence.sel $0xFFFF  }
0xbf: {  	[dreg:$0x0] =	wrdreg $0xFFFFFFFF;
	(pc) =	sbr.abs _section_cstart, $3  }
0xc0: {  	[dreg:$0x1] =	wrdreg $0xFFFFFFFF  }
0xc1: {  	_ =	task.clear_ibuf [dreg:s6], $0x2FFFF;
	_ =	strace $0x9FFFFFFF  }
0xc2: {  	(tm) =	ssettm $0x7FFFFFFF  }
0xc3: {  	_ =	shalt  }
tec
execute0_lowered:
.L_overlay_start_1:
0x0: {  	(tag) =	ssettag $0x1  }
0x1: {  	s0 =	rddreg [dreg:$0x0]  }
0x2: {  	s2 =	rddreg [dreg:$0x1];
	s1 =	srdreg.scid  }
0x3: {  	s13 =	stileid.u32;
	s3 =	simm.s32 $0x0;
	s28 =	simm.s32 $0x80  }
0x4: {  	s29 =	simm.s32 $0x300;
	s30 =	simm.s32 $0x180;
	s6 =	smul.u32 $0x278, s13  }
0x5: {  	s31 =	simm.s32 $0x280;
	s1 =	sand.u32 $0x1, s1;
	s9 =	smul.u32 $0x4F000, s13  }
0x6: {  	[smem:$0x7FF] =	sst s3;
	s4 =	sadd.s32 $0x3CC00, s0;
	s11 =	smul.u32 $0x500, s13  }
0x7: {  	s5 =	sadd.s32 $0x32400, s0;
	s7 =	smul.u32 $0x2780, s1;
	_ =	strace $0x8000004A  }
0x8: {  	s18 =	ssub.s32 $0x2, s1;
	s21 =	smul.u32 $0x2710, s1;
	s1 =	simm.s32 $0x1  }
0x9: {  	s10 =	sshrl.u32 s18, $0x1;
	s9 =	sshrl.u32 s9, $0x2;
	s19 =	sadd.s32 s5, s11  }
0xa: {  	s7 =	sadd.s32 s6, s7;
	s6 =	sadd.s32 $0x6200, s0;
	s12 =	ssub.s32 s18, s10  }
0xb: {  	s9 =	sadd.s32 s9, s2;
	[dreg:$0x3] =	wrdreg s19;
	s8 =	sshll.u32 s7, $0x4  }
0xc: {  	s7 =	sadd.s32 $0x37C00, s0;
	s10 =	sadd.s32 $0x10000, s9;
	s20 =	sadd.s32 s6, s11  }
0xd: {  	s24 =	smax.u32 s12, $0x1;
	s17 =	sadd.s32 $0x4000, s9;
	[dreg:$0x4] =	wrdreg s20  }
0xe: {  	s0 =	sadd.s32 s8, s0;
	s11 =	sadd.s32 s7, s11;
	[dreg:$0x8] =	wrdreg s24  }
0xf: {  	s18 =	sadd.s32 $0x8000, s9;
	[dreg:$0x5] =	wrdreg s11;
	s22 =	sadd.s32 $0x8CE00, s0  }
0x10: {  	s19 =	sadd.s32 $0xC000, s9;
	s23 =	sadd.s32 $0x8AE00, s0;
	[dreg:$0x6] =	wrdreg s22  }
0x11: {  	s8 =	smul.u32 $0x50, s13;
	s25 =	sadd.s32 $0x8B600, s0;
	[dreg:$0x7] =	wrdreg s23  }
0x12: {  	s24 =	simm.s32 $0x5;
	s26 =	sadd.s32 $0x8BE00, s0;
	[dreg:$0x9] =	wrdreg s25  }
0x13: {  	s13 =	simm.s32 $0x4;
	s0 =	sadd.s32 $0x8C600, s0;
	[dreg:$0xa] =	wrdreg s26  }
0x14: {  	s11 =	simm.s32 $0x2;
	[dreg:$0xb] =	wrdreg s0;
	s23 =	simm.s32 $0x8300  }
0x15: {  	v1 =	vimm.f32 $0.0e+00;
	v0 =	vmov s21;
	s25 =	simm.s32 $0x100;
	s26 =	simm.s32 $0x200;
	s0 =	simm.s32 $0x4300  }
.LBB2_1:
0x16: {  	s14 =	simm.s32 $0x0;
	s15 =	simm.s32 $0x200  }
.LBB2_2:
0x17: {  	p0 =	sne.s32 s15, $0xFE00;
	[tilespmem:s14+$0x8370] =	vst v1  }
0x18: {  	[tilespmem:s14+$0x8300] =	vst v1  }
0x19: {  	[tilespmem:s14+$0x8310] =	vst v1  }
.Ltmp0:
0x1a: {  	[tilespmem:s14+$0x8320] =	vst v1;
	(pc) =	sbr.rel @p0 .LBB2_2-.Ltmp0, $4  }
0x1b: {  	[tilespmem:s14+$0x8330] =	vst v1  }
0x1c: {  	[tilespmem:s14+$0x8340] =	vst v1  }
0x1d: {  	[tilespmem:s14+$0x8350] =	vst v1  }
0x1e: {  	[tilespmem:s14+$0x8360] =	vst v1;
	s14 =	sshra.s32 s15, $0x2;
	s15 =	sadd.s32 $0x200, s15  }
0x1f: {  	[tilespmem:s14+$0x8370] =	vst v1  }
0x20: {  	[tilespmem:s14+$0x8300] =	vst v1  }
0x21: {  	[tilespmem:s14+$0x8310] =	vst v1  }
0x22: {  	[tilespmem:s14+$0x8320] =	vst v1  }
0x23: {  	[tilespmem:s14+$0x8330] =	vst v1  }
0x24: {  	[tilespmem:s14+$0x8340] =	vst v1  }
0x25: {  	[tilespmem:s14+$0x8350] =	vst v1  }
0x26: {  	[tilespmem:s14+$0x8360] =	vst v1  }
0x27: {  	[spmem:s9] =	stream.linear.scatter [tilespmem:s23], [sflag:$0x5], $0x4000, $0x38;
	[tilespmem:$0x1FF00] =	vst v63  }
0x28: {  	_ =	swait.ge [sflag:s24], $0x4000  }
0x29: {  	[sflag:s24] =	ssyncset.done $0x0  }
0x2a: {  	[sflag:s24] =	ssyncadd.s32 $0xFFFFC000  }
0x2b: {  	[spmem:s17] =	stream.linear.scatter [tilespmem:s23], [sflag:$0x5], $0x4000, $0x38;
	[tilespmem:$0x1FF00] =	vst v63  }
0x2c: {  	_ =	swait.ge [sflag:s24], $0x4000  }
0x2d: {  	[sflag:s24] =	ssyncset.done $0x0  }
0x2e: {  	[sflag:s24] =	ssyncadd.s32 $0xFFFFC000  }
0x2f: {  	[spmem:s18] =	stream.linear.scatter [tilespmem:s23], [sflag:$0x5], $0x4000, $0x38;
	[tilespmem:$0x1FF00] =	vst v63  }
0x30: {  	_ =	swait.ge [sflag:s24], $0x4000  }
0x31: {  	[sflag:s24] =	ssyncset.done $0x0  }
0x32: {  	[sflag:s24] =	ssyncadd.s32 $0xFFFFC000  }
0x33: {  	[spmem:s19] =	stream.linear.scatter [tilespmem:s23], [sflag:$0x5], $0x4000, $0x38;
	[tilespmem:$0x1FF00] =	vst v63  }
0x34: {  	_ =	swait.ge [sflag:s24], $0x4000  }
0x35: {  	[sflag:s24] =	ssyncset.done $0x0  }
0x36: {  	[sflag:s24] =	ssyncadd.s32 $0xFFFFC000  }
0x37: {  	[spmem:s10] =	stream.linear.scatter [tilespmem:s23], [sflag:$0x5], $0x3C00, $0x38;
	[tilespmem:$0x1FF00] =	vst v63  }
0x38: {  	_ =	swait.ge [sflag:s24], $0x3C00  }
0x39: {  	[sflag:s24] =	ssyncset.done $0x0  }
0x3a: {  	[sflag:s24] =	ssyncadd.s32 $0xFFFFC400  }
0x3b: {  	[bflag:$0x0] =	sbarrier.arrive $0xFFFF  }
0x3c: {  	s14 =	simm.s32 $0x0;
	s12 =	rddreg [dreg:$0x3]  }
0x3d: {  	[tilespmem:s14], [sflag:$0x5] =	stream.linear.gather [hbm4b:s12+s14], $0x80, $0x38;
	[tilespmem:$0x1FF00] =	vst v63  }
0x3e: {  	_ =	swait.ge [sflag:s24], $0x80  }
0x3f: {  	[sflag:s24] =	ssyncset.done $0x0  }
0x40: {  	s21 =	rddreg [dreg:$0x4];
	[sflag:s24] =	ssyncadd.s32 $0xFFFFFF80  }
0x41: {  	[tilespmem:s25], [sflag:$0x5] =	stream.linear.gather [hbm4b:s21+s14], $0x80, $0x38;
	[tilespmem:$0x1FF00] =	vst v63  }
0x42: {  	_ =	swait.ge [sflag:s24], $0x80  }
0x43: {  	[sflag:s24] =	ssyncset.done $0x0  }
0x44: {  	s22 =	rddreg [dreg:$0x5];
	[sflag:s24] =	ssyncadd.s32 $0xFFFFFF80  }
0x45: {  	[tilespmem:s26], [sflag:$0x5] =	stream.linear.gather [hbm4b:s22+s14], $0x80, $0x38;
	[tilespmem:$0x1FF00] =	vst v63  }
0x46: {  	_ =	swait.ge [sflag:s24], $0x80  }
0x47: {  	[sflag:s24] =	ssyncset.done $0x0  }
0x48: {  	[sflag:s24] =	ssyncadd.s32 $0xFFFFFF80  }
0x49: {  	v2 =	vld [tilespmem:$0x0]  }
0x4a: {  	v3 =	vld [tilespmem:$0x10]  }
0x4b: {  	v4 =	vld [tilespmem:$0x20]  }
0x4c: {  	v5 =	vld [tilespmem:$0x30]  }
0x4d: {  	v6 =	vld [tilespmem:$0x40]  }
0x4e: {  	v7 =	vld [tilespmem:$0x50];
	v2 =	vadd.s32 v0, v2  }
0x4f: {  	[tilespmem:$0x0] =	vst v2;
	v2 =	vadd.s32 v0, v3;
	v3 =	vld [tilespmem:$0x60]  }
0x50: {  	v63 =	vld [tilespmem:$0x70];
	[tilespmem:$0x10] =	vst v2;
	v2 =	vadd.s32 v0, v4  }
0x51: {  	[tilespmem:$0x20] =	vst v2;
	v2 =	vadd.s32 v0, v5  }
0x52: {  	[tilespmem:$0x30] =	vst v2;
	v2 =	vadd.s32 v0, v6  }
0x53: {  	[tilespmem:$0x40] =	vst v2;
	v2 =	vadd.s32 v0, v7  }
0x54: {  	[tilespmem:$0x50] =	vst v2;
	v2 =	vadd.s32 v0, v3  }
0x55: {  	[tilespmem:$0x60] =	vst v2;
	v2 =	vadd.s32 v0, v63  }
0x56: {  	s15 =	simm.s32 $0x0;
	[tilespmem:$0x70] =	vst v2  }
0x57: {  	[tilespmem:s29], [sflag:$0x1] =	stream.indirect.gather [hbm4b:s4+s28], $0x80, s14, s28, $0xb8;
	[tilespmem:$0x1FF00] =	vst v63  }
.LBB2_4:
0x58: {  	p0 =	seq.s32 s15, $0x0  }
0x59: {  	s16 =	sshllo.u32 s15, $0x1;
	s20 =	simm.s32 @!p0 $0x4  }
0x5a: {  	s21 =	sadd.s32 s8, s16;
	_ =	swait.ge @!p0 [sflag:s20], $0x4000  }
0x5b: {  	s21 =	sshll.u32 s21, $0x4;
	[sflag:s20] =	ssyncset.done @!p0 $0x0  }
0x5c: {  	s16 =	sshll.u32 s16, $0x4;
	s22 =	sadd.s32 s5, s21;
	[sflag:s20] =	ssyncadd.s32 @!p0 $0xFFFFC000  }
0x5d: {  	[tilespmem:s28], [sflag:$0x5] =	stream.linear.gather [hbm4b:s22+s14], $0x80, $0x38;
	[tilespmem:$0x1FF00] =	vst v63  }
0x5e: {  	s16 =	sand.u32 $0x70, s16;
	_ =	swait.ge [sflag:s24], $0x80  }
0x5f: {  	s12 =	sand.u32 $0xFF80, s21;
	s16 =	sadd.s32 s6, s16;
	[sflag:s24] =	ssyncset.done $0x0  }
0x60: {  	s16 =	sadd.s32 s12, s16;
	[sflag:s24] =	ssyncadd.s32 $0xFFFFFF80  }
0x61: {  	[tilespmem:s30], [sflag:$0x5] =	stream.linear.gather [hbm4b:s16+s14], $0x80, $0x38;
	[tilespmem:$0x1FF00] =	vst v63  }
0x62: {  	_ =	swait.ge [sflag:s24], $0x80  }
0x63: {  	[sflag:s24] =	ssyncset.done $0x0  }
0x64: {  	s22 =	sadd.s32 s7, s21;
	[sflag:s24] =	ssyncadd.s32 $0xFFFFFF80  }
0x65: {  	[tilespmem:s31], [sflag:$0x5] =	stream.linear.gather [hbm4b:s22+s14], $0x80, $0x38;
	[tilespmem:$0x1FF00] =	vst v63  }
0x66: {  	_ =	swait.ge [sflag:s24], $0x80  }
0x67: {  	[sflag:s24] =	ssyncset.done $0x0  }
0x68: {  	[sflag:s24] =	ssyncadd.s32 $0xFFFFFF80  }
0x69: {  	v2 =	vld [tilespmem:$0x80]  }
0x6a: {  	v3 =	vld [tilespmem:$0x90]  }
0x6b: {  	v4 =	vld [tilespmem:$0xA0]  }
0x6c: {  	v5 =	vld [tilespmem:$0xB0]  }
0x6d: {  	v6 =	vld [tilespmem:$0xC0]  }
0x6e: {  	v7 =	vld [tilespmem:$0xD0];
	v2 =	vadd.s32 v0, v2  }
0x6f: {  	[tilespmem:$0x80] =	vst v2;
	v2 =	vadd.s32 v0, v3;
	v3 =	vld [tilespmem:$0xE0]  }
0x70: {  	[tilespmem:$0x90] =	vst v2;
	v2 =	vadd.s32 v0, v4;
	v4 =	vld [tilespmem:$0xF0]  }
0x71: {  	[tilespmem:$0xA0] =	vst v2;
	v2 =	vadd.s32 v0, v5  }
0x72: {  	[tilespmem:$0xB0] =	vst v2;
	v2 =	vadd.s32 v0, v6  }
0x73: {  	[tilespmem:$0xC0] =	vst v2;
	v2 =	vadd.s32 v0, v7  }
0x74: {  	[tilespmem:$0xD0] =	vst v2;
	v2 =	vadd.s32 v0, v3  }
0x75: {  	[tilespmem:$0xE0] =	vst v2;
	v2 =	vadd.s32 v0, v4  }
0x76: {  	[tilespmem:$0xF0] =	vst v2  }
0x77: {  	[tilespmem:s0], [sflag:$0x2] =	stream.indirect.gather [hbm4b:s4+s28], $0x80, s28, s28, $0xb8;
	[tilespmem:$0x1FF00] =	vst v63  }
0x78: {  	_ =	swait.ge [sflag:s1], $0x4000  }
0x79: {  	v2 =	vmov s14;
	[sflag:s1] =	ssyncset.done $0x0  }
0x7a: {  	s16 =	simm.s32 $0x340;
	[sflag:s1] =	ssyncadd.s32 $0xFFFFC000  }
0x7b: {  	v6 =	vld [tilespmem:s16+$0x30]  }
0x7c: {  	v9 =	vld [tilespmem:s16+$0x10]  }
0x7d: {  	v7 =	vld [tilespmem:s16+$0xFFFFFFC0]  }
0x7e: {  	v3 =	vld.idx.msk [tilespmem:v2+s26+$0x0], $0xffff  }
0x7f: {  	v11 =	vld [tilespmem:s16+$0xFFFFFFE0]  }
0x80: {  	v2 =	vld [tilespmem:s16+$0xFFFFFFF0]  }
0x81: {  	v4 =	vld [tilespmem:s16+$0x20]  }
0x82: {  	v5 =	vld [tilespmem:s16+$0xFFFFFFD0]  }
0x83: {  	v10 =	vmul.f32 v6, v3;
	v6 =	vld [tilespmem:s16+$0x0]  }
0x84: {  	v8 =	vmul.f32 v7, v3  }
0x85: {  	s20 =	sshll.u32 s15, $0x1;
	s21 =	simm.s32 $0x1;
	s22 =	simm.s32 $0x340;
	v7 =	vmul.f32 v11, v3;
	v9 =	vmul.f32 v9, v3  }
.LBB2_5:
0x86: {  	p0 =	sne.s32 s21, $0x7F  }
0x87: {  	v5 =	vmul.f32 v5, v3;
	v4 =	vmul.f32 v4, v3;
	[tilespmem:s16+$0x30] =	vst v10;
	s22 =	sadd.s32 $0x80, s22;
	s12 =	smov.u32 s21;
	s21 =	sadd.s32 $0x1, s21  }
0x88: {  	[tilespmem:s16+$0xFFFFFFC0] =	vst v8;
	v8 =	vmul.f32 v2, v3;
	v3 =	vmul.f32 v6, v3  }
0x89: {  	[tilespmem:s16+$0x10] =	vst v9  }
0x8a: {  	v6 =	vmov s12;
	[tilespmem:s16+$0xFFFFFFE0] =	vst v7  }
0x8b: {  	v2 =	vld [tilespmem:s22+$0xFFFFFFF0];
	[tilespmem:s16+$0xFFFFFFF0] =	vst v8  }
0x8c: {  	v7 =	vld [tilespmem:s22+$0x30];
	[tilespmem:s16+$0x0] =	vst v3  }
0x8d: {  	v9 =	vld [tilespmem:s22+$0x10];
	[tilespmem:s16+$0x20] =	vst v4  }
0x8e: {  	v8 =	vld [tilespmem:s22+$0xFFFFFFC0];
	[tilespmem:s16+$0xFFFFFFD0] =	vst v5;
	s16 =	smov.u32 s22  }
0x8f: {  	v3 =	vld.idx.msk [tilespmem:v6+s26+$0x0], $0xffff  }
0x90: {  	v11 =	vld [tilespmem:s22+$0xFFFFFFE0]  }
0x91: {  	v4 =	vld [tilespmem:s22+$0x20]  }
.Ltmp1:
0x92: {  	v5 =	vld [tilespmem:s22+$0xFFFFFFD0];
	(pc) =	sbr.rel @p0 .LBB2_5-.Ltmp1, $3  }
0x93: {  	v6 =	vld [tilespmem:s22+$0x0];
	_ =	sdelay $0x1  }
0x94: {  	v8 =	vmul.f32 v8, v3;
	v10 =	vmul.f32 v7, v3  }
0x95: {  	v9 =	vmul.f32 v9, v3;
	v7 =	vmul.f32 v11, v3  }
0x96: {  	[tilespmem:s16+$0x30] =	vst v10  }
0x97: {  	[tilespmem:s16+$0xFFFFFFC0] =	vst v8  }
0x98: {  	v2 =	vmul.f32 v2, v3;
	[tilespmem:s16+$0x10] =	vst v9  }
0x99: {  	v4 =	vmul.f32 v4, v3;
	[tilespmem:s16+$0xFFFFFFE0] =	vst v7  }
0x9a: {  	v6 =	vmul.f32 v6, v3;
	[tilespmem:s16+$0xFFFFFFF0] =	vst v2  }
0x9b: {  	v2 =	vmul.f32 v5, v3;
	[tilespmem:s16+$0x20] =	vst v4  }
0x9c: {  	p0 =	seq.s32 s15, $0x27;
	[tilespmem:s16+$0x0] =	vst v6  }
0x9d: {  	s12 =	sadd.s32 @!p0 $0x2, s20;
	[tilespmem:s16+$0xFFFFFFD0] =	vst v2;
	s16 =	simm.s32 @!p0 $0x3  }
0x9e: {  	[spmem:s2] =	stream.indirect.scatter.add.f32 [tilespmem:s29], [sflag:$0x3], $0x80, s25, s28, $0xb8;
	[tilespmem:$0x1FF00] =	vst v63  }
0x9f: {  	s20 =	sadd.s32 @!p0 s8, s12;
	_ =	swait.ge @!p0 [sflag:s16], $0x4000  }
0xa0: {  	s20 =	sshll.u32 @!p0 s20, $0x4;
	[sflag:s16] =	ssyncset.done @!p0 $0x0  }
0xa1: {  	s21 =	simm.s32 @!p0 $0x0;
	[sflag:s16] =	ssyncadd.s32 @!p0 $0xFFFFC000;
	s16 =	sadd.s32 @!p0 s5, s20  }
0xa2: {  	[tilespmem:s21], [sflag:$0x5] =	stream.linear.gather @!p0 [hbm4b:s16+s21], $0x80, $0x38;
	[tilespmem:$0x1FF00] =	vst v63  }
0xa3: {  	s12 =	sshll.u32 @!p0 s12, $0x4;
	s16 =	simm.s32 @!p0 $0x5  }
0xa4: {  	s12 =	sand.u32 @!p0 $0x60, s12;
	_ =	swait.ge @!p0 [sflag:s16], $0x80  }
0xa5: {  	s22 =	sand.u32 @!p0 $0xFF80, s20;
	s12 =	sadd.s32 @!p0 s6, s12;
	[sflag:s16] =	ssyncset.done @!p0 $0x0  }
0xa6: {  	s12 =	sadd.s32 @!p0 s22, s12;
	s22 =	simm.s32 @!p0 $0x100;
	[sflag:s16] =	ssyncadd.s32 @!p0 $0xFFFFFF80  }
0xa7: {  	[tilespmem:s22], [sflag:$0x5] =	stream.linear.gather @!p0 [hbm4b:s12+s21], $0x80, $0x38;
	[tilespmem:$0x1FF00] =	vst v63  }
0xa8: {  	_ =	swait.ge @!p0 [sflag:s16], $0x80  }
0xa9: {  	[sflag:s16] =	ssyncset.done @!p0 $0x0  }
0xaa: {  	s12 =	sadd.s32 @!p0 s7, s20;
	s20 =	simm.s32 @!p0 $0x200;
	[sflag:s16] =	ssyncadd.s32 @!p0 $0xFFFFFF80  }
0xab: {  	[tilespmem:s20], [sflag:$0x5] =	stream.linear.gather @!p0 [hbm4b:s12+s21], $0x80, $0x38;
	[tilespmem:$0x1FF00] =	vst v63  }
0xac: {  	_ =	swait.ge @!p0 [sflag:s16], $0x80  }
0xad: {  	[sflag:s16] =	ssyncset.done @!p0 $0x0  }
0xae: {  	[sflag:s16] =	ssyncadd.s32 @!p0 $0xFFFFFF80  }
0xaf: {  	v2 =	vld @!p0 [tilespmem:$0x0]  }
0xb0: {  	v3 =	vld @!p0 [tilespmem:$0x10]  }
0xb1: {  	v4 =	vld @!p0 [tilespmem:$0x20]  }
0xb2: {  	v5 =	vld @!p0 [tilespmem:$0x30]  }
0xb3: {  	v6 =	vld @!p0 [tilespmem:$0x40]  }
0xb4: {  	v7 =	vld @!p0 [tilespmem:$0x50];
	v2 =	vadd.s32 @!p0 v0, v2  }
0xb5: {  	[tilespmem:$0x0] =	vst @!p0 v2;
	v2 =	vadd.s32 @!p0 v0, v3;
	v3 =	vld @!p0 [tilespmem:$0x60]  }
0xb6: {  	[tilespmem:$0x10] =	vst @!p0 v2;
	v2 =	vadd.s32 @!p0 v0, v4;
	v4 =	vld @!p0 [tilespmem:$0x70]  }
0xb7: {  	[tilespmem:$0x20] =	vst @!p0 v2;
	v2 =	vadd.s32 @!p0 v0, v5  }
0xb8: {  	[tilespmem:$0x30] =	vst @!p0 v2;
	v2 =	vadd.s32 @!p0 v0, v6  }
0xb9: {  	[tilespmem:$0x40] =	vst @!p0 v2;
	v2 =	vadd.s32 @!p0 v0, v7  }
0xba: {  	[tilespmem:$0x50] =	vst @!p0 v2;
	v2 =	vadd.s32 @!p0 v0, v3  }
0xbb: {  	[tilespmem:$0x60] =	vst @!p0 v2;
	v2 =	vadd.s32 @!p0 v0, v4  }
0xbc: {  	s12 =	simm.s32 @!p0 $0x80;
	s16 =	simm.s32 @!p0 $0x300;
	[tilespmem:$0x70] =	vst @!p0 v2  }
0xbd: {  	[tilespmem:s16], [sflag:$0x1] =	stream.indirect.gather @!p0 [hbm4b:s4+s12], $0x80, s21, s12, $0xb8;
	[tilespmem:$0x1FF00] =	vst v63  }
0xbe: {  	s22 =	simm.s32 $0x0;
	_ =	swait.ge [sflag:s11], $0x4000  }
0xbf: {  	v2 =	vmov s22;
	[sflag:s11] =	ssyncset.done $0x0  }
0xc0: {  	s16 =	simm.s32 $0x4340;
	[sflag:s11] =	ssyncadd.s32 $0xFFFFC000  }
0xc1: {  	v6 =	vld [tilespmem:s16+$0x30]  }
0xc2: {  	v9 =	vld [tilespmem:s16+$0x10]  }
0xc3: {  	v7 =	vld [tilespmem:s16+$0xFFFFFFC0]  }
0xc4: {  	v3 =	vld.idx.msk [tilespmem:v2+s31+$0x0], $0xffff  }
0xc5: {  	v11 =	vld [tilespmem:s16+$0xFFFFFFE0]  }
0xc6: {  	v2 =	vld [tilespmem:s16+$0xFFFFFFF0]  }
0xc7: {  	v4 =	vld [tilespmem:s16+$0x20]  }
0xc8: {  	v5 =	vld [tilespmem:s16+$0xFFFFFFD0]  }
0xc9: {  	v10 =	vmul.f32 v6, v3;
	v6 =	vld [tilespmem:s16+$0x0]  }
0xca: {  	v8 =	vmul.f32 v7, v3  }
0xcb: {  	s20 =	simm.s32 $0x1;
	s21 =	simm.s32 $0x4340;
	v7 =	vmul.f32 v11, v3;
	v9 =	vmul.f32 v9, v3  }
.LBB2_7:
0xcc: {  	p0 =	sne.s32 s20, $0x7F  }
0xcd: {  	v5 =	vmul.f32 v5, v3;
	v4 =	vmul.f32 v4, v3;
	[tilespmem:s16+$0x30] =	vst v10;
	s21 =	sadd.s32 $0x80, s21;
	s12 =	smov.u32 s20;
	s20 =	sadd.s32 $0x1, s20  }
0xce: {  	[tilespmem:s16+$0xFFFFFFC0] =	vst v8;
	v8 =	vmul.f32 v2, v3;
	v3 =	vmul.f32 v6, v3  }
0xcf: {  	[tilespmem:s16+$0x10] =	vst v9  }
0xd0: {  	v6 =	vmov s12;
	[tilespmem:s16+$0xFFFFFFE0] =	vst v7  }
0xd1: {  	v2 =	vld [tilespmem:s21+$0xFFFFFFF0];
	[tilespmem:s16+$0xFFFFFFF0] =	vst v8  }
0xd2: {  	v7 =	vld [tilespmem:s21+$0x30];
	[tilespmem:s16+$0x0] =	vst v3  }
0xd3: {  	v9 =	vld [tilespmem:s21+$0x10];
	[tilespmem:s16+$0x20] =	vst v4  }
0xd4: {  	v8 =	vld [tilespmem:s21+$0xFFFFFFC0];
	[tilespmem:s16+$0xFFFFFFD0] =	vst v5;
	s16 =	smov.u32 s21  }
0xd5: {  	v3 =	vld.idx.msk [tilespmem:v6+s31+$0x0], $0xffff  }
0xd6: {  	v11 =	vld [tilespmem:s21+$0xFFFFFFE0]  }
0xd7: {  	v4 =	vld [tilespmem:s21+$0x20]  }
.Ltmp2:
0xd8: {  	v5 =	vld [tilespmem:s21+$0xFFFFFFD0];
	(pc) =	sbr.rel @p0 .LBB2_7-.Ltmp2, $3  }
0xd9: {  	v6 =	vld [tilespmem:s21+$0x0];
	_ =	sdelay $0x1  }
0xda: {  	v8 =	vmul.f32 v8, v3;
	v10 =	vmul.f32 v7, v3  }
0xdb: {  	v9 =	vmul.f32 v9, v3;
	v7 =	vmul.f32 v11, v3  }
0xdc: {  	[tilespmem:s16+$0x30] =	vst v10  }
0xdd: {  	[tilespmem:s16+$0xFFFFFFC0] =	vst v8  }
0xde: {  	v2 =	vmul.f32 v2, v3;
	s15 =	sadd.s32 $0x1, s15;
	[tilespmem:s16+$0x10] =	vst v9  }
0xdf: {  	v4 =	vmul.f32 v4, v3;
	[tilespmem:s16+$0xFFFFFFE0] =	vst v7;
	p0 =	sne.s32 s15, $0x28  }
.Ltmp3:
0xe0: {  	v6 =	vmul.f32 v6, v3;
	[tilespmem:s16+$0xFFFFFFF0] =	vst v2;
	(pc) =	sbr.rel @p0 .LBB2_4-.Ltmp3, $4  }
0xe1: {  	v2 =	vmul.f32 v5, v3;
	[tilespmem:s16+$0x20] =	vst v4  }
0xe2: {  	[tilespmem:s16+$0x0] =	vst v6  }
0xe3: {  	[tilespmem:s16+$0xFFFFFFD0] =	vst v2  }
0xe4: {  	[spmem:s2] =	stream.indirect.scatter.add.f32 [tilespmem:s0], [sflag:$0x4], $0x80, s30, s28, $0xb8;
	[tilespmem:$0x1FF00] =	vst v63  }
0xe5: {  	s12 =	simm.s32 $0x3  }
0xe6: {  	_ =	swait.ge [sflag:s12], $0x4000  }
0xe7: {  	[sflag:s12] =	ssyncset.done $0x0  }
0xe8: {  	[sflag:s12] =	ssyncadd.s32 $0xFFFFC000  }
0xe9: {  	_ =	swait.ge [sflag:s13], $0x4000  }
0xea: {  	[sflag:s13] =	ssyncset.done $0x0  }
0xeb: {  	s15 =	stileid.u32;
	[sflag:s13] =	ssyncadd.s32 $0xFFFFC000  }
0xec: {  	s12 =	sshll.u32 s15, $0x6;
	[bflag:$0x0] =	sbarrier.arrive $0xFFFF  }
0xed: {  	s14 =	sshrl.u32 s9, $0x3;
	s12 =	sor.u32 $0x1C05, s12;
	s15 =	rddreg [dreg:$0x7]  }
0xee: {  	[hbm:s15], [sflag:s12] =	dma.local [spmem:s14], $0x800  }
0xef: {  	_ =	swait.ge [sflag:s24], $0x800  }
0xf0: {  	[sflag:s24] =	ssyncset.done $0x0  }
0xf1: {  	s16 =	sshrl.u32 s17, $0x3;
	s20 =	rddreg [dreg:$0x9];
	[sflag:s24] =	ssyncadd.s32 $0xFFFFF800  }
0xf2: {  	[hbm:s20], [sflag:s12] =	dma.local [spmem:s16], $0x800  }
0xf3: {  	_ =	swait.ge [sflag:s24], $0x800  }
0xf4: {  	[sflag:s24] =	ssyncset.done $0x0  }
0xf5: {  	s21 =	sshrl.u32 s18, $0x3;
	s22 =	rddreg [dreg:$0xa];
	[sflag:s24] =	ssyncadd.s32 $0xFFFFF800  }
0xf6: {  	[hbm:s22], [sflag:s12] =	dma.local [spmem:s21], $0x800  }
0xf7: {  	_ =	swait.ge [sflag:s24], $0x800  }
0xf8: {  	[sflag:s24] =	ssyncset.done $0x0  }
0xf9: {  	s15 =	sshrl.u32 s19, $0x3;
	s16 =	rddreg [dreg:$0xb];
	[sflag:s24] =	ssyncadd.s32 $0xFFFFF800  }
0xfa: {  	[hbm:s16], [sflag:s12] =	dma.local [spmem:s15], $0x800  }
0xfb: {  	_ =	swait.ge [sflag:s24], $0x800  }
0xfc: {  	[sflag:s24] =	ssyncset.done $0x0  }
0xfd: {  	s20 =	sshrl.u32 s10, $0x3;
	s21 =	rddreg [dreg:$0x6];
	[sflag:s24] =	ssyncadd.s32 $0xFFFFF800  }
0xfe: {  	[hbm:s21], [sflag:s12] =	dma.local [spmem:s20], $0x780  }
0xff: {  	_ =	swait.ge [sflag:s24], $0x780  }
0x100: {  	s3 =	sadd.s32 $0x1, s3;
	s22 =	rddreg [dreg:$0x8]  }
0x101: {  	p0 =	sne.s32 s3, s22  }
.Ltmp4:
0x102: {  	_ = 	snop;
	(pc) =	sbr.rel @p0 .LBB2_1-.Ltmp4, $3  }
0x103: {  	_ =	sdelay $0x1  }
0x104: {  	[sflag:s24] =	ssyncset.done $0x0  }
0x105: {  	[sflag:s24] =	ssyncadd.s32 $0xFFFFF880  }
0x106: {  	_ =	sfence.sel $0x180000  }
0x107: {  	[bflag:$0x0] =	sbarrier.arrive $0xFFFF  }
0x108: {  	_ =	strace $0x9000004A  }
0x109: {  	s0 =	stileid.u32;
	[bflag:$0x2] =	sbarrier.arrive $0xFFFF  }
0x10a: {  	p0 =	sne.s32 s0, $0x0;
	s0 =	rddreg [dreg:$0x2]  }
0x10b: {  	s0 =	sadd.s32 @!p0 $0x100000, s0  }
0x10c: {  	[sflag:s0] =	ssyncadd.tile.s32 @!p0 $0x1;
	_ =	shalt  }
.Lfunc_end2:
_tile_overlayer_lowered:
.L_overlay_start_2:
0x10d: {  	(tag) =	ssettag $0x2  }
0x10e: {  	s0 =	rddreg [dreg:$0x0];
	s2 =	stileid.u32  }
0x10f: {  	s1 =	rddreg [dreg:$0x1];
	p0 =	sne.s32 s2, $0x0  }
0x110: {  	s3 =	rddreg [dreg:$0x2];
	[bflag:$0x3] =	sbarrier.arrive $0xFFFF;
	s2 =	simm.s32 @!p0 $0x1C05  }
0x111: {  	[timem:s3], [sflag:s2] =	dma.local @!p0 [hbm:s0], s1  }
0x112: {  	s0 =	simm.s32 @!p0 $0x5  }
0x113: {  	_ =	swait.ge @!p0 [sflag:s0], s1  }
0x114: {  	s1 =	ssub.s32 @!p0 $0x0, s1;
	[sflag:s0] =	ssyncset.done @!p0 $0x0  }
0x115: {  	[sflag:s0] =	ssyncadd.s32 @!p0 s1  }
0x116: {  	[bflag:$0x3] =	sbarrier.arrive $0xFFFF  }
0x117: {  	_ =	shalt  }

// kernel: kernel.15.cloned.1.call-start
scs
__scs_entry_jumppad:
0x0: {  	(pc) =	sbr.rel $0x88, $3  }
0x1: {  	(tag) =	ssettag $0x0;
	lr =	simm.s32 $0x1  }
0x2: {  	[smem:$0x3F9C] =	sst lr;
	_ =	strace $0xD0000000  }
0x3: {  	_ = 	snop  }
0x4: {  	_ = 	snop  }
0x5: {  	_ = 	snop  }
0x6: {  	_ = 	snop  }
0x7: {  	_ = 	snop  }
__scs_overlays_trampoline_lowered:
0x8: {  	[smem:$0x3FAB] =	sst s0  }
0x9: {  	[smem:$0x3FAC] =	sst s1  }
0xa: {  	[smem:$0x3FAD] =	sst s2  }
0xb: {  	[smem:$0x3FAE] =	sst s3  }
0xc: {  	[smem:$0x3FAF] =	sst s4  }
0xd: {  	[smem:$0x3FB0] =	sst s5  }
0xe: {  	[smem:$0x3FB1] =	sst s6  }
0xf: {  	[smem:$0x3FB2] =	sst s7  }
0x10: {  	[smem:$0x3FB3] =	sst s8  }
0x11: {  	[smem:$0x3FB4] =	sst s9;
	s0 =	simm.s32 @!p0 $0x0  }
0x12: {  	s1 =	sld [smem:$0x3F9A];
	s0 =	simm.s32 @p0 $0x1  }
0x13: {  	[smem:$0x3FB5] =	sst s0;
	s0 =	simm.s32 @!p1 $0x0  }
0x14: {  	s2 =	sld [smem:$0x3F99];
	s0 =	simm.s32 @p1 $0x1  }
0x15: {  	[smem:$0x3FB6] =	sst s0;
	s0 =	simm.s32 @!p2 $0x0  }
0x16: {  	s3 =	sld [smem:$0x3FDB];
	s0 =	simm.s32 @p2 $0x1  }
0x17: {  	s4 =	simm.s32 $0x1BF5;
	[smem:$0x3FB8] =	sst s0  }
0x18: {  	s0 =	sld [smem:$0x3F9B];
	_ =	swait.ge [sflag:s4], $0x0  }
0x19: {  	s7 =	sld [smem:$0x3F9C]  }
0x1a: {  	s8 =	sadd.s32 $0xFFFFE003, lr  }
0x1b: {  	s9 =	sadd.s32 $0xFFFFFEF7, lr;
	s5 =	simm.s32 $0xFFFFFFFF;
	p2 =	slt.u32 s8, $0xFFFFF086  }
0x1c: {  	p1 =	slt.u32 s9, $0xF7A;
	s5 =	simm.s32 @!p2 $0x0  }
0x1d: {  	s5 =	simm.s32 @p1 $0x1;
	p0 =	seq.s32 s7, s2  }
0x1e: {  	s7 =	smul.u32 @!p0 $0xF7A, s2;
	p2 =	seq.s32 @!p0 s5, $0x0  }
0x1f: {  	s9 =	smul.u32 $0xF7A, s1;
	s8 =	simm.s32 @!p0 $0x1BF5;
	p2 =	por !p2, p0  }
0x20: {  	[sflag:s8] =	ssyncset.s32 @!p0 $0xFFFFF086;
	s6 =	sadd.s32 @!p0 s3, s7;
	s7 =	simm.s32 @!p0 $0x108  }
0x21: {  	s3 =	sadd.s32 s3, s9;
	s6 =	sadd.s32 @!p0 $0x88, s6;
	s7 =	simm.s32 @p2 $0x1082  }
0x22: {  	[simem:s7], [sflag:s8] =	dma.local @!p0 [hbm:s6], $0xF7A  }
0x23: {  	s9 =	sor.u32 $0xD0000000, s2;
	s6 =	simm.s32 $0x108;
	_ =	swait.ge @!p0 [sflag:s8], $0x0  }
0x24: {  	s3 =	sadd.s32 $0x88, s3;
	s6 =	simm.s32 @!p1 $0x1082;
	[sflag:s4] =	ssyncset.s32 $0xFFFFF086  }
0x25: {  	[simem:s6], [sflag:s4] =	dma.local [hbm:s3], $0xF7A  }
0x26: {  	[smem:$0x3F9C] =	sst s1;
	(tag) =	ssettag s2;
	_ =	strace s9  }
0x27: {  	s1 =	sld [smem:$0x3FAC]  }
0x28: {  	s2 =	sld [smem:$0x3FAD]  }
0x29: {  	s4 =	sld [smem:$0x3FAF]  }
0x2a: {  	p0 =	seq.s32 s5, $0x0;
	s5 =	sld [smem:$0x3FB0]  }
0x2b: {  	s6 =	sld [smem:$0x3FB1]  }
0x2c: {  	s7 =	sld [smem:$0x3FB2]  }
0x2d: {  	s3 =	simm.s32 $0x108;
	s8 =	sld [smem:$0x3FB3]  }
0x2e: {  	s3 =	simm.s32 @!p0 $0x1082;
	s9 =	sld [smem:$0x3FB4]  }
0x2f: {  	lr =	sadd.s32 s0, s3;
	s0 =	sld [smem:$0x3FAB]  }
0x30: {  	s3 =	sld [smem:$0x3FAE]  }
0x31: {  	[smem:$0x3FB7] =	sst s10  }
0x32: {  	s10 =	sld [smem:$0x3FB5];
	_ =	sdelay $0x3  }
0x33: {  	p0 =	seq.s32 s10, $0x1;
	s10 =	sld [smem:$0x3FB7];
	_ =	sdelay $0x3  }
0x34: {  	[smem:$0x3FB7] =	sst s10  }
0x35: {  	s10 =	sld [smem:$0x3FB6];
	_ =	sdelay $0x3  }
0x36: {  	p1 =	seq.s32 s10, $0x1;
	s10 =	sld [smem:$0x3FB7];
	_ =	sdelay $0x3  }
0x37: {  	[smem:$0x3FB7] =	sst s10  }
0x38: {  	s10 =	sld [smem:$0x3FB8]  }
0x39: {  	_ = 	snop;
	(pc) =	sbr.ind lr, $3  }
0x3a: {  	_ = 	snop  }
0x3b: {  	_ = 	snop  }
0x3c: {  	p2 =	seq.s32 s10, $0x1;
	s10 =	sld [smem:$0x3FB7]  }
0x3d: {  	_ =	shalt  }
0x3e: {  	_ =	shalt  }
0x3f: {  	_ =	shalt  }
0x40: {  	_ =	shalt  }
0x41: {  	_ =	shalt  }
0x42: {  	_ =	shalt  }
0x43: {  	_ =	shalt  }
0x44: {  	_ =	shalt  }
0x45: {  	_ =	shalt  }
0x46: {  	_ =	shalt  }
0x47: {  	_ =	shalt  }
0x48: {  	_ =	shalt  }
0x49: {  	_ =	shalt  }
0x4a: {  	_ =	shalt  }
0x4b: {  	_ =	shalt  }
0x4c: {  	_ =	shalt  }
0x4d: {  	_ =	shalt  }
0x4e: {  	_ =	shalt  }
0x4f: {  	_ =	shalt  }
0x50: {  	_ =	shalt  }
0x51: {  	_ =	shalt  }
0x52: {  	_ =	shalt  }
0x53: {  	_ =	shalt  }
0x54: {  	_ =	shalt  }
0x55: {  	_ =	shalt  }
0x56: {  	_ =	shalt  }
0x57: {  	_ =	shalt  }
0x58: {  	_ =	shalt  }
0x59: {  	_ =	shalt  }
0x5a: {  	_ =	shalt  }
0x5b: {  	_ =	shalt  }
0x5c: {  	_ =	shalt  }
0x5d: {  	_ =	shalt  }
0x5e: {  	_ =	shalt  }
0x5f: {  	_ =	shalt  }
0x60: {  	_ =	shalt  }
0x61: {  	_ =	shalt  }
0x62: {  	_ =	shalt  }
0x63: {  	_ =	shalt  }
0x64: {  	_ =	shalt  }
0x65: {  	_ =	shalt  }
0x66: {  	_ =	shalt  }
0x67: {  	_ =	shalt  }
0x68: {  	_ =	shalt  }
0x69: {  	_ =	shalt  }
0x6a: {  	_ =	shalt  }
0x6b: {  	_ =	shalt  }
0x6c: {  	_ =	shalt  }
0x6d: {  	_ =	shalt  }
0x6e: {  	_ =	shalt  }
0x6f: {  	_ =	shalt  }
0x70: {  	_ =	shalt  }
0x71: {  	_ =	shalt  }
0x72: {  	_ =	shalt  }
0x73: {  	_ =	shalt  }
0x74: {  	_ =	shalt  }
0x75: {  	_ =	shalt  }
0x76: {  	_ =	shalt  }
0x77: {  	_ =	shalt  }
0x78: {  	_ =	shalt  }
0x79: {  	_ =	shalt  }
0x7a: {  	_ =	shalt  }
0x7b: {  	_ =	shalt  }
0x7c: {  	_ =	shalt  }
0x7d: {  	_ =	shalt  }
0x7e: {  	_ =	shalt  }
0x7f: {  	_ =	shalt  }
0x80: {  	_ =	shalt  }
0x81: {  	_ =	shalt  }
0x82: {  	_ =	shalt  }
0x83: {  	_ =	shalt  }
0x84: {  	_ =	shalt  }
0x85: {  	_ =	shalt  }
0x86: {  	_ =	shalt  }
0x87: {  	_ =	shalt  }
.Lfunc_end0:
.L_simem_size_0:
called_computation.2_lowered:
.L_overlay_start_0:
0x88: {  	s2 =	sld [smem:$0x3FD9]  }
0x89: {  	s3 =	sld [smem:$0x3FFE];
	_ =	sdelay $0x1  }
0x8a: {  	s1 =	srdreg.scid  }
0x8b: {  	s0 =	sand.u32 $0x1, s1  }
0x8c: {  	s17 =	sshll.u32 s0, $0xA;
	s2 =	sadd.s32 s3, s2  }
0x8d: {  	s2 =	sadd.s32 s2, s17  }
0x8e: {  	[smem:$0x3FC3] =	sst s2  }
0x8f: {  	_ = 	snop  }
0x90: {  	s2 =	sld [smem:$0x3FD0];
	(tm) =	ssettm $0x1  }
0x91: {  	s18 =	sld [smem:$0x3FFB];
	_ =	sdelay $0x3  }
0x92: {  	_ =	strace s18  }
0x93: {  	s3 =	sld [smem:$0x3FFC];
	_ =	sdelay $0x3  }
0x94: {  	_ =	strace s3  }
0x95: {  	s3 =	sld [smem:$0x3FFD];
	_ =	sdelay $0x3  }
0x96: {  	_ =	strace s3  }
0x97: {  	_ =	strace $0x8FFFFFFF  }
0x98: {  	s19 =	sld [smem:$0x3FDB];
	_ =	sdelay $0x1  }
0x99: {  	s4 =	simm.s32 $_scs_section_size  }
0x9a: {  	s5 =	simm.s32 $_size__tile_overlayer_lowered;
	s6 =	simm.s32 $_tile_overlayer_lowered  }
0x9b: {  	s22 =	simm.s32 $0x1BFF;
	s21 =	sshll.u32 s6, $0x1;
	s3 =	sadd.s32 s4, s19  }
0x9c: {  	s7 =	simm.s32 $0x0;
	s20 =	sshll.u32 s5, $0x1;
	s5 =	sadd.s32 s21, s3  }
0x9d: {  	[timem:s7], [sflag:s22] =	dma.local [hbm:s5], s20  }
0x9e: {  	_ =	swait.ge [sflag:s22], s20  }
0x9f: {  	s4 =	ssub.s32 $0x0, s20;
	[sflag:s22] =	ssyncset.done $0x0  }
0xa0: {  	[sflag:s22] =	ssyncadd.s32 s4;
	_ =	sdelay $0x1  }
0xa1: {  	s23 =	simm.s32 $0x1B8B  }
0xa2: {  	_ =	swait.ge [sflag:s23], $0x1  }
0xa3: {  	[sflag:s23] =	ssyncset.done $0x0  }
0xa4: {  	s25 =	simm.s32 $0x1B8E;
	s24 =	sld [smem:$0x3FFE];
	[sflag:s23] =	ssyncadd.s32 $0xFFFFFFFF  }
0xa5: {  	s26 =	simm.s32 $execute0_lowered;
	[smem:$0x3FD2] =	sst s25  }
0xa6: {  	s5 =	sshll.u32 s26, $0x1;
	_ =	strace $0x8000004C;
	[dreg:$0x1] =	wrdreg $0xFFFFFFFF  }
0xa7: {  	s28 =	simm.s32 $_size_execute0_lowered;
	s3 =	sadd.s32 s3, s5;
	[dreg:$0x0] =	wrdreg $0x0  }
0xa8: {  	s5 =	sshll.u32 s28, $0x1;
	[dreg:$0x2] =	wrdreg s3  }
0xa9: {  	[dreg:$0x3] =	wrdreg s5  }
0xaa: {  	[dreg:$0x4] =	wrdreg $0xC0  }
0xab: {  	_ =	task [dreg:s7], $0x5FFFF  }
0xac: {  	[dreg:$0x1] =	wrdreg $0xFFFFFFFF  }
0xad: {  	[dreg:$0x0] =	wrdreg $0x60  }
0xae: {  	[dreg:$0x2] =	wrdreg s24  }
0xaf: {  	[dreg:$0x3] =	wrdreg s2  }
0xb0: {  	[dreg:$0x4] =	wrdreg $0x9  }
0xb1: {  	_ =	task.clear_ibuf [dreg:s7], $0x5FFFF;
	_ =	strace $0x9000004C  }
0xb2: {  	s29 =	simm.s32 $0x9;
	_ =	strace $0x8000004E  }
0xb3: {  	_ =	swait.ge [sflag:s29], $0x1  }
0xb4: {  	[sflag:s29] =	ssyncadd.s32 $0xFFFFFFFF  }
0xb5: {  	_ =	strace $0x9000004E  }
0xb6: {  	_ =	sfence  }
0xb7: {  	s30 =	sld [smem:$0x0];
	_ =	sdelay $0x2  }
0xb8: {  	s31 =	sshll.u32 s1, $0xD;
	s1 =	sshrl.u32 s1, $0x2  }
0xb9: {  	s3 =	sand.u32 $0x4000, s31;
	s1 =	sadd.s32 s1, s30  }
0xba: {  	s0 =	sor.u32 s3, s0;
	s1 =	sshll.u32 s1, $0x11  }
0xbb: {  	s0 =	sor.u32 s1, s0  }
0xbc: {  	s0 =	sadd.s32 $0x8F2B, s0  }
0xbd: {  	[sflag:s0] =	ssyncadd.remote.s32 $0x1  }
0xbe: {  	_ =	sfence.sel $0xFFFF  }
0xbf: {  	[dreg:$0x0] =	wrdreg $0xFFFFFFFF;
	(pc) =	sbr.abs _section_cstart, $3  }
0xc0: {  	[dreg:$0x1] =	wrdreg $0xFFFFFFFF  }
0xc1: {  	_ =	task.clear_ibuf [dreg:s7], $0x2FFFF;
	_ =	strace $0x9FFFFFFF  }
0xc2: {  	(tm) =	ssettm $0x7FFFFFFF  }
0xc3: {  	_ =	shalt  }
tec
execute0_lowered:
.L_overlay_start_1:
0x0: {  	(tag) =	ssettag $0x1  }
0x1: {  	s0 =	rddreg [dreg:$0x0]  }
0x2: {  	s1 =	rddreg [dreg:$0x1]  }
0x3: {  	s2 =	simm.s32 $0x0;
	s3 =	srdreg.scid;
	s9 =	stileid.u32  }
0x4: {  	s12 =	simm.s32 $0x3;
	s13 =	simm.s32 $0x16400;
	s14 =	simm.s32 $0x1400  }
0x5: {  	s15 =	simm.s32 $0x80;
	s16 =	simm.s32 $0x2800;
	s17 =	simm.s32 $0xA800  }
0x6: {  	s18 =	simm.s32 $0x6800;
	s19 =	simm.s32 $0xE800;
	s20 =	simm.s32 $0x1  }
0x7: {  	s21 =	simm.s32 $0x12800;
	s22 =	simm.s32 $0x13C80;
	s23 =	simm.s32 $0x2  }
0x8: {  	s24 =	simm.s32 $0x12880;
	s25 =	simm.s32 $0x400;
	s26 =	simm.s32 $0x0  }
0x9: {  	[smem:$0x7FF] =	sst s2;
	s6 =	sand.u32 $0x1, s3;
	s5 =	sshll.u32 s9, $0x1  }
0xa: {  	s3 =	sadd.s32 $0x37A00, s0;
	s4 =	sadd.s32 $0x37400, s0;
	s9 =	sshrl.u32 s9, $0x2  }
0xb: {  	_ =	strace $0x8000004D;
	s7 =	sor.u32 s6, s5;
	s9 =	smul.u32 $0x13C00, s9  }
0xc: {  	s6 =	ssub.s32 $0x2, s6;
	s8 =	smul.u32 $0x280, s7;
	s7 =	sshll.u32 s7, $0x7  }
0xd: {  	s5 =	sadd.s32 $0x5EC00, s0;
	s30 =	sshrl.u32 s6, $0x1;
	s7 =	sand.u32 $0x380, s7  }
0xe: {  	s10 =	ssub.s32 s6, s30;
	s0 =	sadd.s32 s8, s0;
	s9 =	sor.u32 s9, s7  }
0xf: {  	s10 =	smax.u32 s10, $0x1;
	s6 =	sadd.s32 $0x32400, s0;
	s31 =	sshrl.u32 s9, $0x3  }
0x10: {  	v0 =	vimm.f32 $0.0e+00;
	s7 =	sadd.s32 $0x1200, s0;
	s8 =	sadd.s32 $0x5EE00, s0;
	s9 =	sadd.s32 s1, s31  }
.LBB2_1:
0x11: {  	s0 =	simm.s32 $0x18B80  }
0x12: {  	[tilespmem:s0], [sflag:$0x3] =	stream.linear.gather [hbm4b:s5+s2], $0x80, $0x38;
	[tilespmem:$0x18C00] =	vst v63  }
0x13: {  	_ =	swait.ge [sflag:s12], $0x80  }
0x14: {  	[sflag:s12] =	ssyncset.done $0x0  }
0x15: {  	[sflag:s12] =	ssyncadd.s32 $0xFFFFFF80  }
0x16: {  	[tilespmem:s13], [sflag:$0x3] =	stream.linear.gather [hbm4b:s4+s2], $0x2780, $0x38;
	[tilespmem:$0x18C00] =	vst v63  }
0x17: {  	_ =	swait.ge [sflag:s12], $0x2780  }
0x18: {  	[sflag:s12] =	ssyncset.done $0x0  }
0x19: {  	[sflag:s12] =	ssyncadd.s32 $0xFFFFD880  }
0x1a: {  	[tilespmem:s2], [sflag:$0x3] =	stream.linear.gather [hbm4b:s6+s2], $0x1400, $0x38;
	[tilespmem:$0x18C00] =	vst v63  }
0x1b: {  	_ =	swait.ge [sflag:s12], $0x1400  }
0x1c: {  	[sflag:s12] =	ssyncset.done $0x0  }
0x1d: {  	[sflag:s12] =	ssyncadd.s32 $0xFFFFEC00  }
0x1e: {  	[tilespmem:s14], [sflag:$0x3] =	stream.linear.gather [hbm4b:s7+s2], $0x1400, $0x38;
	[tilespmem:$0x18C00] =	vst v63  }
0x1f: {  	_ =	swait.ge [sflag:s12], $0x1400  }
0x20: {  	[sflag:s12] =	ssyncset.done $0x0  }
0x21: {  	[sflag:s12] =	ssyncadd.s32 $0xFFFFEC00  }
0x22: {  	s1 =	simm.s32 $0x0;
	s0 =	simm.s32 $0x40;
	v1 =	vld [tilespmem:$0x18B80]  }
.LBB2_2:
0x23: {  	p0 =	sne.s32 s0, $0x9C40;
	[tilespmem:s1+$0x13C80] =	vst v0;
	s1 =	smov.u32 s0;
	s0 =	sadd.s32 $0x40, s0  }
.Ltmp0:
0x24: {  	(pc) =	sbr.rel @p0 .LBB2_2-.Ltmp0, $2  }
0x25: {  	_ =	sdelay $0x2  }
0x26: {  	s1 =	sshra.s32 s1, $0x2  }
0x27: {  	[tilespmem:s1+$0x13C80] =	vst v0;
	s28 =	simm.s32 $0x0  }
0x28: {  	[tilespmem:s16], [sflag:$0x1] =	stream.indirect.gather [hbm4b:s3+s15], $0x80, s28, s15, $0xb8;
	[tilespmem:$0x18C00] =	vst v63  }
0x29: {  	_ = 	snop  }
0x2a: {  	[tilespmem:s17], [sflag:$0x1] =	stream.indirect.gather [hbm4b:s3+s15], $0x80, s14, s15, $0xb8;
	[tilespmem:$0x18C00] =	vst v63  }
.LBB2_4:
0x2b: {  	s29 =	sshll.u32 s28, $0x8  }
0x2c: {  	s30 =	sor.u32 $0x80, s29  }
0x2d: {  	[tilespmem:s18], [sflag:$0x2] =	stream.indirect.gather [hbm4b:s3+s15], $0x80, s30, s15, $0xb8;
	[tilespmem:$0x18C00] =	vst v63  }
0x2e: {  	s0 =	sadd.s32 $0x1480, s29  }
0x2f: {  	[tilespmem:s19], [sflag:$0x2] =	stream.indirect.gather [hbm4b:s3+s15], $0x80, s0, s15, $0xb8;
	[tilespmem:$0x18C00] =	vst v63  }
0x30: {  	_ =	swait.ge [sflag:s20], $0x4000  }
0x31: {  	[sflag:s20] =	ssyncset.done $0x0  }
0x32: {  	[sflag:s20] =	ssyncadd.s32 $0xFFFFC000  }
0x33: {  	_ =	swait.ge [sflag:s20], $0x4000  }
0x34: {  	[sflag:s20] =	ssyncset.done $0x0  }
0x35: {  	s0 =	simm.s32 $0xA820;
	[sflag:s20] =	ssyncadd.s32 $0xFFFFC000  }
0x36: {  	s1 =	simm.s32 $0x2820;
	v2 =	vld [tilespmem:s0+$0xFFFFFFE0]  }
0x37: {  	v3 =	vld [tilespmem:s1+$0xFFFFFFE0]  }
0x38: {  	v4 =	vld [tilespmem:s1+$0xFFFFFFF0]  }
0x39: {  	s11 =	simm.s32 $0x1;
	s31 =	simm.s32 $0x0;
	v5 =	vld [tilespmem:s0+$0xFFFFFFF0]  }
.LBB2_5:
0x3a: {  	p0 =	sne.s32 s11, $0x7F;
	v6 =	vld [tilespmem:s1+$0x0]  }
0x3b: {  	v7 =	vld [tilespmem:s0+$0x0]  }
0x3c: {  	v8 =	vld [tilespmem:s1+$0x10]  }
0x3d: {  	v9 =	vld [tilespmem:s0+$0x10]  }
0x3e: {  	v2 =	vmul.f32 v2, v3;
	v3 =	vmul.f32 v5, v4;
	_ =	sdelay $0x1  }
0x3f: {  	v2 =	vadd.f32 v3, v2;
	v3 =	vmul.f32 v7, v6;
	_ =	sdelay $0x1  }
0x40: {  	v2 =	vadd.f32 v3, v2;
	v3 =	vmul.f32 v9, v8;
	_ =	sdelay $0x1  }
0x41: {  	v2 =	vadd.f32 v3, v2;
	_ =	sdelay $0x1  }
0x42: {  	(xrf2) =	vadd.scan.msk.f32 $0xffff, v2;
	_ =	sdelay $0x7  }
0x43: {  	v2 =	vmov s31;
	s31 =	smov.u32 s11;
	_ =	sdelay $0x1  }
0x44: {  	v3, _, _ =	vpop (xrf2)  }
0x45: {  	v3 =	vbroadcast v3, $0xF;
	_ =	sdelay $0x1  }
.Ltmp1:
0x46: {  	s0 =	sadd.s32 $0x80, s0;
	[tilespmem:v2+s21+$0x0] =	vst.idx.msk $0x1, v3;
	(pc) =	sbr.rel @p0 .LBB2_5-.Ltmp1, $4  }
0x47: {  	s1 =	sadd.s32 $0x80, s1;
	v2 =	vld [tilespmem:s0+$0xFFFFFFE0]  }
0x48: {  	v3 =	vld [tilespmem:s1+$0xFFFFFFE0]  }
0x49: {  	v4 =	vld [tilespmem:s1+$0xFFFFFFF0]  }
0x4a: {  	s11 =	sadd.s32 $0x1, s11;
	v5 =	vld [tilespmem:s0+$0xFFFFFFF0]  }
0x4b: {  	v6 =	vld [tilespmem:s1+$0x0]  }
0x4c: {  	v7 =	vld [tilespmem:s0+$0x0]  }
0x4d: {  	v8 =	vld [tilespmem:s1+$0x10]  }
0x4e: {  	v9 =	vld [tilespmem:s0+$0x10]  }
0x4f: {  	v2 =	vmul.f32 v2, v3;
	v3 =	vmul.f32 v5, v4;
	_ =	sdelay $0x1  }
0x50: {  	v2 =	vadd.f32 v3, v2;
	v3 =	vmul.f32 v7, v6;
	_ =	sdelay $0x1  }
0x51: {  	v2 =	vadd.f32 v3, v2;
	v3 =	vmul.f32 v9, v8;
	_ =	sdelay $0x1  }
0x52: {  	v2 =	vadd.f32 v3, v2;
	_ =	sdelay $0x1  }
0x53: {  	(xrf2) =	vadd.scan.msk.f32 $0xffff, v2;
	_ =	sdelay $0x7  }
0x54: {  	v2 =	vmov s31;
	_ =	sdelay $0x1  }
0x55: {  	v3, _, _ =	vpop (xrf2)  }
0x56: {  	v3 =	vbroadcast v3, $0xF;
	_ =	sdelay $0x1  }
0x57: {  	[tilespmem:v2+s21+$0x0] =	vst.idx.msk $0x1, v3  }
0x58: {  	v2 =	vld [tilespmem:$0x12800];
	_ =	sdelay $0x4  }
0x59: {  	v3 =	vld [tilespmem:s29+$0x0];
	v2 =	vmul.f32 v2, v1;
	_ =	sdelay $0x1  }
0x5a: {  	v2 =	vmul.f32 $1.442695020e+00, v2;
	_ =	sdelay $0x1  }
0x5b: {  	(erf) = vpow2.f32 v2;
	_ =	sdelay $0x3  }
0x5c: {  	v2 =	vld.idx.msk [tilespmem:v3+s13+$0x0], $0xffff  }
0x5d: {  	v3 =	vld [tilespmem:s29+$0x1400];
	_ =	sdelay $0x3  }
0x5e: {  	v4 =	vpop (erf)  }
0x5f: {  	v2 =	vmul.f32 v4, v2;
	_ =	sdelay $0x1  }
0x60: {  	[tilespmem:s29+$0x12880] =	vst v2  }
0x61: {  	[tilespmem:v3+s22+$0x0] =	vst.idx.add.f32.msk $0xffff, v4  }
0x62: {  	v2 =	vld [tilespmem:$0x12810];
	_ =	sdelay $0x3  }
0x63: {  	s11 =	sor.u32 $0x10, s29  }
0x64: {  	v3 =	vld [tilespmem:s11+$0x0];
	v2 =	vmul.f32 v2, v1;
	_ =	sdelay $0x1  }
0x65: {  	v2 =	vmul.f32 $1.442695020e+00, v2;
	_ =	sdelay $0x1  }
0x66: {  	(erf) = vpow2.f32 v2;
	_ =	sdelay $0x3  }
0x67: {  	v2 =	vld.idx.msk [tilespmem:v3+s13+$0x0], $0xffff  }
0x68: {  	v3 =	vld [tilespmem:s29+$0x1410];
	_ =	sdelay $0x3  }
0x69: {  	v4 =	vpop (erf)  }
0x6a: {  	v2 =	vmul.f32 v4, v2;
	_ =	sdelay $0x1  }
0x6b: {  	[tilespmem:s29+$0x12890] =	vst v2  }
0x6c: {  	[tilespmem:v3+s22+$0x0] =	vst.idx.add.f32.msk $0xffff, v4  }
0x6d: {  	v2 =	vld [tilespmem:$0x12820];
	_ =	sdelay $0x3  }
0x6e: {  	s1 =	sor.u32 $0x20, s29  }
0x6f: {  	v3 =	vld [tilespmem:s1+$0x0];
	v2 =	vmul.f32 v2, v1;
	_ =	sdelay $0x1  }
0x70: {  	v2 =	vmul.f32 $1.442695020e+00, v2;
	_ =	sdelay $0x1  }
0x71: {  	(erf) = vpow2.f32 v2;
	_ =	sdelay $0x3  }
0x72: {  	v2 =	vld.idx.msk [tilespmem:v3+s13+$0x0], $0xffff  }
0x73: {  	v3 =	vld [tilespmem:s29+$0x1420];
	_ =	sdelay $0x3  }
0x74: {  	v4 =	vpop (erf)  }
0x75: {  	v2 =	vmul.f32 v4, v2;
	_ =	sdelay $0x1  }
0x76: {  	[tilespmem:s29+$0x128A0] =	vst v2  }
0x77: {  	[tilespmem:v3+s22+$0x0] =	vst.idx.add.f32.msk $0xffff, v4  }
0x78: {  	v2 =	vld [tilespmem:$0x12830];
	_ =	sdelay $0x3  }
0x79: {  	s11 =	sor.u32 $0x30, s29  }
0x7a: {  	v3 =	vld [tilespmem:s11+$0x0];
	v2 =	vmul.f32 v2, v1;
	_ =	sdelay $0x1  }
0x7b: {  	v2 =	vmul.f32 $1.442695020e+00, v2;
	_ =	sdelay $0x1  }
0x7c: {  	(erf) = vpow2.f32 v2;
	_ =	sdelay $0x3  }
0x7d: {  	v2 =	vld.idx.msk [tilespmem:v3+s13+$0x0], $0xffff  }
0x7e: {  	v3 =	vld [tilespmem:s29+$0x1430];
	_ =	sdelay $0x3  }
0x7f: {  	v4 =	vpop (erf)  }
0x80: {  	v2 =	vmul.f32 v4, v2;
	_ =	sdelay $0x1  }
0x81: {  	[tilespmem:s29+$0x128B0] =	vst v2  }
0x82: {  	[tilespmem:v3+s22+$0x0] =	vst.idx.add.f32.msk $0xffff, v4  }
0x83: {  	v2 =	vld [tilespmem:$0x12840];
	_ =	sdelay $0x3  }
0x84: {  	s1 =	sor.u32 $0x40, s29  }
0x85: {  	v3 =	vld [tilespmem:s1+$0x0];
	v2 =	vmul.f32 v2, v1;
	_ =	sdelay $0x1  }
0x86: {  	v2 =	vmul.f32 $1.442695020e+00, v2;
	_ =	sdelay $0x1  }
0x87: {  	(erf) = vpow2.f32 v2;
	_ =	sdelay $0x3  }
0x88: {  	v2 =	vld.idx.msk [tilespmem:v3+s13+$0x0], $0xffff  }
0x89: {  	v3 =	vld [tilespmem:s29+$0x1440];
	_ =	sdelay $0x3  }
0x8a: {  	v4 =	vpop (erf)  }
0x8b: {  	v2 =	vmul.f32 v4, v2;
	_ =	sdelay $0x1  }
0x8c: {  	[tilespmem:s29+$0x128C0] =	vst v2  }
0x8d: {  	[tilespmem:v3+s22+$0x0] =	vst.idx.add.f32.msk $0xffff, v4  }
0x8e: {  	v2 =	vld [tilespmem:$0x12850];
	_ =	sdelay $0x3  }
0x8f: {  	s11 =	sor.u32 $0x50, s29  }
0x90: {  	v3 =	vld [tilespmem:s11+$0x0];
	v2 =	vmul.f32 v2, v1;
	_ =	sdelay $0x1  }
0x91: {  	v2 =	vmul.f32 $1.442695020e+00, v2;
	_ =	sdelay $0x1  }
0x92: {  	(erf) = vpow2.f32 v2;
	_ =	sdelay $0x3  }
0x93: {  	v2 =	vld.idx.msk [tilespmem:v3+s13+$0x0], $0xffff  }
0x94: {  	v3 =	vld [tilespmem:s29+$0x1450];
	_ =	sdelay $0x3  }
0x95: {  	v4 =	vpop (erf)  }
0x96: {  	v2 =	vmul.f32 v4, v2;
	_ =	sdelay $0x1  }
0x97: {  	[tilespmem:s29+$0x128D0] =	vst v2  }
0x98: {  	[tilespmem:v3+s22+$0x0] =	vst.idx.add.f32.msk $0xffff, v4  }
0x99: {  	v2 =	vld [tilespmem:$0x12860];
	_ =	sdelay $0x3  }
0x9a: {  	s1 =	sor.u32 $0x60, s29  }
0x9b: {  	v3 =	vld [tilespmem:s1+$0x0];
	v2 =	vmul.f32 v2, v1;
	_ =	sdelay $0x1  }
0x9c: {  	v2 =	vmul.f32 $1.442695020e+00, v2;
	_ =	sdelay $0x1  }
0x9d: {  	(erf) = vpow2.f32 v2;
	_ =	sdelay $0x3  }
0x9e: {  	v2 =	vld.idx.msk [tilespmem:v3+s13+$0x0], $0xffff  }
0x9f: {  	v3 =	vld [tilespmem:s29+$0x1460];
	_ =	sdelay $0x3  }
0xa0: {  	v4 =	vpop (erf)  }
0xa1: {  	v2 =	vmul.f32 v4, v2;
	_ =	sdelay $0x1  }
0xa2: {  	[tilespmem:s29+$0x128E0] =	vst v2  }
0xa3: {  	[tilespmem:v3+s22+$0x0] =	vst.idx.add.f32.msk $0xffff, v4  }
0xa4: {  	v2 =	vld [tilespmem:$0x12870];
	_ =	sdelay $0x3  }
0xa5: {  	s11 =	sor.u32 $0x70, s29  }
0xa6: {  	v3 =	vld [tilespmem:s11+$0x0];
	v2 =	vmul.f32 v2, v1;
	_ =	sdelay $0x1  }
0xa7: {  	v2 =	vmul.f32 $1.442695020e+00, v2;
	_ =	sdelay $0x1  }
0xa8: {  	(erf) = vpow2.f32 v2;
	_ =	sdelay $0x3  }
0xa9: {  	v2 =	vld.idx.msk [tilespmem:v3+s13+$0x0], $0xffff  }
0xaa: {  	v3 =	vld [tilespmem:s29+$0x1470];
	_ =	sdelay $0x3  }
0xab: {  	v4 =	vpop (erf)  }
0xac: {  	v2 =	vmul.f32 v4, v2;
	_ =	sdelay $0x1  }
0xad: {  	p0 =	seq.s32 s28, $0x13;
	[tilespmem:s29+$0x128F0] =	vst v2  }
0xae: {  	s0 =	sadd.s32 @!p0 $0x100, s29;
	s1 =	simm.s32 @!p0 $0x80;
	s11 =	simm.s32 @!p0 $0x2800;
	[tilespmem:v3+s22+$0x0] =	vst.idx.add.f32.msk $0xffff, v4  }
0xaf: {  	[tilespmem:s11], [sflag:$0x1] =	stream.indirect.gather @!p0 [hbm4b:s3+s1], $0x80, s0, s1, $0xb8;
	[tilespmem:$0x18C00] =	vst v63  }
0xb0: {  	s0 =	sadd.s32 @!p0 $0x1500, s29;
	s11 =	simm.s32 @!p0 $0xA800  }
0xb1: {  	[tilespmem:s11], [sflag:$0x1] =	stream.indirect.gather @!p0 [hbm4b:s3+s1], $0x80, s0, s1, $0xb8;
	[tilespmem:$0x18C00] =	vst v63  }
0xb2: {  	_ =	swait.ge [sflag:s23], $0x4000  }
0xb3: {  	[sflag:s23] =	ssyncset.done $0x0  }
0xb4: {  	[sflag:s23] =	ssyncadd.s32 $0xFFFFC000  }
0xb5: {  	_ =	swait.ge [sflag:s23], $0x4000  }
0xb6: {  	[sflag:s23] =	ssyncset.done $0x0  }
0xb7: {  	s0 =	simm.s32 $0xE820;
	[sflag:s23] =	ssyncadd.s32 $0xFFFFC000  }
0xb8: {  	s1 =	simm.s32 $0x6820;
	v2 =	vld [tilespmem:s0+$0xFFFFFFE0]  }
0xb9: {  	v3 =	vld [tilespmem:s1+$0xFFFFFFE0]  }
0xba: {  	v4 =	vld [tilespmem:s1+$0xFFFFFFF0]  }
0xbb: {  	s31 =	simm.s32 $0x0;
	s11 =	simm.s32 $0x1;
	v5 =	vld [tilespmem:s0+$0xFFFFFFF0]  }
.LBB2_7:
0xbc: {  	p0 =	sne.s32 s11, $0x7F;
	v6 =	vld [tilespmem:s1+$0x0]  }
0xbd: {  	v7 =	vld [tilespmem:s0+$0x0]  }
0xbe: {  	v8 =	vld [tilespmem:s1+$0x10]  }
0xbf: {  	v9 =	vld [tilespmem:s0+$0x10]  }
0xc0: {  	v2 =	vmul.f32 v2, v3;
	v3 =	vmul.f32 v5, v4;
	_ =	sdelay $0x1  }
0xc1: {  	v2 =	vadd.f32 v3, v2;
	v3 =	vmul.f32 v7, v6;
	_ =	sdelay $0x1  }
0xc2: {  	v2 =	vadd.f32 v3, v2;
	v3 =	vmul.f32 v9, v8;
	_ =	sdelay $0x1  }
0xc3: {  	v2 =	vadd.f32 v3, v2;
	_ =	sdelay $0x1  }
0xc4: {  	(xrf2) =	vadd.scan.msk.f32 $0xffff, v2;
	_ =	sdelay $0x7  }
0xc5: {  	v2 =	vmov s31;
	s31 =	smov.u32 s11;
	_ =	sdelay $0x1  }
0xc6: {  	v3, _, _ =	vpop (xrf2)  }
0xc7: {  	v3 =	vbroadcast v3, $0xF;
	_ =	sdelay $0x1  }
.Ltmp2:
0xc8: {  	s0 =	sadd.s32 $0x80, s0;
	[tilespmem:v2+s21+$0x0] =	vst.idx.msk $0x1, v3;
	(pc) =	sbr.rel @p0 .LBB2_7-.Ltmp2, $4  }
0xc9: {  	s1 =	sadd.s32 $0x80, s1;
	v2 =	vld [tilespmem:s0+$0xFFFFFFE0]  }
0xca: {  	v3 =	vld [tilespmem:s1+$0xFFFFFFE0]  }
0xcb: {  	v4 =	vld [tilespmem:s1+$0xFFFFFFF0]  }
0xcc: {  	s11 =	sadd.s32 $0x1, s11;
	v5 =	vld [tilespmem:s0+$0xFFFFFFF0]  }
0xcd: {  	v6 =	vld [tilespmem:s1+$0x0]  }
0xce: {  	v7 =	vld [tilespmem:s0+$0x0]  }
0xcf: {  	v8 =	vld [tilespmem:s1+$0x10]  }
0xd0: {  	v9 =	vld [tilespmem:s0+$0x10]  }
0xd1: {  	v2 =	vmul.f32 v2, v3;
	v3 =	vmul.f32 v5, v4;
	_ =	sdelay $0x1  }
0xd2: {  	v2 =	vadd.f32 v3, v2;
	v3 =	vmul.f32 v7, v6;
	_ =	sdelay $0x1  }
0xd3: {  	v2 =	vadd.f32 v3, v2;
	v3 =	vmul.f32 v9, v8;
	_ =	sdelay $0x1  }
0xd4: {  	v2 =	vadd.f32 v3, v2;
	_ =	sdelay $0x1  }
0xd5: {  	(xrf2) =	vadd.scan.msk.f32 $0xffff, v2;
	_ =	sdelay $0x7  }
0xd6: {  	v2 =	vmov s31;
	_ =	sdelay $0x1  }
0xd7: {  	v3, _, _ =	vpop (xrf2)  }
0xd8: {  	v3 =	vbroadcast v3, $0xF;
	_ =	sdelay $0x1  }
0xd9: {  	[tilespmem:v2+s21+$0x0] =	vst.idx.msk $0x1, v3  }
0xda: {  	v2 =	vld [tilespmem:$0x12800];
	_ =	sdelay $0x4  }
0xdb: {  	v3 =	vld [tilespmem:s30+$0x0];
	v2 =	vmul.f32 v2, v1;
	_ =	sdelay $0x1  }
0xdc: {  	v2 =	vmul.f32 $1.442695020e+00, v2;
	_ =	sdelay $0x1  }
0xdd: {  	(erf) = vpow2.f32 v2;
	_ =	sdelay $0x3  }
0xde: {  	v2 =	vld.idx.msk [tilespmem:v3+s13+$0x0], $0xffff  }
0xdf: {  	v3 =	vld [tilespmem:s30+$0x1400];
	_ =	sdelay $0x3  }
0xe0: {  	v56 =	vpop (erf)  }
0xe1: {  	v2 =	vmul.f32 v56, v2;
	_ =	sdelay $0x1  }
0xe2: {  	[tilespmem:s30+$0x12880] =	vst v2  }
0xe3: {  	[tilespmem:v3+s22+$0x0] =	vst.idx.add.f32.msk $0xffff, v56  }
0xe4: {  	v2 =	vld [tilespmem:$0x12810];
	_ =	sdelay $0x3  }
0xe5: {  	s11 =	sor.u32 $0x90, s29  }
0xe6: {  	v3 =	vld [tilespmem:s11+$0x0];
	v2 =	vmul.f32 v2, v1;
	_ =	sdelay $0x1  }
0xe7: {  	v2 =	vmul.f32 $1.442695020e+00, v2;
	_ =	sdelay $0x1  }
0xe8: {  	(erf) = vpow2.f32 v2;
	_ =	sdelay $0x3  }
0xe9: {  	v2 =	vld.idx.msk [tilespmem:v3+s13+$0x0], $0xffff  }
0xea: {  	v3 =	vld [tilespmem:s29+$0x1490];
	_ =	sdelay $0x3  }
0xeb: {  	v57 =	vpop (erf)  }
0xec: {  	v2 =	vmul.f32 v57, v2;
	_ =	sdelay $0x1  }
0xed: {  	[tilespmem:s29+$0x12910] =	vst v2  }
0xee: {  	[tilespmem:v3+s22+$0x0] =	vst.idx.add.f32.msk $0xffff, v57  }
0xef: {  	v2 =	vld [tilespmem:$0x12820];
	_ =	sdelay $0x3  }
0xf0: {  	s30 =	sor.u32 $0xA0, s29  }
0xf1: {  	v3 =	vld [tilespmem:s30+$0x0];
	v2 =	vmul.f32 v2, v1;
	_ =	sdelay $0x1  }
0xf2: {  	v2 =	vmul.f32 $1.442695020e+00, v2;
	_ =	sdelay $0x1  }
0xf3: {  	(erf) = vpow2.f32 v2;
	_ =	sdelay $0x3  }
0xf4: {  	v2 =	vld.idx.msk [tilespmem:v3+s13+$0x0], $0xffff  }
0xf5: {  	v3 =	vld [tilespmem:s29+$0x14A0];
	_ =	sdelay $0x3  }
0xf6: {  	v58 =	vpop (erf)  }
0xf7: {  	v2 =	vmul.f32 v58, v2;
	_ =	sdelay $0x1  }
0xf8: {  	[tilespmem:s29+$0x12920] =	vst v2  }
0xf9: {  	[tilespmem:v3+s22+$0x0] =	vst.idx.add.f32.msk $0xffff, v58  }
0xfa: {  	v2 =	vld [tilespmem:$0x12830];
	_ =	sdelay $0x3  }
0xfb: {  	s31 =	sor.u32 $0xB0, s29  }
0xfc: {  	v3 =	vld [tilespmem:s31+$0x0];
	v2 =	vmul.f32 v2, v1;
	_ =	sdelay $0x1  }
0xfd: {  	v2 =	vmul.f32 $1.442695020e+00, v2;
	_ =	sdelay $0x1  }
0xfe: {  	(erf) = vpow2.f32 v2;
	_ =	sdelay $0x3  }
0xff: {  	v2 =	vld.idx.msk [tilespmem:v3+s13+$0x0], $0xffff  }
0x100: {  	v3 =	vld [tilespmem:s29+$0x14B0];
	_ =	sdelay $0x3  }
0x101: {  	v59 =	vpop (erf)  }
0x102: {  	v2 =	vmul.f32 v59, v2;
	_ =	sdelay $0x1  }
0x103: {  	[tilespmem:s29+$0x12930] =	vst v2  }
0x104: {  	[tilespmem:v3+s22+$0x0] =	vst.idx.add.f32.msk $0xffff, v59  }
0x105: {  	v2 =	vld [tilespmem:$0x12840];
	_ =	sdelay $0x3  }
0x106: {  	s1 =	sor.u32 $0xC0, s29  }
0x107: {  	v3 =	vld [tilespmem:s1+$0x0];
	v2 =	vmul.f32 v2, v1;
	_ =	sdelay $0x1  }
0x108: {  	v2 =	vmul.f32 $1.442695020e+00, v2;
	_ =	sdelay $0x1  }
0x109: {  	(erf) = vpow2.f32 v2;
	_ =	sdelay $0x3  }
0x10a: {  	v2 =	vld.idx.msk [tilespmem:v3+s13+$0x0], $0xffff  }
0x10b: {  	v3 =	vld [tilespmem:s29+$0x14C0];
	_ =	sdelay $0x3  }
0x10c: {  	v60 =	vpop (erf)  }
0x10d: {  	v2 =	vmul.f32 v60, v2;
	_ =	sdelay $0x1  }
0x10e: {  	[tilespmem:s29+$0x12940] =	vst v2  }
0x10f: {  	[tilespmem:v3+s22+$0x0] =	vst.idx.add.f32.msk $0xffff, v60  }
0x110: {  	v2 =	vld [tilespmem:$0x12850];
	_ =	sdelay $0x3  }
0x111: {  	s11 =	sor.u32 $0xD0, s29  }
0x112: {  	v3 =	vld [tilespmem:s11+$0x0];
	v2 =	vmul.f32 v2, v1;
	_ =	sdelay $0x1  }
0x113: {  	v2 =	vmul.f32 $1.442695020e+00, v2;
	_ =	sdelay $0x1  }
0x114: {  	(erf) = vpow2.f32 v2;
	_ =	sdelay $0x3  }
0x115: {  	v2 =	vld.idx.msk [tilespmem:v3+s13+$0x0], $0xffff  }
0x116: {  	v3 =	vld [tilespmem:s29+$0x14D0];
	_ =	sdelay $0x3  }
0x117: {  	v61 =	vpop (erf)  }
0x118: {  	v2 =	vmul.f32 v61, v2;
	_ =	sdelay $0x1  }
0x119: {  	[tilespmem:s29+$0x12950] =	vst v2  }
0x11a: {  	[tilespmem:v3+s22+$0x0] =	vst.idx.add.f32.msk $0xffff, v61  }
0x11b: {  	v2 =	vld [tilespmem:$0x12860];
	_ =	sdelay $0x3  }
0x11c: {  	s30 =	sor.u32 $0xE0, s29  }
0x11d: {  	v3 =	vld [tilespmem:s30+$0x0];
	v2 =	vmul.f32 v2, v1;
	_ =	sdelay $0x1  }
0x11e: {  	v2 =	vmul.f32 $1.442695020e+00, v2;
	_ =	sdelay $0x1  }
0x11f: {  	(erf) = vpow2.f32 v2;
	_ =	sdelay $0x3  }
0x120: {  	v2 =	vld.idx.msk [tilespmem:v3+s13+$0x0], $0xffff  }
0x121: {  	v3 =	vld [tilespmem:s29+$0x14E0];
	_ =	sdelay $0x3  }
0x122: {  	v62 =	vpop (erf)  }
0x123: {  	v2 =	vmul.f32 v62, v2;
	_ =	sdelay $0x1  }
0x124: {  	[tilespmem:s29+$0x12960] =	vst v2  }
0x125: {  	[tilespmem:v3+s22+$0x0] =	vst.idx.add.f32.msk $0xffff, v62  }
0x126: {  	v2 =	vld [tilespmem:$0x12870];
	_ =	sdelay $0x3  }
0x127: {  	s31 =	sor.u32 $0xF0, s29  }
0x128: {  	v3 =	vld [tilespmem:s31+$0x0];
	v2 =	vmul.f32 v2, v1;
	_ =	sdelay $0x1  }
0x129: {  	v2 =	vmul.f32 $1.442695020e+00, v2;
	_ =	sdelay $0x1  }
0x12a: {  	(erf) = vpow2.f32 v2;
	_ =	sdelay $0x3  }
0x12b: {  	v2 =	vld.idx.msk [tilespmem:v3+s13+$0x0], $0xffff  }
0x12c: {  	v3 =	vld [tilespmem:s29+$0x14F0];
	_ =	sdelay $0x1  }
0x12d: {  	s28 =	sadd.s32 $0x1, s28  }
0x12e: {  	p0 =	sne.s32 s28, $0x14  }
.Ltmp3:
0x12f: {  	v63 =	vpop (erf);
	(pc) =	sbr.rel @p0 .LBB2_4-.Ltmp3, $3  }
0x130: {  	v2 =	vmul.f32 v63, v2;
	_ =	sdelay $0x1  }
0x131: {  	[tilespmem:s29+$0x12970] =	vst v2  }
0x132: {  	[tilespmem:v3+s22+$0x0] =	vst.idx.add.f32.msk $0xffff, v63  }
0x133: {  	[hbm4b:s8+s2] =	stream.linear.scatter [tilespmem:s24], [sflag:$0x3], $0x1400, $0x38;
	[tilespmem:$0x18C00] =	vst v63  }
0x134: {  	s26 =	sadd.s32 $0x1, s26;
	_ =	swait.ge [sflag:s12], $0x1400  }
0x135: {  	p0 =	sne.s32 s26, s10;
	[sflag:s12] =	ssyncset.done $0x0  }
.Ltmp4:
0x136: {  	[sflag:s12] =	ssyncadd.s32 $0xFFFFEC00;
	(pc) =	sbr.rel @p0 .LBB2_1-.Ltmp4, $4  }
0x137: {  	[hbm4b:s9+s15] =	stream.strided.scatter [tilespmem:s22], [sflag:$0x3], $0x2780, s25, s15, $0x38;
	[tilespmem:$0x18C00] =	vst v63  }
0x138: {  	_ =	swait.ge [sflag:s12], $0x2780  }
0x139: {  	[sflag:s12] =	ssyncset.done $0x0  }
0x13a: {  	[sflag:s12] =	ssyncadd.s32 $0xFFFFD880  }
0x13b: {  	_ =	sfence.sel $0x180000  }
0x13c: {  	[bflag:$0x0] =	sbarrier.arrive $0xFFFF  }
0x13d: {  	_ =	strace $0x9000004D  }
0x13e: {  	s0 =	stileid.u32;
	[bflag:$0x2] =	sbarrier.arrive $0xFFFF  }
0x13f: {  	p0 =	sne.s32 s0, $0x0;
	s0 =	rddreg [dreg:$0x2]  }
0x140: {  	s0 =	sadd.s32 @!p0 $0x100000, s0  }
0x141: {  	[sflag:s0] =	ssyncadd.tile.s32 @!p0 $0x1;
	_ =	shalt  }
.Lfunc_end2:
_tile_overlayer_lowered:
.L_overlay_start_2:
0x142: {  	(tag) =	ssettag $0x2  }
0x143: {  	s0 =	rddreg [dreg:$0x0];
	s2 =	stileid.u32  }
0x144: {  	s1 =	rddreg [dreg:$0x1];
	p0 =	sne.s32 s2, $0x0  }
0x145: {  	s3 =	rddreg [dreg:$0x2];
	[bflag:$0x3] =	sbarrier.arrive $0xFFFF;
	s2 =	simm.s32 @!p0 $0x1C03  }
0x146: {  	[timem:s3], [sflag:s2] =	dma.local @!p0 [hbm:s0], s1  }
0x147: {  	s0 =	simm.s32 @!p0 $0x3  }
0x148: {  	_ =	swait.ge @!p0 [sflag:s0], s1  }
0x149: {  	s1 =	ssub.s32 @!p0 $0x0, s1;
	[sflag:s0] =	ssyncset.done @!p0 $0x0  }
0x14a: {  	[sflag:s0] =	ssyncadd.s32 @!p0 s1  }
0x14b: {  	[bflag:$0x3] =	sbarrier.arrive $0xFFFF  }
0x14c: {  	_ =	shalt  }

// kernel: kernel.18.cloned.1.call-start
scs
__scs_entry_jumppad:
0x0: {  	(pc) =	sbr.rel $0x88, $3  }
0x1: {  	(tag) =	ssettag $0x0;
	lr =	simm.s32 $0x1  }
0x2: {  	[smem:$0x3F9C] =	sst lr;
	_ =	strace $0xD0000000  }
0x3: {  	_ = 	snop  }
0x4: {  	_ = 	snop  }
0x5: {  	_ = 	snop  }
0x6: {  	_ = 	snop  }
0x7: {  	_ = 	snop  }
__scs_overlays_trampoline_lowered:
0x8: {  	[smem:$0x3FAB] =	sst s0  }
0x9: {  	[smem:$0x3FAC] =	sst s1  }
0xa: {  	[smem:$0x3FAD] =	sst s2  }
0xb: {  	[smem:$0x3FAE] =	sst s3  }
0xc: {  	[smem:$0x3FAF] =	sst s4  }
0xd: {  	[smem:$0x3FB0] =	sst s5  }
0xe: {  	[smem:$0x3FB1] =	sst s6  }
0xf: {  	[smem:$0x3FB2] =	sst s7  }
0x10: {  	[smem:$0x3FB3] =	sst s8  }
0x11: {  	[smem:$0x3FB4] =	sst s9;
	s0 =	simm.s32 @!p0 $0x0  }
0x12: {  	s1 =	sld [smem:$0x3F9A];
	s0 =	simm.s32 @p0 $0x1  }
0x13: {  	[smem:$0x3FB5] =	sst s0;
	s0 =	simm.s32 @!p1 $0x0  }
0x14: {  	s2 =	sld [smem:$0x3F99];
	s0 =	simm.s32 @p1 $0x1  }
0x15: {  	[smem:$0x3FB6] =	sst s0;
	s0 =	simm.s32 @!p2 $0x0  }
0x16: {  	s3 =	sld [smem:$0x3FDB];
	s0 =	simm.s32 @p2 $0x1  }
0x17: {  	s4 =	simm.s32 $0x1BF5;
	[smem:$0x3FB8] =	sst s0  }
0x18: {  	s0 =	sld [smem:$0x3F9B];
	_ =	swait.ge [sflag:s4], $0x0  }
0x19: {  	s7 =	sld [smem:$0x3F9C]  }
0x1a: {  	s8 =	sadd.s32 $0xFFFFE003, lr  }
0x1b: {  	s9 =	sadd.s32 $0xFFFFFEF7, lr;
	s5 =	simm.s32 $0xFFFFFFFF;
	p2 =	slt.u32 s8, $0xFFFFF086  }
0x1c: {  	p1 =	slt.u32 s9, $0xF7A;
	s5 =	simm.s32 @!p2 $0x0  }
0x1d: {  	s5 =	simm.s32 @p1 $0x1;
	p0 =	seq.s32 s7, s2  }
0x1e: {  	s7 =	smul.u32 @!p0 $0xF7A, s2;
	p2 =	seq.s32 @!p0 s5, $0x0  }
0x1f: {  	s9 =	smul.u32 $0xF7A, s1;
	s8 =	simm.s32 @!p0 $0x1BF5;
	p2 =	por !p2, p0  }
0x20: {  	[sflag:s8] =	ssyncset.s32 @!p0 $0xFFFFF086;
	s6 =	sadd.s32 @!p0 s3, s7;
	s7 =	simm.s32 @!p0 $0x108  }
0x21: {  	s3 =	sadd.s32 s3, s9;
	s6 =	sadd.s32 @!p0 $0x88, s6;
	s7 =	simm.s32 @p2 $0x1082  }
0x22: {  	[simem:s7], [sflag:s8] =	dma.local @!p0 [hbm:s6], $0xF7A  }
0x23: {  	s9 =	sor.u32 $0xD0000000, s2;
	s6 =	simm.s32 $0x108;
	_ =	swait.ge @!p0 [sflag:s8], $0x0  }
0x24: {  	s3 =	sadd.s32 $0x88, s3;
	s6 =	simm.s32 @!p1 $0x1082;
	[sflag:s4] =	ssyncset.s32 $0xFFFFF086  }
0x25: {  	[simem:s6], [sflag:s4] =	dma.local [hbm:s3], $0xF7A  }
0x26: {  	[smem:$0x3F9C] =	sst s1;
	(tag) =	ssettag s2;
	_ =	strace s9  }
0x27: {  	s1 =	sld [smem:$0x3FAC]  }
0x28: {  	s2 =	sld [smem:$0x3FAD]  }
0x29: {  	s4 =	sld [smem:$0x3FAF]  }
0x2a: {  	p0 =	seq.s32 s5, $0x0;
	s5 =	sld [smem:$0x3FB0]  }
0x2b: {  	s6 =	sld [smem:$0x3FB1]  }
0x2c: {  	s7 =	sld [smem:$0x3FB2]  }
0x2d: {  	s3 =	simm.s32 $0x108;
	s8 =	sld [smem:$0x3FB3]  }
0x2e: {  	s3 =	simm.s32 @!p0 $0x1082;
	s9 =	sld [smem:$0x3FB4]  }
0x2f: {  	lr =	sadd.s32 s0, s3;
	s0 =	sld [smem:$0x3FAB]  }
0x30: {  	s3 =	sld [smem:$0x3FAE]  }
0x31: {  	[smem:$0x3FB7] =	sst s10  }
0x32: {  	s10 =	sld [smem:$0x3FB5];
	_ =	sdelay $0x3  }
0x33: {  	p0 =	seq.s32 s10, $0x1;
	s10 =	sld [smem:$0x3FB7];
	_ =	sdelay $0x3  }
0x34: {  	[smem:$0x3FB7] =	sst s10  }
0x35: {  	s10 =	sld [smem:$0x3FB6];
	_ =	sdelay $0x3  }
0x36: {  	p1 =	seq.s32 s10, $0x1;
	s10 =	sld [smem:$0x3FB7];
	_ =	sdelay $0x3  }
0x37: {  	[smem:$0x3FB7] =	sst s10  }
0x38: {  	s10 =	sld [smem:$0x3FB8]  }
0x39: {  	_ = 	snop;
	(pc) =	sbr.ind lr, $3  }
0x3a: {  	_ = 	snop  }
0x3b: {  	_ = 	snop  }
0x3c: {  	p2 =	seq.s32 s10, $0x1;
	s10 =	sld [smem:$0x3FB7]  }
0x3d: {  	_ =	shalt  }
0x3e: {  	_ =	shalt  }
0x3f: {  	_ =	shalt  }
0x40: {  	_ =	shalt  }
0x41: {  	_ =	shalt  }
0x42: {  	_ =	shalt  }
0x43: {  	_ =	shalt  }
0x44: {  	_ =	shalt  }
0x45: {  	_ =	shalt  }
0x46: {  	_ =	shalt  }
0x47: {  	_ =	shalt  }
0x48: {  	_ =	shalt  }
0x49: {  	_ =	shalt  }
0x4a: {  	_ =	shalt  }
0x4b: {  	_ =	shalt  }
0x4c: {  	_ =	shalt  }
0x4d: {  	_ =	shalt  }
0x4e: {  	_ =	shalt  }
0x4f: {  	_ =	shalt  }
0x50: {  	_ =	shalt  }
0x51: {  	_ =	shalt  }
0x52: {  	_ =	shalt  }
0x53: {  	_ =	shalt  }
0x54: {  	_ =	shalt  }
0x55: {  	_ =	shalt  }
0x56: {  	_ =	shalt  }
0x57: {  	_ =	shalt  }
0x58: {  	_ =	shalt  }
0x59: {  	_ =	shalt  }
0x5a: {  	_ =	shalt  }
0x5b: {  	_ =	shalt  }
0x5c: {  	_ =	shalt  }
0x5d: {  	_ =	shalt  }
0x5e: {  	_ =	shalt  }
0x5f: {  	_ =	shalt  }
0x60: {  	_ =	shalt  }
0x61: {  	_ =	shalt  }
0x62: {  	_ =	shalt  }
0x63: {  	_ =	shalt  }
0x64: {  	_ =	shalt  }
0x65: {  	_ =	shalt  }
0x66: {  	_ =	shalt  }
0x67: {  	_ =	shalt  }
0x68: {  	_ =	shalt  }
0x69: {  	_ =	shalt  }
0x6a: {  	_ =	shalt  }
0x6b: {  	_ =	shalt  }
0x6c: {  	_ =	shalt  }
0x6d: {  	_ =	shalt  }
0x6e: {  	_ =	shalt  }
0x6f: {  	_ =	shalt  }
0x70: {  	_ =	shalt  }
0x71: {  	_ =	shalt  }
0x72: {  	_ =	shalt  }
0x73: {  	_ =	shalt  }
0x74: {  	_ =	shalt  }
0x75: {  	_ =	shalt  }
0x76: {  	_ =	shalt  }
0x77: {  	_ =	shalt  }
0x78: {  	_ =	shalt  }
0x79: {  	_ =	shalt  }
0x7a: {  	_ =	shalt  }
0x7b: {  	_ =	shalt  }
0x7c: {  	_ =	shalt  }
0x7d: {  	_ =	shalt  }
0x7e: {  	_ =	shalt  }
0x7f: {  	_ =	shalt  }
0x80: {  	_ =	shalt  }
0x81: {  	_ =	shalt  }
0x82: {  	_ =	shalt  }
0x83: {  	_ =	shalt  }
0x84: {  	_ =	shalt  }
0x85: {  	_ =	shalt  }
0x86: {  	_ =	shalt  }
0x87: {  	_ =	shalt  }
.Lfunc_end0:
.L_simem_size_0:
called_computation.3_lowered:
.L_overlay_start_0:
0x88: {  	s2 =	sld [smem:$0x3FD9]  }
0x89: {  	s3 =	sld [smem:$0x3FFE];
	_ =	sdelay $0x1  }
0x8a: {  	s1 =	srdreg.scid  }
0x8b: {  	s0 =	sand.u32 $0x1, s1  }
0x8c: {  	s16 =	sshll.u32 s0, $0xA;
	s2 =	sadd.s32 s3, s2  }
0x8d: {  	s2 =	sadd.s32 s2, s16  }
0x8e: {  	[smem:$0x3FC3] =	sst s2  }
0x8f: {  	_ = 	snop  }
0x90: {  	(tm) =	ssettm $0x1  }
0x91: {  	s17 =	sld [smem:$0x3FFB];
	_ =	sdelay $0x3  }
0x92: {  	_ =	strace s17  }
0x93: {  	s2 =	sld [smem:$0x3FFC];
	_ =	sdelay $0x3  }
0x94: {  	_ =	strace s2  }
0x95: {  	s2 =	sld [smem:$0x3FFD];
	_ =	sdelay $0x3  }
0x96: {  	_ =	strace s2  }
0x97: {  	_ =	strace $0x8FFFFFFF  }
0x98: {  	s18 =	sld [smem:$0x3FDB];
	_ =	sdelay $0x1  }
0x99: {  	s19 =	simm.s32 $_scs_section_size  }
0x9a: {  	s4 =	simm.s32 $_size__tile_overlayer_lowered;
	s5 =	simm.s32 $_tile_overlayer_lowered  }
0x9b: {  	s22 =	simm.s32 $0x1BFF;
	s21 =	sshll.u32 s5, $0x1;
	s2 =	sadd.s32 s19, s18  }
0x9c: {  	s6 =	simm.s32 $0x0;
	s20 =	sshll.u32 s4, $0x1;
	s4 =	sadd.s32 s21, s2  }
0x9d: {  	[timem:s6], [sflag:s22] =	dma.local [hbm:s4], s20  }
0x9e: {  	_ =	swait.ge [sflag:s22], s20  }
0x9f: {  	s3 =	ssub.s32 $0x0, s20;
	[sflag:s22] =	ssyncset.done $0x0  }
0xa0: {  	[sflag:s22] =	ssyncadd.s32 s3;
	_ =	sdelay $0x1  }
0xa1: {  	s23 =	simm.s32 $0x1B8B  }
0xa2: {  	_ =	swait.ge [sflag:s23], $0x1  }
0xa3: {  	[sflag:s23] =	ssyncset.done $0x0  }
0xa4: {  	s25 =	simm.s32 $0x1B8E;
	s24 =	sld [smem:$0x3FFE];
	[sflag:s23] =	ssyncadd.s32 $0xFFFFFFFF  }
0xa5: {  	s26 =	simm.s32 $execute0_lowered;
	[smem:$0x3FD2] =	sst s25  }
0xa6: {  	s4 =	sshll.u32 s26, $0x1;
	_ =	strace $0x8000004F;
	[dreg:$0x1] =	wrdreg $0xFFFFFFFF  }
0xa7: {  	s28 =	simm.s32 $_size_execute0_lowered;
	s2 =	sadd.s32 s2, s4;
	[dreg:$0x0] =	wrdreg $0x0  }
0xa8: {  	s4 =	sshll.u32 s28, $0x1;
	[dreg:$0x2] =	wrdreg s2  }
0xa9: {  	[dreg:$0x3] =	wrdreg s4  }
0xaa: {  	[dreg:$0x4] =	wrdreg $0xC0  }
0xab: {  	_ =	task [dreg:s6], $0x5FFFF  }
0xac: {  	[dreg:$0x1] =	wrdreg $0xFFFFFFFF  }
0xad: {  	[dreg:$0x0] =	wrdreg $0x60  }
0xae: {  	[dreg:$0x2] =	wrdreg s24  }
0xaf: {  	[dreg:$0x3] =	wrdreg $0xC3000  }
0xb0: {  	[dreg:$0x4] =	wrdreg $0x9  }
0xb1: {  	_ =	task.clear_ibuf [dreg:s6], $0x5FFFF;
	_ =	strace $0x9000004F  }
0xb2: {  	s29 =	simm.s32 $0x9;
	_ =	strace $0x80000051  }
0xb3: {  	_ =	swait.ge [sflag:s29], $0x1  }
0xb4: {  	[sflag:s29] =	ssyncadd.s32 $0xFFFFFFFF  }
0xb5: {  	_ =	strace $0x90000051  }
0xb6: {  	_ =	sfence  }
0xb7: {  	s30 =	sld [smem:$0x0];
	_ =	sdelay $0x2  }
0xb8: {  	s31 =	sshll.u32 s1, $0xD;
	s1 =	sshrl.u32 s1, $0x2  }
0xb9: {  	s3 =	sand.u32 $0x4000, s31;
	s1 =	sadd.s32 s1, s30  }
0xba: {  	s0 =	sor.u32 s3, s0;
	s1 =	sshll.u32 s1, $0x11  }
0xbb: {  	s0 =	sor.u32 s1, s0  }
0xbc: {  	s0 =	sadd.s32 $0x8F2B, s0  }
0xbd: {  	[sflag:s0] =	ssyncadd.remote.s32 $0x1  }
0xbe: {  	_ =	sfence.sel $0xFFFF  }
0xbf: {  	[dreg:$0x0] =	wrdreg $0xFFFFFFFF;
	(pc) =	sbr.abs _section_cstart, $3  }
0xc0: {  	[dreg:$0x1] =	wrdreg $0xFFFFFFFF  }
0xc1: {  	_ =	task.clear_ibuf [dreg:s6], $0x2FFFF;
	_ =	strace $0x9FFFFFFF  }
0xc2: {  	(tm) =	ssettm $0x7FFFFFFF  }
0xc3: {  	_ =	shalt  }
tec
execute0_lowered:
.L_overlay_start_1:
0x0: {  	(tag) =	ssettag $0x1  }
0x1: {  	s0 =	rddreg [dreg:$0x0]  }
0x2: {  	s2 =	rddreg [dreg:$0x1];
	s3 =	simm.s32 $0x0;
	s1 =	srdreg.scid  }
0x3: {  	s10 =	stileid.u32;
	s28 =	simm.s32 $0x80;
	s29 =	simm.s32 $0x300  }
0x4: {  	s30 =	simm.s32 $0x180;
	s31 =	simm.s32 $0x280;
	s13 =	simm.s32 $0x4  }
0x5: {  	[smem:$0x7FF] =	sst s3;
	s1 =	sand.u32 $0x1, s1;
	s8 =	smul.u32 $0x278, s10  }
0x6: {  	s4 =	sadd.s32 $0xB200, s0;
	s5 =	sadd.s32 $0x32400, s0;
	s6 =	sadd.s32 $0x6200, s0  }
0x7: {  	s7 =	sadd.s32 $0x5EE00, s0;
	s17 =	sshll.u32 s10, $0x1;
	s10 =	smul.u32 $0x4F000, s10  }
0x8: {  	s9 =	smul.u32 $0x2780, s1;
	s11 =	ssub.s32 $0x2, s1;
	s1 =	sor.u32 s1, s17  }
0x9: {  	_ =	strace $0x80000050;
	s18 =	sshrl.u32 s11, $0x1;
	s12 =	smul.u32 $0x280, s1  }
0xa: {  	s10 =	sshrl.u32 s10, $0x2;
	s8 =	sadd.s32 s8, s9;
	s11 =	ssub.s32 s11, s18  }
0xb: {  	s9 =	smul.u32 $0x28, s1;
	s1 =	simm.s32 $0x1;
	s19 =	sadd.s32 s5, s12  }
0xc: {  	s8 =	sshll.u32 s8, $0x4;
	s20 =	sadd.s32 s6, s12;
	[dreg:$0x3] =	wrdreg s19  }
0xd: {  	s21 =	sadd.s32 s7, s12;
	s24 =	smax.u32 s11, $0x1;
	[dreg:$0x4] =	wrdreg s20  }
0xe: {  	s11 =	simm.s32 $0x2;
	s0 =	sadd.s32 s8, s0;
	[dreg:$0x5] =	wrdreg s21  }
0xf: {  	s8 =	sadd.s32 s10, s2;
	[dreg:$0x8] =	wrdreg s24;
	s22 =	sadd.s32 $0x65E00, s0  }
0x10: {  	s24 =	simm.s32 $0x5;
	s23 =	sadd.s32 $0x63E00, s0;
	[dreg:$0x6] =	wrdreg s22  }
0x11: {  	s10 =	sadd.s32 $0x10000, s8;
	s25 =	sadd.s32 $0x64600, s0;
	[dreg:$0x7] =	wrdreg s23  }
0x12: {  	s17 =	sadd.s32 $0x4000, s8;
	s26 =	sadd.s32 $0x64E00, s0;
	[dreg:$0x9] =	wrdreg s25  }
0x13: {  	s18 =	sadd.s32 $0x8000, s8;
	s0 =	sadd.s32 $0x65600, s0;
	[dreg:$0xa] =	wrdreg s26  }
0x14: {  	s19 =	sadd.s32 $0xC000, s8;
	[dreg:$0xb] =	wrdreg s0;
	s23 =	simm.s32 $0x8300  }
0x15: {  	v0 =	vimm.f32 $0.0e+00;
	s25 =	simm.s32 $0x100;
	s26 =	simm.s32 $0x200;
	s0 =	simm.s32 $0x4300  }
.LBB2_1:
0x16: {  	s14 =	simm.s32 $0x0;
	s15 =	simm.s32 $0x200  }
.LBB2_2:
0x17: {  	p0 =	sne.s32 s15, $0xFE00;
	[tilespmem:s14+$0x8370] =	vst v0  }
0x18: {  	[tilespmem:s14+$0x8300] =	vst v0  }
0x19: {  	[tilespmem:s14+$0x8310] =	vst v0  }
.Ltmp0:
0x1a: {  	[tilespmem:s14+$0x8320] =	vst v0;
	(pc) =	sbr.rel @p0 .LBB2_2-.Ltmp0, $4  }
0x1b: {  	[tilespmem:s14+$0x8330] =	vst v0  }
0x1c: {  	[tilespmem:s14+$0x8340] =	vst v0  }
0x1d: {  	[tilespmem:s14+$0x8350] =	vst v0  }
0x1e: {  	[tilespmem:s14+$0x8360] =	vst v0;
	s14 =	sshra.s32 s15, $0x2;
	s15 =	sadd.s32 $0x200, s15  }
0x1f: {  	[tilespmem:s14+$0x8370] =	vst v0  }
0x20: {  	[tilespmem:s14+$0x8300] =	vst v0  }
0x21: {  	[tilespmem:s14+$0x8310] =	vst v0  }
0x22: {  	[tilespmem:s14+$0x8320] =	vst v0  }
0x23: {  	[tilespmem:s14+$0x8330] =	vst v0  }
0x24: {  	[tilespmem:s14+$0x8340] =	vst v0  }
0x25: {  	[tilespmem:s14+$0x8350] =	vst v0  }
0x26: {  	[tilespmem:s14+$0x8360] =	vst v0  }
0x27: {  	[spmem:s8] =	stream.linear.scatter [tilespmem:s23], [sflag:$0x5], $0x4000, $0x38;
	[tilespmem:$0x1FF00] =	vst v63  }
0x28: {  	_ =	swait.ge [sflag:s24], $0x4000  }
0x29: {  	[sflag:s24] =	ssyncset.done $0x0  }
0x2a: {  	[sflag:s24] =	ssyncadd.s32 $0xFFFFC000  }
0x2b: {  	[spmem:s17] =	stream.linear.scatter [tilespmem:s23], [sflag:$0x5], $0x4000, $0x38;
	[tilespmem:$0x1FF00] =	vst v63  }
0x2c: {  	_ =	swait.ge [sflag:s24], $0x4000  }
0x2d: {  	[sflag:s24] =	ssyncset.done $0x0  }
0x2e: {  	[sflag:s24] =	ssyncadd.s32 $0xFFFFC000  }
0x2f: {  	[spmem:s18] =	stream.linear.scatter [tilespmem:s23], [sflag:$0x5], $0x4000, $0x38;
	[tilespmem:$0x1FF00] =	vst v63  }
0x30: {  	_ =	swait.ge [sflag:s24], $0x4000  }
0x31: {  	[sflag:s24] =	ssyncset.done $0x0  }
0x32: {  	[sflag:s24] =	ssyncadd.s32 $0xFFFFC000  }
0x33: {  	[spmem:s19] =	stream.linear.scatter [tilespmem:s23], [sflag:$0x5], $0x4000, $0x38;
	[tilespmem:$0x1FF00] =	vst v63  }
0x34: {  	_ =	swait.ge [sflag:s24], $0x4000  }
0x35: {  	[sflag:s24] =	ssyncset.done $0x0  }
0x36: {  	[sflag:s24] =	ssyncadd.s32 $0xFFFFC000  }
0x37: {  	[spmem:s10] =	stream.linear.scatter [tilespmem:s23], [sflag:$0x5], $0x3C00, $0x38;
	[tilespmem:$0x1FF00] =	vst v63  }
0x38: {  	_ =	swait.ge [sflag:s24], $0x3C00  }
0x39: {  	[sflag:s24] =	ssyncset.done $0x0  }
0x3a: {  	[sflag:s24] =	ssyncadd.s32 $0xFFFFC400  }
0x3b: {  	[bflag:$0x0] =	sbarrier.arrive $0xFFFF  }
0x3c: {  	s14 =	simm.s32 $0x0;
	s12 =	rddreg [dreg:$0x3]  }
0x3d: {  	[tilespmem:s14], [sflag:$0x5] =	stream.linear.gather [hbm4b:s12+s14], $0x80, $0x38;
	[tilespmem:$0x1FF00] =	vst v63  }
0x3e: {  	_ =	swait.ge [sflag:s24], $0x80  }
0x3f: {  	[sflag:s24] =	ssyncset.done $0x0  }
0x40: {  	s21 =	rddreg [dreg:$0x4];
	[sflag:s24] =	ssyncadd.s32 $0xFFFFFF80  }
0x41: {  	[tilespmem:s25], [sflag:$0x5] =	stream.linear.gather [hbm4b:s21+s14], $0x80, $0x38;
	[tilespmem:$0x1FF00] =	vst v63  }
0x42: {  	_ =	swait.ge [sflag:s24], $0x80  }
0x43: {  	[sflag:s24] =	ssyncset.done $0x0  }
0x44: {  	s22 =	rddreg [dreg:$0x5];
	[sflag:s24] =	ssyncadd.s32 $0xFFFFFF80  }
0x45: {  	[tilespmem:s26], [sflag:$0x5] =	stream.linear.gather [hbm4b:s22+s14], $0x80, $0x38;
	[tilespmem:$0x1FF00] =	vst v63  }
0x46: {  	_ =	swait.ge [sflag:s24], $0x80  }
0x47: {  	[sflag:s24] =	ssyncset.done $0x0  }
0x48: {  	s15 =	simm.s32 $0x0;
	[sflag:s24] =	ssyncadd.s32 $0xFFFFFF80  }
0x49: {  	[tilespmem:s29], [sflag:$0x1] =	stream.indirect.gather [hbm4b:s4+s28], $0x80, s14, s28, $0xb8;
	[tilespmem:$0x1FF00] =	vst v63  }
.LBB2_4:
0x4a: {  	s16 =	sshllo.u32 s15, $0x1;
	p0 =	seq.s32 s15, $0x0  }
0x4b: {  	s20 =	simm.s32 @!p0 $0x4;
	s21 =	sadd.s32 s9, s16  }
0x4c: {  	_ =	swait.ge @!p0 [sflag:s20], $0x4000;
	s21 =	sshll.u32 s21, $0x4  }
0x4d: {  	[sflag:s20] =	ssyncset.done @!p0 $0x0;
	s22 =	sand.u32 $0x1FFFFFF0, s21  }
0x4e: {  	s16 =	sshll.u32 s16, $0x4;
	[sflag:s20] =	ssyncadd.s32 @!p0 $0xFFFFC000;
	s12 =	sadd.s32 s5, s22  }
0x4f: {  	[tilespmem:s28], [sflag:$0x5] =	stream.linear.gather [hbm4b:s12+s14], $0x80, $0x38;
	[tilespmem:$0x1FF00] =	vst v63  }
0x50: {  	s16 =	sand.u32 $0x70, s16;
	_ =	swait.ge [sflag:s24], $0x80  }
0x51: {  	s21 =	sand.u32 $0xFFFFF80, s21;
	s16 =	sadd.s32 s6, s16;
	[sflag:s24] =	ssyncset.done $0x0  }
0x52: {  	s16 =	sadd.s32 s21, s16;
	[sflag:s24] =	ssyncadd.s32 $0xFFFFFF80  }
0x53: {  	[tilespmem:s30], [sflag:$0x5] =	stream.linear.gather [hbm4b:s16+s14], $0x80, $0x38;
	[tilespmem:$0x1FF00] =	vst v63  }
0x54: {  	_ =	swait.ge [sflag:s24], $0x80  }
0x55: {  	[sflag:s24] =	ssyncset.done $0x0  }
0x56: {  	s22 =	sadd.s32 s7, s22;
	[sflag:s24] =	ssyncadd.s32 $0xFFFFFF80  }
0x57: {  	[tilespmem:s31], [sflag:$0x5] =	stream.linear.gather [hbm4b:s22+s14], $0x80, $0x38;
	[tilespmem:$0x1FF00] =	vst v63  }
0x58: {  	_ =	swait.ge [sflag:s24], $0x80  }
0x59: {  	[sflag:s24] =	ssyncset.done $0x0  }
0x5a: {  	[sflag:s24] =	ssyncadd.s32 $0xFFFFFF80  }
0x5b: {  	[tilespmem:s0], [sflag:$0x2] =	stream.indirect.gather [hbm4b:s4+s28], $0x80, s28, s28, $0xb8;
	[tilespmem:$0x1FF00] =	vst v63  }
0x5c: {  	_ =	swait.ge [sflag:s1], $0x4000  }
0x5d: {  	v1 =	vmov s14;
	[sflag:s1] =	ssyncset.done $0x0  }
0x5e: {  	s16 =	simm.s32 $0x340;
	[sflag:s1] =	ssyncadd.s32 $0xFFFFC000  }
0x5f: {  	v5 =	vld [tilespmem:s16+$0x30]  }
0x60: {  	v8 =	vld [tilespmem:s16+$0x10]  }
0x61: {  	v6 =	vld [tilespmem:s16+$0xFFFFFFC0]  }
0x62: {  	v2 =	vld.idx.msk [tilespmem:v1+s26+$0x0], $0xffff  }
0x63: {  	v10 =	vld [tilespmem:s16+$0xFFFFFFE0]  }
0x64: {  	v1 =	vld [tilespmem:s16+$0xFFFFFFF0]  }
0x65: {  	v3 =	vld [tilespmem:s16+$0x20]  }
0x66: {  	v4 =	vld [tilespmem:s16+$0xFFFFFFD0]  }
0x67: {  	v9 =	vmul.f32 v5, v2;
	v5 =	vld [tilespmem:s16+$0x0]  }
0x68: {  	v7 =	vmul.f32 v6, v2  }
0x69: {  	s20 =	sshll.u32 s15, $0x1;
	s21 =	simm.s32 $0x1;
	s22 =	simm.s32 $0x340;
	v6 =	vmul.f32 v10, v2;
	v8 =	vmul.f32 v8, v2  }
.LBB2_5:
0x6a: {  	p0 =	sne.s32 s21, $0x7F  }
0x6b: {  	v4 =	vmul.f32 v4, v2;
	v3 =	vmul.f32 v3, v2;
	[tilespmem:s16+$0x30] =	vst v9;
	s22 =	sadd.s32 $0x80, s22;
	s12 =	smov.u32 s21;
	s21 =	sadd.s32 $0x1, s21  }
0x6c: {  	[tilespmem:s16+$0xFFFFFFC0] =	vst v7;
	v7 =	vmul.f32 v1, v2;
	v2 =	vmul.f32 v5, v2  }
0x6d: {  	[tilespmem:s16+$0x10] =	vst v8  }
0x6e: {  	v5 =	vmov s12;
	[tilespmem:s16+$0xFFFFFFE0] =	vst v6  }
0x6f: {  	v1 =	vld [tilespmem:s22+$0xFFFFFFF0];
	[tilespmem:s16+$0xFFFFFFF0] =	vst v7  }
0x70: {  	v6 =	vld [tilespmem:s22+$0x30];
	[tilespmem:s16+$0x0] =	vst v2  }
0x71: {  	v8 =	vld [tilespmem:s22+$0x10];
	[tilespmem:s16+$0x20] =	vst v3  }
0x72: {  	v7 =	vld [tilespmem:s22+$0xFFFFFFC0];
	[tilespmem:s16+$0xFFFFFFD0] =	vst v4;
	s16 =	smov.u32 s22  }
0x73: {  	v2 =	vld.idx.msk [tilespmem:v5+s26+$0x0], $0xffff  }
0x74: {  	v10 =	vld [tilespmem:s22+$0xFFFFFFE0]  }
0x75: {  	v3 =	vld [tilespmem:s22+$0x20]  }
.Ltmp1:
0x76: {  	v4 =	vld [tilespmem:s22+$0xFFFFFFD0];
	(pc) =	sbr.rel @p0 .LBB2_5-.Ltmp1, $3  }
0x77: {  	v5 =	vld [tilespmem:s22+$0x0];
	_ =	sdelay $0x1  }
0x78: {  	v7 =	vmul.f32 v7, v2;
	v9 =	vmul.f32 v6, v2  }
0x79: {  	v8 =	vmul.f32 v8, v2;
	v6 =	vmul.f32 v10, v2  }
0x7a: {  	[tilespmem:s16+$0x30] =	vst v9  }
0x7b: {  	[tilespmem:s16+$0xFFFFFFC0] =	vst v7  }
0x7c: {  	v1 =	vmul.f32 v1, v2;
	[tilespmem:s16+$0x10] =	vst v8  }
0x7d: {  	v3 =	vmul.f32 v3, v2;
	[tilespmem:s16+$0xFFFFFFE0] =	vst v6  }
0x7e: {  	v5 =	vmul.f32 v5, v2;
	[tilespmem:s16+$0xFFFFFFF0] =	vst v1  }
0x7f: {  	p0 =	seq.s32 s15, $0x13;
	v1 =	vmul.f32 v4, v2;
	[tilespmem:s16+$0x20] =	vst v3  }
0x80: {  	s12 =	sadd.s32 @!p0 $0x2, s20;
	[tilespmem:s16+$0x0] =	vst v5  }
0x81: {  	s20 =	sadd.s32 @!p0 s9, s12;
	[tilespmem:s16+$0xFFFFFFD0] =	vst v1;
	s16 =	simm.s32 @!p0 $0x3  }
0x82: {  	[spmem:s2] =	stream.indirect.scatter.add.f32 [tilespmem:s29], [sflag:$0x3], $0x80, s25, s28, $0xb8;
	[tilespmem:$0x1FF00] =	vst v63  }
0x83: {  	s20 =	sshll.u32 @!p0 s20, $0x4;
	_ =	swait.ge @!p0 [sflag:s16], $0x4000  }
0x84: {  	s21 =	sand.u32 @!p0 $0x1FFFFFE0, s20;
	[sflag:s16] =	ssyncset.done @!p0 $0x0  }
0x85: {  	s22 =	simm.s32 @!p0 $0x0;
	[sflag:s16] =	ssyncadd.s32 @!p0 $0xFFFFC000;
	s16 =	sadd.s32 @!p0 s5, s21  }
0x86: {  	[tilespmem:s22], [sflag:$0x5] =	stream.linear.gather @!p0 [hbm4b:s16+s22], $0x80, $0x38;
	[tilespmem:$0x1FF00] =	vst v63  }
0x87: {  	s12 =	sshll.u32 @!p0 s12, $0x4;
	s16 =	simm.s32 @!p0 $0x5  }
0x88: {  	s12 =	sand.u32 @!p0 $0x60, s12;
	_ =	swait.ge @!p0 [sflag:s16], $0x80  }
0x89: {  	s20 =	sand.u32 @!p0 $0xFFFFF80, s20;
	s12 =	sadd.s32 @!p0 s6, s12;
	[sflag:s16] =	ssyncset.done @!p0 $0x0  }
0x8a: {  	s12 =	sadd.s32 @!p0 s20, s12;
	s20 =	simm.s32 @!p0 $0x100;
	[sflag:s16] =	ssyncadd.s32 @!p0 $0xFFFFFF80  }
0x8b: {  	[tilespmem:s20], [sflag:$0x5] =	stream.linear.gather @!p0 [hbm4b:s12+s22], $0x80, $0x38;
	[tilespmem:$0x1FF00] =	vst v63  }
0x8c: {  	_ =	swait.ge @!p0 [sflag:s16], $0x80  }
0x8d: {  	[sflag:s16] =	ssyncset.done @!p0 $0x0  }
0x8e: {  	s12 =	sadd.s32 @!p0 s7, s21;
	s20 =	simm.s32 @!p0 $0x200;
	[sflag:s16] =	ssyncadd.s32 @!p0 $0xFFFFFF80  }
0x8f: {  	[tilespmem:s20], [sflag:$0x5] =	stream.linear.gather @!p0 [hbm4b:s12+s22], $0x80, $0x38;
	[tilespmem:$0x1FF00] =	vst v63  }
0x90: {  	_ =	swait.ge @!p0 [sflag:s16], $0x80  }
0x91: {  	[sflag:s16] =	ssyncset.done @!p0 $0x0  }
0x92: {  	s12 =	simm.s32 @!p0 $0x80;
	[sflag:s16] =	ssyncadd.s32 @!p0 $0xFFFFFF80;
	s16 =	simm.s32 @!p0 $0x300  }
0x93: {  	[tilespmem:s16], [sflag:$0x1] =	stream.indirect.gather @!p0 [hbm4b:s4+s12], $0x80, s22, s12, $0xb8;
	[tilespmem:$0x1FF00] =	vst v63  }
0x94: {  	s22 =	simm.s32 $0x0;
	_ =	swait.ge [sflag:s11], $0x4000  }
0x95: {  	v1 =	vmov s22;
	[sflag:s11] =	ssyncset.done $0x0  }
0x96: {  	s16 =	simm.s32 $0x4340;
	[sflag:s11] =	ssyncadd.s32 $0xFFFFC000  }
0x97: {  	v5 =	vld [tilespmem:s16+$0x30]  }
0x98: {  	v8 =	vld [tilespmem:s16+$0x10]  }
0x99: {  	v6 =	vld [tilespmem:s16+$0xFFFFFFC0]  }
0x9a: {  	v2 =	vld.idx.msk [tilespmem:v1+s31+$0x0], $0xffff  }
0x9b: {  	v10 =	vld [tilespmem:s16+$0xFFFFFFE0]  }
0x9c: {  	v3 =	vld [tilespmem:s16+$0x20]  }
0x9d: {  	v4 =	vld [tilespmem:s16+$0xFFFFFFD0]  }
0x9e: {  	v1 =	vld [tilespmem:s16+$0xFFFFFFF0]  }
0x9f: {  	v9 =	vmul.f32 v5, v2;
	v5 =	vld [tilespmem:s16+$0x0]  }
0xa0: {  	v7 =	vmul.f32 v6, v2  }
0xa1: {  	s21 =	simm.s32 $0x4340;
	s20 =	simm.s32 $0x1;
	v6 =	vmul.f32 v10, v2;
	v8 =	vmul.f32 v8, v2  }
.LBB2_7:
0xa2: {  	p0 =	sne.s32 s20, $0x7F  }
0xa3: {  	v4 =	vmul.f32 v4, v2;
	v3 =	vmul.f32 v3, v2;
	[tilespmem:s16+$0x30] =	vst v9;
	s21 =	sadd.s32 $0x80, s21;
	s12 =	smov.u32 s20;
	s20 =	sadd.s32 $0x1, s20  }
0xa4: {  	[tilespmem:s16+$0xFFFFFFC0] =	vst v7;
	v7 =	vmul.f32 v1, v2;
	v2 =	vmul.f32 v5, v2  }
0xa5: {  	[tilespmem:s16+$0x10] =	vst v8  }
0xa6: {  	v5 =	vmov s12;
	[tilespmem:s16+$0xFFFFFFE0] =	vst v6  }
0xa7: {  	v1 =	vld [tilespmem:s21+$0xFFFFFFF0];
	[tilespmem:s16+$0xFFFFFFF0] =	vst v7  }
0xa8: {  	v6 =	vld [tilespmem:s21+$0x30];
	[tilespmem:s16+$0x0] =	vst v2  }
0xa9: {  	v8 =	vld [tilespmem:s21+$0x10];
	[tilespmem:s16+$0x20] =	vst v3  }
0xaa: {  	v7 =	vld [tilespmem:s21+$0xFFFFFFC0];
	[tilespmem:s16+$0xFFFFFFD0] =	vst v4;
	s16 =	smov.u32 s21  }
0xab: {  	v2 =	vld.idx.msk [tilespmem:v5+s31+$0x0], $0xffff  }
0xac: {  	v10 =	vld [tilespmem:s21+$0xFFFFFFE0]  }
0xad: {  	v3 =	vld [tilespmem:s21+$0x20]  }
.Ltmp2:
0xae: {  	v4 =	vld [tilespmem:s21+$0xFFFFFFD0];
	(pc) =	sbr.rel @p0 .LBB2_7-.Ltmp2, $3  }
0xaf: {  	v5 =	vld [tilespmem:s21+$0x0];
	_ =	sdelay $0x1  }
0xb0: {  	v7 =	vmul.f32 v7, v2;
	v9 =	vmul.f32 v6, v2  }
0xb1: {  	v8 =	vmul.f32 v8, v2;
	v6 =	vmul.f32 v10, v2  }
0xb2: {  	[tilespmem:s16+$0x30] =	vst v9  }
0xb3: {  	[tilespmem:s16+$0xFFFFFFC0] =	vst v7  }
0xb4: {  	v1 =	vmul.f32 v1, v2;
	s15 =	sadd.s32 $0x1, s15;
	[tilespmem:s16+$0x10] =	vst v8  }
0xb5: {  	v3 =	vmul.f32 v3, v2;
	[tilespmem:s16+$0xFFFFFFE0] =	vst v6;
	p0 =	sne.s32 s15, $0x14  }
.Ltmp3:
0xb6: {  	v5 =	vmul.f32 v5, v2;
	[tilespmem:s16+$0xFFFFFFF0] =	vst v1;
	(pc) =	sbr.rel @p0 .LBB2_4-.Ltmp3, $4  }
0xb7: {  	v1 =	vmul.f32 v4, v2;
	[tilespmem:s16+$0x20] =	vst v3  }
0xb8: {  	[tilespmem:s16+$0x0] =	vst v5  }
0xb9: {  	[tilespmem:s16+$0xFFFFFFD0] =	vst v1  }
0xba: {  	[spmem:s2] =	stream.indirect.scatter.add.f32 [tilespmem:s0], [sflag:$0x4], $0x80, s30, s28, $0xb8;
	[tilespmem:$0x1FF00] =	vst v63  }
0xbb: {  	s12 =	simm.s32 $0x3  }
0xbc: {  	_ =	swait.ge [sflag:s12], $0x4000  }
0xbd: {  	[sflag:s12] =	ssyncset.done $0x0  }
0xbe: {  	[sflag:s12] =	ssyncadd.s32 $0xFFFFC000  }
0xbf: {  	_ =	swait.ge [sflag:s13], $0x4000  }
0xc0: {  	[sflag:s13] =	ssyncset.done $0x0  }
0xc1: {  	s15 =	stileid.u32;
	[sflag:s13] =	ssyncadd.s32 $0xFFFFC000  }
0xc2: {  	s12 =	sshll.u32 s15, $0x6;
	[bflag:$0x0] =	sbarrier.arrive $0xFFFF  }
0xc3: {  	s14 =	sshrl.u32 s8, $0x3;
	s12 =	sor.u32 $0x1C05, s12;
	s15 =	rddreg [dreg:$0x7]  }
0xc4: {  	[hbm:s15], [sflag:s12] =	dma.local [spmem:s14], $0x800  }
0xc5: {  	_ =	swait.ge [sflag:s24], $0x800  }
0xc6: {  	[sflag:s24] =	ssyncset.done $0x0  }
0xc7: {  	s16 =	sshrl.u32 s17, $0x3;
	s20 =	rddreg [dreg:$0x9];
	[sflag:s24] =	ssyncadd.s32 $0xFFFFF800  }
0xc8: {  	[hbm:s20], [sflag:s12] =	dma.local [spmem:s16], $0x800  }
0xc9: {  	_ =	swait.ge [sflag:s24], $0x800  }
0xca: {  	[sflag:s24] =	ssyncset.done $0x0  }
0xcb: {  	s21 =	sshrl.u32 s18, $0x3;
	s22 =	rddreg [dreg:$0xa];
	[sflag:s24] =	ssyncadd.s32 $0xFFFFF800  }
0xcc: {  	[hbm:s22], [sflag:s12] =	dma.local [spmem:s21], $0x800  }
0xcd: {  	_ =	swait.ge [sflag:s24], $0x800  }
0xce: {  	[sflag:s24] =	ssyncset.done $0x0  }
0xcf: {  	s15 =	sshrl.u32 s19, $0x3;
	s16 =	rddreg [dreg:$0xb];
	[sflag:s24] =	ssyncadd.s32 $0xFFFFF800  }
0xd0: {  	[hbm:s16], [sflag:s12] =	dma.local [spmem:s15], $0x800  }
0xd1: {  	_ =	swait.ge [sflag:s24], $0x800  }
0xd2: {  	[sflag:s24] =	ssyncset.done $0x0  }
0xd3: {  	s20 =	sshrl.u32 s10, $0x3;
	s21 =	rddreg [dreg:$0x6];
	[sflag:s24] =	ssyncadd.s32 $0xFFFFF800  }
0xd4: {  	[hbm:s21], [sflag:s12] =	dma.local [spmem:s20], $0x780  }
0xd5: {  	_ =	swait.ge [sflag:s24], $0x780  }
0xd6: {  	s3 =	sadd.s32 $0x1, s3;
	s22 =	rddreg [dreg:$0x8]  }
0xd7: {  	p0 =	sne.s32 s3, s22  }
.Ltmp4:
0xd8: {  	_ = 	snop;
	(pc) =	sbr.rel @p0 .LBB2_1-.Ltmp4, $3  }
0xd9: {  	_ =	sdelay $0x1  }
0xda: {  	[sflag:s24] =	ssyncset.done $0x0  }
0xdb: {  	[sflag:s24] =	ssyncadd.s32 $0xFFFFF880  }
0xdc: {  	_ =	sfence.sel $0x180000  }
0xdd: {  	[bflag:$0x0] =	sbarrier.arrive $0xFFFF  }
0xde: {  	_ =	strace $0x90000050  }
0xdf: {  	s0 =	stileid.u32;
	[bflag:$0x2] =	sbarrier.arrive $0xFFFF  }
0xe0: {  	p0 =	sne.s32 s0, $0x0;
	s0 =	rddreg [dreg:$0x2]  }
0xe1: {  	s0 =	sadd.s32 @!p0 $0x100000, s0  }
0xe2: {  	[sflag:s0] =	ssyncadd.tile.s32 @!p0 $0x1;
	_ =	shalt  }
.Lfunc_end2:
_tile_overlayer_lowered:
.L_overlay_start_2:
0xe3: {  	(tag) =	ssettag $0x2  }
0xe4: {  	s0 =	rddreg [dreg:$0x0];
	s2 =	stileid.u32  }
0xe5: {  	s1 =	rddreg [dreg:$0x1];
	p0 =	sne.s32 s2, $0x0  }
0xe6: {  	s3 =	rddreg [dreg:$0x2];
	[bflag:$0x3] =	sbarrier.arrive $0xFFFF;
	s2 =	simm.s32 @!p0 $0x1C05  }
0xe7: {  	[timem:s3], [sflag:s2] =	dma.local @!p0 [hbm:s0], s1  }
0xe8: {  	s0 =	simm.s32 @!p0 $0x5  }
0xe9: {  	_ =	swait.ge @!p0 [sflag:s0], s1  }
0xea: {  	s1 =	ssub.s32 @!p0 $0x0, s1;
	[sflag:s0] =	ssyncset.done @!p0 $0x0  }
0xeb: {  	[sflag:s0] =	ssyncadd.s32 @!p0 s1  }
0xec: {  	[bflag:$0x3] =	sbarrier.arrive $0xFFFF  }
0xed: {  	_ =	shalt  }

// kernel: kernel.9.cloned.1.call-start
scs
__scs_entry_jumppad:
0x0: {  	(pc) =	sbr.rel $0x88, $3  }
0x1: {  	(tag) =	ssettag $0x0;
	lr =	simm.s32 $0x1  }
0x2: {  	[smem:$0x3F9C] =	sst lr;
	_ =	strace $0xD0000000  }
0x3: {  	_ = 	snop  }
0x4: {  	_ = 	snop  }
0x5: {  	_ = 	snop  }
0x6: {  	_ = 	snop  }
0x7: {  	_ = 	snop  }
__scs_overlays_trampoline_lowered:
0x8: {  	[smem:$0x3FAB] =	sst s0  }
0x9: {  	[smem:$0x3FAC] =	sst s1  }
0xa: {  	[smem:$0x3FAD] =	sst s2  }
0xb: {  	[smem:$0x3FAE] =	sst s3  }
0xc: {  	[smem:$0x3FAF] =	sst s4  }
0xd: {  	[smem:$0x3FB0] =	sst s5  }
0xe: {  	[smem:$0x3FB1] =	sst s6  }
0xf: {  	[smem:$0x3FB2] =	sst s7  }
0x10: {  	[smem:$0x3FB3] =	sst s8  }
0x11: {  	[smem:$0x3FB4] =	sst s9;
	s0 =	simm.s32 @!p0 $0x0  }
0x12: {  	s1 =	sld [smem:$0x3F9A];
	s0 =	simm.s32 @p0 $0x1  }
0x13: {  	[smem:$0x3FB5] =	sst s0;
	s0 =	simm.s32 @!p1 $0x0  }
0x14: {  	s2 =	sld [smem:$0x3F99];
	s0 =	simm.s32 @p1 $0x1  }
0x15: {  	[smem:$0x3FB6] =	sst s0;
	s0 =	simm.s32 @!p2 $0x0  }
0x16: {  	s3 =	sld [smem:$0x3FDB];
	s0 =	simm.s32 @p2 $0x1  }
0x17: {  	s4 =	simm.s32 $0x1BF5;
	[smem:$0x3FB8] =	sst s0  }
0x18: {  	s0 =	sld [smem:$0x3F9B];
	_ =	swait.ge [sflag:s4], $0x0  }
0x19: {  	s7 =	sld [smem:$0x3F9C]  }
0x1a: {  	s8 =	sadd.s32 $0xFFFFE003, lr  }
0x1b: {  	s9 =	sadd.s32 $0xFFFFFEF7, lr;
	s5 =	simm.s32 $0xFFFFFFFF;
	p2 =	slt.u32 s8, $0xFFFFF086  }
0x1c: {  	p1 =	slt.u32 s9, $0xF7A;
	s5 =	simm.s32 @!p2 $0x0  }
0x1d: {  	s5 =	simm.s32 @p1 $0x1;
	p0 =	seq.s32 s7, s2  }
0x1e: {  	s7 =	smul.u32 @!p0 $0xF7A, s2;
	p2 =	seq.s32 @!p0 s5, $0x0  }
0x1f: {  	s9 =	smul.u32 $0xF7A, s1;
	s8 =	simm.s32 @!p0 $0x1BF5;
	p2 =	por !p2, p0  }
0x20: {  	[sflag:s8] =	ssyncset.s32 @!p0 $0xFFFFF086;
	s6 =	sadd.s32 @!p0 s3, s7;
	s7 =	simm.s32 @!p0 $0x108  }
0x21: {  	s3 =	sadd.s32 s3, s9;
	s6 =	sadd.s32 @!p0 $0x88, s6;
	s7 =	simm.s32 @p2 $0x1082  }
0x22: {  	[simem:s7], [sflag:s8] =	dma.local @!p0 [hbm:s6], $0xF7A  }
0x23: {  	s9 =	sor.u32 $0xD0000000, s2;
	s6 =	simm.s32 $0x108;
	_ =	swait.ge @!p0 [sflag:s8], $0x0  }
0x24: {  	s3 =	sadd.s32 $0x88, s3;
	s6 =	simm.s32 @!p1 $0x1082;
	[sflag:s4] =	ssyncset.s32 $0xFFFFF086  }
0x25: {  	[simem:s6], [sflag:s4] =	dma.local [hbm:s3], $0xF7A  }
0x26: {  	[smem:$0x3F9C] =	sst s1;
	(tag) =	ssettag s2;
	_ =	strace s9  }
0x27: {  	s1 =	sld [smem:$0x3FAC]  }
0x28: {  	s2 =	sld [smem:$0x3FAD]  }
0x29: {  	s4 =	sld [smem:$0x3FAF]  }
0x2a: {  	p0 =	seq.s32 s5, $0x0;
	s5 =	sld [smem:$0x3FB0]  }
0x2b: {  	s6 =	sld [smem:$0x3FB1]  }
0x2c: {  	s7 =	sld [smem:$0x3FB2]  }
0x2d: {  	s3 =	simm.s32 $0x108;
	s8 =	sld [smem:$0x3FB3]  }
0x2e: {  	s3 =	simm.s32 @!p0 $0x1082;
	s9 =	sld [smem:$0x3FB4]  }
0x2f: {  	lr =	sadd.s32 s0, s3;
	s0 =	sld [smem:$0x3FAB]  }
0x30: {  	s3 =	sld [smem:$0x3FAE]  }
0x31: {  	[smem:$0x3FB7] =	sst s10  }
0x32: {  	s10 =	sld [smem:$0x3FB5];
	_ =	sdelay $0x3  }
0x33: {  	p0 =	seq.s32 s10, $0x1;
	s10 =	sld [smem:$0x3FB7];
	_ =	sdelay $0x3  }
0x34: {  	[smem:$0x3FB7] =	sst s10  }
0x35: {  	s10 =	sld [smem:$0x3FB6];
	_ =	sdelay $0x3  }
0x36: {  	p1 =	seq.s32 s10, $0x1;
	s10 =	sld [smem:$0x3FB7];
	_ =	sdelay $0x3  }
0x37: {  	[smem:$0x3FB7] =	sst s10  }
0x38: {  	s10 =	sld [smem:$0x3FB8]  }
0x39: {  	_ = 	snop;
	(pc) =	sbr.ind lr, $3  }
0x3a: {  	_ = 	snop  }
0x3b: {  	_ = 	snop  }
0x3c: {  	p2 =	seq.s32 s10, $0x1;
	s10 =	sld [smem:$0x3FB7]  }
0x3d: {  	_ =	shalt  }
0x3e: {  	_ =	shalt  }
0x3f: {  	_ =	shalt  }
0x40: {  	_ =	shalt  }
0x41: {  	_ =	shalt  }
0x42: {  	_ =	shalt  }
0x43: {  	_ =	shalt  }
0x44: {  	_ =	shalt  }
0x45: {  	_ =	shalt  }
0x46: {  	_ =	shalt  }
0x47: {  	_ =	shalt  }
0x48: {  	_ =	shalt  }
0x49: {  	_ =	shalt  }
0x4a: {  	_ =	shalt  }
0x4b: {  	_ =	shalt  }
0x4c: {  	_ =	shalt  }
0x4d: {  	_ =	shalt  }
0x4e: {  	_ =	shalt  }
0x4f: {  	_ =	shalt  }
0x50: {  	_ =	shalt  }
0x51: {  	_ =	shalt  }
0x52: {  	_ =	shalt  }
0x53: {  	_ =	shalt  }
0x54: {  	_ =	shalt  }
0x55: {  	_ =	shalt  }
0x56: {  	_ =	shalt  }
0x57: {  	_ =	shalt  }
0x58: {  	_ =	shalt  }
0x59: {  	_ =	shalt  }
0x5a: {  	_ =	shalt  }
0x5b: {  	_ =	shalt  }
0x5c: {  	_ =	shalt  }
0x5d: {  	_ =	shalt  }
0x5e: {  	_ =	shalt  }
0x5f: {  	_ =	shalt  }
0x60: {  	_ =	shalt  }
0x61: {  	_ =	shalt  }
0x62: {  	_ =	shalt  }
0x63: {  	_ =	shalt  }
0x64: {  	_ =	shalt  }
0x65: {  	_ =	shalt  }
0x66: {  	_ =	shalt  }
0x67: {  	_ =	shalt  }
0x68: {  	_ =	shalt  }
0x69: {  	_ =	shalt  }
0x6a: {  	_ =	shalt  }
0x6b: {  	_ =	shalt  }
0x6c: {  	_ =	shalt  }
0x6d: {  	_ =	shalt  }
0x6e: {  	_ =	shalt  }
0x6f: {  	_ =	shalt  }
0x70: {  	_ =	shalt  }
0x71: {  	_ =	shalt  }
0x72: {  	_ =	shalt  }
0x73: {  	_ =	shalt  }
0x74: {  	_ =	shalt  }
0x75: {  	_ =	shalt  }
0x76: {  	_ =	shalt  }
0x77: {  	_ =	shalt  }
0x78: {  	_ =	shalt  }
0x79: {  	_ =	shalt  }
0x7a: {  	_ =	shalt  }
0x7b: {  	_ =	shalt  }
0x7c: {  	_ =	shalt  }
0x7d: {  	_ =	shalt  }
0x7e: {  	_ =	shalt  }
0x7f: {  	_ =	shalt  }
0x80: {  	_ =	shalt  }
0x81: {  	_ =	shalt  }
0x82: {  	_ =	shalt  }
0x83: {  	_ =	shalt  }
0x84: {  	_ =	shalt  }
0x85: {  	_ =	shalt  }
0x86: {  	_ =	shalt  }
0x87: {  	_ =	shalt  }
.Lfunc_end0:
.L_simem_size_0:
called_computation_lowered:
.L_overlay_start_0:
0x88: {  	s2 =	sld [smem:$0x3FD9]  }
0x89: {  	s3 =	sld [smem:$0x3FFE];
	_ =	sdelay $0x1  }
0x8a: {  	s1 =	srdreg.scid  }
0x8b: {  	s0 =	sand.u32 $0x1, s1  }
0x8c: {  	s17 =	sshll.u32 s0, $0xA;
	s2 =	sadd.s32 s3, s2  }
0x8d: {  	s2 =	sadd.s32 s2, s17  }
0x8e: {  	[smem:$0x3FC3] =	sst s2  }
0x8f: {  	_ = 	snop  }
0x90: {  	s2 =	sld [smem:$0x3FD0];
	(tm) =	ssettm $0x1  }
0x91: {  	s18 =	sld [smem:$0x3FFB];
	_ =	sdelay $0x3  }
0x92: {  	_ =	strace s18  }
0x93: {  	s3 =	sld [smem:$0x3FFC];
	_ =	sdelay $0x3  }
0x94: {  	_ =	strace s3  }
0x95: {  	s3 =	sld [smem:$0x3FFD];
	_ =	sdelay $0x3  }
0x96: {  	_ =	strace s3  }
0x97: {  	_ =	strace $0x8FFFFFFF  }
0x98: {  	s19 =	sld [smem:$0x3FDB];
	_ =	sdelay $0x1  }
0x99: {  	s4 =	simm.s32 $_scs_section_size  }
0x9a: {  	s5 =	simm.s32 $_size__tile_overlayer_lowered;
	s6 =	simm.s32 $_tile_overlayer_lowered  }
0x9b: {  	s22 =	simm.s32 $0x1BFF;
	s21 =	sshll.u32 s6, $0x1;
	s3 =	sadd.s32 s4, s19  }
0x9c: {  	s7 =	simm.s32 $0x0;
	s20 =	sshll.u32 s5, $0x1;
	s5 =	sadd.s32 s21, s3  }
0x9d: {  	[timem:s7], [sflag:s22] =	dma.local [hbm:s5], s20  }
0x9e: {  	_ =	swait.ge [sflag:s22], s20  }
0x9f: {  	s4 =	ssub.s32 $0x0, s20;
	[sflag:s22] =	ssyncset.done $0x0  }
0xa0: {  	[sflag:s22] =	ssyncadd.s32 s4;
	_ =	sdelay $0x1  }
0xa1: {  	s23 =	simm.s32 $0x1B8B  }
0xa2: {  	_ =	swait.ge [sflag:s23], $0x1  }
0xa3: {  	[sflag:s23] =	ssyncset.done $0x0  }
0xa4: {  	s25 =	simm.s32 $0x1B8E;
	s24 =	sld [smem:$0x3FFE];
	[sflag:s23] =	ssyncadd.s32 $0xFFFFFFFF  }
0xa5: {  	s26 =	simm.s32 $execute0_lowered;
	[smem:$0x3FD2] =	sst s25  }
0xa6: {  	s5 =	sshll.u32 s26, $0x1;
	_ =	strace $0x80000046;
	[dreg:$0x1] =	wrdreg $0xFFFFFFFF  }
0xa7: {  	s28 =	simm.s32 $_size_execute0_lowered;
	s3 =	sadd.s32 s3, s5;
	[dreg:$0x0] =	wrdreg $0x0  }
0xa8: {  	s5 =	sshll.u32 s28, $0x1;
	[dreg:$0x2] =	wrdreg s3  }
0xa9: {  	[dreg:$0x3] =	wrdreg s5  }
0xaa: {  	[dreg:$0x4] =	wrdreg $0xC0  }
0xab: {  	_ =	task [dreg:s7], $0x5FFFF  }
0xac: {  	[dreg:$0x1] =	wrdreg $0xFFFFFFFF  }
0xad: {  	[dreg:$0x0] =	wrdreg $0x60  }
0xae: {  	[dreg:$0x2] =	wrdreg s24  }
0xaf: {  	[dreg:$0x3] =	wrdreg s2  }
0xb0: {  	[dreg:$0x4] =	wrdreg $0x9  }
0xb1: {  	_ =	task.clear_ibuf [dreg:s7], $0x5FFFF;
	_ =	strace $0x90000046  }
0xb2: {  	s29 =	simm.s32 $0x9;
	_ =	strace $0x80000048  }
0xb3: {  	_ =	swait.ge [sflag:s29], $0x1  }
0xb4: {  	[sflag:s29] =	ssyncadd.s32 $0xFFFFFFFF  }
0xb5: {  	_ =	strace $0x90000048  }
0xb6: {  	_ =	sfence  }
0xb7: {  	s30 =	sld [smem:$0x0];
	_ =	sdelay $0x2  }
0xb8: {  	s31 =	sshll.u32 s1, $0xD;
	s1 =	sshrl.u32 s1, $0x2  }
0xb9: {  	s3 =	sand.u32 $0x4000, s31;
	s1 =	sadd.s32 s1, s30  }
0xba: {  	s0 =	sor.u32 s3, s0;
	s1 =	sshll.u32 s1, $0x11  }
0xbb: {  	s0 =	sor.u32 s1, s0  }
0xbc: {  	s0 =	sadd.s32 $0x8F2B, s0  }
0xbd: {  	[sflag:s0] =	ssyncadd.remote.s32 $0x1  }
0xbe: {  	_ =	sfence.sel $0xFFFF  }
0xbf: {  	[dreg:$0x0] =	wrdreg $0xFFFFFFFF;
	(pc) =	sbr.abs _section_cstart, $3  }
0xc0: {  	[dreg:$0x1] =	wrdreg $0xFFFFFFFF  }
0xc1: {  	_ =	task.clear_ibuf [dreg:s7], $0x2FFFF;
	_ =	strace $0x9FFFFFFF  }
0xc2: {  	(tm) =	ssettm $0x7FFFFFFF  }
0xc3: {  	_ =	shalt  }
tec
execute0_lowered:
.L_overlay_start_1:
0x0: {  	(tag) =	ssettag $0x1  }
0x1: {  	s0 =	rddreg [dreg:$0x0]  }
0x2: {  	s1 =	rddreg [dreg:$0x1]  }
0x3: {  	s2 =	simm.s32 $0x0;
	s3 =	srdreg.scid;
	s9 =	stileid.u32  }
0x4: {  	s12 =	simm.s32 $0x3;
	s13 =	simm.s32 $0x16400;
	s14 =	simm.s32 $0x1400  }
0x5: {  	s15 =	simm.s32 $0x80;
	s18 =	simm.s32 $0x6800;
	s19 =	simm.s32 $0xE800  }
0x6: {  	s20 =	simm.s32 $0x1;
	s21 =	simm.s32 $0x12800;
	s22 =	simm.s32 $0x13C80  }
0x7: {  	s23 =	simm.s32 $0x2;
	s25 =	simm.s32 $0x400;
	s26 =	simm.s32 $0x0  }
0x8: {  	[smem:$0x7FF] =	sst s2;
	s6 =	sand.u32 $0x1, s3;
	s5 =	sshll.u32 s9, $0x1  }
0x9: {  	s3 =	sadd.s32 $0xB200, s0;
	s4 =	sadd.s32 $0x37400, s0;
	s9 =	sshrl.u32 s9, $0x2  }
0xa: {  	_ =	strace $0x80000047;
	s7 =	sor.u32 s6, s5;
	s9 =	smul.u32 $0x13C00, s9  }
0xb: {  	s6 =	ssub.s32 $0x2, s6;
	s8 =	smul.u32 $0x280, s7;
	s7 =	sshll.u32 s7, $0x7  }
0xc: {  	s5 =	sadd.s32 $0x37A00, s0;
	s30 =	sshrl.u32 s6, $0x1;
	s7 =	sand.u32 $0x380, s7  }
0xd: {  	s10 =	ssub.s32 s6, s30;
	s0 =	sadd.s32 s8, s0;
	s9 =	sor.u32 s9, s7  }
0xe: {  	s10 =	smax.u32 s10, $0x1;
	s6 =	sadd.s32 $0x32400, s0;
	s31 =	sshrl.u32 s9, $0x3  }
0xf: {  	v0 =	vimm.f32 $0.0e+00;
	s7 =	sadd.s32 $0x1200, s0;
	s8 =	sadd.s32 $0x37C00, s0;
	s9 =	sadd.s32 s1, s31  }
.LBB2_1:
0x10: {  	s0 =	simm.s32 $0x18B80  }
0x11: {  	[tilespmem:s0], [sflag:$0x3] =	stream.linear.gather [hbm4b:s5+s2], $0x80, $0x38;
	[tilespmem:$0x18C00] =	vst v63  }
0x12: {  	_ =	swait.ge [sflag:s12], $0x80  }
0x13: {  	[sflag:s12] =	ssyncset.done $0x0  }
0x14: {  	[sflag:s12] =	ssyncadd.s32 $0xFFFFFF80  }
0x15: {  	[tilespmem:s13], [sflag:$0x3] =	stream.linear.gather [hbm4b:s4+s2], $0x2780, $0x38;
	[tilespmem:$0x18C00] =	vst v63  }
0x16: {  	_ =	swait.ge [sflag:s12], $0x2780  }
0x17: {  	[sflag:s12] =	ssyncset.done $0x0  }
0x18: {  	[sflag:s12] =	ssyncadd.s32 $0xFFFFD880  }
0x19: {  	[tilespmem:s2], [sflag:$0x3] =	stream.linear.gather [hbm4b:s6+s2], $0x1400, $0x38;
	[tilespmem:$0x18C00] =	vst v63  }
0x1a: {  	_ =	swait.ge [sflag:s12], $0x1400  }
0x1b: {  	[sflag:s12] =	ssyncset.done $0x0  }
0x1c: {  	[sflag:s12] =	ssyncadd.s32 $0xFFFFEC00  }
0x1d: {  	[tilespmem:s14], [sflag:$0x3] =	stream.linear.gather [hbm4b:s7+s2], $0x1400, $0x38;
	[tilespmem:$0x18C00] =	vst v63  }
0x1e: {  	_ =	swait.ge [sflag:s12], $0x1400  }
0x1f: {  	[sflag:s12] =	ssyncset.done $0x0  }
0x20: {  	[sflag:s12] =	ssyncadd.s32 $0xFFFFEC00  }
0x21: {  	s1 =	simm.s32 $0x0;
	s0 =	simm.s32 $0x40;
	v1 =	vld [tilespmem:$0x18B80]  }
.LBB2_2:
0x22: {  	p0 =	sne.s32 s0, $0x9C40;
	[tilespmem:s1+$0x13C80] =	vst v0;
	s1 =	smov.u32 s0;
	s0 =	sadd.s32 $0x40, s0  }
.Ltmp0:
0x23: {  	(pc) =	sbr.rel @p0 .LBB2_2-.Ltmp0, $2  }
0x24: {  	_ =	sdelay $0x2  }
0x25: {  	s1 =	sshra.s32 s1, $0x2  }
0x26: {  	[tilespmem:s1+$0x13C80] =	vst v0;
	s28 =	simm.s32 $0x0;
	s0 =	simm.s32 $0x2800  }
0x27: {  	[tilespmem:s0], [sflag:$0x1] =	stream.indirect.gather [hbm4b:s3+s15], $0x80, s28, s15, $0xb8;
	[tilespmem:$0x18C00] =	vst v63  }
0x28: {  	s31 =	simm.s32 $0xA800  }
0x29: {  	[tilespmem:s31], [sflag:$0x1] =	stream.indirect.gather [hbm4b:s3+s15], $0x80, s14, s15, $0xb8;
	[tilespmem:$0x18C00] =	vst v63  }
.LBB2_4:
0x2a: {  	s29 =	sshll.u32 s28, $0x8  }
0x2b: {  	s30 =	sor.u32 $0x80, s29  }
0x2c: {  	[tilespmem:s18], [sflag:$0x2] =	stream.indirect.gather [hbm4b:s3+s15], $0x80, s30, s15, $0xb8;
	[tilespmem:$0x18C00] =	vst v63  }
0x2d: {  	s0 =	sadd.s32 $0x1480, s29  }
0x2e: {  	[tilespmem:s19], [sflag:$0x2] =	stream.indirect.gather [hbm4b:s3+s15], $0x80, s0, s15, $0xb8;
	[tilespmem:$0x18C00] =	vst v63  }
0x2f: {  	_ =	swait.ge [sflag:s20], $0x4000  }
0x30: {  	[sflag:s20] =	ssyncset.done $0x0  }
0x31: {  	[sflag:s20] =	ssyncadd.s32 $0xFFFFC000  }
0x32: {  	_ =	swait.ge [sflag:s20], $0x4000  }
0x33: {  	[sflag:s20] =	ssyncset.done $0x0  }
0x34: {  	s0 =	simm.s32 $0xA840;
	[sflag:s20] =	ssyncadd.s32 $0xFFFFC000  }
0x35: {  	v5 =	vld [tilespmem:s0+$0xFFFFFFC0]  }
0x36: {  	s11 =	simm.s32 $0x2840;
	v4 =	vld [tilespmem:s0+$0xFFFFFFD0]  }
0x37: {  	v7 =	vld [tilespmem:s11+$0xFFFFFFC0]  }
0x38: {  	v6 =	vld [tilespmem:s11+$0xFFFFFFD0]  }
0x39: {  	s16 =	simm.s32 $0x1;
	v2 =	vld [tilespmem:s0+$0xFFFFFFE0]  }
0x3a: {  	s17 =	simm.s32 $0xA840;
	s1 =	simm.s32 $0x2840;
	s31 =	simm.s32 $0x0;
	v3 =	vld [tilespmem:s11+$0xFFFFFFE0]  }
.LBB2_5:
0x3b: {  	p0 =	sne.s32 s16, $0x7F;
	v8 =	vld [tilespmem:s0+$0xFFFFFFF0];
	s11 =	sadd.s32 $0x80, s11;
	s17 =	sadd.s32 $0x80, s17  }
0x3c: {  	s24 =	smov.u32 s16;
	s16 =	sadd.s32 $0x1, s16;
	v5 =	vmul.bf16 v5, v7;
	v7 =	vld [tilespmem:s1+$0xFFFFFFF0]  }
0x3d: {  	v4 =	vmul.bf16 v4, v6;
	v6 =	vld [tilespmem:s0+$0x0]  }
0x3e: {  	v9 =	vunpack.i.u.bf16.f32 v5;
	v5 =	vunpack.i.l.bf16.f32 v5;
	v10 =	vld [tilespmem:s1+$0x0]  }
0x3f: {  	v11 =	vunpack.i.u.bf16.f32 v4;
	v4 =	vunpack.i.l.bf16.f32 v4;
	v2 =	vmul.bf16 v2, v3;
	v3 =	vld [tilespmem:s0+$0x10]  }
0x40: {  	v5 =	vadd.f32 v5, v9;
	v4 =	vadd.f32 v4, v11;
	v9 =	vld [tilespmem:s1+$0x10]  }
0x41: {  	v11 =	vunpack.i.u.bf16.f32 v2;
	v2 =	vunpack.i.l.bf16.f32 v2;
	v7 =	vmul.bf16 v8, v7;
	v8 =	vld [tilespmem:s0+$0x20]  }
0x42: {  	v4 =	vadd.f32 v4, v5;
	v2 =	vadd.f32 v2, v11;
	v5 =	vld [tilespmem:s1+$0x20]  }
0x43: {  	v11 =	vunpack.i.u.bf16.f32 v7;
	v7 =	vunpack.i.l.bf16.f32 v7;
	v6 =	vmul.bf16 v6, v10;
	v10 =	vld [tilespmem:s0+$0x30];
	s0 =	smov.u32 s17  }
0x44: {  	v2 =	vadd.f32 v2, v4;
	v4 =	vadd.f32 v7, v11;
	v7 =	vld [tilespmem:s1+$0x30];
	s1 =	smov.u32 s11  }
0x45: {  	v11 =	vunpack.i.u.bf16.f32 v6;
	v6 =	vunpack.i.l.bf16.f32 v6;
	v3 =	vmul.bf16 v3, v9  }
0x46: {  	v2 =	vadd.f32 v4, v2;
	v4 =	vadd.f32 v6, v11  }
0x47: {  	v6 =	vunpack.i.u.bf16.f32 v3;
	v3 =	vunpack.i.l.bf16.f32 v3;
	v5 =	vmul.bf16 v8, v5  }
0x48: {  	v2 =	vadd.f32 v4, v2;
	v3 =	vadd.f32 v3, v6  }
0x49: {  	v4 =	vunpack.i.u.bf16.f32 v5;
	v5 =	vunpack.i.l.bf16.f32 v5;
	v6 =	vmul.bf16 v10, v7  }
0x4a: {  	v2 =	vadd.f32 v3, v2;
	v3 =	vadd.f32 v5, v4  }
0x4b: {  	v4 =	vunpack.i.u.bf16.f32 v6;
	v5 =	vunpack.i.l.bf16.f32 v6  }
0x4c: {  	v2 =	vadd.f32 v3, v2;
	v3 =	vadd.f32 v5, v4;
	_ =	sdelay $0x1  }
0x4d: {  	v2 =	vadd.f32 v3, v2;
	_ =	sdelay $0x1  }
0x4e: {  	(xrf2) =	vadd.scan.msk.f32 $0xffff, v2;
	_ =	sdelay $0x7  }
0x4f: {  	v2 =	vmov s31;
	s31 =	smov.u32 s24;
	_ =	sdelay $0x1  }
0x50: {  	v3, _, _ =	vpop (xrf2)  }
0x51: {  	v3 =	vbroadcast v3, $0xF;
	_ =	sdelay $0x1  }
0x52: {  	[tilespmem:v2+s21+$0x0] =	vst.idx.msk $0x1, v3  }
0x53: {  	v5 =	vld [tilespmem:s17+$0xFFFFFFC0]  }
.Ltmp1:
0x54: {  	v4 =	vld [tilespmem:s17+$0xFFFFFFD0];
	(pc) =	sbr.rel @p0 .LBB2_5-.Ltmp1, $4  }
0x55: {  	v7 =	vld [tilespmem:s11+$0xFFFFFFC0]  }
0x56: {  	v6 =	vld [tilespmem:s11+$0xFFFFFFD0]  }
0x57: {  	v2 =	vld [tilespmem:s17+$0xFFFFFFE0]  }
0x58: {  	v3 =	vld [tilespmem:s11+$0xFFFFFFE0]  }
0x59: {  	v8 =	vld [tilespmem:s0+$0xFFFFFFF0]  }
0x5a: {  	v5 =	vmul.bf16 v5, v7;
	v7 =	vld [tilespmem:s1+$0xFFFFFFF0]  }
0x5b: {  	v10 =	vld [tilespmem:s1+$0x0];
	v4 =	vmul.bf16 v4, v6  }
0x5c: {  	v6 =	vld [tilespmem:s0+$0x0];
	v9 =	vunpack.i.u.bf16.f32 v5;
	v5 =	vunpack.i.l.bf16.f32 v5  }
0x5d: {  	v59 =	vld [tilespmem:s1+$0x10];
	v11 =	vunpack.i.u.bf16.f32 v4;
	v4 =	vunpack.i.l.bf16.f32 v4;
	v2 =	vmul.bf16 v2, v3  }
0x5e: {  	v3 =	vld [tilespmem:s0+$0x10];
	v5 =	vadd.f32 v5, v9;
	v4 =	vadd.f32 v4, v11  }
0x5f: {  	v60 =	vunpack.i.u.bf16.f32 v2;
	v2 =	vunpack.i.l.bf16.f32 v2;
	v7 =	vmul.bf16 v8, v7;
	v8 =	vld [tilespmem:s0+$0x20]  }
0x60: {  	v4 =	vadd.f32 v4, v5;
	v2 =	vadd.f32 v2, v60;
	v5 =	vld [tilespmem:s1+$0x20]  }
0x61: {  	v62 =	vld [tilespmem:s0+$0x30];
	v6 =	vmul.bf16 v6, v10;
	v61 =	vunpack.i.u.bf16.f32 v7;
	v7 =	vunpack.i.l.bf16.f32 v7  }
0x62: {  	v2 =	vadd.f32 v2, v4;
	v4 =	vadd.f32 v7, v61;
	v7 =	vld [tilespmem:s1+$0x30]  }
0x63: {  	v63 =	vunpack.i.u.bf16.f32 v6;
	v6 =	vunpack.i.l.bf16.f32 v6;
	v3 =	vmul.bf16 v3, v59  }
0x64: {  	v2 =	vadd.f32 v4, v2;
	v4 =	vadd.f32 v6, v63  }
0x65: {  	v6 =	vunpack.i.u.bf16.f32 v3;
	v3 =	vunpack.i.l.bf16.f32 v3;
	v5 =	vmul.bf16 v8, v5  }
0x66: {  	v3 =	vadd.f32 v3, v6;
	v2 =	vadd.f32 v4, v2  }
0x67: {  	v4 =	vunpack.i.u.bf16.f32 v5;
	v5 =	vunpack.i.l.bf16.f32 v5;
	v6 =	vmul.bf16 v62, v7  }
0x68: {  	v2 =	vadd.f32 v3, v2;
	v3 =	vadd.f32 v5, v4  }
0x69: {  	v4 =	vunpack.i.u.bf16.f32 v6;
	v5 =	vunpack.i.l.bf16.f32 v6  }
0x6a: {  	v2 =	vadd.f32 v3, v2;
	v3 =	vadd.f32 v5, v4;
	_ =	sdelay $0x1  }
0x6b: {  	v2 =	vadd.f32 v3, v2;
	_ =	sdelay $0x1  }
0x6c: {  	(xrf2) =	vadd.scan.msk.f32 $0xffff, v2;
	_ =	sdelay $0x7  }
0x6d: {  	v2 =	vmov s31;
	_ =	sdelay $0x1  }
0x6e: {  	v3, _, _ =	vpop (xrf2)  }
0x6f: {  	v3 =	vbroadcast v3, $0xF;
	_ =	sdelay $0x1  }
0x70: {  	[tilespmem:v2+s21+$0x0] =	vst.idx.msk $0x1, v3  }
0x71: {  	v2 =	vld [tilespmem:$0x12800];
	_ =	sdelay $0x4  }
0x72: {  	v3 =	vld [tilespmem:s29+$0x0];
	v2 =	vmul.f32 v2, v1;
	_ =	sdelay $0x1  }
0x73: {  	v2 =	vmul.f32 $1.442695020e+00, v2;
	_ =	sdelay $0x1  }
0x74: {  	(erf) = vpow2.f32 v2;
	_ =	sdelay $0x3  }
0x75: {  	v2 =	vld.idx.msk [tilespmem:v3+s13+$0x0], $0xffff  }
0x76: {  	v3 =	vld [tilespmem:s29+$0x1400];
	_ =	sdelay $0x3  }
0x77: {  	v4 =	vpop (erf)  }
0x78: {  	v2 =	vmul.f32 v4, v2;
	_ =	sdelay $0x1  }
0x79: {  	[tilespmem:s29+$0x12880] =	vst v2  }
0x7a: {  	[tilespmem:v3+s22+$0x0] =	vst.idx.add.f32.msk $0xffff, v4  }
0x7b: {  	v2 =	vld [tilespmem:$0x12810];
	_ =	sdelay $0x3  }
0x7c: {  	s17 =	sor.u32 $0x10, s29  }
0x7d: {  	v3 =	vld [tilespmem:s17+$0x0];
	v2 =	vmul.f32 v2, v1;
	_ =	sdelay $0x1  }
0x7e: {  	v2 =	vmul.f32 $1.442695020e+00, v2;
	_ =	sdelay $0x1  }
0x7f: {  	(erf) = vpow2.f32 v2;
	_ =	sdelay $0x3  }
0x80: {  	v2 =	vld.idx.msk [tilespmem:v3+s13+$0x0], $0xffff  }
0x81: {  	v3 =	vld [tilespmem:s29+$0x1410];
	_ =	sdelay $0x3  }
0x82: {  	v4 =	vpop (erf)  }
0x83: {  	v2 =	vmul.f32 v4, v2;
	_ =	sdelay $0x1  }
0x84: {  	[tilespmem:s29+$0x12890] =	vst v2  }
0x85: {  	[tilespmem:v3+s22+$0x0] =	vst.idx.add.f32.msk $0xffff, v4  }
0x86: {  	v2 =	vld [tilespmem:$0x12820];
	_ =	sdelay $0x3  }
0x87: {  	s24 =	sor.u32 $0x20, s29  }
0x88: {  	v3 =	vld [tilespmem:s24+$0x0];
	v2 =	vmul.f32 v2, v1;
	_ =	sdelay $0x1  }
0x89: {  	v2 =	vmul.f32 $1.442695020e+00, v2;
	_ =	sdelay $0x1  }
0x8a: {  	(erf) = vpow2.f32 v2;
	_ =	sdelay $0x3  }
0x8b: {  	v2 =	vld.idx.msk [tilespmem:v3+s13+$0x0], $0xffff  }
0x8c: {  	v3 =	vld [tilespmem:s29+$0x1420];
	_ =	sdelay $0x3  }
0x8d: {  	v4 =	vpop (erf)  }
0x8e: {  	v2 =	vmul.f32 v4, v2;
	_ =	sdelay $0x1  }
0x8f: {  	[tilespmem:s29+$0x128A0] =	vst v2  }
0x90: {  	[tilespmem:v3+s22+$0x0] =	vst.idx.add.f32.msk $0xffff, v4  }
0x91: {  	v2 =	vld [tilespmem:$0x12830];
	_ =	sdelay $0x3  }
0x92: {  	s1 =	sor.u32 $0x30, s29  }
0x93: {  	v3 =	vld [tilespmem:s1+$0x0];
	v2 =	vmul.f32 v2, v1;
	_ =	sdelay $0x1  }
0x94: {  	v2 =	vmul.f32 $1.442695020e+00, v2;
	_ =	sdelay $0x1  }
0x95: {  	(erf) = vpow2.f32 v2;
	_ =	sdelay $0x3  }
0x96: {  	v2 =	vld.idx.msk [tilespmem:v3+s13+$0x0], $0xffff  }
0x97: {  	v3 =	vld [tilespmem:s29+$0x1430];
	_ =	sdelay $0x3  }
0x98: {  	v4 =	vpop (erf)  }
0x99: {  	v2 =	vmul.f32 v4, v2;
	_ =	sdelay $0x1  }
0x9a: {  	[tilespmem:s29+$0x128B0] =	vst v2  }
0x9b: {  	[tilespmem:v3+s22+$0x0] =	vst.idx.add.f32.msk $0xffff, v4  }
0x9c: {  	v2 =	vld [tilespmem:$0x12840];
	_ =	sdelay $0x3  }
0x9d: {  	s11 =	sor.u32 $0x40, s29  }
0x9e: {  	v3 =	vld [tilespmem:s11+$0x0];
	v2 =	vmul.f32 v2, v1;
	_ =	sdelay $0x1  }
0x9f: {  	v2 =	vmul.f32 $1.442695020e+00, v2;
	_ =	sdelay $0x1  }
0xa0: {  	(erf) = vpow2.f32 v2;
	_ =	sdelay $0x3  }
0xa1: {  	v2 =	vld.idx.msk [tilespmem:v3+s13+$0x0], $0xffff  }
0xa2: {  	v3 =	vld [tilespmem:s29+$0x1440];
	_ =	sdelay $0x3  }
0xa3: {  	v4 =	vpop (erf)  }
0xa4: {  	v2 =	vmul.f32 v4, v2;
	_ =	sdelay $0x1  }
0xa5: {  	[tilespmem:s29+$0x128C0] =	vst v2  }
0xa6: {  	[tilespmem:v3+s22+$0x0] =	vst.idx.add.f32.msk $0xffff, v4  }
0xa7: {  	v2 =	vld [tilespmem:$0x12850];
	_ =	sdelay $0x3  }
0xa8: {  	s16 =	sor.u32 $0x50, s29  }
0xa9: {  	v3 =	vld [tilespmem:s16+$0x0];
	v2 =	vmul.f32 v2, v1;
	_ =	sdelay $0x1  }
0xaa: {  	v2 =	vmul.f32 $1.442695020e+00, v2;
	_ =	sdelay $0x1  }
0xab: {  	(erf) = vpow2.f32 v2;
	_ =	sdelay $0x3  }
0xac: {  	v2 =	vld.idx.msk [tilespmem:v3+s13+$0x0], $0xffff  }
0xad: {  	v3 =	vld [tilespmem:s29+$0x1450];
	_ =	sdelay $0x3  }
0xae: {  	v4 =	vpop (erf)  }
0xaf: {  	v2 =	vmul.f32 v4, v2;
	_ =	sdelay $0x1  }
0xb0: {  	[tilespmem:s29+$0x128D0] =	vst v2  }
0xb1: {  	[tilespmem:v3+s22+$0x0] =	vst.idx.add.f32.msk $0xffff, v4  }
0xb2: {  	v2 =	vld [tilespmem:$0x12860];
	_ =	sdelay $0x3  }
0xb3: {  	s17 =	sor.u32 $0x60, s29  }
0xb4: {  	v3 =	vld [tilespmem:s17+$0x0];
	v2 =	vmul.f32 v2, v1;
	_ =	sdelay $0x1  }
0xb5: {  	v2 =	vmul.f32 $1.442695020e+00, v2;
	_ =	sdelay $0x1  }
0xb6: {  	(erf) = vpow2.f32 v2;
	_ =	sdelay $0x3  }
0xb7: {  	v2 =	vld.idx.msk [tilespmem:v3+s13+$0x0], $0xffff  }
0xb8: {  	v3 =	vld [tilespmem:s29+$0x1460];
	_ =	sdelay $0x3  }
0xb9: {  	v4 =	vpop (erf)  }
0xba: {  	v2 =	vmul.f32 v4, v2;
	_ =	sdelay $0x1  }
0xbb: {  	[tilespmem:s29+$0x128E0] =	vst v2  }
0xbc: {  	[tilespmem:v3+s22+$0x0] =	vst.idx.add.f32.msk $0xffff, v4  }
0xbd: {  	v2 =	vld [tilespmem:$0x12870];
	_ =	sdelay $0x3  }
0xbe: {  	s24 =	sor.u32 $0x70, s29  }
0xbf: {  	v3 =	vld [tilespmem:s24+$0x0];
	v2 =	vmul.f32 v2, v1;
	_ =	sdelay $0x1  }
0xc0: {  	v2 =	vmul.f32 $1.442695020e+00, v2;
	_ =	sdelay $0x1  }
0xc1: {  	(erf) = vpow2.f32 v2;
	_ =	sdelay $0x3  }
0xc2: {  	v2 =	vld.idx.msk [tilespmem:v3+s13+$0x0], $0xffff  }
0xc3: {  	v3 =	vld [tilespmem:s29+$0x1470];
	_ =	sdelay $0x3  }
0xc4: {  	v4 =	vpop (erf)  }
0xc5: {  	v2 =	vmul.f32 v4, v2;
	_ =	sdelay $0x1  }
0xc6: {  	p0 =	seq.s32 s28, $0x13;
	[tilespmem:s29+$0x128F0] =	vst v2  }
0xc7: {  	s0 =	sadd.s32 @!p0 $0x100, s29;
	s1 =	simm.s32 @!p0 $0x80;
	s11 =	simm.s32 @!p0 $0x2800;
	[tilespmem:v3+s22+$0x0] =	vst.idx.add.f32.msk $0xffff, v4  }
0xc8: {  	[tilespmem:s11], [sflag:$0x1] =	stream.indirect.gather @!p0 [hbm4b:s3+s1], $0x80, s0, s1, $0xb8;
	[tilespmem:$0x18C00] =	vst v63  }
0xc9: {  	s0 =	sadd.s32 @!p0 $0x1500, s29;
	s11 =	simm.s32 @!p0 $0xA800  }
0xca: {  	[tilespmem:s11], [sflag:$0x1] =	stream.indirect.gather @!p0 [hbm4b:s3+s1], $0x80, s0, s1, $0xb8;
	[tilespmem:$0x18C00] =	vst v63  }
0xcb: {  	_ =	swait.ge [sflag:s23], $0x4000  }
0xcc: {  	[sflag:s23] =	ssyncset.done $0x0  }
0xcd: {  	[sflag:s23] =	ssyncadd.s32 $0xFFFFC000  }
0xce: {  	_ =	swait.ge [sflag:s23], $0x4000  }
0xcf: {  	[sflag:s23] =	ssyncset.done $0x0  }
0xd0: {  	s0 =	simm.s32 $0xE840;
	[sflag:s23] =	ssyncadd.s32 $0xFFFFC000  }
0xd1: {  	v5 =	vld [tilespmem:s0+$0xFFFFFFC0]  }
0xd2: {  	s11 =	simm.s32 $0x6840;
	v4 =	vld [tilespmem:s0+$0xFFFFFFD0]  }
0xd3: {  	v7 =	vld [tilespmem:s11+$0xFFFFFFC0]  }
0xd4: {  	v6 =	vld [tilespmem:s11+$0xFFFFFFD0]  }
0xd5: {  	s31 =	simm.s32 $0x0;
	v2 =	vld [tilespmem:s0+$0xFFFFFFE0]  }
0xd6: {  	s16 =	simm.s32 $0x1;
	s17 =	simm.s32 $0xE840;
	s1 =	simm.s32 $0x6840;
	v3 =	vld [tilespmem:s11+$0xFFFFFFE0]  }
.LBB2_7:
0xd7: {  	p0 =	sne.s32 s16, $0x7F;
	v8 =	vld [tilespmem:s0+$0xFFFFFFF0];
	s11 =	sadd.s32 $0x80, s11;
	s17 =	sadd.s32 $0x80, s17  }
0xd8: {  	s24 =	smov.u32 s16;
	s16 =	sadd.s32 $0x1, s16;
	v5 =	vmul.bf16 v5, v7;
	v7 =	vld [tilespmem:s1+$0xFFFFFFF0]  }
0xd9: {  	v4 =	vmul.bf16 v4, v6;
	v6 =	vld [tilespmem:s0+$0x0]  }
0xda: {  	v9 =	vunpack.i.u.bf16.f32 v5;
	v5 =	vunpack.i.l.bf16.f32 v5;
	v10 =	vld [tilespmem:s1+$0x0]  }
0xdb: {  	v11 =	vunpack.i.u.bf16.f32 v4;
	v4 =	vunpack.i.l.bf16.f32 v4;
	v2 =	vmul.bf16 v2, v3;
	v3 =	vld [tilespmem:s0+$0x10]  }
0xdc: {  	v5 =	vadd.f32 v5, v9;
	v4 =	vadd.f32 v4, v11;
	v9 =	vld [tilespmem:s1+$0x10]  }
0xdd: {  	v11 =	vunpack.i.u.bf16.f32 v2;
	v2 =	vunpack.i.l.bf16.f32 v2;
	v7 =	vmul.bf16 v8, v7;
	v8 =	vld [tilespmem:s0+$0x20]  }
0xde: {  	v4 =	vadd.f32 v4, v5;
	v2 =	vadd.f32 v2, v11;
	v5 =	vld [tilespmem:s1+$0x20]  }
0xdf: {  	v11 =	vunpack.i.u.bf16.f32 v7;
	v7 =	vunpack.i.l.bf16.f32 v7;
	v6 =	vmul.bf16 v6, v10;
	v10 =	vld [tilespmem:s0+$0x30];
	s0 =	smov.u32 s17  }
0xe0: {  	v2 =	vadd.f32 v2, v4;
	v4 =	vadd.f32 v7, v11;
	v7 =	vld [tilespmem:s1+$0x30];
	s1 =	smov.u32 s11  }
0xe1: {  	v11 =	vunpack.i.u.bf16.f32 v6;
	v6 =	vunpack.i.l.bf16.f32 v6;
	v3 =	vmul.bf16 v3, v9  }
0xe2: {  	v2 =	vadd.f32 v4, v2;
	v4 =	vadd.f32 v6, v11  }
0xe3: {  	v6 =	vunpack.i.u.bf16.f32 v3;
	v3 =	vunpack.i.l.bf16.f32 v3;
	v5 =	vmul.bf16 v8, v5  }
0xe4: {  	v2 =	vadd.f32 v4, v2;
	v3 =	vadd.f32 v3, v6  }
0xe5: {  	v4 =	vunpack.i.u.bf16.f32 v5;
	v5 =	vunpack.i.l.bf16.f32 v5;
	v6 =	vmul.bf16 v10, v7  }
0xe6: {  	v2 =	vadd.f32 v3, v2;
	v3 =	vadd.f32 v5, v4  }
0xe7: {  	v4 =	vunpack.i.u.bf16.f32 v6;
	v5 =	vunpack.i.l.bf16.f32 v6  }
0xe8: {  	v2 =	vadd.f32 v3, v2;
	v3 =	vadd.f32 v5, v4;
	_ =	sdelay $0x1  }
0xe9: {  	v2 =	vadd.f32 v3, v2;
	_ =	sdelay $0x1  }
0xea: {  	(xrf2) =	vadd.scan.msk.f32 $0xffff, v2;
	_ =	sdelay $0x7  }
0xeb: {  	v2 =	vmov s31;
	s31 =	smov.u32 s24;
	_ =	sdelay $0x1  }
0xec: {  	v3, _, _ =	vpop (xrf2)  }
0xed: {  	v3 =	vbroadcast v3, $0xF;
	_ =	sdelay $0x1  }
0xee: {  	[tilespmem:v2+s21+$0x0] =	vst.idx.msk $0x1, v3  }
0xef: {  	v5 =	vld [tilespmem:s17+$0xFFFFFFC0]  }
.Ltmp2:
0xf0: {  	v4 =	vld [tilespmem:s17+$0xFFFFFFD0];
	(pc) =	sbr.rel @p0 .LBB2_7-.Ltmp2, $4  }
0xf1: {  	v7 =	vld [tilespmem:s11+$0xFFFFFFC0]  }
0xf2: {  	v6 =	vld [tilespmem:s11+$0xFFFFFFD0]  }
0xf3: {  	v2 =	vld [tilespmem:s17+$0xFFFFFFE0]  }
0xf4: {  	v3 =	vld [tilespmem:s11+$0xFFFFFFE0]  }
0xf5: {  	v8 =	vld [tilespmem:s0+$0xFFFFFFF0]  }
0xf6: {  	v39 =	vld [tilespmem:s1+$0xFFFFFFF0];
	v5 =	vmul.bf16 v5, v7  }
0xf7: {  	v40 =	vld [tilespmem:s0+$0x0];
	v4 =	vmul.bf16 v4, v6  }
0xf8: {  	v10 =	vld [tilespmem:s1+$0x0];
	v9 =	vunpack.i.u.bf16.f32 v5;
	v5 =	vunpack.i.l.bf16.f32 v5  }
0xf9: {  	v41 =	vld [tilespmem:s1+$0x10];
	v11 =	vunpack.i.u.bf16.f32 v4;
	v4 =	vunpack.i.l.bf16.f32 v4;
	v2 =	vmul.bf16 v2, v3  }
0xfa: {  	v3 =	vld [tilespmem:s0+$0x10];
	v5 =	vadd.f32 v5, v9;
	v4 =	vadd.f32 v4, v11  }
0xfb: {  	v43 =	vld [tilespmem:s0+$0x20];
	v7 =	vmul.bf16 v8, v39;
	v42 =	vunpack.i.u.bf16.f32 v2;
	v2 =	vunpack.i.l.bf16.f32 v2  }
0xfc: {  	v44 =	vld [tilespmem:s1+$0x20];
	v4 =	vadd.f32 v4, v5;
	v2 =	vadd.f32 v2, v42  }
0xfd: {  	v46 =	vld [tilespmem:s0+$0x30];
	v6 =	vmul.bf16 v40, v10;
	v45 =	vunpack.i.u.bf16.f32 v7;
	v7 =	vunpack.i.l.bf16.f32 v7  }
0xfe: {  	v48 =	vld [tilespmem:s1+$0x30];
	v47 =	vadd.f32 v7, v45;
	v2 =	vadd.f32 v2, v4  }
0xff: {  	v49 =	vunpack.i.u.bf16.f32 v6;
	v6 =	vunpack.i.l.bf16.f32 v6;
	v3 =	vmul.bf16 v3, v41  }
0x100: {  	v50 =	vadd.f32 v6, v49;
	v2 =	vadd.f32 v47, v2  }
0x101: {  	v5 =	vmul.bf16 v43, v44;
	v51 =	vunpack.i.u.bf16.f32 v3;
	v3 =	vunpack.i.l.bf16.f32 v3  }
0x102: {  	v3 =	vadd.f32 v3, v51;
	v2 =	vadd.f32 v50, v2  }
0x103: {  	v53 =	vmul.bf16 v46, v48;
	v52 =	vunpack.i.u.bf16.f32 v5;
	v5 =	vunpack.i.l.bf16.f32 v5  }
0x104: {  	v2 =	vadd.f32 v3, v2;
	v3 =	vadd.f32 v5, v52  }
0x105: {  	v54 =	vunpack.i.u.bf16.f32 v53;
	v55 =	vunpack.i.l.bf16.f32 v53  }
0x106: {  	v2 =	vadd.f32 v3, v2;
	v3 =	vadd.f32 v55, v54;
	_ =	sdelay $0x1  }
0x107: {  	v2 =	vadd.f32 v3, v2;
	_ =	sdelay $0x1  }
0x108: {  	(xrf2) =	vadd.scan.msk.f32 $0xffff, v2;
	_ =	sdelay $0x7  }
0x109: {  	v2 =	vmov s31;
	_ =	sdelay $0x1  }
0x10a: {  	v3, _, _ =	vpop (xrf2)  }
0x10b: {  	v3 =	vbroadcast v3, $0xF;
	_ =	sdelay $0x1  }
0x10c: {  	[tilespmem:v2+s21+$0x0] =	vst.idx.msk $0x1, v3  }
0x10d: {  	v2 =	vld [tilespmem:$0x12800];
	_ =	sdelay $0x4  }
0x10e: {  	v3 =	vld [tilespmem:s30+$0x0];
	v2 =	vmul.f32 v2, v1;
	_ =	sdelay $0x1  }
0x10f: {  	v2 =	vmul.f32 $1.442695020e+00, v2;
	_ =	sdelay $0x1  }
0x110: {  	(erf) = vpow2.f32 v2;
	_ =	sdelay $0x3  }
0x111: {  	v2 =	vld.idx.msk [tilespmem:v3+s13+$0x0], $0xffff  }
0x112: {  	v3 =	vld [tilespmem:s30+$0x1400];
	_ =	sdelay $0x3  }
0x113: {  	v56 =	vpop (erf)  }
0x114: {  	v2 =	vmul.f32 v56, v2;
	_ =	sdelay $0x1  }
0x115: {  	[tilespmem:s30+$0x12880] =	vst v2  }
0x116: {  	[tilespmem:v3+s22+$0x0] =	vst.idx.add.f32.msk $0xffff, v56  }
0x117: {  	v2 =	vld [tilespmem:$0x12810];
	_ =	sdelay $0x3  }
0x118: {  	s1 =	sor.u32 $0x90, s29  }
0x119: {  	v3 =	vld [tilespmem:s1+$0x0];
	v2 =	vmul.f32 v2, v1;
	_ =	sdelay $0x1  }
0x11a: {  	v2 =	vmul.f32 $1.442695020e+00, v2;
	_ =	sdelay $0x1  }
0x11b: {  	(erf) = vpow2.f32 v2;
	_ =	sdelay $0x3  }
0x11c: {  	v2 =	vld.idx.msk [tilespmem:v3+s13+$0x0], $0xffff  }
0x11d: {  	v3 =	vld [tilespmem:s29+$0x1490];
	_ =	sdelay $0x3  }
0x11e: {  	v57 =	vpop (erf)  }
0x11f: {  	v2 =	vmul.f32 v57, v2;
	_ =	sdelay $0x1  }
0x120: {  	[tilespmem:s29+$0x12910] =	vst v2  }
0x121: {  	[tilespmem:v3+s22+$0x0] =	vst.idx.add.f32.msk $0xffff, v57  }
0x122: {  	v2 =	vld [tilespmem:$0x12820];
	_ =	sdelay $0x3  }
0x123: {  	s11 =	sor.u32 $0xA0, s29  }
0x124: {  	v3 =	vld [tilespmem:s11+$0x0];
	v2 =	vmul.f32 v2, v1;
	_ =	sdelay $0x1  }
0x125: {  	v2 =	vmul.f32 $1.442695020e+00, v2;
	_ =	sdelay $0x1  }
0x126: {  	(erf) = vpow2.f32 v2;
	_ =	sdelay $0x3  }
0x127: {  	v2 =	vld.idx.msk [tilespmem:v3+s13+$0x0], $0xffff  }
0x128: {  	v3 =	vld [tilespmem:s29+$0x14A0];
	_ =	sdelay $0x3  }
0x129: {  	v58 =	vpop (erf)  }
0x12a: {  	v2 =	vmul.f32 v58, v2;
	_ =	sdelay $0x1  }
0x12b: {  	[tilespmem:s29+$0x12920] =	vst v2  }
0x12c: {  	[tilespmem:v3+s22+$0x0] =	vst.idx.add.f32.msk $0xffff, v58  }
0x12d: {  	v2 =	vld [tilespmem:$0x12830];
	_ =	sdelay $0x3  }
0x12e: {  	s16 =	sor.u32 $0xB0, s29  }
0x12f: {  	v3 =	vld [tilespmem:s16+$0x0];
	v2 =	vmul.f32 v2, v1;
	_ =	sdelay $0x1  }
0x130: {  	v2 =	vmul.f32 $1.442695020e+00, v2;
	_ =	sdelay $0x1  }
0x131: {  	(erf) = vpow2.f32 v2;
	_ =	sdelay $0x3  }
0x132: {  	v2 =	vld.idx.msk [tilespmem:v3+s13+$0x0], $0xffff  }
0x133: {  	v3 =	vld [tilespmem:s29+$0x14B0];
	_ =	sdelay $0x3  }
0x134: {  	v59 =	vpop (erf)  }
0x135: {  	v2 =	vmul.f32 v59, v2;
	_ =	sdelay $0x1  }
0x136: {  	[tilespmem:s29+$0x12930] =	vst v2  }
0x137: {  	[tilespmem:v3+s22+$0x0] =	vst.idx.add.f32.msk $0xffff, v59  }
0x138: {  	v2 =	vld [tilespmem:$0x12840];
	_ =	sdelay $0x3  }
0x139: {  	s17 =	sor.u32 $0xC0, s29  }
0x13a: {  	v3 =	vld [tilespmem:s17+$0x0];
	v2 =	vmul.f32 v2, v1;
	_ =	sdelay $0x1  }
0x13b: {  	v2 =	vmul.f32 $1.442695020e+00, v2;
	_ =	sdelay $0x1  }
0x13c: {  	(erf) = vpow2.f32 v2;
	_ =	sdelay $0x3  }
0x13d: {  	v2 =	vld.idx.msk [tilespmem:v3+s13+$0x0], $0xffff  }
0x13e: {  	v3 =	vld [tilespmem:s29+$0x14C0];
	_ =	sdelay $0x3  }
0x13f: {  	v60 =	vpop (erf)  }
0x140: {  	v2 =	vmul.f32 v60, v2;
	_ =	sdelay $0x1  }
0x141: {  	[tilespmem:s29+$0x12940] =	vst v2  }
0x142: {  	[tilespmem:v3+s22+$0x0] =	vst.idx.add.f32.msk $0xffff, v60  }
0x143: {  	v2 =	vld [tilespmem:$0x12850];
	_ =	sdelay $0x3  }
0x144: {  	s24 =	sor.u32 $0xD0, s29  }
0x145: {  	v3 =	vld [tilespmem:s24+$0x0];
	v2 =	vmul.f32 v2, v1;
	_ =	sdelay $0x1  }
0x146: {  	v2 =	vmul.f32 $1.442695020e+00, v2;
	_ =	sdelay $0x1  }
0x147: {  	(erf) = vpow2.f32 v2;
	_ =	sdelay $0x3  }
0x148: {  	v2 =	vld.idx.msk [tilespmem:v3+s13+$0x0], $0xffff  }
0x149: {  	v3 =	vld [tilespmem:s29+$0x14D0];
	_ =	sdelay $0x3  }
0x14a: {  	v61 =	vpop (erf)  }
0x14b: {  	v2 =	vmul.f32 v61, v2;
	_ =	sdelay $0x1  }
0x14c: {  	[tilespmem:s29+$0x12950] =	vst v2  }
0x14d: {  	[tilespmem:v3+s22+$0x0] =	vst.idx.add.f32.msk $0xffff, v61  }
0x14e: {  	v2 =	vld [tilespmem:$0x12860];
	_ =	sdelay $0x3  }
0x14f: {  	s30 =	sor.u32 $0xE0, s29  }
0x150: {  	v3 =	vld [tilespmem:s30+$0x0];
	v2 =	vmul.f32 v2, v1;
	_ =	sdelay $0x1  }
0x151: {  	v2 =	vmul.f32 $1.442695020e+00, v2;
	_ =	sdelay $0x1  }
0x152: {  	(erf) = vpow2.f32 v2;
	_ =	sdelay $0x3  }
0x153: {  	v2 =	vld.idx.msk [tilespmem:v3+s13+$0x0], $0xffff  }
0x154: {  	v3 =	vld [tilespmem:s29+$0x14E0];
	_ =	sdelay $0x3  }
0x155: {  	v62 =	vpop (erf)  }
0x156: {  	v2 =	vmul.f32 v62, v2;
	_ =	sdelay $0x1  }
0x157: {  	[tilespmem:s29+$0x12960] =	vst v2  }
0x158: {  	[tilespmem:v3+s22+$0x0] =	vst.idx.add.f32.msk $0xffff, v62  }
0x159: {  	v2 =	vld [tilespmem:$0x12870];
	_ =	sdelay $0x3  }
0x15a: {  	s31 =	sor.u32 $0xF0, s29  }
0x15b: {  	v3 =	vld [tilespmem:s31+$0x0];
	v2 =	vmul.f32 v2, v1;
	_ =	sdelay $0x1  }
0x15c: {  	v2 =	vmul.f32 $1.442695020e+00, v2;
	_ =	sdelay $0x1  }
0x15d: {  	(erf) = vpow2.f32 v2;
	_ =	sdelay $0x3  }
0x15e: {  	v2 =	vld.idx.msk [tilespmem:v3+s13+$0x0], $0xffff  }
0x15f: {  	v3 =	vld [tilespmem:s29+$0x14F0];
	_ =	sdelay $0x1  }
0x160: {  	s28 =	sadd.s32 $0x1, s28  }
0x161: {  	p0 =	sne.s32 s28, $0x14  }
.Ltmp3:
0x162: {  	v63 =	vpop (erf);
	(pc) =	sbr.rel @p0 .LBB2_4-.Ltmp3, $3  }
0x163: {  	v2 =	vmul.f32 v63, v2;
	_ =	sdelay $0x1  }
0x164: {  	[tilespmem:s29+$0x12970] =	vst v2  }
0x165: {  	[tilespmem:v3+s22+$0x0] =	vst.idx.add.f32.msk $0xffff, v63  }
0x166: {  	s0 =	simm.s32 $0x12880  }
0x167: {  	[hbm4b:s8+s2] =	stream.linear.scatter [tilespmem:s0], [sflag:$0x3], $0x1400, $0x38;
	[tilespmem:$0x18C00] =	vst v63  }
0x168: {  	s26 =	sadd.s32 $0x1, s26;
	_ =	swait.ge [sflag:s12], $0x1400  }
0x169: {  	p0 =	sne.s32 s26, s10;
	[sflag:s12] =	ssyncset.done $0x0  }
.Ltmp4:
0x16a: {  	[sflag:s12] =	ssyncadd.s32 $0xFFFFEC00;
	(pc) =	sbr.rel @p0 .LBB2_1-.Ltmp4, $4  }
0x16b: {  	[hbm4b:s9+s15] =	stream.strided.scatter [tilespmem:s22], [sflag:$0x3], $0x2780, s25, s15, $0x38;
	[tilespmem:$0x18C00] =	vst v63  }
0x16c: {  	_ =	swait.ge [sflag:s12], $0x2780  }
0x16d: {  	[sflag:s12] =	ssyncset.done $0x0  }
0x16e: {  	[sflag:s12] =	ssyncadd.s32 $0xFFFFD880  }
0x16f: {  	_ =	sfence.sel $0x180000  }
0x170: {  	[bflag:$0x0] =	sbarrier.arrive $0xFFFF  }
0x171: {  	_ =	strace $0x90000047  }
0x172: {  	s0 =	stileid.u32;
	[bflag:$0x2] =	sbarrier.arrive $0xFFFF  }
0x173: {  	p0 =	sne.s32 s0, $0x0;
	s0 =	rddreg [dreg:$0x2]  }
0x174: {  	s0 =	sadd.s32 @!p0 $0x100000, s0  }
0x175: {  	[sflag:s0] =	ssyncadd.tile.s32 @!p0 $0x1;
	_ =	shalt  }
.Lfunc_end2:
_tile_overlayer_lowered:
.L_overlay_start_2:
0x176: {  	(tag) =	ssettag $0x2  }
0x177: {  	s0 =	rddreg [dreg:$0x0];
	s2 =	stileid.u32  }
0x178: {  	s1 =	rddreg [dreg:$0x1];
	p0 =	sne.s32 s2, $0x0  }
0x179: {  	s3 =	rddreg [dreg:$0x2];
	[bflag:$0x3] =	sbarrier.arrive $0xFFFF;
	s2 =	simm.s32 @!p0 $0x1C03  }
0x17a: {  	[timem:s3], [sflag:s2] =	dma.local @!p0 [hbm:s0], s1  }
0x17b: {  	s0 =	simm.s32 @!p0 $0x3  }
0x17c: {  	_ =	swait.ge @!p0 [sflag:s0], s1  }
0x17d: {  	s1 =	ssub.s32 @!p0 $0x0, s1;
	[sflag:s0] =	ssyncset.done @!p0 $0x0  }
0x17e: {  	[sflag:s0] =	ssyncadd.s32 @!p0 s1  }
0x17f: {  	[bflag:$0x3] =	sbarrier.arrive $0xFFFF  }
0x180: {  	_ =	shalt  }

</sc_bundles>
